<compile_context>
chip_gen: v7x
topology: tpu7x:2x2x1
jax: 0.10.2.dev20260603
libtpu: 0.0.44.dev20260713+nightly
codegen_flags: <defaults>
</compile_context>

<pallas_src>
import functools

import jax
import jax.numpy as jnp
from jax import lax
from jax.experimental import pallas as pl
from jax.experimental.pallas import tpu as pltpu
from jax.experimental.pallas import tpu_sc as plsc

_NUM_CORES = 2
_NUM_SUBCORES = 16
_NUM_WORKERS = _NUM_CORES * _NUM_SUBCORES
_LANES = 16

_BATCH = 1024
_SEQ = 77
_HIDDEN = 768
_NVEC = _HIDDEN // _LANES
_ROWS = _BATCH * _SEQ
_BPW = _BATCH // _NUM_WORKERS
_CHUNK = _BPW
_DEPTH = 4


def _emb_body(ids_hbm, tok_hbm, pos_hbm, out_hbm, idx_v, pos_v, rows_v,
              g0, g1, g2, g3, o0, o1, o2, o3):
    sem_g = [g0, g1, g2, g3]
    sem_o = [o0, o1, o2, o3]
    wid = lax.axis_index("s") * _NUM_CORES + lax.axis_index("c")

    pltpu.sync_copy(ids_hbm.at[wid], idx_v)

    def gather_desc(p, slot):
        return pltpu.make_async_copy(
            tok_hbm.at[idx_v.at[p]],
            rows_v.at[pl.ds(slot * _CHUNK, _CHUNK)],
            sem_g[slot],
        )

    def pos_desc(p, slot):
        return pltpu.make_async_copy(pos_hbm.at[p], pos_v.at[slot], sem_g[slot])

    def out_desc(p, slot):
        return pltpu.make_async_copy(
            rows_v.at[pl.ds(slot * _CHUNK, _CHUNK)],
            out_hbm.at[pl.ds(p * _BATCH + wid * _BPW, _CHUNK)],
            sem_o[slot],
        )

    for p in (0, 1):
        gather_desc(p, p).start()
        pos_desc(p, p).start()

    def outer(j4, carry):
        for b in range(_DEPTH):
            j = _DEPTH * j4 + b
            nxt = (b + 2) % _DEPTH

            @pl.when(j < _SEQ)
            def _chunk():
                gather_desc(j, b).wait()
                pos_desc(j, b).wait()

                for cbase in range(0, _NVEC, _NVEC // 2):
                    pvecs = [pos_v[b, pl.ds((cbase + c) * _LANES, _LANES)]
                             for c in range(_NVEC // 2)]

                    @plsc.parallel_loop(0, _CHUNK, step=1, unroll=2)
                    def row_add(i, pvecs=pvecs, cbase=cbase):
                        r = b * _CHUNK + i
                        for c2 in range(_NVEC // 2):
                            sl = pl.ds((cbase + c2) * _LANES, _LANES)
                            rows_v[r, sl] = rows_v[r, sl] + pvecs[c2]

                out_desc(j, b).start()

                @pl.when(j >= 2)
                def _():
                    out_desc(j - 2, nxt).wait()

                @pl.when(j + 2 < _SEQ)
                def _():
                    gather_desc(j + 2, nxt).start()
                    pos_desc(j + 2, nxt).start()

        return carry

    lax.fori_loop(0, (_SEQ + _DEPTH - 1) // _DEPTH, outer, 0)

    out_desc(_SEQ - 2, (_SEQ - 2) % _DEPTH).wait()
    out_desc(_SEQ - 1, (_SEQ - 1) % _DEPTH).wait()


@jax.jit
def _emb_call(ids_pm, token_embedding, position_embedding):
    mesh = plsc.VectorSubcoreMesh(core_axis_name="c", subcore_axis_name="s")
    kern = functools.partial(
        pl.kernel,
        out_type=jax.ShapeDtypeStruct((_ROWS, _HIDDEN), jnp.float32),
        mesh=mesh,
        scratch_types=[
            pltpu.VMEM((_SEQ, _BPW), jnp.int32),
            pltpu.VMEM((_DEPTH, _HIDDEN), jnp.float32),
            pltpu.VMEM((_DEPTH * _CHUNK, _HIDDEN), jnp.float32),
            pltpu.SemaphoreType.DMA,
            pltpu.SemaphoreType.DMA,
            pltpu.SemaphoreType.DMA,
            pltpu.SemaphoreType.DMA,
            pltpu.SemaphoreType.DMA,
            pltpu.SemaphoreType.DMA,
            pltpu.SemaphoreType.DMA,
            pltpu.SemaphoreType.DMA,
        ],
    )(_emb_body)
    return kern(ids_pm, token_embedding, position_embedding)


def kernel(input_ids, token_embedding, position_embedding):
    input_shape = input_ids.shape
    seq_len = input_shape[-1]
    flat_ids = input_ids.reshape(-1, seq_len).astype(jnp.int32)
    ids_pm = flat_ids.reshape(_NUM_WORKERS, _BPW, _SEQ).transpose(0, 2, 1)
    out = _emb_call(ids_pm, token_embedding, position_embedding)
    hidden = token_embedding.shape[-1]
    return out.reshape(seq_len, -1, hidden).transpose(1, 0, 2)

# --- scband reference (transcript-rebuilt; emitter-appended) ---
"""Pipeline reference for scband-first-layer-simulator-31018253812258 (READ-ONLY COPY).

The authoritative reference and input builder live on the scoring server;
editing this copy changes nothing except your own understanding.
"""

import jax, jax.numpy as jnp
import numpy as np

VOCAB = 49408
HIDDEN = 768
MAX_POS = 77
BATCH = 1024
SEQ = 77

def setup_inputs(seed: int = 0) -> dict:
    key = jax.random.key(seed)
    k_ids, k_tok, k_pos = jax.random.split(key, 3)
    input_ids = jax.random.randint(k_ids, (BATCH, SEQ), 0, VOCAB, dtype=jnp.int64 if jax.config.jax_enable_x64 else jnp.int32)
    token_embedding = jax.random.normal(k_tok, (VOCAB, HIDDEN), dtype=jnp.float32) * 0.02
    position_embedding = jax.random.normal(k_pos, (MAX_POS, HIDDEN), dtype=jnp.float32) * 0.02
    return {"input_ids": input_ids, "token_embedding": token_embedding, "position_embedding": position_embedding}

def reference(input_ids, token_embedding, position_embedding):
    # Faithful CLIPTextEmbeddings forward:
    # input_ids.view(-1, seq_len); tok_emb = token_embedding[input_ids];
    # pos_ids = arange(seq_len); hidden = tok_emb + position_embedding[pos_ids]
    input_shape = input_ids.shape
    seq_len = input_shape[-1]
    flat_ids = input_ids.reshape(-1, seq_len)
    tok_emb = jnp.take(token_embedding, flat_ids, axis=0)
    position_ids = jnp.arange(seq_len)
    pos_emb = jnp.take(position_embedding, position_ids, axis=0)
    hidden_states = tok_emb + pos_emb[None, :, :]
    return hidden_states

if __name__ == "__main__":
    import jax
    _d = setup_inputs()
    print(jax.jit(kernel)(*tuple(_d.values())))

</pallas_src>

<mosaic_0001>
#map = affine_map<(d0, d1) -> (0, 0, 0)>
#map1 = affine_map<(d0, d1) -> (0, 0)>
module attributes {stable_mosaic.version = 14 : i64} {
  func.func @_emb_body(%arg0: i32, %arg1: i32, %arg2: memref<32x77x32xi32, #tpu.memory_space<hbm>>, %arg3: memref<49408x768xf32, #tpu.memory_space<hbm>>, %arg4: memref<77x768xf32, #tpu.memory_space<hbm>>, %arg5: memref<78848x768xf32, #tpu.memory_space<hbm>>, %arg6: memref<77x32xi32, #tpu.memory_space<vmem>>, %arg7: memref<4x768xf32, #tpu.memory_space<vmem>>, %arg8: memref<128x768xf32, #tpu.memory_space<vmem>>, %arg9: memref<!tpu.dma_semaphore, #tpu.memory_space<semaphore_mem>>, %arg10: memref<!tpu.dma_semaphore, #tpu.memory_space<semaphore_mem>>, %arg11: memref<!tpu.dma_semaphore, #tpu.memory_space<semaphore_mem>>, %arg12: memref<!tpu.dma_semaphore, #tpu.memory_space<semaphore_mem>>, %arg13: memref<!tpu.dma_semaphore, #tpu.memory_space<semaphore_mem>>, %arg14: memref<!tpu.dma_semaphore, #tpu.memory_space<semaphore_mem>>, %arg15: memref<!tpu.dma_semaphore, #tpu.memory_space<semaphore_mem>>, %arg16: memref<!tpu.dma_semaphore, #tpu.memory_space<semaphore_mem>>) attributes {dimension_semantics = [#tpu.dimension_semantics<core_parallel>, #tpu.dimension_semantics<subcore_parallel>], iteration_bounds = array<i64: 2, 16>, scalar_prefetch = 0 : i64, scratch_operands = 11 : i64, tpu.core_type = #tpu.core_type<sc_vector_subcore>, window_params = [{transform_indices = #map}, {transform_indices = #map1}, {transform_indices = #map1}, {transform_indices = #map1}]} {
    %mul3A = arith.constant 2 : i32
    %mul3A_0 = arith.muli %arg1, %mul3A : i32
    %add3A = arith.addi %mul3A_0, %arg0 : i32
    "tpu.region"() ({
      %run_scoped3A = tpu.sem_alloc : memref<!tpu.dma_semaphore, #tpu.memory_space<semaphore_mem>>
      %dma_start3A_80 = arith.constant 0 : i32
      %dma_start3A_81 = arith.constant 0 : i32
      %dma_start3A_82 = tpu.memref_slice %arg2[%add3A, %dma_start3A_80, %dma_start3A_81] : memref<32x77x32xi32, #tpu.memory_space<hbm>> -> memref<1x77x32xi32, #tpu.memory_space<hbm>>
      %dma_start3A_83 = tpu.memref_squeeze %dma_start3A_82 : memref<1x77x32xi32, #tpu.memory_space<hbm>> -> memref<77x32xi32, #tpu.memory_space<hbm>>
      %dma_start3A_84 = arith.constant 0 : i32
      %dma_start3A_85 = arith.constant 0 : i32
      %dma_start3A_86 = tpu.memref_slice %arg2[%add3A, %dma_start3A_84, %dma_start3A_85] : memref<32x77x32xi32, #tpu.memory_space<hbm>> -> memref<1x77x32xi32, #tpu.memory_space<hbm>>
      %dma_start3A_87 = tpu.memref_squeeze %dma_start3A_86 : memref<1x77x32xi32, #tpu.memory_space<hbm>> -> memref<77x32xi32, #tpu.memory_space<hbm>>
      tpu.enqueue_dma source(%dma_start3A_87 : memref<77x32xi32, #tpu.memory_space<hbm>>) target(%arg6 : memref<77x32xi32, #tpu.memory_space<vmem>>) target_semaphore(%run_scoped3A : memref<!tpu.dma_semaphore, #tpu.memory_space<semaphore_mem>>)
      %dma_wait3A_88 = arith.constant 0 : i32
      %dma_wait3A_89 = arith.constant 0 : i32
      %dma_wait3A_90 = tpu.memref_slice %arg2[%add3A, %dma_wait3A_88, %dma_wait3A_89] : memref<32x77x32xi32, #tpu.memory_space<hbm>> -> memref<1x77x32xi32, #tpu.memory_space<hbm>>
      %dma_wait3A_91 = tpu.memref_squeeze %dma_wait3A_90 : memref<1x77x32xi32, #tpu.memory_space<hbm>> -> memref<77x32xi32, #tpu.memory_space<hbm>>
      %dma_wait3A_92 = arith.constant 0 : i32
      %dma_wait3A_93 = arith.constant 0 : i32
      %dma_wait3A_94 = tpu.memref_slice %arg2[%add3A, %dma_wait3A_92, %dma_wait3A_93] : memref<32x77x32xi32, #tpu.memory_space<hbm>> -> memref<1x77x32xi32, #tpu.memory_space<hbm>>
      %dma_wait3A_95 = tpu.memref_squeeze %dma_wait3A_94 : memref<1x77x32xi32, #tpu.memory_space<hbm>> -> memref<77x32xi32, #tpu.memory_space<hbm>>
      tpu.wait_dma2 semaphore(%run_scoped3A : memref<!tpu.dma_semaphore, #tpu.memory_space<semaphore_mem>>) src(%dma_wait3A_95 : memref<77x32xi32, #tpu.memory_space<hbm>>) dst(%arg6 : memref<77x32xi32, #tpu.memory_space<vmem>>)
      tpu.yield
    }) : () -> ()
    %dma_start3A = arith.constant 0 : i32
    %dma_start3A_1 = arith.constant 0 : i32
    %dma_start3A_2 = arith.constant 0 : i32
    %dma_start3A_3 = tpu.memref_slice %arg8[%dma_start3A_1, %dma_start3A_2] : memref<128x768xf32, #tpu.memory_space<vmem>> -> memref<32x768xf32, #tpu.memory_space<vmem>>
    %dma_start3A_4 = arith.constant 0 : i32
    %dma_start3A_5 = tpu.memref_slice %arg6[%dma_start3A, %dma_start3A_4] : memref<77x32xi32, #tpu.memory_space<vmem>> -> memref<1x32xi32, #tpu.memory_space<vmem>>
    %dma_start3A_6 = tpu.memref_squeeze %dma_start3A_5 : memref<1x32xi32, #tpu.memory_space<vmem>> -> memref<32xi32, #tpu.memory_space<vmem>>
    %dma_start3A_7 = arith.constant 0 : i32
    %dma_start3A_8 = arith.constant 0 : i32
    %dma_start3A_9 = tpu.memref_slice %arg3[%dma_start3A_7, %dma_start3A_8] : memref<49408x768xf32, #tpu.memory_space<hbm>> -> memref<49408x768xf32, #tpu.memory_space<hbm>>
    tpu.enqueue_indirect_dma source(%dma_start3A_9 : memref<49408x768xf32, #tpu.memory_space<hbm>>) target(%dma_start3A_3 : memref<32x768xf32, #tpu.memory_space<vmem>>) offsets(%dma_start3A_6 : memref<32xi32, #tpu.memory_space<vmem>>) semaphore(%arg9 : memref<!tpu.dma_semaphore, #tpu.memory_space<semaphore_mem>>)
    %dma_start3A_10 = arith.constant 0 : i32
    %dma_start3A_11 = arith.constant 0 : i32
    %dma_start3A_12 = arith.constant 0 : i32
    %dma_start3A_13 = tpu.memref_slice %arg7[%dma_start3A_11, %dma_start3A_12] : memref<4x768xf32, #tpu.memory_space<vmem>> -> memref<1x768xf32, #tpu.memory_space<vmem>>
    %dma_start3A_14 = tpu.memref_squeeze %dma_start3A_13 : memref<1x768xf32, #tpu.memory_space<vmem>> -> memref<768xf32, #tpu.memory_space<vmem>>
    %dma_start3A_15 = arith.constant 0 : i32
    %dma_start3A_16 = tpu.memref_slice %arg4[%dma_start3A_10, %dma_start3A_15] : memref<77x768xf32, #tpu.memory_space<hbm>> -> memref<1x768xf32, #tpu.memory_space<hbm>>
    %dma_start3A_17 = tpu.memref_squeeze %dma_start3A_16 : memref<1x768xf32, #tpu.memory_space<hbm>> -> memref<768xf32, #tpu.memory_space<hbm>>
    %dma_start3A_18 = arith.constant 0 : i32
    %dma_start3A_19 = tpu.memref_slice %arg7[%dma_start3A_11, %dma_start3A_18] : memref<4x768xf32, #tpu.memory_space<vmem>> -> memref<1x768xf32, #tpu.memory_space<vmem>>
    %dma_start3A_20 = tpu.memref_squeeze %dma_start3A_19 : memref<1x768xf32, #tpu.memory_space<vmem>> -> memref<768xf32, #tpu.memory_space<vmem>>
    %dma_start3A_21 = arith.constant 0 : i32
    %dma_start3A_22 = tpu.memref_slice %arg4[%dma_start3A_10, %dma_start3A_21] : memref<77x768xf32, #tpu.memory_space<hbm>> -> memref<1x768xf32, #tpu.memory_space<hbm>>
    %dma_start3A_23 = tpu.memref_squeeze %dma_start3A_22 : memref<1x768xf32, #tpu.memory_space<hbm>> -> memref<768xf32, #tpu.memory_space<hbm>>
    tpu.enqueue_dma source(%dma_start3A_23 : memref<768xf32, #tpu.memory_space<hbm>>) target(%dma_start3A_20 : memref<768xf32, #tpu.memory_space<vmem>>) target_semaphore(%arg9 : memref<!tpu.dma_semaphore, #tpu.memory_space<semaphore_mem>>)
    %dma_start3A_24 = arith.constant 1 : i32
    %dma_start3A_25 = arith.constant 32 : i32
    %dma_start3A_26 = arith.constant 0 : i32
    %dma_start3A_27 = tpu.memref_slice %arg8[%dma_start3A_25, %dma_start3A_26] : memref<128x768xf32, #tpu.memory_space<vmem>> -> memref<32x768xf32, #tpu.memory_space<vmem>>
    %dma_start3A_28 = arith.constant 0 : i32
    %dma_start3A_29 = tpu.memref_slice %arg6[%dma_start3A_24, %dma_start3A_28] : memref<77x32xi32, #tpu.memory_space<vmem>> -> memref<1x32xi32, #tpu.memory_space<vmem>>
    %dma_start3A_30 = tpu.memref_squeeze %dma_start3A_29 : memref<1x32xi32, #tpu.memory_space<vmem>> -> memref<32xi32, #tpu.memory_space<vmem>>
    %dma_start3A_31 = arith.constant 0 : i32
    %dma_start3A_32 = arith.constant 0 : i32
    %dma_start3A_33 = tpu.memref_slice %arg3[%dma_start3A_31, %dma_start3A_32] : memref<49408x768xf32, #tpu.memory_space<hbm>> -> memref<49408x768xf32, #tpu.memory_space<hbm>>
    tpu.enqueue_indirect_dma source(%dma_start3A_33 : memref<49408x768xf32, #tpu.memory_space<hbm>>) target(%dma_start3A_27 : memref<32x768xf32, #tpu.memory_space<vmem>>) offsets(%dma_start3A_30 : memref<32xi32, #tpu.memory_space<vmem>>) semaphore(%arg10 : memref<!tpu.dma_semaphore, #tpu.memory_space<semaphore_mem>>)
    %dma_start3A_34 = arith.constant 1 : i32
    %dma_start3A_35 = arith.constant 1 : i32
    %dma_start3A_36 = arith.constant 0 : i32
    %dma_start3A_37 = tpu.memref_slice %arg7[%dma_start3A_35, %dma_start3A_36] : memref<4x768xf32, #tpu.memory_space<vmem>> -> memref<1x768xf32, #tpu.memory_space<vmem>>
    %dma_start3A_38 = tpu.memref_squeeze %dma_start3A_37 : memref<1x768xf32, #tpu.memory_space<vmem>> -> memref<768xf32, #tpu.memory_space<vmem>>
    %dma_start3A_39 = arith.constant 0 : i32
    %dma_start3A_40 = tpu.memref_slice %arg4[%dma_start3A_34, %dma_start3A_39] : memref<77x768xf32, #tpu.memory_space<hbm>> -> memref<1x768xf32, #tpu.memory_space<hbm>>
    %dma_start3A_41 = tpu.memref_squeeze %dma_start3A_40 : memref<1x768xf32, #tpu.memory_space<hbm>> -> memref<768xf32, #tpu.memory_space<hbm>>
    %dma_start3A_42 = arith.constant 0 : i32
    %dma_start3A_43 = tpu.memref_slice %arg7[%dma_start3A_35, %dma_start3A_42] : memref<4x768xf32, #tpu.memory_space<vmem>> -> memref<1x768xf32, #tpu.memory_space<vmem>>
    %dma_start3A_44 = tpu.memref_squeeze %dma_start3A_43 : memref<1x768xf32, #tpu.memory_space<vmem>> -> memref<768xf32, #tpu.memory_space<vmem>>
    %dma_start3A_45 = arith.constant 0 : i32
    %dma_start3A_46 = tpu.memref_slice %arg4[%dma_start3A_34, %dma_start3A_45] : memref<77x768xf32, #tpu.memory_space<hbm>> -> memref<1x768xf32, #tpu.memory_space<hbm>>
    %dma_start3A_47 = tpu.memref_squeeze %dma_start3A_46 : memref<1x768xf32, #tpu.memory_space<hbm>> -> memref<768xf32, #tpu.memory_space<hbm>>
    tpu.enqueue_dma source(%dma_start3A_47 : memref<768xf32, #tpu.memory_space<hbm>>) target(%dma_start3A_44 : memref<768xf32, #tpu.memory_space<vmem>>) target_semaphore(%arg10 : memref<!tpu.dma_semaphore, #tpu.memory_space<semaphore_mem>>)
    %scan3A = arith.constant 0 : i32
    %scan3A_48 = arith.constant 0 : i32
    %scan3A_49 = arith.constant 20 : i32
    %scan3A_50 = arith.addi %scan3A_48, %scan3A_49 : i32
    %scan3A_51 = arith.constant 1 : i32
    scf.for %scan3A_80 = %scan3A_48 to %scan3A_50 step %scan3A_51  : i32 {
      %mul3A_81 = arith.constant 4 : i32
      %mul3A_82 = arith.muli %mul3A_81, %scan3A_80 : i32
      %add3A_83 = arith.constant 0 : i32
      %add3A_84 = arith.addi %mul3A_82, %add3A_83 : i32
      %lt3A = arith.constant 77 : i32
      %lt3A_85 = arith.cmpi slt, %add3A_84, %lt3A : i32
      %convert_element_type3A = arith.extui %lt3A_85 : i1 to i32
      %cond3A = arith.constant 0 : i32
      %cond3A_86 = arith.cmpi ne, %convert_element_type3A, %cond3A : i32
      scf.if %cond3A_86 {
        %dma_wait3A_114 = arith.constant 0 : i32
        %dma_wait3A_115 = arith.constant 0 : i32
        %dma_wait3A_116 = tpu.memref_slice %arg8[%dma_wait3A_114, %dma_wait3A_115] : memref<128x768xf32, #tpu.memory_space<vmem>> -> memref<32x768xf32, #tpu.memory_space<vmem>>
        %dma_wait3A_117 = arith.constant 0 : i32
        %dma_wait3A_118 = tpu.memref_slice %arg6[%add3A_84, %dma_wait3A_117] : memref<77x32xi32, #tpu.memory_space<vmem>> -> memref<1x32xi32, #tpu.memory_space<vmem>>
        %dma_wait3A_119 = tpu.memref_squeeze %dma_wait3A_118 : memref<1x32xi32, #tpu.memory_space<vmem>> -> memref<32xi32, #tpu.memory_space<vmem>>
        %dma_wait3A_120 = arith.constant 0 : i32
        %dma_wait3A_121 = arith.constant 0 : i32
        %dma_wait3A_122 = tpu.memref_slice %arg3[%dma_wait3A_120, %dma_wait3A_121] : memref<49408x768xf32, #tpu.memory_space<hbm>> -> memref<49408x768xf32, #tpu.memory_space<hbm>>
        tpu.wait_indirect_dma semaphore(%arg9 : memref<!tpu.dma_semaphore, #tpu.memory_space<semaphore_mem>>) src(%dma_wait3A_122 : memref<49408x768xf32, #tpu.memory_space<hbm>>) dst(%dma_wait3A_116 : memref<32x768xf32, #tpu.memory_space<vmem>>)
        %dma_wait3A_123 = arith.constant 0 : i32
        %dma_wait3A_124 = arith.constant 0 : i32
        %dma_wait3A_125 = tpu.memref_slice %arg7[%dma_wait3A_123, %dma_wait3A_124] : memref<4x768xf32, #tpu.memory_space<vmem>> -> memref<1x768xf32, #tpu.memory_space<vmem>>
        %dma_wait3A_126 = tpu.memref_squeeze %dma_wait3A_125 : memref<1x768xf32, #tpu.memory_space<vmem>> -> memref<768xf32, #tpu.memory_space<vmem>>
        %dma_wait3A_127 = arith.constant 0 : i32
        %dma_wait3A_128 = tpu.memref_slice %arg4[%add3A_84, %dma_wait3A_127] : memref<77x768xf32, #tpu.memory_space<hbm>> -> memref<1x768xf32, #tpu.memory_space<hbm>>
        %dma_wait3A_129 = tpu.memref_squeeze %dma_wait3A_128 : memref<1x768xf32, #tpu.memory_space<hbm>> -> memref<768xf32, #tpu.memory_space<hbm>>
        %dma_wait3A_130 = arith.constant 0 : i32
        %dma_wait3A_131 = tpu.memref_slice %arg7[%dma_wait3A_123, %dma_wait3A_130] : memref<4x768xf32, #tpu.memory_space<vmem>> -> memref<1x768xf32, #tpu.memory_space<vmem>>
        %dma_wait3A_132 = tpu.memref_squeeze %dma_wait3A_131 : memref<1x768xf32, #tpu.memory_space<vmem>> -> memref<768xf32, #tpu.memory_space<vmem>>
        %dma_wait3A_133 = arith.constant 0 : i32
        %dma_wait3A_134 = tpu.memref_slice %arg4[%add3A_84, %dma_wait3A_133] : memref<77x768xf32, #tpu.memory_space<hbm>> -> memref<1x768xf32, #tpu.memory_space<hbm>>
        %dma_wait3A_135 = tpu.memref_squeeze %dma_wait3A_134 : memref<1x768xf32, #tpu.memory_space<hbm>> -> memref<768xf32, #tpu.memory_space<hbm>>
        tpu.wait_dma2 semaphore(%arg9 : memref<!tpu.dma_semaphore, #tpu.memory_space<semaphore_mem>>) src(%dma_wait3A_135 : memref<768xf32, #tpu.memory_space<hbm>>) dst(%dma_wait3A_132 : memref<768xf32, #tpu.memory_space<vmem>>)
        %get3A = arith.constant 0 : i32
        %get3A_136 = arith.index_cast %get3A : i32 to index
        %get3A_137 = arith.constant 0 : index
        %get3A_138 = tpu.vector_load %arg7[%get3A_136, %get3A_137] {strides = array<i32>} : memref<4x768xf32, #tpu.memory_space<vmem>>, vector<1x16xf32>,
        %get3A_139 = vector.shape_cast %get3A_138 : vector<1x16xf32> to vector<16xf32>
        %get3A_140 = arith.constant 0 : i32
        %get3A_141 = arith.index_cast %get3A_140 : i32 to index
        %get3A_142 = arith.constant 16 : index
        %get3A_143 = tpu.vector_load %arg7[%get3A_141, %get3A_142] {strides = array<i32>} : memref<4x768xf32, #tpu.memory_space<vmem>>, vector<1x16xf32>,
        %get3A_144 = vector.shape_cast %get3A_143 : vector<1x16xf32> to vector<16xf32>
        %get3A_145 = arith.constant 0 : i32
        %get3A_146 = arith.index_cast %get3A_145 : i32 to index
        %get3A_147 = arith.constant 32 : index
        %get3A_148 = tpu.vector_load %arg7[%get3A_146, %get3A_147] {strides = array<i32>} : memref<4x768xf32, #tpu.memory_space<vmem>>, vector<1x16xf32>,
        %get3A_149 = vector.shape_cast %get3A_148 : vector<1x16xf32> to vector<16xf32>
        %get3A_150 = arith.constant 0 : i32
        %get3A_151 = arith.index_cast %get3A_150 : i32 to index
        %get3A_152 = arith.constant 48 : index
        %get3A_153 = tpu.vector_load %arg7[%get3A_151, %get3A_152] {strides = array<i32>} : memref<4x768xf32, #tpu.memory_space<vmem>>, vector<1x16xf32>,
        %get3A_154 = vector.shape_cast %get3A_153 : vector<1x16xf32> to vector<16xf32>
        %get3A_155 = arith.constant 0 : i32
        %get3A_156 = arith.index_cast %get3A_155 : i32 to index
        %get3A_157 = arith.constant 64 : index
        %get3A_158 = tpu.vector_load %arg7[%get3A_156, %get3A_157] {strides = array<i32>} : memref<4x768xf32, #tpu.memory_space<vmem>>, vector<1x16xf32>,
        %get3A_159 = vector.shape_cast %get3A_158 : vector<1x16xf32> to vector<16xf32>
        %get3A_160 = arith.constant 0 : i32
        %get3A_161 = arith.index_cast %get3A_160 : i32 to index
        %get3A_162 = arith.constant 80 : index
        %get3A_163 = tpu.vector_load %arg7[%get3A_161, %get3A_162] {strides = array<i32>} : memref<4x768xf32, #tpu.memory_space<vmem>>, vector<1x16xf32>,
        %get3A_164 = vector.shape_cast %get3A_163 : vector<1x16xf32> to vector<16xf32>
        %get3A_165 = arith.constant 0 : i32
        %get3A_166 = arith.index_cast %get3A_165 : i32 to index
        %get3A_167 = arith.constant 96 : index
        %get3A_168 = tpu.vector_load %arg7[%get3A_166, %get3A_167] {strides = array<i32>} : memref<4x768xf32, #tpu.memory_space<vmem>>, vector<1x16xf32>,
        %get3A_169 = vector.shape_cast %get3A_168 : vector<1x16xf32> to vector<16xf32>
        %get3A_170 = arith.constant 0 : i32
        %get3A_171 = arith.index_cast %get3A_170 : i32 to index
        %get3A_172 = arith.constant 112 : index
        %get3A_173 = tpu.vector_load %arg7[%get3A_171, %get3A_172] {strides = array<i32>} : memref<4x768xf32, #tpu.memory_space<vmem>>, vector<1x16xf32>,
        %get3A_174 = vector.shape_cast %get3A_173 : vector<1x16xf32> to vector<16xf32>
        %get3A_175 = arith.constant 0 : i32
        %get3A_176 = arith.index_cast %get3A_175 : i32 to index
        %get3A_177 = arith.constant 128 : index
        %get3A_178 = tpu.vector_load %arg7[%get3A_176, %get3A_177] {strides = array<i32>} : memref<4x768xf32, #tpu.memory_space<vmem>>, vector<1x16xf32>,
        %get3A_179 = vector.shape_cast %get3A_178 : vector<1x16xf32> to vector<16xf32>
        %get3A_180 = arith.constant 0 : i32
        %get3A_181 = arith.index_cast %get3A_180 : i32 to index
        %get3A_182 = arith.constant 144 : index
        %get3A_183 = tpu.vector_load %arg7[%get3A_181, %get3A_182] {strides = array<i32>} : memref<4x768xf32, #tpu.memory_space<vmem>>, vector<1x16xf32>,
        %get3A_184 = vector.shape_cast %get3A_183 : vector<1x16xf32> to vector<16xf32>
        %get3A_185 = arith.constant 0 : i32
        %get3A_186 = arith.index_cast %get3A_185 : i32 to index
        %get3A_187 = arith.constant 160 : index
        %get3A_188 = tpu.vector_load %arg7[%get3A_186, %get3A_187] {strides = array<i32>} : memref<4x768xf32, #tpu.memory_space<vmem>>, vector<1x16xf32>,
        %get3A_189 = vector.shape_cast %get3A_188 : vector<1x16xf32> to vector<16xf32>
        %get3A_190 = arith.constant 0 : i32
        %get3A_191 = arith.index_cast %get3A_190 : i32 to index
        %get3A_192 = arith.constant 176 : index
        %get3A_193 = tpu.vector_load %arg7[%get3A_191, %get3A_192] {strides = array<i32>} : memref<4x768xf32, #tpu.memory_space<vmem>>, vector<1x16xf32>,
        %get3A_194 = vector.shape_cast %get3A_193 : vector<1x16xf32> to vector<16xf32>
        %get3A_195 = arith.constant 0 : i32
        %get3A_196 = arith.index_cast %get3A_195 : i32 to index
        %get3A_197 = arith.constant 192 : index
        %get3A_198 = tpu.vector_load %arg7[%get3A_196, %get3A_197] {strides = array<i32>} : memref<4x768xf32, #tpu.memory_space<vmem>>, vector<1x16xf32>,
        %get3A_199 = vector.shape_cast %get3A_198 : vector<1x16xf32> to vector<16xf32>
        %get3A_200 = arith.constant 0 : i32
        %get3A_201 = arith.index_cast %get3A_200 : i32 to index
        %get3A_202 = arith.constant 208 : index
        %get3A_203 = tpu.vector_load %arg7[%get3A_201, %get3A_202] {strides = array<i32>} : memref<4x768xf32, #tpu.memory_space<vmem>>, vector<1x16xf32>,
        %get3A_204 = vector.shape_cast %get3A_203 : vector<1x16xf32> to vector<16xf32>
        %get3A_205 = arith.constant 0 : i32
        %get3A_206 = arith.index_cast %get3A_205 : i32 to index
        %get3A_207 = arith.constant 224 : index
        %get3A_208 = tpu.vector_load %arg7[%get3A_206, %get3A_207] {strides = array<i32>} : memref<4x768xf32, #tpu.memory_space<vmem>>, vector<1x16xf32>,
        %get3A_209 = vector.shape_cast %get3A_208 : vector<1x16xf32> to vector<16xf32>
        %get3A_210 = arith.constant 0 : i32
        %get3A_211 = arith.index_cast %get3A_210 : i32 to index
        %get3A_212 = arith.constant 240 : index
        %get3A_213 = tpu.vector_load %arg7[%get3A_211, %get3A_212] {strides = array<i32>} : memref<4x768xf32, #tpu.memory_space<vmem>>, vector<1x16xf32>,
        %get3A_214 = vector.shape_cast %get3A_213 : vector<1x16xf32> to vector<16xf32>
        %get3A_215 = arith.constant 0 : i32
        %get3A_216 = arith.index_cast %get3A_215 : i32 to index
        %get3A_217 = arith.constant 256 : index
        %get3A_218 = tpu.vector_load %arg7[%get3A_216, %get3A_217] {strides = array<i32>} : memref<4x768xf32, #tpu.memory_space<vmem>>, vector<1x16xf32>,
        %get3A_219 = vector.shape_cast %get3A_218 : vector<1x16xf32> to vector<16xf32>
        %get3A_220 = arith.constant 0 : i32
        %get3A_221 = arith.index_cast %get3A_220 : i32 to index
        %get3A_222 = arith.constant 272 : index
        %get3A_223 = tpu.vector_load %arg7[%get3A_221, %get3A_222] {strides = array<i32>} : memref<4x768xf32, #tpu.memory_space<vmem>>, vector<1x16xf32>,
        %get3A_224 = vector.shape_cast %get3A_223 : vector<1x16xf32> to vector<16xf32>
        %get3A_225 = arith.constant 0 : i32
        %get3A_226 = arith.index_cast %get3A_225 : i32 to index
        %get3A_227 = arith.constant 288 : index
        %get3A_228 = tpu.vector_load %arg7[%get3A_226, %get3A_227] {strides = array<i32>} : memref<4x768xf32, #tpu.memory_space<vmem>>, vector<1x16xf32>,
        %get3A_229 = vector.shape_cast %get3A_228 : vector<1x16xf32> to vector<16xf32>
        %get3A_230 = arith.constant 0 : i32
        %get3A_231 = arith.index_cast %get3A_230 : i32 to index
        %get3A_232 = arith.constant 304 : index
        %get3A_233 = tpu.vector_load %arg7[%get3A_231, %get3A_232] {strides = array<i32>} : memref<4x768xf32, #tpu.memory_space<vmem>>, vector<1x16xf32>,
        %get3A_234 = vector.shape_cast %get3A_233 : vector<1x16xf32> to vector<16xf32>
        %get3A_235 = arith.constant 0 : i32
        %get3A_236 = arith.index_cast %get3A_235 : i32 to index
        %get3A_237 = arith.constant 320 : index
        %get3A_238 = tpu.vector_load %arg7[%get3A_236, %get3A_237] {strides = array<i32>} : memref<4x768xf32, #tpu.memory_space<vmem>>, vector<1x16xf32>,
        %get3A_239 = vector.shape_cast %get3A_238 : vector<1x16xf32> to vector<16xf32>
        %get3A_240 = arith.constant 0 : i32
        %get3A_241 = arith.index_cast %get3A_240 : i32 to index
        %get3A_242 = arith.constant 336 : index
        %get3A_243 = tpu.vector_load %arg7[%get3A_241, %get3A_242] {strides = array<i32>} : memref<4x768xf32, #tpu.memory_space<vmem>>, vector<1x16xf32>,
        %get3A_244 = vector.shape_cast %get3A_243 : vector<1x16xf32> to vector<16xf32>
        %get3A_245 = arith.constant 0 : i32
        %get3A_246 = arith.index_cast %get3A_245 : i32 to index
        %get3A_247 = arith.constant 352 : index
        %get3A_248 = tpu.vector_load %arg7[%get3A_246, %get3A_247] {strides = array<i32>} : memref<4x768xf32, #tpu.memory_space<vmem>>, vector<1x16xf32>,
        %get3A_249 = vector.shape_cast %get3A_248 : vector<1x16xf32> to vector<16xf32>
        %get3A_250 = arith.constant 0 : i32
        %get3A_251 = arith.index_cast %get3A_250 : i32 to index
        %get3A_252 = arith.constant 368 : index
        %get3A_253 = tpu.vector_load %arg7[%get3A_251, %get3A_252] {strides = array<i32>} : memref<4x768xf32, #tpu.memory_space<vmem>>, vector<1x16xf32>,
        %get3A_254 = vector.shape_cast %get3A_253 : vector<1x16xf32> to vector<16xf32>
        %parallel_loop3A = arith.constant 0 : i32
        %parallel_loop3A_255 = arith.constant 32 : i32
        %parallel_loop3A_256 = arith.constant 1 : i32
        scf.for %parallel_loop3A_406 = %parallel_loop3A to %parallel_loop3A_255 step %parallel_loop3A_256  : i32 {
          %parallel_loop3A_407 = arith.constant 0 : i32
          %parallel_loop3A_408 = arith.addi %parallel_loop3A_407, %parallel_loop3A_406 : i32
          %parallel_loop3A_409 = arith.index_cast %parallel_loop3A_408 : i32 to index
          %parallel_loop3A_410 = arith.constant 0 : index
          %parallel_loop3A_411 = tpu.vector_load %arg8[%parallel_loop3A_409, %parallel_loop3A_410] {strides = array<i32>} : memref<128x768xf32, #tpu.memory_space<vmem>>, vector<1x16xf32>,
          %parallel_loop3A_412 = vector.shape_cast %parallel_loop3A_411 : vector<1x16xf32> to vector<16xf32>
          %parallel_loop3A_413 = arith.addf %parallel_loop3A_412, %get3A_139 : vector<16xf32>
          %parallel_loop3A_414 = arith.index_cast %parallel_loop3A_408 : i32 to index
          %parallel_loop3A_415 = arith.constant 0 : index
          %parallel_loop3A_416 = tpu.vector_load %arg8[%parallel_loop3A_414, %parallel_loop3A_415] {strides = array<i32>} : memref<128x768xf32, #tpu.memory_space<vmem>>, vector<1x16xf32>,
          %parallel_loop3A_417 = vector.shape_cast %parallel_loop3A_416 : vector<1x16xf32> to vector<16xf32>
          %parallel_loop3A_418 = vector.shape_cast %parallel_loop3A_413 : vector<16xf32> to vector<1x16xf32>
          tpu.vector_store %arg8[%parallel_loop3A_414, %parallel_loop3A_415], %parallel_loop3A_418 {strides = array<i32>} : memref<128x768xf32, #tpu.memory_space<vmem>>, vector<1x16xf32>,
          %parallel_loop3A_419 = arith.index_cast %parallel_loop3A_408 : i32 to index
          %parallel_loop3A_420 = arith.constant 16 : index
          %parallel_loop3A_421 = tpu.vector_load %arg8[%parallel_loop3A_419, %parallel_loop3A_420] {strides = array<i32>} : memref<128x768xf32, #tpu.memory_space<vmem>>, vector<1x16xf32>,
          %parallel_loop3A_422 = vector.shape_cast %parallel_loop3A_421 : vector<1x16xf32> to vector<16xf32>
          %parallel_loop3A_423 = arith.addf %parallel_loop3A_422, %get3A_144 : vector<16xf32>
          %parallel_loop3A_424 = arith.index_cast %parallel_loop3A_408 : i32 to index
          %parallel_loop3A_425 = arith.constant 16 : index
          %parallel_loop3A_426 = tpu.vector_load %arg8[%parallel_loop3A_424, %parallel_loop3A_425] {strides = array<i32>} : memref<128x768xf32, #tpu.memory_space<vmem>>, vector<1x16xf32>,
          %parallel_loop3A_427 = vector.shape_cast %parallel_loop3A_426 : vector<1x16xf32> to vector<16xf32>
          %parallel_loop3A_428 = vector.shape_cast %parallel_loop3A_423 : vector<16xf32> to vector<1x16xf32>
          tpu.vector_store %arg8[%parallel_loop3A_424, %parallel_loop3A_425], %parallel_loop3A_428 {strides = array<i32>} : memref<128x768xf32, #tpu.memory_space<vmem>>, vector<1x16xf32>,
          %parallel_loop3A_429 = arith.index_cast %parallel_loop3A_408 : i32 to index
          %parallel_loop3A_430 = arith.constant 32 : index
          %parallel_loop3A_431 = tpu.vector_load %arg8[%parallel_loop3A_429, %parallel_loop3A_430] {strides = array<i32>} : memref<128x768xf32, #tpu.memory_space<vmem>>, vector<1x16xf32>,
          %parallel_loop3A_432 = vector.shape_cast %parallel_loop3A_431 : vector<1x16xf32> to vector<16xf32>
          %parallel_loop3A_433 = arith.addf %parallel_loop3A_432, %get3A_149 : vector<16xf32>
          %parallel_loop3A_434 = arith.index_cast %parallel_loop3A_408 : i32 to index
          %parallel_loop3A_435 = arith.constant 32 : index
          %parallel_loop3A_436 = tpu.vector_load %arg8[%parallel_loop3A_434, %parallel_loop3A_435] {strides = array<i32>} : memref<128x768xf32, #tpu.memory_space<vmem>>, vector<1x16xf32>,
          %parallel_loop3A_437 = vector.shape_cast %parallel_loop3A_436 : vector<1x16xf32> to vector<16xf32>
          %parallel_loop3A_438 = vector.shape_cast %parallel_loop3A_433 : vector<16xf32> to vector<1x16xf32>
          tpu.vector_store %arg8[%parallel_loop3A_434, %parallel_loop3A_435], %parallel_loop3A_438 {strides = array<i32>} : memref<128x768xf32, #tpu.memory_space<vmem>>, vector<1x16xf32>,
          %parallel_loop3A_439 = arith.index_cast %parallel_loop3A_408 : i32 to index
          %parallel_loop3A_440 = arith.constant 48 : index
          %parallel_loop3A_441 = tpu.vector_load %arg8[%parallel_loop3A_439, %parallel_loop3A_440] {strides = array<i32>} : memref<128x768xf32, #tpu.memory_space<vmem>>, vector<1x16xf32>,
          %parallel_loop3A_442 = vector.shape_cast %parallel_loop3A_441 : vector<1x16xf32> to vector<16xf32>
          %parallel_loop3A_443 = arith.addf %parallel_loop3A_442, %get3A_154 : vector<16xf32>
          %parallel_loop3A_444 = arith.index_cast %parallel_loop3A_408 : i32 to index
          %parallel_loop3A_445 = arith.constant 48 : index
          %parallel_loop3A_446 = tpu.vector_load %arg8[%parallel_loop3A_444, %parallel_loop3A_445] {strides = array<i32>} : memref<128x768xf32, #tpu.memory_space<vmem>>, vector<1x16xf32>,
          %parallel_loop3A_447 = vector.shape_cast %parallel_loop3A_446 : vector<1x16xf32> to vector<16xf32>
          %parallel_loop3A_448 = vector.shape_cast %parallel_loop3A_443 : vector<16xf32> to vector<1x16xf32>
          tpu.vector_store %arg8[%parallel_loop3A_444, %parallel_loop3A_445], %parallel_loop3A_448 {strides = array<i32>} : memref<128x768xf32, #tpu.memory_space<vmem>>, vector<1x16xf32>,
          %parallel_loop3A_449 = arith.index_cast %parallel_loop3A_408 : i32 to index
          %parallel_loop3A_450 = arith.constant 64 : index
          %parallel_loop3A_451 = tpu.vector_load %arg8[%parallel_loop3A_449, %parallel_loop3A_450] {strides = array<i32>} : memref<128x768xf32, #tpu.memory_space<vmem>>, vector<1x16xf32>,
          %parallel_loop3A_452 = vector.shape_cast %parallel_loop3A_451 : vector<1x16xf32> to vector<16xf32>
          %parallel_loop3A_453 = arith.addf %parallel_loop3A_452, %get3A_159 : vector<16xf32>
          %parallel_loop3A_454 = arith.index_cast %parallel_loop3A_408 : i32 to index
          %parallel_loop3A_455 = arith.constant 64 : index
          %parallel_loop3A_456 = tpu.vector_load %arg8[%parallel_loop3A_454, %parallel_loop3A_455] {strides = array<i32>} : memref<128x768xf32, #tpu.memory_space<vmem>>, vector<1x16xf32>,
          %parallel_loop3A_457 = vector.shape_cast %parallel_loop3A_456 : vector<1x16xf32> to vector<16xf32>
          %parallel_loop3A_458 = vector.shape_cast %parallel_loop3A_453 : vector<16xf32> to vector<1x16xf32>
          tpu.vector_store %arg8[%parallel_loop3A_454, %parallel_loop3A_455], %parallel_loop3A_458 {strides = array<i32>} : memref<128x768xf32, #tpu.memory_space<vmem>>, vector<1x16xf32>,
          %parallel_loop3A_459 = arith.index_cast %parallel_loop3A_408 : i32 to index
          %parallel_loop3A_460 = arith.constant 80 : index
          %parallel_loop3A_461 = tpu.vector_load %arg8[%parallel_loop3A_459, %parallel_loop3A_460] {strides = array<i32>} : memref<128x768xf32, #tpu.memory_space<vmem>>, vector<1x16xf32>,
          %parallel_loop3A_462 = vector.shape_cast %parallel_loop3A_461 : vector<1x16xf32> to vector<16xf32>
          %parallel_loop3A_463 = arith.addf %parallel_loop3A_462, %get3A_164 : vector<16xf32>
          %parallel_loop3A_464 = arith.index_cast %parallel_loop3A_408 : i32 to index
          %parallel_loop3A_465 = arith.constant 80 : index
          %parallel_loop3A_466 = tpu.vector_load %arg8[%parallel_loop3A_464, %parallel_loop3A_465] {strides = array<i32>} : memref<128x768xf32, #tpu.memory_space<vmem>>, vector<1x16xf32>,
          %parallel_loop3A_467 = vector.shape_cast %parallel_loop3A_466 : vector<1x16xf32> to vector<16xf32>
          %parallel_loop3A_468 = vector.shape_cast %parallel_loop3A_463 : vector<16xf32> to vector<1x16xf32>
          tpu.vector_store %arg8[%parallel_loop3A_464, %parallel_loop3A_465], %parallel_loop3A_468 {strides = array<i32>} : memref<128x768xf32, #tpu.memory_space<vmem>>, vector<1x16xf32>,
          %parallel_loop3A_469 = arith.index_cast %parallel_loop3A_408 : i32 to index
          %parallel_loop3A_470 = arith.constant 96 : index
          %parallel_loop3A_471 = tpu.vector_load %arg8[%parallel_loop3A_469, %parallel_loop3A_470] {strides = array<i32>} : memref<128x768xf32, #tpu.memory_space<vmem>>, vector<1x16xf32>,
          %parallel_loop3A_472 = vector.shape_cast %parallel_loop3A_471 : vector<1x16xf32> to vector<16xf32>
          %parallel_loop3A_473 = arith.addf %parallel_loop3A_472, %get3A_169 : vector<16xf32>
          %parallel_loop3A_474 = arith.index_cast %parallel_loop3A_408 : i32 to index
          %parallel_loop3A_475 = arith.constant 96 : index
          %parallel_loop3A_476 = tpu.vector_load %arg8[%parallel_loop3A_474, %parallel_loop3A_475] {strides = array<i32>} : memref<128x768xf32, #tpu.memory_space<vmem>>, vector<1x16xf32>,
          %parallel_loop3A_477 = vector.shape_cast %parallel_loop3A_476 : vector<1x16xf32> to vector<16xf32>
          %parallel_loop3A_478 = vector.shape_cast %parallel_loop3A_473 : vector<16xf32> to vector<1x16xf32>
          tpu.vector_store %arg8[%parallel_loop3A_474, %parallel_loop3A_475], %parallel_loop3A_478 {strides = array<i32>} : memref<128x768xf32, #tpu.memory_space<vmem>>, vector<1x16xf32>,
          %parallel_loop3A_479 = arith.index_cast %parallel_loop3A_408 : i32 to index
          %parallel_loop3A_480 = arith.constant 112 : index
          %parallel_loop3A_481 = tpu.vector_load %arg8[%parallel_loop3A_479, %parallel_loop3A_480] {strides = array<i32>} : memref<128x768xf32, #tpu.memory_space<vmem>>, vector<1x16xf32>,
          %parallel_loop3A_482 = vector.shape_cast %parallel_loop3A_481 : vector<1x16xf32> to vector<16xf32>
          %parallel_loop3A_483 = arith.addf %parallel_loop3A_482, %get3A_174 : vector<16xf32>
          %parallel_loop3A_484 = arith.index_cast %parallel_loop3A_408 : i32 to index
          %parallel_loop3A_485 = arith.constant 112 : index
          %parallel_loop3A_486 = tpu.vector_load %arg8[%parallel_loop3A_484, %parallel_loop3A_485] {strides = array<i32>} : memref<128x768xf32, #tpu.memory_space<vmem>>, vector<1x16xf32>,
          %parallel_loop3A_487 = vector.shape_cast %parallel_loop3A_486 : vector<1x16xf32> to vector<16xf32>
          %parallel_loop3A_488 = vector.shape_cast %parallel_loop3A_483 : vector<16xf32> to vector<1x16xf32>
          tpu.vector_store %arg8[%parallel_loop3A_484, %parallel_loop3A_485], %parallel_loop3A_488 {strides = array<i32>} : memref<128x768xf32, #tpu.memory_space<vmem>>, vector<1x16xf32>,
          %parallel_loop3A_489 = arith.index_cast %parallel_loop3A_408 : i32 to index
          %parallel_loop3A_490 = arith.constant 128 : index
          %parallel_loop3A_491 = tpu.vector_load %arg8[%parallel_loop3A_489, %parallel_loop3A_490] {strides = array<i32>} : memref<128x768xf32, #tpu.memory_space<vmem>>, vector<1x16xf32>,
          %parallel_loop3A_492 = vector.shape_cast %parallel_loop3A_491 : vector<1x16xf32> to vector<16xf32>
          %parallel_loop3A_493 = arith.addf %parallel_loop3A_492, %get3A_179 : vector<16xf32>
          %parallel_loop3A_494 = arith.index_cast %parallel_loop3A_408 : i32 to index
          %parallel_loop3A_495 = arith.constant 128 : index
          %parallel_loop3A_496 = tpu.vector_load %arg8[%parallel_loop3A_494, %parallel_loop3A_495] {strides = array<i32>} : memref<128x768xf32, #tpu.memory_space<vmem>>, vector<1x16xf32>,
          %parallel_loop3A_497 = vector.shape_cast %parallel_loop3A_496 : vector<1x16xf32> to vector<16xf32>
          %parallel_loop3A_498 = vector.shape_cast %parallel_loop3A_493 : vector<16xf32> to vector<1x16xf32>
          tpu.vector_store %arg8[%parallel_loop3A_494, %parallel_loop3A_495], %parallel_loop3A_498 {strides = array<i32>} : memref<128x768xf32, #tpu.memory_space<vmem>>, vector<1x16xf32>,
          %parallel_loop3A_499 = arith.index_cast %parallel_loop3A_408 : i32 to index
          %parallel_loop3A_500 = arith.constant 144 : index
          %parallel_loop3A_501 = tpu.vector_load %arg8[%parallel_loop3A_499, %parallel_loop3A_500] {strides = array<i32>} : memref<128x768xf32, #tpu.memory_space<vmem>>, vector<1x16xf32>,
          %parallel_loop3A_502 = vector.shape_cast %parallel_loop3A_501 : vector<1x16xf32> to vector<16xf32>
          %parallel_loop3A_503 = arith.addf %parallel_loop3A_502, %get3A_184 : vector<16xf32>
          %parallel_loop3A_504 = arith.index_cast %parallel_loop3A_408 : i32 to index
          %parallel_loop3A_505 = arith.constant 144 : index
          %parallel_loop3A_506 = tpu.vector_load %arg8[%parallel_loop3A_504, %parallel_loop3A_505] {strides = array<i32>} : memref<128x768xf32, #tpu.memory_space<vmem>>, vector<1x16xf32>,
          %parallel_loop3A_507 = vector.shape_cast %parallel_loop3A_506 : vector<1x16xf32> to vector<16xf32>
          %parallel_loop3A_508 = vector.shape_cast %parallel_loop3A_503 : vector<16xf32> to vector<1x16xf32>
          tpu.vector_store %arg8[%parallel_loop3A_504, %parallel_loop3A_505], %parallel_loop3A_508 {strides = array<i32>} : memref<128x768xf32, #tpu.memory_space<vmem>>, vector<1x16xf32>,
          %parallel_loop3A_509 = arith.index_cast %parallel_loop3A_408 : i32 to index
          %parallel_loop3A_510 = arith.constant 160 : index
          %parallel_loop3A_511 = tpu.vector_load %arg8[%parallel_loop3A_509, %parallel_loop3A_510] {strides = array<i32>} : memref<128x768xf32, #tpu.memory_space<vmem>>, vector<1x16xf32>,
          %parallel_loop3A_512 = vector.shape_cast %parallel_loop3A_511 : vector<1x16xf32> to vector<16xf32>
          %parallel_loop3A_513 = arith.addf %parallel_loop3A_512, %get3A_189 : vector<16xf32>
          %parallel_loop3A_514 = arith.index_cast %parallel_loop3A_408 : i32 to index
          %parallel_loop3A_515 = arith.constant 160 : index
          %parallel_loop3A_516 = tpu.vector_load %arg8[%parallel_loop3A_514, %parallel_loop3A_515] {strides = array<i32>} : memref<128x768xf32, #tpu.memory_space<vmem>>, vector<1x16xf32>,
          %parallel_loop3A_517 = vector.shape_cast %parallel_loop3A_516 : vector<1x16xf32> to vector<16xf32>
          %parallel_loop3A_518 = vector.shape_cast %parallel_loop3A_513 : vector<16xf32> to vector<1x16xf32>
          tpu.vector_store %arg8[%parallel_loop3A_514, %parallel_loop3A_515], %parallel_loop3A_518 {strides = array<i32>} : memref<128x768xf32, #tpu.memory_space<vmem>>, vector<1x16xf32>,
          %parallel_loop3A_519 = arith.index_cast %parallel_loop3A_408 : i32 to index
          %parallel_loop3A_520 = arith.constant 176 : index
          %parallel_loop3A_521 = tpu.vector_load %arg8[%parallel_loop3A_519, %parallel_loop3A_520] {strides = array<i32>} : memref<128x768xf32, #tpu.memory_space<vmem>>, vector<1x16xf32>,
          %parallel_loop3A_522 = vector.shape_cast %parallel_loop3A_521 : vector<1x16xf32> to vector<16xf32>
          %parallel_loop3A_523 = arith.addf %parallel_loop3A_522, %get3A_194 : vector<16xf32>
          %parallel_loop3A_524 = arith.index_cast %parallel_loop3A_408 : i32 to index
          %parallel_loop3A_525 = arith.constant 176 : index
          %parallel_loop3A_526 = tpu.vector_load %arg8[%parallel_loop3A_524, %parallel_loop3A_525] {strides = array<i32>} : memref<128x768xf32, #tpu.memory_space<vmem>>, vector<1x16xf32>,
          %parallel_loop3A_527 = vector.shape_cast %parallel_loop3A_526 : vector<1x16xf32> to vector<16xf32>
          %parallel_loop3A_528 = vector.shape_cast %parallel_loop3A_523 : vector<16xf32> to vector<1x16xf32>
          tpu.vector_store %arg8[%parallel_loop3A_524, %parallel_loop3A_525], %parallel_loop3A_528 {strides = array<i32>} : memref<128x768xf32, #tpu.memory_space<vmem>>, vector<1x16xf32>,
          %parallel_loop3A_529 = arith.index_cast %parallel_loop3A_408 : i32 to index
          %parallel_loop3A_530 = arith.constant 192 : index
          %parallel_loop3A_531 = tpu.vector_load %arg8[%parallel_loop3A_529, %parallel_loop3A_530] {strides = array<i32>} : memref<128x768xf32, #tpu.memory_space<vmem>>, vector<1x16xf32>,
          %parallel_loop3A_532 = vector.shape_cast %parallel_loop3A_531 : vector<1x16xf32> to vector<16xf32>
          %parallel_loop3A_533 = arith.addf %parallel_loop3A_532, %get3A_199 : vector<16xf32>
          %parallel_loop3A_534 = arith.index_cast %parallel_loop3A_408 : i32 to index
          %parallel_loop3A_535 = arith.constant 192 : index
          %parallel_loop3A_536 = tpu.vector_load %arg8[%parallel_loop3A_534, %parallel_loop3A_535] {strides = array<i32>} : memref<128x768xf32, #tpu.memory_space<vmem>>, vector<1x16xf32>,
          %parallel_loop3A_537 = vector.shape_cast %parallel_loop3A_536 : vector<1x16xf32> to vector<16xf32>
          %parallel_loop3A_538 = vector.shape_cast %parallel_loop3A_533 : vector<16xf32> to vector<1x16xf32>
          tpu.vector_store %arg8[%parallel_loop3A_534, %parallel_loop3A_535], %parallel_loop3A_538 {strides = array<i32>} : memref<128x768xf32, #tpu.memory_space<vmem>>, vector<1x16xf32>,
          %parallel_loop3A_539 = arith.index_cast %parallel_loop3A_408 : i32 to index
          %parallel_loop3A_540 = arith.constant 208 : index
          %parallel_loop3A_541 = tpu.vector_load %arg8[%parallel_loop3A_539, %parallel_loop3A_540] {strides = array<i32>} : memref<128x768xf32, #tpu.memory_space<vmem>>, vector<1x16xf32>,
          %parallel_loop3A_542 = vector.shape_cast %parallel_loop3A_541 : vector<1x16xf32> to vector<16xf32>
          %parallel_loop3A_543 = arith.addf %parallel_loop3A_542, %get3A_204 : vector<16xf32>
          %parallel_loop3A_544 = arith.index_cast %parallel_loop3A_408 : i32 to index
          %parallel_loop3A_545 = arith.constant 208 : index
          %parallel_loop3A_546 = tpu.vector_load %arg8[%parallel_loop3A_544, %parallel_loop3A_545] {strides = array<i32>} : memref<128x768xf32, #tpu.memory_space<vmem>>, vector<1x16xf32>,
          %parallel_loop3A_547 = vector.shape_cast %parallel_loop3A_546 : vector<1x16xf32> to vector<16xf32>
          %parallel_loop3A_548 = vector.shape_cast %parallel_loop3A_543 : vector<16xf32> to vector<1x16xf32>
          tpu.vector_store %arg8[%parallel_loop3A_544, %parallel_loop3A_545], %parallel_loop3A_548 {strides = array<i32>} : memref<128x768xf32, #tpu.memory_space<vmem>>, vector<1x16xf32>,
          %parallel_loop3A_549 = arith.index_cast %parallel_loop3A_408 : i32 to index
          %parallel_loop3A_550 = arith.constant 224 : index
          %parallel_loop3A_551 = tpu.vector_load %arg8[%parallel_loop3A_549, %parallel_loop3A_550] {strides = array<i32>} : memref<128x768xf32, #tpu.memory_space<vmem>>, vector<1x16xf32>,
          %parallel_loop3A_552 = vector.shape_cast %parallel_loop3A_551 : vector<1x16xf32> to vector<16xf32>
          %parallel_loop3A_553 = arith.addf %parallel_loop3A_552, %get3A_209 : vector<16xf32>
          %parallel_loop3A_554 = arith.index_cast %parallel_loop3A_408 : i32 to index
          %parallel_loop3A_555 = arith.constant 224 : index
          %parallel_loop3A_556 = tpu.vector_load %arg8[%parallel_loop3A_554, %parallel_loop3A_555] {strides = array<i32>} : memref<128x768xf32, #tpu.memory_space<vmem>>, vector<1x16xf32>,
          %parallel_loop3A_557 = vector.shape_cast %parallel_loop3A_556 : vector<1x16xf32> to vector<16xf32>
          %parallel_loop3A_558 = vector.shape_cast %parallel_loop3A_553 : vector<16xf32> to vector<1x16xf32>
          tpu.vector_store %arg8[%parallel_loop3A_554, %parallel_loop3A_555], %parallel_loop3A_558 {strides = array<i32>} : memref<128x768xf32, #tpu.memory_space<vmem>>, vector<1x16xf32>,
          %parallel_loop3A_559 = arith.index_cast %parallel_loop3A_408 : i32 to index
          %parallel_loop3A_560 = arith.constant 240 : index
          %parallel_loop3A_561 = tpu.vector_load %arg8[%parallel_loop3A_559, %parallel_loop3A_560] {strides = array<i32>} : memref<128x768xf32, #tpu.memory_space<vmem>>, vector<1x16xf32>,
          %parallel_loop3A_562 = vector.shape_cast %parallel_loop3A_561 : vector<1x16xf32> to vector<16xf32>
          %parallel_loop3A_563 = arith.addf %parallel_loop3A_562, %get3A_214 : vector<16xf32>
          %parallel_loop3A_564 = arith.index_cast %parallel_loop3A_408 : i32 to index
          %parallel_loop3A_565 = arith.constant 240 : index
          %parallel_loop3A_566 = tpu.vector_load %arg8[%parallel_loop3A_564, %parallel_loop3A_565] {strides = array<i32>} : memref<128x768xf32, #tpu.memory_space<vmem>>, vector<1x16xf32>,
          %parallel_loop3A_567 = vector.shape_cast %parallel_loop3A_566 : vector<1x16xf32> to vector<16xf32>
          %parallel_loop3A_568 = vector.shape_cast %parallel_loop3A_563 : vector<16xf32> to vector<1x16xf32>
          tpu.vector_store %arg8[%parallel_loop3A_564, %parallel_loop3A_565], %parallel_loop3A_568 {strides = array<i32>} : memref<128x768xf32, #tpu.memory_space<vmem>>, vector<1x16xf32>,
          %parallel_loop3A_569 = arith.index_cast %parallel_loop3A_408 : i32 to index
          %parallel_loop3A_570 = arith.constant 256 : index
          %parallel_loop3A_571 = tpu.vector_load %arg8[%parallel_loop3A_569, %parallel_loop3A_570] {strides = array<i32>} : memref<128x768xf32, #tpu.memory_space<vmem>>, vector<1x16xf32>,
          %parallel_loop3A_572 = vector.shape_cast %parallel_loop3A_571 : vector<1x16xf32> to vector<16xf32>
          %parallel_loop3A_573 = arith.addf %parallel_loop3A_572, %get3A_219 : vector<16xf32>
          %parallel_loop3A_574 = arith.index_cast %parallel_loop3A_408 : i32 to index
          %parallel_loop3A_575 = arith.constant 256 : index
          %parallel_loop3A_576 = tpu.vector_load %arg8[%parallel_loop3A_574, %parallel_loop3A_575] {strides = array<i32>} : memref<128x768xf32, #tpu.memory_space<vmem>>, vector<1x16xf32>,
          %parallel_loop3A_577 = vector.shape_cast %parallel_loop3A_576 : vector<1x16xf32> to vector<16xf32>
          %parallel_loop3A_578 = vector.shape_cast %parallel_loop3A_573 : vector<16xf32> to vector<1x16xf32>
          tpu.vector_store %arg8[%parallel_loop3A_574, %parallel_loop3A_575], %parallel_loop3A_578 {strides = array<i32>} : memref<128x768xf32, #tpu.memory_space<vmem>>, vector<1x16xf32>,
          %parallel_loop3A_579 = arith.index_cast %parallel_loop3A_408 : i32 to index
          %parallel_loop3A_580 = arith.constant 272 : index
          %parallel_loop3A_581 = tpu.vector_load %arg8[%parallel_loop3A_579, %parallel_loop3A_580] {strides = array<i32>} : memref<128x768xf32, #tpu.memory_space<vmem>>, vector<1x16xf32>,
          %parallel_loop3A_582 = vector.shape_cast %parallel_loop3A_581 : vector<1x16xf32> to vector<16xf32>
          %parallel_loop3A_583 = arith.addf %parallel_loop3A_582, %get3A_224 : vector<16xf32>
          %parallel_loop3A_584 = arith.index_cast %parallel_loop3A_408 : i32 to index
          %parallel_loop3A_585 = arith.constant 272 : index
          %parallel_loop3A_586 = tpu.vector_load %arg8[%parallel_loop3A_584, %parallel_loop3A_585] {strides = array<i32>} : memref<128x768xf32, #tpu.memory_space<vmem>>, vector<1x16xf32>,
          %parallel_loop3A_587 = vector.shape_cast %parallel_loop3A_586 : vector<1x16xf32> to vector<16xf32>
          %parallel_loop3A_588 = vector.shape_cast %parallel_loop3A_583 : vector<16xf32> to vector<1x16xf32>
          tpu.vector_store %arg8[%parallel_loop3A_584, %parallel_loop3A_585], %parallel_loop3A_588 {strides = array<i32>} : memref<128x768xf32, #tpu.memory_space<vmem>>, vector<1x16xf32>,
          %parallel_loop3A_589 = arith.index_cast %parallel_loop3A_408 : i32 to index
          %parallel_loop3A_590 = arith.constant 288 : index
          %parallel_loop3A_591 = tpu.vector_load %arg8[%parallel_loop3A_589, %parallel_loop3A_590] {strides = array<i32>} : memref<128x768xf32, #tpu.memory_space<vmem>>, vector<1x16xf32>,
          %parallel_loop3A_592 = vector.shape_cast %parallel_loop3A_591 : vector<1x16xf32> to vector<16xf32>
          %parallel_loop3A_593 = arith.addf %parallel_loop3A_592, %get3A_229 : vector<16xf32>
          %parallel_loop3A_594 = arith.index_cast %parallel_loop3A_408 : i32 to index
          %parallel_loop3A_595 = arith.constant 288 : index
          %parallel_loop3A_596 = tpu.vector_load %arg8[%parallel_loop3A_594, %parallel_loop3A_595] {strides = array<i32>} : memref<128x768xf32, #tpu.memory_space<vmem>>, vector<1x16xf32>,
          %parallel_loop3A_597 = vector.shape_cast %parallel_loop3A_596 : vector<1x16xf32> to vector<16xf32>
          %parallel_loop3A_598 = vector.shape_cast %parallel_loop3A_593 : vector<16xf32> to vector<1x16xf32>
          tpu.vector_store %arg8[%parallel_loop3A_594, %parallel_loop3A_595], %parallel_loop3A_598 {strides = array<i32>} : memref<128x768xf32, #tpu.memory_space<vmem>>, vector<1x16xf32>,
          %parallel_loop3A_599 = arith.index_cast %parallel_loop3A_408 : i32 to index
          %parallel_loop3A_600 = arith.constant 304 : index
          %parallel_loop3A_601 = tpu.vector_load %arg8[%parallel_loop3A_599, %parallel_loop3A_600] {strides = array<i32>} : memref<128x768xf32, #tpu.memory_space<vmem>>, vector<1x16xf32>,
          %parallel_loop3A_602 = vector.shape_cast %parallel_loop3A_601 : vector<1x16xf32> to vector<16xf32>
          %parallel_loop3A_603 = arith.addf %parallel_loop3A_602, %get3A_234 : vector<16xf32>
          %parallel_loop3A_604 = arith.index_cast %parallel_loop3A_408 : i32 to index
          %parallel_loop3A_605 = arith.constant 304 : index
          %parallel_loop3A_606 = tpu.vector_load %arg8[%parallel_loop3A_604, %parallel_loop3A_605] {strides = array<i32>} : memref<128x768xf32, #tpu.memory_space<vmem>>, vector<1x16xf32>,
          %parallel_loop3A_607 = vector.shape_cast %parallel_loop3A_606 : vector<1x16xf32> to vector<16xf32>
          %parallel_loop3A_608 = vector.shape_cast %parallel_loop3A_603 : vector<16xf32> to vector<1x16xf32>
          tpu.vector_store %arg8[%parallel_loop3A_604, %parallel_loop3A_605], %parallel_loop3A_608 {strides = array<i32>} : memref<128x768xf32, #tpu.memory_space<vmem>>, vector<1x16xf32>,
          %parallel_loop3A_609 = arith.index_cast %parallel_loop3A_408 : i32 to index
          %parallel_loop3A_610 = arith.constant 320 : index
          %parallel_loop3A_611 = tpu.vector_load %arg8[%parallel_loop3A_609, %parallel_loop3A_610] {strides = array<i32>} : memref<128x768xf32, #tpu.memory_space<vmem>>, vector<1x16xf32>,
          %parallel_loop3A_612 = vector.shape_cast %parallel_loop3A_611 : vector<1x16xf32> to vector<16xf32>
          %parallel_loop3A_613 = arith.addf %parallel_loop3A_612, %get3A_239 : vector<16xf32>
          %parallel_loop3A_614 = arith.index_cast %parallel_loop3A_408 : i32 to index
          %parallel_loop3A_615 = arith.constant 320 : index
          %parallel_loop3A_616 = tpu.vector_load %arg8[%parallel_loop3A_614, %parallel_loop3A_615] {strides = array<i32>} : memref<128x768xf32, #tpu.memory_space<vmem>>, vector<1x16xf32>,
          %parallel_loop3A_617 = vector.shape_cast %parallel_loop3A_616 : vector<1x16xf32> to vector<16xf32>
          %parallel_loop3A_618 = vector.shape_cast %parallel_loop3A_613 : vector<16xf32> to vector<1x16xf32>
          tpu.vector_store %arg8[%parallel_loop3A_614, %parallel_loop3A_615], %parallel_loop3A_618 {strides = array<i32>} : memref<128x768xf32, #tpu.memory_space<vmem>>, vector<1x16xf32>,
          %parallel_loop3A_619 = arith.index_cast %parallel_loop3A_408 : i32 to index
          %parallel_loop3A_620 = arith.constant 336 : index
          %parallel_loop3A_621 = tpu.vector_load %arg8[%parallel_loop3A_619, %parallel_loop3A_620] {strides = array<i32>} : memref<128x768xf32, #tpu.memory_space<vmem>>, vector<1x16xf32>,
          %parallel_loop3A_622 = vector.shape_cast %parallel_loop3A_621 : vector<1x16xf32> to vector<16xf32>
          %parallel_loop3A_623 = arith.addf %parallel_loop3A_622, %get3A_244 : vector<16xf32>
          %parallel_loop3A_624 = arith.index_cast %parallel_loop3A_408 : i32 to index
          %parallel_loop3A_625 = arith.constant 336 : index
          %parallel_loop3A_626 = tpu.vector_load %arg8[%parallel_loop3A_624, %parallel_loop3A_625] {strides = array<i32>} : memref<128x768xf32, #tpu.memory_space<vmem>>, vector<1x16xf32>,
          %parallel_loop3A_627 = vector.shape_cast %parallel_loop3A_626 : vector<1x16xf32> to vector<16xf32>
          %parallel_loop3A_628 = vector.shape_cast %parallel_loop3A_623 : vector<16xf32> to vector<1x16xf32>
          tpu.vector_store %arg8[%parallel_loop3A_624, %parallel_loop3A_625], %parallel_loop3A_628 {strides = array<i32>} : memref<128x768xf32, #tpu.memory_space<vmem>>, vector<1x16xf32>,
          %parallel_loop3A_629 = arith.index_cast %parallel_loop3A_408 : i32 to index
          %parallel_loop3A_630 = arith.constant 352 : index
          %parallel_loop3A_631 = tpu.vector_load %arg8[%parallel_loop3A_629, %parallel_loop3A_630] {strides = array<i32>} : memref<128x768xf32, #tpu.memory_space<vmem>>, vector<1x16xf32>,
          %parallel_loop3A_632 = vector.shape_cast %parallel_loop3A_631 : vector<1x16xf32> to vector<16xf32>
          %parallel_loop3A_633 = arith.addf %parallel_loop3A_632, %get3A_249 : vector<16xf32>
          %parallel_loop3A_634 = arith.index_cast %parallel_loop3A_408 : i32 to index
          %parallel_loop3A_635 = arith.constant 352 : index
          %parallel_loop3A_636 = tpu.vector_load %arg8[%parallel_loop3A_634, %parallel_loop3A_635] {strides = array<i32>} : memref<128x768xf32, #tpu.memory_space<vmem>>, vector<1x16xf32>,
          %parallel_loop3A_637 = vector.shape_cast %parallel_loop3A_636 : vector<1x16xf32> to vector<16xf32>
          %parallel_loop3A_638 = vector.shape_cast %parallel_loop3A_633 : vector<16xf32> to vector<1x16xf32>
          tpu.vector_store %arg8[%parallel_loop3A_634, %parallel_loop3A_635], %parallel_loop3A_638 {strides = array<i32>} : memref<128x768xf32, #tpu.memory_space<vmem>>, vector<1x16xf32>,
          %parallel_loop3A_639 = arith.index_cast %parallel_loop3A_408 : i32 to index
          %parallel_loop3A_640 = arith.constant 368 : index
          %parallel_loop3A_641 = tpu.vector_load %arg8[%parallel_loop3A_639, %parallel_loop3A_640] {strides = array<i32>} : memref<128x768xf32, #tpu.memory_space<vmem>>, vector<1x16xf32>,
          %parallel_loop3A_642 = vector.shape_cast %parallel_loop3A_641 : vector<1x16xf32> to vector<16xf32>
          %parallel_loop3A_643 = arith.addf %parallel_loop3A_642, %get3A_254 : vector<16xf32>
          %parallel_loop3A_644 = arith.index_cast %parallel_loop3A_408 : i32 to index
          %parallel_loop3A_645 = arith.constant 368 : index
          %parallel_loop3A_646 = tpu.vector_load %arg8[%parallel_loop3A_644, %parallel_loop3A_645] {strides = array<i32>} : memref<128x768xf32, #tpu.memory_space<vmem>>, vector<1x16xf32>,
          %parallel_loop3A_647 = vector.shape_cast %parallel_loop3A_646 : vector<1x16xf32> to vector<16xf32>
          %parallel_loop3A_648 = vector.shape_cast %parallel_loop3A_643 : vector<16xf32> to vector<1x16xf32>
          tpu.vector_store %arg8[%parallel_loop3A_644, %parallel_loop3A_645], %parallel_loop3A_648 {strides = array<i32>} : memref<128x768xf32, #tpu.memory_space<vmem>>, vector<1x16xf32>,
        } {sc.loop_unroll_factor = 2 : i64, sc.parallel_access}
        %get3A_257 = arith.constant 0 : i32
        %get3A_258 = arith.index_cast %get3A_257 : i32 to index
        %get3A_259 = arith.constant 384 : index
        %get3A_260 = tpu.vector_load %arg7[%get3A_258, %get3A_259] {strides = array<i32>} : memref<4x768xf32, #tpu.memory_space<vmem>>, vector<1x16xf32>,
        %get3A_261 = vector.shape_cast %get3A_260 : vector<1x16xf32> to vector<16xf32>
        %get3A_262 = arith.constant 0 : i32
        %get3A_263 = arith.index_cast %get3A_262 : i32 to index
        %get3A_264 = arith.constant 400 : index
        %get3A_265 = tpu.vector_load %arg7[%get3A_263, %get3A_264] {strides = array<i32>} : memref<4x768xf32, #tpu.memory_space<vmem>>, vector<1x16xf32>,
        %get3A_266 = vector.shape_cast %get3A_265 : vector<1x16xf32> to vector<16xf32>
        %get3A_267 = arith.constant 0 : i32
        %get3A_268 = arith.index_cast %get3A_267 : i32 to index
        %get3A_269 = arith.constant 416 : index
        %get3A_270 = tpu.vector_load %arg7[%get3A_268, %get3A_269] {strides = array<i32>} : memref<4x768xf32, #tpu.memory_space<vmem>>, vector<1x16xf32>,
        %get3A_271 = vector.shape_cast %get3A_270 : vector<1x16xf32> to vector<16xf32>
        %get3A_272 = arith.constant 0 : i32
        %get3A_273 = arith.index_cast %get3A_272 : i32 to index
        %get3A_274 = arith.constant 432 : index
        %get3A_275 = tpu.vector_load %arg7[%get3A_273, %get3A_274] {strides = array<i32>} : memref<4x768xf32, #tpu.memory_space<vmem>>, vector<1x16xf32>,
        %get3A_276 = vector.shape_cast %get3A_275 : vector<1x16xf32> to vector<16xf32>
        %get3A_277 = arith.constant 0 : i32
        %get3A_278 = arith.index_cast %get3A_277 : i32 to index
        %get3A_279 = arith.constant 448 : index
        %get3A_280 = tpu.vector_load %arg7[%get3A_278, %get3A_279] {strides = array<i32>} : memref<4x768xf32, #tpu.memory_space<vmem>>, vector<1x16xf32>,
        %get3A_281 = vector.shape_cast %get3A_280 : vector<1x16xf32> to vector<16xf32>
        %get3A_282 = arith.constant 0 : i32
        %get3A_283 = arith.index_cast %get3A_282 : i32 to index
        %get3A_284 = arith.constant 464 : index
        %get3A_285 = tpu.vector_load %arg7[%get3A_283, %get3A_284] {strides = array<i32>} : memref<4x768xf32, #tpu.memory_space<vmem>>, vector<1x16xf32>,
        %get3A_286 = vector.shape_cast %get3A_285 : vector<1x16xf32> to vector<16xf32>
        %get3A_287 = arith.constant 0 : i32
        %get3A_288 = arith.index_cast %get3A_287 : i32 to index
        %get3A_289 = arith.constant 480 : index
        %get3A_290 = tpu.vector_load %arg7[%get3A_288, %get3A_289] {strides = array<i32>} : memref<4x768xf32, #tpu.memory_space<vmem>>, vector<1x16xf32>,
        %get3A_291 = vector.shape_cast %get3A_290 : vector<1x16xf32> to vector<16xf32>
        %get3A_292 = arith.constant 0 : i32
        %get3A_293 = arith.index_cast %get3A_292 : i32 to index
        %get3A_294 = arith.constant 496 : index
        %get3A_295 = tpu.vector_load %arg7[%get3A_293, %get3A_294] {strides = array<i32>} : memref<4x768xf32, #tpu.memory_space<vmem>>, vector<1x16xf32>,
        %get3A_296 = vector.shape_cast %get3A_295 : vector<1x16xf32> to vector<16xf32>
        %get3A_297 = arith.constant 0 : i32
        %get3A_298 = arith.index_cast %get3A_297 : i32 to index
        %get3A_299 = arith.constant 512 : index
        %get3A_300 = tpu.vector_load %arg7[%get3A_298, %get3A_299] {strides = array<i32>} : memref<4x768xf32, #tpu.memory_space<vmem>>, vector<1x16xf32>,
        %get3A_301 = vector.shape_cast %get3A_300 : vector<1x16xf32> to vector<16xf32>
        %get3A_302 = arith.constant 0 : i32
        %get3A_303 = arith.index_cast %get3A_302 : i32 to index
        %get3A_304 = arith.constant 528 : index
        %get3A_305 = tpu.vector_load %arg7[%get3A_303, %get3A_304] {strides = array<i32>} : memref<4x768xf32, #tpu.memory_space<vmem>>, vector<1x16xf32>,
        %get3A_306 = vector.shape_cast %get3A_305 : vector<1x16xf32> to vector<16xf32>
        %get3A_307 = arith.constant 0 : i32
        %get3A_308 = arith.index_cast %get3A_307 : i32 to index
        %get3A_309 = arith.constant 544 : index
        %get3A_310 = tpu.vector_load %arg7[%get3A_308, %get3A_309] {strides = array<i32>} : memref<4x768xf32, #tpu.memory_space<vmem>>, vector<1x16xf32>,
        %get3A_311 = vector.shape_cast %get3A_310 : vector<1x16xf32> to vector<16xf32>
        %get3A_312 = arith.constant 0 : i32
        %get3A_313 = arith.index_cast %get3A_312 : i32 to index
        %get3A_314 = arith.constant 560 : index
        %get3A_315 = tpu.vector_load %arg7[%get3A_313, %get3A_314] {strides = array<i32>} : memref<4x768xf32, #tpu.memory_space<vmem>>, vector<1x16xf32>,
        %get3A_316 = vector.shape_cast %get3A_315 : vector<1x16xf32> to vector<16xf32>
        %get3A_317 = arith.constant 0 : i32
        %get3A_318 = arith.index_cast %get3A_317 : i32 to index
        %get3A_319 = arith.constant 576 : index
        %get3A_320 = tpu.vector_load %arg7[%get3A_318, %get3A_319] {strides = array<i32>} : memref<4x768xf32, #tpu.memory_space<vmem>>, vector<1x16xf32>,
        %get3A_321 = vector.shape_cast %get3A_320 : vector<1x16xf32> to vector<16xf32>
        %get3A_322 = arith.constant 0 : i32
        %get3A_323 = arith.index_cast %get3A_322 : i32 to index
        %get3A_324 = arith.constant 592 : index
        %get3A_325 = tpu.vector_load %arg7[%get3A_323, %get3A_324] {strides = array<i32>} : memref<4x768xf32, #tpu.memory_space<vmem>>, vector<1x16xf32>,
        %get3A_326 = vector.shape_cast %get3A_325 : vector<1x16xf32> to vector<16xf32>
        %get3A_327 = arith.constant 0 : i32
        %get3A_328 = arith.index_cast %get3A_327 : i32 to index
        %get3A_329 = arith.constant 608 : index
        %get3A_330 = tpu.vector_load %arg7[%get3A_328, %get3A_329] {strides = array<i32>} : memref<4x768xf32, #tpu.memory_space<vmem>>, vector<1x16xf32>,
        %get3A_331 = vector.shape_cast %get3A_330 : vector<1x16xf32> to vector<16xf32>
        %get3A_332 = arith.constant 0 : i32
        %get3A_333 = arith.index_cast %get3A_332 : i32 to index
        %get3A_334 = arith.constant 624 : index
        %get3A_335 = tpu.vector_load %arg7[%get3A_333, %get3A_334] {strides = array<i32>} : memref<4x768xf32, #tpu.memory_space<vmem>>, vector<1x16xf32>,
        %get3A_336 = vector.shape_cast %get3A_335 : vector<1x16xf32> to vector<16xf32>
        %get3A_337 = arith.constant 0 : i32
        %get3A_338 = arith.index_cast %get3A_337 : i32 to index
        %get3A_339 = arith.constant 640 : index
        %get3A_340 = tpu.vector_load %arg7[%get3A_338, %get3A_339] {strides = array<i32>} : memref<4x768xf32, #tpu.memory_space<vmem>>, vector<1x16xf32>,
        %get3A_341 = vector.shape_cast %get3A_340 : vector<1x16xf32> to vector<16xf32>
        %get3A_342 = arith.constant 0 : i32
        %get3A_343 = arith.index_cast %get3A_342 : i32 to index
        %get3A_344 = arith.constant 656 : index
        %get3A_345 = tpu.vector_load %arg7[%get3A_343, %get3A_344] {strides = array<i32>} : memref<4x768xf32, #tpu.memory_space<vmem>>, vector<1x16xf32>,
        %get3A_346 = vector.shape_cast %get3A_345 : vector<1x16xf32> to vector<16xf32>
        %get3A_347 = arith.constant 0 : i32
        %get3A_348 = arith.index_cast %get3A_347 : i32 to index
        %get3A_349 = arith.constant 672 : index
        %get3A_350 = tpu.vector_load %arg7[%get3A_348, %get3A_349] {strides = array<i32>} : memref<4x768xf32, #tpu.memory_space<vmem>>, vector<1x16xf32>,
        %get3A_351 = vector.shape_cast %get3A_350 : vector<1x16xf32> to vector<16xf32>
        %get3A_352 = arith.constant 0 : i32
        %get3A_353 = arith.index_cast %get3A_352 : i32 to index
        %get3A_354 = arith.constant 688 : index
        %get3A_355 = tpu.vector_load %arg7[%get3A_353, %get3A_354] {strides = array<i32>} : memref<4x768xf32, #tpu.memory_space<vmem>>, vector<1x16xf32>,
        %get3A_356 = vector.shape_cast %get3A_355 : vector<1x16xf32> to vector<16xf32>
        %get3A_357 = arith.constant 0 : i32
        %get3A_358 = arith.index_cast %get3A_357 : i32 to index
        %get3A_359 = arith.constant 704 : index
        %get3A_360 = tpu.vector_load %arg7[%get3A_358, %get3A_359] {strides = array<i32>} : memref<4x768xf32, #tpu.memory_space<vmem>>, vector<1x16xf32>,
        %get3A_361 = vector.shape_cast %get3A_360 : vector<1x16xf32> to vector<16xf32>
        %get3A_362 = arith.constant 0 : i32
        %get3A_363 = arith.index_cast %get3A_362 : i32 to index
        %get3A_364 = arith.constant 720 : index
        %get3A_365 = tpu.vector_load %arg7[%get3A_363, %get3A_364] {strides = array<i32>} : memref<4x768xf32, #tpu.memory_space<vmem>>, vector<1x16xf32>,
        %get3A_366 = vector.shape_cast %get3A_365 : vector<1x16xf32> to vector<16xf32>
        %get3A_367 = arith.constant 0 : i32
        %get3A_368 = arith.index_cast %get3A_367 : i32 to index
        %get3A_369 = arith.constant 736 : index
        %get3A_370 = tpu.vector_load %arg7[%get3A_368, %get3A_369] {strides = array<i32>} : memref<4x768xf32, #tpu.memory_space<vmem>>, vector<1x16xf32>,
        %get3A_371 = vector.shape_cast %get3A_370 : vector<1x16xf32> to vector<16xf32>
        %get3A_372 = arith.constant 0 : i32
        %get3A_373 = arith.index_cast %get3A_372 : i32 to index
        %get3A_374 = arith.constant 752 : index
        %get3A_375 = tpu.vector_load %arg7[%get3A_373, %get3A_374] {strides = array<i32>} : memref<4x768xf32, #tpu.memory_space<vmem>>, vector<1x16xf32>,
        %get3A_376 = vector.shape_cast %get3A_375 : vector<1x16xf32> to vector<16xf32>
        %parallel_loop3A_377 = arith.constant 0 : i32
        %parallel_loop3A_378 = arith.constant 32 : i32
        %parallel_loop3A_379 = arith.constant 1 : i32
        scf.for %parallel_loop3A_406 = %parallel_loop3A_377 to %parallel_loop3A_378 step %parallel_loop3A_379  : i32 {
          %parallel_loop3A_407 = arith.constant 0 : i32
          %parallel_loop3A_408 = arith.addi %parallel_loop3A_407, %parallel_loop3A_406 : i32
          %parallel_loop3A_409 = arith.index_cast %parallel_loop3A_408 : i32 to index
          %parallel_loop3A_410 = arith.constant 384 : index
          %parallel_loop3A_411 = tpu.vector_load %arg8[%parallel_loop3A_409, %parallel_loop3A_410] {strides = array<i32>} : memref<128x768xf32, #tpu.memory_space<vmem>>, vector<1x16xf32>,
          %parallel_loop3A_412 = vector.shape_cast %parallel_loop3A_411 : vector<1x16xf32> to vector<16xf32>
          %parallel_loop3A_413 = arith.addf %parallel_loop3A_412, %get3A_261 : vector<16xf32>
          %parallel_loop3A_414 = arith.index_cast %parallel_loop3A_408 : i32 to index
          %parallel_loop3A_415 = arith.constant 384 : index
          %parallel_loop3A_416 = tpu.vector_load %arg8[%parallel_loop3A_414, %parallel_loop3A_415] {strides = array<i32>} : memref<128x768xf32, #tpu.memory_space<vmem>>, vector<1x16xf32>,
          %parallel_loop3A_417 = vector.shape_cast %parallel_loop3A_416 : vector<1x16xf32> to vector<16xf32>
          %parallel_loop3A_418 = vector.shape_cast %parallel_loop3A_413 : vector<16xf32> to vector<1x16xf32>
          tpu.vector_store %arg8[%parallel_loop3A_414, %parallel_loop3A_415], %parallel_loop3A_418 {strides = array<i32>} : memref<128x768xf32, #tpu.memory_space<vmem>>, vector<1x16xf32>,
          %parallel_loop3A_419 = arith.index_cast %parallel_loop3A_408 : i32 to index
          %parallel_loop3A_420 = arith.constant 400 : index
          %parallel_loop3A_421 = tpu.vector_load %arg8[%parallel_loop3A_419, %parallel_loop3A_420] {strides = array<i32>} : memref<128x768xf32, #tpu.memory_space<vmem>>, vector<1x16xf32>,
          %parallel_loop3A_422 = vector.shape_cast %parallel_loop3A_421 : vector<1x16xf32> to vector<16xf32>
          %parallel_loop3A_423 = arith.addf %parallel_loop3A_422, %get3A_266 : vector<16xf32>
          %parallel_loop3A_424 = arith.index_cast %parallel_loop3A_408 : i32 to index
          %parallel_loop3A_425 = arith.constant 400 : index
          %parallel_loop3A_426 = tpu.vector_load %arg8[%parallel_loop3A_424, %parallel_loop3A_425] {strides = array<i32>} : memref<128x768xf32, #tpu.memory_space<vmem>>, vector<1x16xf32>,
          %parallel_loop3A_427 = vector.shape_cast %parallel_loop3A_426 : vector<1x16xf32> to vector<16xf32>
          %parallel_loop3A_428 = vector.shape_cast %parallel_loop3A_423 : vector<16xf32> to vector<1x16xf32>
          tpu.vector_store %arg8[%parallel_loop3A_424, %parallel_loop3A_425], %parallel_loop3A_428 {strides = array<i32>} : memref<128x768xf32, #tpu.memory_space<vmem>>, vector<1x16xf32>,
          %parallel_loop3A_429 = arith.index_cast %parallel_loop3A_408 : i32 to index
          %parallel_loop3A_430 = arith.constant 416 : index
          %parallel_loop3A_431 = tpu.vector_load %arg8[%parallel_loop3A_429, %parallel_loop3A_430] {strides = array<i32>} : memref<128x768xf32, #tpu.memory_space<vmem>>, vector<1x16xf32>,
          %parallel_loop3A_432 = vector.shape_cast %parallel_loop3A_431 : vector<1x16xf32> to vector<16xf32>
          %parallel_loop3A_433 = arith.addf %parallel_loop3A_432, %get3A_271 : vector<16xf32>
          %parallel_loop3A_434 = arith.index_cast %parallel_loop3A_408 : i32 to index
          %parallel_loop3A_435 = arith.constant 416 : index
          %parallel_loop3A_436 = tpu.vector_load %arg8[%parallel_loop3A_434, %parallel_loop3A_435] {strides = array<i32>} : memref<128x768xf32, #tpu.memory_space<vmem>>, vector<1x16xf32>,
          %parallel_loop3A_437 = vector.shape_cast %parallel_loop3A_436 : vector<1x16xf32> to vector<16xf32>
          %parallel_loop3A_438 = vector.shape_cast %parallel_loop3A_433 : vector<16xf32> to vector<1x16xf32>
          tpu.vector_store %arg8[%parallel_loop3A_434, %parallel_loop3A_435], %parallel_loop3A_438 {strides = array<i32>} : memref<128x768xf32, #tpu.memory_space<vmem>>, vector<1x16xf32>,
          %parallel_loop3A_439 = arith.index_cast %parallel_loop3A_408 : i32 to index
          %parallel_loop3A_440 = arith.constant 432 : index
          %parallel_loop3A_441 = tpu.vector_load %arg8[%parallel_loop3A_439, %parallel_loop3A_440] {strides = array<i32>} : memref<128x768xf32, #tpu.memory_space<vmem>>, vector<1x16xf32>,
          %parallel_loop3A_442 = vector.shape_cast %parallel_loop3A_441 : vector<1x16xf32> to vector<16xf32>
          %parallel_loop3A_443 = arith.addf %parallel_loop3A_442, %get3A_276 : vector<16xf32>
          %parallel_loop3A_444 = arith.index_cast %parallel_loop3A_408 : i32 to index
          %parallel_loop3A_445 = arith.constant 432 : index
          %parallel_loop3A_446 = tpu.vector_load %arg8[%parallel_loop3A_444, %parallel_loop3A_445] {strides = array<i32>} : memref<128x768xf32, #tpu.memory_space<vmem>>, vector<1x16xf32>,
          %parallel_loop3A_447 = vector.shape_cast %parallel_loop3A_446 : vector<1x16xf32> to vector<16xf32>
          %parallel_loop3A_448 = vector.shape_cast %parallel_loop3A_443 : vector<16xf32> to vector<1x16xf32>
          tpu.vector_store %arg8[%parallel_loop3A_444, %parallel_loop3A_445], %parallel_loop3A_448 {strides = array<i32>} : memref<128x768xf32, #tpu.memory_space<vmem>>, vector<1x16xf32>,
          %parallel_loop3A_449 = arith.index_cast %parallel_loop3A_408 : i32 to index
          %parallel_loop3A_450 = arith.constant 448 : index
          %parallel_loop3A_451 = tpu.vector_load %arg8[%parallel_loop3A_449, %parallel_loop3A_450] {strides = array<i32>} : memref<128x768xf32, #tpu.memory_space<vmem>>, vector<1x16xf32>,
          %parallel_loop3A_452 = vector.shape_cast %parallel_loop3A_451 : vector<1x16xf32> to vector<16xf32>
          %parallel_loop3A_453 = arith.addf %parallel_loop3A_452, %get3A_281 : vector<16xf32>
          %parallel_loop3A_454 = arith.index_cast %parallel_loop3A_408 : i32 to index
          %parallel_loop3A_455 = arith.constant 448 : index
          %parallel_loop3A_456 = tpu.vector_load %arg8[%parallel_loop3A_454, %parallel_loop3A_455] {strides = array<i32>} : memref<128x768xf32, #tpu.memory_space<vmem>>, vector<1x16xf32>,
          %parallel_loop3A_457 = vector.shape_cast %parallel_loop3A_456 : vector<1x16xf32> to vector<16xf32>
          %parallel_loop3A_458 = vector.shape_cast %parallel_loop3A_453 : vector<16xf32> to vector<1x16xf32>
          tpu.vector_store %arg8[%parallel_loop3A_454, %parallel_loop3A_455], %parallel_loop3A_458 {strides = array<i32>} : memref<128x768xf32, #tpu.memory_space<vmem>>, vector<1x16xf32>,
          %parallel_loop3A_459 = arith.index_cast %parallel_loop3A_408 : i32 to index
          %parallel_loop3A_460 = arith.constant 464 : index
          %parallel_loop3A_461 = tpu.vector_load %arg8[%parallel_loop3A_459, %parallel_loop3A_460] {strides = array<i32>} : memref<128x768xf32, #tpu.memory_space<vmem>>, vector<1x16xf32>,
          %parallel_loop3A_462 = vector.shape_cast %parallel_loop3A_461 : vector<1x16xf32> to vector<16xf32>
          %parallel_loop3A_463 = arith.addf %parallel_loop3A_462, %get3A_286 : vector<16xf32>
          %parallel_loop3A_464 = arith.index_cast %parallel_loop3A_408 : i32 to index
          %parallel_loop3A_465 = arith.constant 464 : index
          %parallel_loop3A_466 = tpu.vector_load %arg8[%parallel_loop3A_464, %parallel_loop3A_465] {strides = array<i32>} : memref<128x768xf32, #tpu.memory_space<vmem>>, vector<1x16xf32>,
          %parallel_loop3A_467 = vector.shape_cast %parallel_loop3A_466 : vector<1x16xf32> to vector<16xf32>
          %parallel_loop3A_468 = vector.shape_cast %parallel_loop3A_463 : vector<16xf32> to vector<1x16xf32>
          tpu.vector_store %arg8[%parallel_loop3A_464, %parallel_loop3A_465], %parallel_loop3A_468 {strides = array<i32>} : memref<128x768xf32, #tpu.memory_space<vmem>>, vector<1x16xf32>,
          %parallel_loop3A_469 = arith.index_cast %parallel_loop3A_408 : i32 to index
          %parallel_loop3A_470 = arith.constant 480 : index
          %parallel_loop3A_471 = tpu.vector_load %arg8[%parallel_loop3A_469, %parallel_loop3A_470] {strides = array<i32>} : memref<128x768xf32, #tpu.memory_space<vmem>>, vector<1x16xf32>,
          %parallel_loop3A_472 = vector.shape_cast %parallel_loop3A_471 : vector<1x16xf32> to vector<16xf32>
          %parallel_loop3A_473 = arith.addf %parallel_loop3A_472, %get3A_291 : vector<16xf32>
          %parallel_loop3A_474 = arith.index_cast %parallel_loop3A_408 : i32 to index
          %parallel_loop3A_475 = arith.constant 480 : index
          %parallel_loop3A_476 = tpu.vector_load %arg8[%parallel_loop3A_474, %parallel_loop3A_475] {strides = array<i32>} : memref<128x768xf32, #tpu.memory_space<vmem>>, vector<1x16xf32>,
          %parallel_loop3A_477 = vector.shape_cast %parallel_loop3A_476 : vector<1x16xf32> to vector<16xf32>
          %parallel_loop3A_478 = vector.shape_cast %parallel_loop3A_473 : vector<16xf32> to vector<1x16xf32>
          tpu.vector_store %arg8[%parallel_loop3A_474, %parallel_loop3A_475], %parallel_loop3A_478 {strides = array<i32>} : memref<128x768xf32, #tpu.memory_space<vmem>>, vector<1x16xf32>,
          %parallel_loop3A_479 = arith.index_cast %parallel_loop3A_408 : i32 to index
          %parallel_loop3A_480 = arith.constant 496 : index
          %parallel_loop3A_481 = tpu.vector_load %arg8[%parallel_loop3A_479, %parallel_loop3A_480] {strides = array<i32>} : memref<128x768xf32, #tpu.memory_space<vmem>>, vector<1x16xf32>,
          %parallel_loop3A_482 = vector.shape_cast %parallel_loop3A_481 : vector<1x16xf32> to vector<16xf32>
          %parallel_loop3A_483 = arith.addf %parallel_loop3A_482, %get3A_296 : vector<16xf32>
          %parallel_loop3A_484 = arith.index_cast %parallel_loop3A_408 : i32 to index
          %parallel_loop3A_485 = arith.constant 496 : index
          %parallel_loop3A_486 = tpu.vector_load %arg8[%parallel_loop3A_484, %parallel_loop3A_485] {strides = array<i32>} : memref<128x768xf32, #tpu.memory_space<vmem>>, vector<1x16xf32>,
          %parallel_loop3A_487 = vector.shape_cast %parallel_loop3A_486 : vector<1x16xf32> to vector<16xf32>
          %parallel_loop3A_488 = vector.shape_cast %parallel_loop3A_483 : vector<16xf32> to vector<1x16xf32>
          tpu.vector_store %arg8[%parallel_loop3A_484, %parallel_loop3A_485], %parallel_loop3A_488 {strides = array<i32>} : memref<128x768xf32, #tpu.memory_space<vmem>>, vector<1x16xf32>,
          %parallel_loop3A_489 = arith.index_cast %parallel_loop3A_408 : i32 to index
          %parallel_loop3A_490 = arith.constant 512 : index
          %parallel_loop3A_491 = tpu.vector_load %arg8[%parallel_loop3A_489, %parallel_loop3A_490] {strides = array<i32>} : memref<128x768xf32, #tpu.memory_space<vmem>>, vector<1x16xf32>,
          %parallel_loop3A_492 = vector.shape_cast %parallel_loop3A_491 : vector<1x16xf32> to vector<16xf32>
          %parallel_loop3A_493 = arith.addf %parallel_loop3A_492, %get3A_301 : vector<16xf32>
          %parallel_loop3A_494 = arith.index_cast %parallel_loop3A_408 : i32 to index
          %parallel_loop3A_495 = arith.constant 512 : index
          %parallel_loop3A_496 = tpu.vector_load %arg8[%parallel_loop3A_494, %parallel_loop3A_495] {strides = array<i32>} : memref<128x768xf32, #tpu.memory_space<vmem>>, vector<1x16xf32>,
          %parallel_loop3A_497 = vector.shape_cast %parallel_loop3A_496 : vector<1x16xf32> to vector<16xf32>
          %parallel_loop3A_498 = vector.shape_cast %parallel_loop3A_493 : vector<16xf32> to vector<1x16xf32>
          tpu.vector_store %arg8[%parallel_loop3A_494, %parallel_loop3A_495], %parallel_loop3A_498 {strides = array<i32>} : memref<128x768xf32, #tpu.memory_space<vmem>>, vector<1x16xf32>,
          %parallel_loop3A_499 = arith.index_cast %parallel_loop3A_408 : i32 to index
          %parallel_loop3A_500 = arith.constant 528 : index
          %parallel_loop3A_501 = tpu.vector_load %arg8[%parallel_loop3A_499, %parallel_loop3A_500] {strides = array<i32>} : memref<128x768xf32, #tpu.memory_space<vmem>>, vector<1x16xf32>,
          %parallel_loop3A_502 = vector.shape_cast %parallel_loop3A_501 : vector<1x16xf32> to vector<16xf32>
          %parallel_loop3A_503 = arith.addf %parallel_loop3A_502, %get3A_306 : vector<16xf32>
          %parallel_loop3A_504 = arith.index_cast %parallel_loop3A_408 : i32 to index
          %parallel_loop3A_505 = arith.constant 528 : index
          %parallel_loop3A_506 = tpu.vector_load %arg8[%parallel_loop3A_504, %parallel_loop3A_505] {strides = array<i32>} : memref<128x768xf32, #tpu.memory_space<vmem>>, vector<1x16xf32>,
          %parallel_loop3A_507 = vector.shape_cast %parallel_loop3A_506 : vector<1x16xf32> to vector<16xf32>
          %parallel_loop3A_508 = vector.shape_cast %parallel_loop3A_503 : vector<16xf32> to vector<1x16xf32>
          tpu.vector_store %arg8[%parallel_loop3A_504, %parallel_loop3A_505], %parallel_loop3A_508 {strides = array<i32>} : memref<128x768xf32, #tpu.memory_space<vmem>>, vector<1x16xf32>,
          %parallel_loop3A_509 = arith.index_cast %parallel_loop3A_408 : i32 to index
          %parallel_loop3A_510 = arith.constant 544 : index
          %parallel_loop3A_511 = tpu.vector_load %arg8[%parallel_loop3A_509, %parallel_loop3A_510] {strides = array<i32>} : memref<128x768xf32, #tpu.memory_space<vmem>>, vector<1x16xf32>,
          %parallel_loop3A_512 = vector.shape_cast %parallel_loop3A_511 : vector<1x16xf32> to vector<16xf32>
          %parallel_loop3A_513 = arith.addf %parallel_loop3A_512, %get3A_311 : vector<16xf32>
          %parallel_loop3A_514 = arith.index_cast %parallel_loop3A_408 : i32 to index
          %parallel_loop3A_515 = arith.constant 544 : index
          %parallel_loop3A_516 = tpu.vector_load %arg8[%parallel_loop3A_514, %parallel_loop3A_515] {strides = array<i32>} : memref<128x768xf32, #tpu.memory_space<vmem>>, vector<1x16xf32>,
          %parallel_loop3A_517 = vector.shape_cast %parallel_loop3A_516 : vector<1x16xf32> to vector<16xf32>
          %parallel_loop3A_518 = vector.shape_cast %parallel_loop3A_513 : vector<16xf32> to vector<1x16xf32>
          tpu.vector_store %arg8[%parallel_loop3A_514, %parallel_loop3A_515], %parallel_loop3A_518 {strides = array<i32>} : memref<128x768xf32, #tpu.memory_space<vmem>>, vector<1x16xf32>,
          %parallel_loop3A_519 = arith.index_cast %parallel_loop3A_408 : i32 to index
          %parallel_loop3A_520 = arith.constant 560 : index
          %parallel_loop3A_521 = tpu.vector_load %arg8[%parallel_loop3A_519, %parallel_loop3A_520] {strides = array<i32>} : memref<128x768xf32, #tpu.memory_space<vmem>>, vector<1x16xf32>,
          %parallel_loop3A_522 = vector.shape_cast %parallel_loop3A_521 : vector<1x16xf32> to vector<16xf32>
          %parallel_loop3A_523 = arith.addf %parallel_loop3A_522, %get3A_316 : vector<16xf32>
          %parallel_loop3A_524 = arith.index_cast %parallel_loop3A_408 : i32 to index
          %parallel_loop3A_525 = arith.constant 560 : index
          %parallel_loop3A_526 = tpu.vector_load %arg8[%parallel_loop3A_524, %parallel_loop3A_525] {strides = array<i32>} : memref<128x768xf32, #tpu.memory_space<vmem>>, vector<1x16xf32>,
          %parallel_loop3A_527 = vector.shape_cast %parallel_loop3A_526 : vector<1x16xf32> to vector<16xf32>
          %parallel_loop3A_528 = vector.shape_cast %parallel_loop3A_523 : vector<16xf32> to vector<1x16xf32>
          tpu.vector_store %arg8[%parallel_loop3A_524, %parallel_loop3A_525], %parallel_loop3A_528 {strides = array<i32>} : memref<128x768xf32, #tpu.memory_space<vmem>>, vector<1x16xf32>,
          %parallel_loop3A_529 = arith.index_cast %parallel_loop3A_408 : i32 to index
          %parallel_loop3A_530 = arith.constant 576 : index
          %parallel_loop3A_531 = tpu.vector_load %arg8[%parallel_loop3A_529, %parallel_loop3A_530] {strides = array<i32>} : memref<128x768xf32, #tpu.memory_space<vmem>>, vector<1x16xf32>,
          %parallel_loop3A_532 = vector.shape_cast %parallel_loop3A_531 : vector<1x16xf32> to vector<16xf32>
          %parallel_loop3A_533 = arith.addf %parallel_loop3A_532, %get3A_321 : vector<16xf32>
          %parallel_loop3A_534 = arith.index_cast %parallel_loop3A_408 : i32 to index
          %parallel_loop3A_535 = arith.constant 576 : index
          %parallel_loop3A_536 = tpu.vector_load %arg8[%parallel_loop3A_534, %parallel_loop3A_535] {strides = array<i32>} : memref<128x768xf32, #tpu.memory_space<vmem>>, vector<1x16xf32>,
          %parallel_loop3A_537 = vector.shape_cast %parallel_loop3A_536 : vector<1x16xf32> to vector<16xf32>
          %parallel_loop3A_538 = vector.shape_cast %parallel_loop3A_533 : vector<16xf32> to vector<1x16xf32>
          tpu.vector_store %arg8[%parallel_loop3A_534, %parallel_loop3A_535], %parallel_loop3A_538 {strides = array<i32>} : memref<128x768xf32, #tpu.memory_space<vmem>>, vector<1x16xf32>,
          %parallel_loop3A_539 = arith.index_cast %parallel_loop3A_408 : i32 to index
          %parallel_loop3A_540 = arith.constant 592 : index
          %parallel_loop3A_541 = tpu.vector_load %arg8[%parallel_loop3A_539, %parallel_loop3A_540] {strides = array<i32>} : memref<128x768xf32, #tpu.memory_space<vmem>>, vector<1x16xf32>,
          %parallel_loop3A_542 = vector.shape_cast %parallel_loop3A_541 : vector<1x16xf32> to vector<16xf32>
          %parallel_loop3A_543 = arith.addf %parallel_loop3A_542, %get3A_326 : vector<16xf32>
          %parallel_loop3A_544 = arith.index_cast %parallel_loop3A_408 : i32 to index
          %parallel_loop3A_545 = arith.constant 592 : index
          %parallel_loop3A_546 = tpu.vector_load %arg8[%parallel_loop3A_544, %parallel_loop3A_545] {strides = array<i32>} : memref<128x768xf32, #tpu.memory_space<vmem>>, vector<1x16xf32>,
          %parallel_loop3A_547 = vector.shape_cast %parallel_loop3A_546 : vector<1x16xf32> to vector<16xf32>
          %parallel_loop3A_548 = vector.shape_cast %parallel_loop3A_543 : vector<16xf32> to vector<1x16xf32>
          tpu.vector_store %arg8[%parallel_loop3A_544, %parallel_loop3A_545], %parallel_loop3A_548 {strides = array<i32>} : memref<128x768xf32, #tpu.memory_space<vmem>>, vector<1x16xf32>,
          %parallel_loop3A_549 = arith.index_cast %parallel_loop3A_408 : i32 to index
          %parallel_loop3A_550 = arith.constant 608 : index
          %parallel_loop3A_551 = tpu.vector_load %arg8[%parallel_loop3A_549, %parallel_loop3A_550] {strides = array<i32>} : memref<128x768xf32, #tpu.memory_space<vmem>>, vector<1x16xf32>,
          %parallel_loop3A_552 = vector.shape_cast %parallel_loop3A_551 : vector<1x16xf32> to vector<16xf32>
          %parallel_loop3A_553 = arith.addf %parallel_loop3A_552, %get3A_331 : vector<16xf32>
          %parallel_loop3A_554 = arith.index_cast %parallel_loop3A_408 : i32 to index
          %parallel_loop3A_555 = arith.constant 608 : index
          %parallel_loop3A_556 = tpu.vector_load %arg8[%parallel_loop3A_554, %parallel_loop3A_555] {strides = array<i32>} : memref<128x768xf32, #tpu.memory_space<vmem>>, vector<1x16xf32>,
          %parallel_loop3A_557 = vector.shape_cast %parallel_loop3A_556 : vector<1x16xf32> to vector<16xf32>
          %parallel_loop3A_558 = vector.shape_cast %parallel_loop3A_553 : vector<16xf32> to vector<1x16xf32>
          tpu.vector_store %arg8[%parallel_loop3A_554, %parallel_loop3A_555], %parallel_loop3A_558 {strides = array<i32>} : memref<128x768xf32, #tpu.memory_space<vmem>>, vector<1x16xf32>,
          %parallel_loop3A_559 = arith.index_cast %parallel_loop3A_408 : i32 to index
          %parallel_loop3A_560 = arith.constant 624 : index
          %parallel_loop3A_561 = tpu.vector_load %arg8[%parallel_loop3A_559, %parallel_loop3A_560] {strides = array<i32>} : memref<128x768xf32, #tpu.memory_space<vmem>>, vector<1x16xf32>,
          %parallel_loop3A_562 = vector.shape_cast %parallel_loop3A_561 : vector<1x16xf32> to vector<16xf32>
          %parallel_loop3A_563 = arith.addf %parallel_loop3A_562, %get3A_336 : vector<16xf32>
          %parallel_loop3A_564 = arith.index_cast %parallel_loop3A_408 : i32 to index
          %parallel_loop3A_565 = arith.constant 624 : index
          %parallel_loop3A_566 = tpu.vector_load %arg8[%parallel_loop3A_564, %parallel_loop3A_565] {strides = array<i32>} : memref<128x768xf32, #tpu.memory_space<vmem>>, vector<1x16xf32>,
          %parallel_loop3A_567 = vector.shape_cast %parallel_loop3A_566 : vector<1x16xf32> to vector<16xf32>
          %parallel_loop3A_568 = vector.shape_cast %parallel_loop3A_563 : vector<16xf32> to vector<1x16xf32>
          tpu.vector_store %arg8[%parallel_loop3A_564, %parallel_loop3A_565], %parallel_loop3A_568 {strides = array<i32>} : memref<128x768xf32, #tpu.memory_space<vmem>>, vector<1x16xf32>,
          %parallel_loop3A_569 = arith.index_cast %parallel_loop3A_408 : i32 to index
          %parallel_loop3A_570 = arith.constant 640 : index
          %parallel_loop3A_571 = tpu.vector_load %arg8[%parallel_loop3A_569, %parallel_loop3A_570] {strides = array<i32>} : memref<128x768xf32, #tpu.memory_space<vmem>>, vector<1x16xf32>,
          %parallel_loop3A_572 = vector.shape_cast %parallel_loop3A_571 : vector<1x16xf32> to vector<16xf32>
          %parallel_loop3A_573 = arith.addf %parallel_loop3A_572, %get3A_341 : vector<16xf32>
          %parallel_loop3A_574 = arith.index_cast %parallel_loop3A_408 : i32 to index
          %parallel_loop3A_575 = arith.constant 640 : index
          %parallel_loop3A_576 = tpu.vector_load %arg8[%parallel_loop3A_574, %parallel_loop3A_575] {strides = array<i32>} : memref<128x768xf32, #tpu.memory_space<vmem>>, vector<1x16xf32>,
          %parallel_loop3A_577 = vector.shape_cast %parallel_loop3A_576 : vector<1x16xf32> to vector<16xf32>
          %parallel_loop3A_578 = vector.shape_cast %parallel_loop3A_573 : vector<16xf32> to vector<1x16xf32>
          tpu.vector_store %arg8[%parallel_loop3A_574, %parallel_loop3A_575], %parallel_loop3A_578 {strides = array<i32>} : memref<128x768xf32, #tpu.memory_space<vmem>>, vector<1x16xf32>,
          %parallel_loop3A_579 = arith.index_cast %parallel_loop3A_408 : i32 to index
          %parallel_loop3A_580 = arith.constant 656 : index
          %parallel_loop3A_581 = tpu.vector_load %arg8[%parallel_loop3A_579, %parallel_loop3A_580] {strides = array<i32>} : memref<128x768xf32, #tpu.memory_space<vmem>>, vector<1x16xf32>,
          %parallel_loop3A_582 = vector.shape_cast %parallel_loop3A_581 : vector<1x16xf32> to vector<16xf32>
          %parallel_loop3A_583 = arith.addf %parallel_loop3A_582, %get3A_346 : vector<16xf32>
          %parallel_loop3A_584 = arith.index_cast %parallel_loop3A_408 : i32 to index
          %parallel_loop3A_585 = arith.constant 656 : index
          %parallel_loop3A_586 = tpu.vector_load %arg8[%parallel_loop3A_584, %parallel_loop3A_585] {strides = array<i32>} : memref<128x768xf32, #tpu.memory_space<vmem>>, vector<1x16xf32>,
          %parallel_loop3A_587 = vector.shape_cast %parallel_loop3A_586 : vector<1x16xf32> to vector<16xf32>
          %parallel_loop3A_588 = vector.shape_cast %parallel_loop3A_583 : vector<16xf32> to vector<1x16xf32>
          tpu.vector_store %arg8[%parallel_loop3A_584, %parallel_loop3A_585], %parallel_loop3A_588 {strides = array<i32>} : memref<128x768xf32, #tpu.memory_space<vmem>>, vector<1x16xf32>,
          %parallel_loop3A_589 = arith.index_cast %parallel_loop3A_408 : i32 to index
          %parallel_loop3A_590 = arith.constant 672 : index
          %parallel_loop3A_591 = tpu.vector_load %arg8[%parallel_loop3A_589, %parallel_loop3A_590] {strides = array<i32>} : memref<128x768xf32, #tpu.memory_space<vmem>>, vector<1x16xf32>,
          %parallel_loop3A_592 = vector.shape_cast %parallel_loop3A_591 : vector<1x16xf32> to vector<16xf32>
          %parallel_loop3A_593 = arith.addf %parallel_loop3A_592, %get3A_351 : vector<16xf32>
          %parallel_loop3A_594 = arith.index_cast %parallel_loop3A_408 : i32 to index
          %parallel_loop3A_595 = arith.constant 672 : index
          %parallel_loop3A_596 = tpu.vector_load %arg8[%parallel_loop3A_594, %parallel_loop3A_595] {strides = array<i32>} : memref<128x768xf32, #tpu.memory_space<vmem>>, vector<1x16xf32>,
          %parallel_loop3A_597 = vector.shape_cast %parallel_loop3A_596 : vector<1x16xf32> to vector<16xf32>
          %parallel_loop3A_598 = vector.shape_cast %parallel_loop3A_593 : vector<16xf32> to vector<1x16xf32>
          tpu.vector_store %arg8[%parallel_loop3A_594, %parallel_loop3A_595], %parallel_loop3A_598 {strides = array<i32>} : memref<128x768xf32, #tpu.memory_space<vmem>>, vector<1x16xf32>,
          %parallel_loop3A_599 = arith.index_cast %parallel_loop3A_408 : i32 to index
          %parallel_loop3A_600 = arith.constant 688 : index
          %parallel_loop3A_601 = tpu.vector_load %arg8[%parallel_loop3A_599, %parallel_loop3A_600] {strides = array<i32>} : memref<128x768xf32, #tpu.memory_space<vmem>>, vector<1x16xf32>,
          %parallel_loop3A_602 = vector.shape_cast %parallel_loop3A_601 : vector<1x16xf32> to vector<16xf32>
          %parallel_loop3A_603 = arith.addf %parallel_loop3A_602, %get3A_356 : vector<16xf32>
          %parallel_loop3A_604 = arith.index_cast %parallel_loop3A_408 : i32 to index
          %parallel_loop3A_605 = arith.constant 688 : index
          %parallel_loop3A_606 = tpu.vector_load %arg8[%parallel_loop3A_604, %parallel_loop3A_605] {strides = array<i32>} : memref<128x768xf32, #tpu.memory_space<vmem>>, vector<1x16xf32>,
          %parallel_loop3A_607 = vector.shape_cast %parallel_loop3A_606 : vector<1x16xf32> to vector<16xf32>
          %parallel_loop3A_608 = vector.shape_cast %parallel_loop3A_603 : vector<16xf32> to vector<1x16xf32>
          tpu.vector_store %arg8[%parallel_loop3A_604, %parallel_loop3A_605], %parallel_loop3A_608 {strides = array<i32>} : memref<128x768xf32, #tpu.memory_space<vmem>>, vector<1x16xf32>,
          %parallel_loop3A_609 = arith.index_cast %parallel_loop3A_408 : i32 to index
          %parallel_loop3A_610 = arith.constant 704 : index
          %parallel_loop3A_611 = tpu.vector_load %arg8[%parallel_loop3A_609, %parallel_loop3A_610] {strides = array<i32>} : memref<128x768xf32, #tpu.memory_space<vmem>>, vector<1x16xf32>,
          %parallel_loop3A_612 = vector.shape_cast %parallel_loop3A_611 : vector<1x16xf32> to vector<16xf32>
          %parallel_loop3A_613 = arith.addf %parallel_loop3A_612, %get3A_361 : vector<16xf32>
          %parallel_loop3A_614 = arith.index_cast %parallel_loop3A_408 : i32 to index
          %parallel_loop3A_615 = arith.constant 704 : index
          %parallel_loop3A_616 = tpu.vector_load %arg8[%parallel_loop3A_614, %parallel_loop3A_615] {strides = array<i32>} : memref<128x768xf32, #tpu.memory_space<vmem>>, vector<1x16xf32>,
          %parallel_loop3A_617 = vector.shape_cast %parallel_loop3A_616 : vector<1x16xf32> to vector<16xf32>
          %parallel_loop3A_618 = vector.shape_cast %parallel_loop3A_613 : vector<16xf32> to vector<1x16xf32>
          tpu.vector_store %arg8[%parallel_loop3A_614, %parallel_loop3A_615], %parallel_loop3A_618 {strides = array<i32>} : memref<128x768xf32, #tpu.memory_space<vmem>>, vector<1x16xf32>,
          %parallel_loop3A_619 = arith.index_cast %parallel_loop3A_408 : i32 to index
          %parallel_loop3A_620 = arith.constant 720 : index
          %parallel_loop3A_621 = tpu.vector_load %arg8[%parallel_loop3A_619, %parallel_loop3A_620] {strides = array<i32>} : memref<128x768xf32, #tpu.memory_space<vmem>>, vector<1x16xf32>,
          %parallel_loop3A_622 = vector.shape_cast %parallel_loop3A_621 : vector<1x16xf32> to vector<16xf32>
          %parallel_loop3A_623 = arith.addf %parallel_loop3A_622, %get3A_366 : vector<16xf32>
          %parallel_loop3A_624 = arith.index_cast %parallel_loop3A_408 : i32 to index
          %parallel_loop3A_625 = arith.constant 720 : index
          %parallel_loop3A_626 = tpu.vector_load %arg8[%parallel_loop3A_624, %parallel_loop3A_625] {strides = array<i32>} : memref<128x768xf32, #tpu.memory_space<vmem>>, vector<1x16xf32>,
          %parallel_loop3A_627 = vector.shape_cast %parallel_loop3A_626 : vector<1x16xf32> to vector<16xf32>
          %parallel_loop3A_628 = vector.shape_cast %parallel_loop3A_623 : vector<16xf32> to vector<1x16xf32>
          tpu.vector_store %arg8[%parallel_loop3A_624, %parallel_loop3A_625], %parallel_loop3A_628 {strides = array<i32>} : memref<128x768xf32, #tpu.memory_space<vmem>>, vector<1x16xf32>,
          %parallel_loop3A_629 = arith.index_cast %parallel_loop3A_408 : i32 to index
          %parallel_loop3A_630 = arith.constant 736 : index
          %parallel_loop3A_631 = tpu.vector_load %arg8[%parallel_loop3A_629, %parallel_loop3A_630] {strides = array<i32>} : memref<128x768xf32, #tpu.memory_space<vmem>>, vector<1x16xf32>,
          %parallel_loop3A_632 = vector.shape_cast %parallel_loop3A_631 : vector<1x16xf32> to vector<16xf32>
          %parallel_loop3A_633 = arith.addf %parallel_loop3A_632, %get3A_371 : vector<16xf32>
          %parallel_loop3A_634 = arith.index_cast %parallel_loop3A_408 : i32 to index
          %parallel_loop3A_635 = arith.constant 736 : index
          %parallel_loop3A_636 = tpu.vector_load %arg8[%parallel_loop3A_634, %parallel_loop3A_635] {strides = array<i32>} : memref<128x768xf32, #tpu.memory_space<vmem>>, vector<1x16xf32>,
          %parallel_loop3A_637 = vector.shape_cast %parallel_loop3A_636 : vector<1x16xf32> to vector<16xf32>
          %parallel_loop3A_638 = vector.shape_cast %parallel_loop3A_633 : vector<16xf32> to vector<1x16xf32>
          tpu.vector_store %arg8[%parallel_loop3A_634, %parallel_loop3A_635], %parallel_loop3A_638 {strides = array<i32>} : memref<128x768xf32, #tpu.memory_space<vmem>>, vector<1x16xf32>,
          %parallel_loop3A_639 = arith.index_cast %parallel_loop3A_408 : i32 to index
          %parallel_loop3A_640 = arith.constant 752 : index
          %parallel_loop3A_641 = tpu.vector_load %arg8[%parallel_loop3A_639, %parallel_loop3A_640] {strides = array<i32>} : memref<128x768xf32, #tpu.memory_space<vmem>>, vector<1x16xf32>,
          %parallel_loop3A_642 = vector.shape_cast %parallel_loop3A_641 : vector<1x16xf32> to vector<16xf32>
          %parallel_loop3A_643 = arith.addf %parallel_loop3A_642, %get3A_376 : vector<16xf32>
          %parallel_loop3A_644 = arith.index_cast %parallel_loop3A_408 : i32 to index
          %parallel_loop3A_645 = arith.constant 752 : index
          %parallel_loop3A_646 = tpu.vector_load %arg8[%parallel_loop3A_644, %parallel_loop3A_645] {strides = array<i32>} : memref<128x768xf32, #tpu.memory_space<vmem>>, vector<1x16xf32>,
          %parallel_loop3A_647 = vector.shape_cast %parallel_loop3A_646 : vector<1x16xf32> to vector<16xf32>
          %parallel_loop3A_648 = vector.shape_cast %parallel_loop3A_643 : vector<16xf32> to vector<1x16xf32>
          tpu.vector_store %arg8[%parallel_loop3A_644, %parallel_loop3A_645], %parallel_loop3A_648 {strides = array<i32>} : memref<128x768xf32, #tpu.memory_space<vmem>>, vector<1x16xf32>,
        } {sc.loop_unroll_factor = 2 : i64, sc.parallel_access}
        %mul3A_380 = arith.constant 1024 : i32
        %mul3A_381 = arith.muli %add3A_84, %mul3A_380 : i32
        %mul3A_382 = arith.constant 32 : i32
        %mul3A_383 = arith.muli %add3A, %mul3A_382 : i32
        %add3A_384 = arith.addi %mul3A_381, %mul3A_383 : i32
        %dma_start3A_385 = arith.constant 0 : i32
        %dma_start3A_386 = arith.constant 0 : i32
        %dma_start3A_387 = tpu.memref_slice %arg8[%dma_start3A_385, %dma_start3A_386] : memref<128x768xf32, #tpu.memory_space<vmem>> -> memref<32x768xf32, #tpu.memory_space<vmem>>
        %dma_start3A_388 = arith.constant 0 : i32
        %dma_start3A_389 = tpu.memref_slice %arg5[%add3A_384, %dma_start3A_388] : memref<78848x768xf32, #tpu.memory_space<hbm>> -> memref<32x768xf32, #tpu.memory_space<hbm>>
        %dma_start3A_390 = arith.constant 0 : i32
        %dma_start3A_391 = tpu.memref_slice %arg5[%add3A_384, %dma_start3A_390] : memref<78848x768xf32, #tpu.memory_space<hbm>> -> memref<32x768xf32, #tpu.memory_space<hbm>>
        %dma_start3A_392 = arith.constant 0 : i32
        %dma_start3A_393 = arith.constant 0 : i32
        %dma_start3A_394 = tpu.memref_slice %arg8[%dma_start3A_392, %dma_start3A_393] : memref<128x768xf32, #tpu.memory_space<vmem>> -> memref<32x768xf32, #tpu.memory_space<vmem>>
        tpu.enqueue_dma source(%dma_start3A_394 : memref<32x768xf32, #tpu.memory_space<vmem>>) target(%dma_start3A_391 : memref<32x768xf32, #tpu.memory_space<hbm>>) target_semaphore(%arg13 : memref<!tpu.dma_semaphore, #tpu.memory_space<semaphore_mem>>)
        %ge3A = arith.constant 2 : i32
        %ge3A_395 = arith.cmpi sge, %add3A_84, %ge3A : i32
        %convert_element_type3A_396 = arith.extui %ge3A_395 : i1 to i32
        %cond3A_397 = arith.constant 0 : i32
        %cond3A_398 = arith.cmpi ne, %convert_element_type3A_396, %cond3A_397 : i32
        scf.if %cond3A_398 {
          %sub3A = arith.constant 2 : i32
          %sub3A_406 = arith.subi %add3A_84, %sub3A : i32
          %mul3A_407 = arith.constant 1024 : i32
          %mul3A_408 = arith.muli %sub3A_406, %mul3A_407 : i32
          %mul3A_409 = arith.constant 32 : i32
          %mul3A_410 = arith.muli %add3A, %mul3A_409 : i32
          %add3A_411 = arith.addi %mul3A_408, %mul3A_410 : i32
          %dma_wait3A_412 = arith.constant 64 : i32
          %dma_wait3A_413 = arith.constant 0 : i32
          %dma_wait3A_414 = tpu.memref_slice %arg8[%dma_wait3A_412, %dma_wait3A_413] : memref<128x768xf32, #tpu.memory_space<vmem>> -> memref<32x768xf32, #tpu.memory_space<vmem>>
          %dma_wait3A_415 = arith.constant 0 : i32
          %dma_wait3A_416 = tpu.memref_slice %arg5[%add3A_411, %dma_wait3A_415] : memref<78848x768xf32, #tpu.memory_space<hbm>> -> memref<32x768xf32, #tpu.memory_space<hbm>>
          %dma_wait3A_417 = arith.constant 0 : i32
          %dma_wait3A_418 = tpu.memref_slice %arg5[%add3A_411, %dma_wait3A_417] : memref<78848x768xf32, #tpu.memory_space<hbm>> -> memref<32x768xf32, #tpu.memory_space<hbm>>
          %dma_wait3A_419 = arith.constant 64 : i32
          %dma_wait3A_420 = arith.constant 0 : i32
          %dma_wait3A_421 = tpu.memref_slice %arg8[%dma_wait3A_419, %dma_wait3A_420] : memref<128x768xf32, #tpu.memory_space<vmem>> -> memref<32x768xf32, #tpu.memory_space<vmem>>
          tpu.wait_dma2 semaphore(%arg15 : memref<!tpu.dma_semaphore, #tpu.memory_space<semaphore_mem>>) src(%dma_wait3A_421 : memref<32x768xf32, #tpu.memory_space<vmem>>) dst(%dma_wait3A_418 : memref<32x768xf32, #tpu.memory_space<hbm>>)
        } else {
        }
        %add3A_399 = arith.constant 2 : i32
        %add3A_400 = arith.addi %add3A_84, %add3A_399 : i32
        %lt3A_401 = arith.constant 77 : i32
        %lt3A_402 = arith.cmpi slt, %add3A_400, %lt3A_401 : i32
        %convert_element_type3A_403 = arith.extui %lt3A_402 : i1 to i32
        %cond3A_404 = arith.constant 0 : i32
        %cond3A_405 = arith.cmpi ne, %convert_element_type3A_403, %cond3A_404 : i32
        scf.if %cond3A_405 {
          %add3A_406 = arith.constant 2 : i32
          %add3A_407 = arith.addi %add3A_84, %add3A_406 : i32
          %dma_start3A_408 = arith.constant 64 : i32
          %dma_start3A_409 = arith.constant 0 : i32
          %dma_start3A_410 = tpu.memref_slice %arg8[%dma_start3A_408, %dma_start3A_409] : memref<128x768xf32, #tpu.memory_space<vmem>> -> memref<32x768xf32, #tpu.memory_space<vmem>>
          %dma_start3A_411 = arith.constant 0 : i32
          %dma_start3A_412 = tpu.memref_slice %arg6[%add3A_407, %dma_start3A_411] : memref<77x32xi32, #tpu.memory_space<vmem>> -> memref<1x32xi32, #tpu.memory_space<vmem>>
          %dma_start3A_413 = tpu.memref_squeeze %dma_start3A_412 : memref<1x32xi32, #tpu.memory_space<vmem>> -> memref<32xi32, #tpu.memory_space<vmem>>
          %dma_start3A_414 = arith.constant 0 : i32
          %dma_start3A_415 = arith.constant 0 : i32
          %dma_start3A_416 = tpu.memref_slice %arg3[%dma_start3A_414, %dma_start3A_415] : memref<49408x768xf32, #tpu.memory_space<hbm>> -> memref<49408x768xf32, #tpu.memory_space<hbm>>
          tpu.enqueue_indirect_dma source(%dma_start3A_416 : memref<49408x768xf32, #tpu.memory_space<hbm>>) target(%dma_start3A_410 : memref<32x768xf32, #tpu.memory_space<vmem>>) offsets(%dma_start3A_413 : memref<32xi32, #tpu.memory_space<vmem>>) semaphore(%arg11 : memref<!tpu.dma_semaphore, #tpu.memory_space<semaphore_mem>>)
          %add3A_417 = arith.constant 2 : i32
          %add3A_418 = arith.addi %add3A_84, %add3A_417 : i32
          %dma_start3A_419 = arith.constant 2 : i32
          %dma_start3A_420 = arith.constant 0 : i32
          %dma_start3A_421 = tpu.memref_slice %arg7[%dma_start3A_419, %dma_start3A_420] : memref<4x768xf32, #tpu.memory_space<vmem>> -> memref<1x768xf32, #tpu.memory_space<vmem>>
          %dma_start3A_422 = tpu.memref_squeeze %dma_start3A_421 : memref<1x768xf32, #tpu.memory_space<vmem>> -> memref<768xf32, #tpu.memory_space<vmem>>
          %dma_start3A_423 = arith.constant 0 : i32
          %dma_start3A_424 = tpu.memref_slice %arg4[%add3A_418, %dma_start3A_423] : memref<77x768xf32, #tpu.memory_space<hbm>> -> memref<1x768xf32, #tpu.memory_space<hbm>>
          %dma_start3A_425 = tpu.memref_squeeze %dma_start3A_424 : memref<1x768xf32, #tpu.memory_space<hbm>> -> memref<768xf32, #tpu.memory_space<hbm>>
          %dma_start3A_426 = arith.constant 0 : i32
          %dma_start3A_427 = tpu.memref_slice %arg7[%dma_start3A_419, %dma_start3A_426] : memref<4x768xf32, #tpu.memory_space<vmem>> -> memref<1x768xf32, #tpu.memory_space<vmem>>
          %dma_start3A_428 = tpu.memref_squeeze %dma_start3A_427 : memref<1x768xf32, #tpu.memory_space<vmem>> -> memref<768xf32, #tpu.memory_space<vmem>>
          %dma_start3A_429 = arith.constant 0 : i32
          %dma_start3A_430 = tpu.memref_slice %arg4[%add3A_418, %dma_start3A_429] : memref<77x768xf32, #tpu.memory_space<hbm>> -> memref<1x768xf32, #tpu.memory_space<hbm>>
          %dma_start3A_431 = tpu.memref_squeeze %dma_start3A_430 : memref<1x768xf32, #tpu.memory_space<hbm>> -> memref<768xf32, #tpu.memory_space<hbm>>
          tpu.enqueue_dma source(%dma_start3A_431 : memref<768xf32, #tpu.memory_space<hbm>>) target(%dma_start3A_428 : memref<768xf32, #tpu.memory_space<vmem>>) target_semaphore(%arg11 : memref<!tpu.dma_semaphore, #tpu.memory_space<semaphore_mem>>)
        } else {
        }
      } else {
      }
      %mul3A_87 = arith.constant 4 : i32
      %mul3A_88 = arith.muli %mul3A_87, %scan3A_80 : i32
      %add3A_89 = arith.constant 1 : i32
      %add3A_90 = arith.addi %mul3A_88, %add3A_89 : i32
      %lt3A_91 = arith.constant 77 : i32
      %lt3A_92 = arith.cmpi slt, %add3A_90, %lt3A_91 : i32
      %convert_element_type3A_93 = arith.extui %lt3A_92 : i1 to i32
      %cond3A_94 = arith.constant 0 : i32
      %cond3A_95 = arith.cmpi ne, %convert_element_type3A_93, %cond3A_94 : i32
      scf.if %cond3A_95 {
        %dma_wait3A_114 = arith.constant 32 : i32
        %dma_wait3A_115 = arith.constant 0 : i32
        %dma_wait3A_116 = tpu.memref_slice %arg8[%dma_wait3A_114, %dma_wait3A_115] : memref<128x768xf32, #tpu.memory_space<vmem>> -> memref<32x768xf32, #tpu.memory_space<vmem>>
        %dma_wait3A_117 = arith.constant 0 : i32
        %dma_wait3A_118 = tpu.memref_slice %arg6[%add3A_90, %dma_wait3A_117] : memref<77x32xi32, #tpu.memory_space<vmem>> -> memref<1x32xi32, #tpu.memory_space<vmem>>
        %dma_wait3A_119 = tpu.memref_squeeze %dma_wait3A_118 : memref<1x32xi32, #tpu.memory_space<vmem>> -> memref<32xi32, #tpu.memory_space<vmem>>
        %dma_wait3A_120 = arith.constant 0 : i32
        %dma_wait3A_121 = arith.constant 0 : i32
        %dma_wait3A_122 = tpu.memref_slice %arg3[%dma_wait3A_120, %dma_wait3A_121] : memref<49408x768xf32, #tpu.memory_space<hbm>> -> memref<49408x768xf32, #tpu.memory_space<hbm>>
        tpu.wait_indirect_dma semaphore(%arg10 : memref<!tpu.dma_semaphore, #tpu.memory_space<semaphore_mem>>) src(%dma_wait3A_122 : memref<49408x768xf32, #tpu.memory_space<hbm>>) dst(%dma_wait3A_116 : memref<32x768xf32, #tpu.memory_space<vmem>>)
        %dma_wait3A_123 = arith.constant 1 : i32
        %dma_wait3A_124 = arith.constant 0 : i32
        %dma_wait3A_125 = tpu.memref_slice %arg7[%dma_wait3A_123, %dma_wait3A_124] : memref<4x768xf32, #tpu.memory_space<vmem>> -> memref<1x768xf32, #tpu.memory_space<vmem>>
        %dma_wait3A_126 = tpu.memref_squeeze %dma_wait3A_125 : memref<1x768xf32, #tpu.memory_space<vmem>> -> memref<768xf32, #tpu.memory_space<vmem>>
        %dma_wait3A_127 = arith.constant 0 : i32
        %dma_wait3A_128 = tpu.memref_slice %arg4[%add3A_90, %dma_wait3A_127] : memref<77x768xf32, #tpu.memory_space<hbm>> -> memref<1x768xf32, #tpu.memory_space<hbm>>
        %dma_wait3A_129 = tpu.memref_squeeze %dma_wait3A_128 : memref<1x768xf32, #tpu.memory_space<hbm>> -> memref<768xf32, #tpu.memory_space<hbm>>
        %dma_wait3A_130 = arith.constant 0 : i32
        %dma_wait3A_131 = tpu.memref_slice %arg7[%dma_wait3A_123, %dma_wait3A_130] : memref<4x768xf32, #tpu.memory_space<vmem>> -> memref<1x768xf32, #tpu.memory_space<vmem>>
        %dma_wait3A_132 = tpu.memref_squeeze %dma_wait3A_131 : memref<1x768xf32, #tpu.memory_space<vmem>> -> memref<768xf32, #tpu.memory_space<vmem>>
        %dma_wait3A_133 = arith.constant 0 : i32
        %dma_wait3A_134 = tpu.memref_slice %arg4[%add3A_90, %dma_wait3A_133] : memref<77x768xf32, #tpu.memory_space<hbm>> -> memref<1x768xf32, #tpu.memory_space<hbm>>
        %dma_wait3A_135 = tpu.memref_squeeze %dma_wait3A_134 : memref<1x768xf32, #tpu.memory_space<hbm>> -> memref<768xf32, #tpu.memory_space<hbm>>
        tpu.wait_dma2 semaphore(%arg10 : memref<!tpu.dma_semaphore, #tpu.memory_space<semaphore_mem>>) src(%dma_wait3A_135 : memref<768xf32, #tpu.memory_space<hbm>>) dst(%dma_wait3A_132 : memref<768xf32, #tpu.memory_space<vmem>>)
        %get3A = arith.constant 1 : i32
        %get3A_136 = arith.index_cast %get3A : i32 to index
        %get3A_137 = arith.constant 0 : index
        %get3A_138 = tpu.vector_load %arg7[%get3A_136, %get3A_137] {strides = array<i32>} : memref<4x768xf32, #tpu.memory_space<vmem>>, vector<1x16xf32>,
        %get3A_139 = vector.shape_cast %get3A_138 : vector<1x16xf32> to vector<16xf32>
        %get3A_140 = arith.constant 1 : i32
        %get3A_141 = arith.index_cast %get3A_140 : i32 to index
        %get3A_142 = arith.constant 16 : index
        %get3A_143 = tpu.vector_load %arg7[%get3A_141, %get3A_142] {strides = array<i32>} : memref<4x768xf32, #tpu.memory_space<vmem>>, vector<1x16xf32>,
        %get3A_144 = vector.shape_cast %get3A_143 : vector<1x16xf32> to vector<16xf32>
        %get3A_145 = arith.constant 1 : i32
        %get3A_146 = arith.index_cast %get3A_145 : i32 to index
        %get3A_147 = arith.constant 32 : index
        %get3A_148 = tpu.vector_load %arg7[%get3A_146, %get3A_147] {strides = array<i32>} : memref<4x768xf32, #tpu.memory_space<vmem>>, vector<1x16xf32>,
        %get3A_149 = vector.shape_cast %get3A_148 : vector<1x16xf32> to vector<16xf32>
        %get3A_150 = arith.constant 1 : i32
        %get3A_151 = arith.index_cast %get3A_150 : i32 to index
        %get3A_152 = arith.constant 48 : index
        %get3A_153 = tpu.vector_load %arg7[%get3A_151, %get3A_152] {strides = array<i32>} : memref<4x768xf32, #tpu.memory_space<vmem>>, vector<1x16xf32>,
        %get3A_154 = vector.shape_cast %get3A_153 : vector<1x16xf32> to vector<16xf32>
        %get3A_155 = arith.constant 1 : i32
        %get3A_156 = arith.index_cast %get3A_155 : i32 to index
        %get3A_157 = arith.constant 64 : index
        %get3A_158 = tpu.vector_load %arg7[%get3A_156, %get3A_157] {strides = array<i32>} : memref<4x768xf32, #tpu.memory_space<vmem>>, vector<1x16xf32>,
        %get3A_159 = vector.shape_cast %get3A_158 : vector<1x16xf32> to vector<16xf32>
        %get3A_160 = arith.constant 1 : i32
        %get3A_161 = arith.index_cast %get3A_160 : i32 to index
        %get3A_162 = arith.constant 80 : index
        %get3A_163 = tpu.vector_load %arg7[%get3A_161, %get3A_162] {strides = array<i32>} : memref<4x768xf32, #tpu.memory_space<vmem>>, vector<1x16xf32>,
        %get3A_164 = vector.shape_cast %get3A_163 : vector<1x16xf32> to vector<16xf32>
        %get3A_165 = arith.constant 1 : i32
        %get3A_166 = arith.index_cast %get3A_165 : i32 to index
        %get3A_167 = arith.constant 96 : index
        %get3A_168 = tpu.vector_load %arg7[%get3A_166, %get3A_167] {strides = array<i32>} : memref<4x768xf32, #tpu.memory_space<vmem>>, vector<1x16xf32>,
        %get3A_169 = vector.shape_cast %get3A_168 : vector<1x16xf32> to vector<16xf32>
        %get3A_170 = arith.constant 1 : i32
        %get3A_171 = arith.index_cast %get3A_170 : i32 to index
        %get3A_172 = arith.constant 112 : index
        %get3A_173 = tpu.vector_load %arg7[%get3A_171, %get3A_172] {strides = array<i32>} : memref<4x768xf32, #tpu.memory_space<vmem>>, vector<1x16xf32>,
        %get3A_174 = vector.shape_cast %get3A_173 : vector<1x16xf32> to vector<16xf32>
        %get3A_175 = arith.constant 1 : i32
        %get3A_176 = arith.index_cast %get3A_175 : i32 to index
        %get3A_177 = arith.constant 128 : index
        %get3A_178 = tpu.vector_load %arg7[%get3A_176, %get3A_177] {strides = array<i32>} : memref<4x768xf32, #tpu.memory_space<vmem>>, vector<1x16xf32>,
        %get3A_179 = vector.shape_cast %get3A_178 : vector<1x16xf32> to vector<16xf32>
        %get3A_180 = arith.constant 1 : i32
        %get3A_181 = arith.index_cast %get3A_180 : i32 to index
        %get3A_182 = arith.constant 144 : index
        %get3A_183 = tpu.vector_load %arg7[%get3A_181, %get3A_182] {strides = array<i32>} : memref<4x768xf32, #tpu.memory_space<vmem>>, vector<1x16xf32>,
        %get3A_184 = vector.shape_cast %get3A_183 : vector<1x16xf32> to vector<16xf32>
        %get3A_185 = arith.constant 1 : i32
        %get3A_186 = arith.index_cast %get3A_185 : i32 to index
        %get3A_187 = arith.constant 160 : index
        %get3A_188 = tpu.vector_load %arg7[%get3A_186, %get3A_187] {strides = array<i32>} : memref<4x768xf32, #tpu.memory_space<vmem>>, vector<1x16xf32>,
        %get3A_189 = vector.shape_cast %get3A_188 : vector<1x16xf32> to vector<16xf32>
        %get3A_190 = arith.constant 1 : i32
        %get3A_191 = arith.index_cast %get3A_190 : i32 to index
        %get3A_192 = arith.constant 176 : index
        %get3A_193 = tpu.vector_load %arg7[%get3A_191, %get3A_192] {strides = array<i32>} : memref<4x768xf32, #tpu.memory_space<vmem>>, vector<1x16xf32>,
        %get3A_194 = vector.shape_cast %get3A_193 : vector<1x16xf32> to vector<16xf32>
        %get3A_195 = arith.constant 1 : i32
        %get3A_196 = arith.index_cast %get3A_195 : i32 to index
        %get3A_197 = arith.constant 192 : index
        %get3A_198 = tpu.vector_load %arg7[%get3A_196, %get3A_197] {strides = array<i32>} : memref<4x768xf32, #tpu.memory_space<vmem>>, vector<1x16xf32>,
        %get3A_199 = vector.shape_cast %get3A_198 : vector<1x16xf32> to vector<16xf32>
        %get3A_200 = arith.constant 1 : i32
        %get3A_201 = arith.index_cast %get3A_200 : i32 to index
        %get3A_202 = arith.constant 208 : index
        %get3A_203 = tpu.vector_load %arg7[%get3A_201, %get3A_202] {strides = array<i32>} : memref<4x768xf32, #tpu.memory_space<vmem>>, vector<1x16xf32>,
        %get3A_204 = vector.shape_cast %get3A_203 : vector<1x16xf32> to vector<16xf32>
        %get3A_205 = arith.constant 1 : i32
        %get3A_206 = arith.index_cast %get3A_205 : i32 to index
        %get3A_207 = arith.constant 224 : index
        %get3A_208 = tpu.vector_load %arg7[%get3A_206, %get3A_207] {strides = array<i32>} : memref<4x768xf32, #tpu.memory_space<vmem>>, vector<1x16xf32>,
        %get3A_209 = vector.shape_cast %get3A_208 : vector<1x16xf32> to vector<16xf32>
        %get3A_210 = arith.constant 1 : i32
        %get3A_211 = arith.index_cast %get3A_210 : i32 to index
        %get3A_212 = arith.constant 240 : index
        %get3A_213 = tpu.vector_load %arg7[%get3A_211, %get3A_212] {strides = array<i32>} : memref<4x768xf32, #tpu.memory_space<vmem>>, vector<1x16xf32>,
        %get3A_214 = vector.shape_cast %get3A_213 : vector<1x16xf32> to vector<16xf32>
        %get3A_215 = arith.constant 1 : i32
        %get3A_216 = arith.index_cast %get3A_215 : i32 to index
        %get3A_217 = arith.constant 256 : index
        %get3A_218 = tpu.vector_load %arg7[%get3A_216, %get3A_217] {strides = array<i32>} : memref<4x768xf32, #tpu.memory_space<vmem>>, vector<1x16xf32>,
        %get3A_219 = vector.shape_cast %get3A_218 : vector<1x16xf32> to vector<16xf32>
        %get3A_220 = arith.constant 1 : i32
        %get3A_221 = arith.index_cast %get3A_220 : i32 to index
        %get3A_222 = arith.constant 272 : index
        %get3A_223 = tpu.vector_load %arg7[%get3A_221, %get3A_222] {strides = array<i32>} : memref<4x768xf32, #tpu.memory_space<vmem>>, vector<1x16xf32>,
        %get3A_224 = vector.shape_cast %get3A_223 : vector<1x16xf32> to vector<16xf32>
        %get3A_225 = arith.constant 1 : i32
        %get3A_226 = arith.index_cast %get3A_225 : i32 to index
        %get3A_227 = arith.constant 288 : index
        %get3A_228 = tpu.vector_load %arg7[%get3A_226, %get3A_227] {strides = array<i32>} : memref<4x768xf32, #tpu.memory_space<vmem>>, vector<1x16xf32>,
        %get3A_229 = vector.shape_cast %get3A_228 : vector<1x16xf32> to vector<16xf32>
        %get3A_230 = arith.constant 1 : i32
        %get3A_231 = arith.index_cast %get3A_230 : i32 to index
        %get3A_232 = arith.constant 304 : index
        %get3A_233 = tpu.vector_load %arg7[%get3A_231, %get3A_232] {strides = array<i32>} : memref<4x768xf32, #tpu.memory_space<vmem>>, vector<1x16xf32>,
        %get3A_234 = vector.shape_cast %get3A_233 : vector<1x16xf32> to vector<16xf32>
        %get3A_235 = arith.constant 1 : i32
        %get3A_236 = arith.index_cast %get3A_235 : i32 to index
        %get3A_237 = arith.constant 320 : index
        %get3A_238 = tpu.vector_load %arg7[%get3A_236, %get3A_237] {strides = array<i32>} : memref<4x768xf32, #tpu.memory_space<vmem>>, vector<1x16xf32>,
        %get3A_239 = vector.shape_cast %get3A_238 : vector<1x16xf32> to vector<16xf32>
        %get3A_240 = arith.constant 1 : i32
        %get3A_241 = arith.index_cast %get3A_240 : i32 to index
        %get3A_242 = arith.constant 336 : index
        %get3A_243 = tpu.vector_load %arg7[%get3A_241, %get3A_242] {strides = array<i32>} : memref<4x768xf32, #tpu.memory_space<vmem>>, vector<1x16xf32>,
        %get3A_244 = vector.shape_cast %get3A_243 : vector<1x16xf32> to vector<16xf32>
        %get3A_245 = arith.constant 1 : i32
        %get3A_246 = arith.index_cast %get3A_245 : i32 to index
        %get3A_247 = arith.constant 352 : index
        %get3A_248 = tpu.vector_load %arg7[%get3A_246, %get3A_247] {strides = array<i32>} : memref<4x768xf32, #tpu.memory_space<vmem>>, vector<1x16xf32>,
        %get3A_249 = vector.shape_cast %get3A_248 : vector<1x16xf32> to vector<16xf32>
        %get3A_250 = arith.constant 1 : i32
        %get3A_251 = arith.index_cast %get3A_250 : i32 to index
        %get3A_252 = arith.constant 368 : index
        %get3A_253 = tpu.vector_load %arg7[%get3A_251, %get3A_252] {strides = array<i32>} : memref<4x768xf32, #tpu.memory_space<vmem>>, vector<1x16xf32>,
        %get3A_254 = vector.shape_cast %get3A_253 : vector<1x16xf32> to vector<16xf32>
        %parallel_loop3A = arith.constant 0 : i32
        %parallel_loop3A_255 = arith.constant 32 : i32
        %parallel_loop3A_256 = arith.constant 1 : i32
        scf.for %parallel_loop3A_406 = %parallel_loop3A to %parallel_loop3A_255 step %parallel_loop3A_256  : i32 {
          %parallel_loop3A_407 = arith.constant 32 : i32
          %parallel_loop3A_408 = arith.addi %parallel_loop3A_407, %parallel_loop3A_406 : i32
          %parallel_loop3A_409 = arith.index_cast %parallel_loop3A_408 : i32 to index
          %parallel_loop3A_410 = arith.constant 0 : index
          %parallel_loop3A_411 = tpu.vector_load %arg8[%parallel_loop3A_409, %parallel_loop3A_410] {strides = array<i32>} : memref<128x768xf32, #tpu.memory_space<vmem>>, vector<1x16xf32>,
          %parallel_loop3A_412 = vector.shape_cast %parallel_loop3A_411 : vector<1x16xf32> to vector<16xf32>
          %parallel_loop3A_413 = arith.addf %parallel_loop3A_412, %get3A_139 : vector<16xf32>
          %parallel_loop3A_414 = arith.index_cast %parallel_loop3A_408 : i32 to index
          %parallel_loop3A_415 = arith.constant 0 : index
          %parallel_loop3A_416 = tpu.vector_load %arg8[%parallel_loop3A_414, %parallel_loop3A_415] {strides = array<i32>} : memref<128x768xf32, #tpu.memory_space<vmem>>, vector<1x16xf32>,
          %parallel_loop3A_417 = vector.shape_cast %parallel_loop3A_416 : vector<1x16xf32> to vector<16xf32>
          %parallel_loop3A_418 = vector.shape_cast %parallel_loop3A_413 : vector<16xf32> to vector<1x16xf32>
          tpu.vector_store %arg8[%parallel_loop3A_414, %parallel_loop3A_415], %parallel_loop3A_418 {strides = array<i32>} : memref<128x768xf32, #tpu.memory_space<vmem>>, vector<1x16xf32>,
          %parallel_loop3A_419 = arith.index_cast %parallel_loop3A_408 : i32 to index
          %parallel_loop3A_420 = arith.constant 16 : index
          %parallel_loop3A_421 = tpu.vector_load %arg8[%parallel_loop3A_419, %parallel_loop3A_420] {strides = array<i32>} : memref<128x768xf32, #tpu.memory_space<vmem>>, vector<1x16xf32>,
          %parallel_loop3A_422 = vector.shape_cast %parallel_loop3A_421 : vector<1x16xf32> to vector<16xf32>
          %parallel_loop3A_423 = arith.addf %parallel_loop3A_422, %get3A_144 : vector<16xf32>
          %parallel_loop3A_424 = arith.index_cast %parallel_loop3A_408 : i32 to index
          %parallel_loop3A_425 = arith.constant 16 : index
          %parallel_loop3A_426 = tpu.vector_load %arg8[%parallel_loop3A_424, %parallel_loop3A_425] {strides = array<i32>} : memref<128x768xf32, #tpu.memory_space<vmem>>, vector<1x16xf32>,
          %parallel_loop3A_427 = vector.shape_cast %parallel_loop3A_426 : vector<1x16xf32> to vector<16xf32>
          %parallel_loop3A_428 = vector.shape_cast %parallel_loop3A_423 : vector<16xf32> to vector<1x16xf32>
          tpu.vector_store %arg8[%parallel_loop3A_424, %parallel_loop3A_425], %parallel_loop3A_428 {strides = array<i32>} : memref<128x768xf32, #tpu.memory_space<vmem>>, vector<1x16xf32>,
          %parallel_loop3A_429 = arith.index_cast %parallel_loop3A_408 : i32 to index
          %parallel_loop3A_430 = arith.constant 32 : index
          %parallel_loop3A_431 = tpu.vector_load %arg8[%parallel_loop3A_429, %parallel_loop3A_430] {strides = array<i32>} : memref<128x768xf32, #tpu.memory_space<vmem>>, vector<1x16xf32>,
          %parallel_loop3A_432 = vector.shape_cast %parallel_loop3A_431 : vector<1x16xf32> to vector<16xf32>
          %parallel_loop3A_433 = arith.addf %parallel_loop3A_432, %get3A_149 : vector<16xf32>
          %parallel_loop3A_434 = arith.index_cast %parallel_loop3A_408 : i32 to index
          %parallel_loop3A_435 = arith.constant 32 : index
          %parallel_loop3A_436 = tpu.vector_load %arg8[%parallel_loop3A_434, %parallel_loop3A_435] {strides = array<i32>} : memref<128x768xf32, #tpu.memory_space<vmem>>, vector<1x16xf32>,
          %parallel_loop3A_437 = vector.shape_cast %parallel_loop3A_436 : vector<1x16xf32> to vector<16xf32>
          %parallel_loop3A_438 = vector.shape_cast %parallel_loop3A_433 : vector<16xf32> to vector<1x16xf32>
          tpu.vector_store %arg8[%parallel_loop3A_434, %parallel_loop3A_435], %parallel_loop3A_438 {strides = array<i32>} : memref<128x768xf32, #tpu.memory_space<vmem>>, vector<1x16xf32>,
          %parallel_loop3A_439 = arith.index_cast %parallel_loop3A_408 : i32 to index
          %parallel_loop3A_440 = arith.constant 48 : index
          %parallel_loop3A_441 = tpu.vector_load %arg8[%parallel_loop3A_439, %parallel_loop3A_440] {strides = array<i32>} : memref<128x768xf32, #tpu.memory_space<vmem>>, vector<1x16xf32>,
          %parallel_loop3A_442 = vector.shape_cast %parallel_loop3A_441 : vector<1x16xf32> to vector<16xf32>
          %parallel_loop3A_443 = arith.addf %parallel_loop3A_442, %get3A_154 : vector<16xf32>
          %parallel_loop3A_444 = arith.index_cast %parallel_loop3A_408 : i32 to index
          %parallel_loop3A_445 = arith.constant 48 : index
          %parallel_loop3A_446 = tpu.vector_load %arg8[%parallel_loop3A_444, %parallel_loop3A_445] {strides = array<i32>} : memref<128x768xf32, #tpu.memory_space<vmem>>, vector<1x16xf32>,
          %parallel_loop3A_447 = vector.shape_cast %parallel_loop3A_446 : vector<1x16xf32> to vector<16xf32>
          %parallel_loop3A_448 = vector.shape_cast %parallel_loop3A_443 : vector<16xf32> to vector<1x16xf32>
          tpu.vector_store %arg8[%parallel_loop3A_444, %parallel_loop3A_445], %parallel_loop3A_448 {strides = array<i32>} : memref<128x768xf32, #tpu.memory_space<vmem>>, vector<1x16xf32>,
          %parallel_loop3A_449 = arith.index_cast %parallel_loop3A_408 : i32 to index
          %parallel_loop3A_450 = arith.constant 64 : index
          %parallel_loop3A_451 = tpu.vector_load %arg8[%parallel_loop3A_449, %parallel_loop3A_450] {strides = array<i32>} : memref<128x768xf32, #tpu.memory_space<vmem>>, vector<1x16xf32>,
          %parallel_loop3A_452 = vector.shape_cast %parallel_loop3A_451 : vector<1x16xf32> to vector<16xf32>
          %parallel_loop3A_453 = arith.addf %parallel_loop3A_452, %get3A_159 : vector<16xf32>
          %parallel_loop3A_454 = arith.index_cast %parallel_loop3A_408 : i32 to index
          %parallel_loop3A_455 = arith.constant 64 : index
          %parallel_loop3A_456 = tpu.vector_load %arg8[%parallel_loop3A_454, %parallel_loop3A_455] {strides = array<i32>} : memref<128x768xf32, #tpu.memory_space<vmem>>, vector<1x16xf32>,
          %parallel_loop3A_457 = vector.shape_cast %parallel_loop3A_456 : vector<1x16xf32> to vector<16xf32>
          %parallel_loop3A_458 = vector.shape_cast %parallel_loop3A_453 : vector<16xf32> to vector<1x16xf32>
          tpu.vector_store %arg8[%parallel_loop3A_454, %parallel_loop3A_455], %parallel_loop3A_458 {strides = array<i32>} : memref<128x768xf32, #tpu.memory_space<vmem>>, vector<1x16xf32>,
          %parallel_loop3A_459 = arith.index_cast %parallel_loop3A_408 : i32 to index
          %parallel_loop3A_460 = arith.constant 80 : index
          %parallel_loop3A_461 = tpu.vector_load %arg8[%parallel_loop3A_459, %parallel_loop3A_460] {strides = array<i32>} : memref<128x768xf32, #tpu.memory_space<vmem>>, vector<1x16xf32>,
          %parallel_loop3A_462 = vector.shape_cast %parallel_loop3A_461 : vector<1x16xf32> to vector<16xf32>
          %parallel_loop3A_463 = arith.addf %parallel_loop3A_462, %get3A_164 : vector<16xf32>
          %parallel_loop3A_464 = arith.index_cast %parallel_loop3A_408 : i32 to index
          %parallel_loop3A_465 = arith.constant 80 : index
          %parallel_loop3A_466 = tpu.vector_load %arg8[%parallel_loop3A_464, %parallel_loop3A_465] {strides = array<i32>} : memref<128x768xf32, #tpu.memory_space<vmem>>, vector<1x16xf32>,
          %parallel_loop3A_467 = vector.shape_cast %parallel_loop3A_466 : vector<1x16xf32> to vector<16xf32>
          %parallel_loop3A_468 = vector.shape_cast %parallel_loop3A_463 : vector<16xf32> to vector<1x16xf32>
          tpu.vector_store %arg8[%parallel_loop3A_464, %parallel_loop3A_465], %parallel_loop3A_468 {strides = array<i32>} : memref<128x768xf32, #tpu.memory_space<vmem>>, vector<1x16xf32>,
          %parallel_loop3A_469 = arith.index_cast %parallel_loop3A_408 : i32 to index
          %parallel_loop3A_470 = arith.constant 96 : index
          %parallel_loop3A_471 = tpu.vector_load %arg8[%parallel_loop3A_469, %parallel_loop3A_470] {strides = array<i32>} : memref<128x768xf32, #tpu.memory_space<vmem>>, vector<1x16xf32>,
          %parallel_loop3A_472 = vector.shape_cast %parallel_loop3A_471 : vector<1x16xf32> to vector<16xf32>
          %parallel_loop3A_473 = arith.addf %parallel_loop3A_472, %get3A_169 : vector<16xf32>
          %parallel_loop3A_474 = arith.index_cast %parallel_loop3A_408 : i32 to index
          %parallel_loop3A_475 = arith.constant 96 : index
          %parallel_loop3A_476 = tpu.vector_load %arg8[%parallel_loop3A_474, %parallel_loop3A_475] {strides = array<i32>} : memref<128x768xf32, #tpu.memory_space<vmem>>, vector<1x16xf32>,
          %parallel_loop3A_477 = vector.shape_cast %parallel_loop3A_476 : vector<1x16xf32> to vector<16xf32>
          %parallel_loop3A_478 = vector.shape_cast %parallel_loop3A_473 : vector<16xf32> to vector<1x16xf32>
          tpu.vector_store %arg8[%parallel_loop3A_474, %parallel_loop3A_475], %parallel_loop3A_478 {strides = array<i32>} : memref<128x768xf32, #tpu.memory_space<vmem>>, vector<1x16xf32>,
          %parallel_loop3A_479 = arith.index_cast %parallel_loop3A_408 : i32 to index
          %parallel_loop3A_480 = arith.constant 112 : index
          %parallel_loop3A_481 = tpu.vector_load %arg8[%parallel_loop3A_479, %parallel_loop3A_480] {strides = array<i32>} : memref<128x768xf32, #tpu.memory_space<vmem>>, vector<1x16xf32>,
          %parallel_loop3A_482 = vector.shape_cast %parallel_loop3A_481 : vector<1x16xf32> to vector<16xf32>
          %parallel_loop3A_483 = arith.addf %parallel_loop3A_482, %get3A_174 : vector<16xf32>
          %parallel_loop3A_484 = arith.index_cast %parallel_loop3A_408 : i32 to index
          %parallel_loop3A_485 = arith.constant 112 : index
          %parallel_loop3A_486 = tpu.vector_load %arg8[%parallel_loop3A_484, %parallel_loop3A_485] {strides = array<i32>} : memref<128x768xf32, #tpu.memory_space<vmem>>, vector<1x16xf32>,
          %parallel_loop3A_487 = vector.shape_cast %parallel_loop3A_486 : vector<1x16xf32> to vector<16xf32>
          %parallel_loop3A_488 = vector.shape_cast %parallel_loop3A_483 : vector<16xf32> to vector<1x16xf32>
          tpu.vector_store %arg8[%parallel_loop3A_484, %parallel_loop3A_485], %parallel_loop3A_488 {strides = array<i32>} : memref<128x768xf32, #tpu.memory_space<vmem>>, vector<1x16xf32>,
          %parallel_loop3A_489 = arith.index_cast %parallel_loop3A_408 : i32 to index
          %parallel_loop3A_490 = arith.constant 128 : index
          %parallel_loop3A_491 = tpu.vector_load %arg8[%parallel_loop3A_489, %parallel_loop3A_490] {strides = array<i32>} : memref<128x768xf32, #tpu.memory_space<vmem>>, vector<1x16xf32>,
          %parallel_loop3A_492 = vector.shape_cast %parallel_loop3A_491 : vector<1x16xf32> to vector<16xf32>
          %parallel_loop3A_493 = arith.addf %parallel_loop3A_492, %get3A_179 : vector<16xf32>
          %parallel_loop3A_494 = arith.index_cast %parallel_loop3A_408 : i32 to index
          %parallel_loop3A_495 = arith.constant 128 : index
          %parallel_loop3A_496 = tpu.vector_load %arg8[%parallel_loop3A_494, %parallel_loop3A_495] {strides = array<i32>} : memref<128x768xf32, #tpu.memory_space<vmem>>, vector<1x16xf32>,
          %parallel_loop3A_497 = vector.shape_cast %parallel_loop3A_496 : vector<1x16xf32> to vector<16xf32>
          %parallel_loop3A_498 = vector.shape_cast %parallel_loop3A_493 : vector<16xf32> to vector<1x16xf32>
          tpu.vector_store %arg8[%parallel_loop3A_494, %parallel_loop3A_495], %parallel_loop3A_498 {strides = array<i32>} : memref<128x768xf32, #tpu.memory_space<vmem>>, vector<1x16xf32>,
          %parallel_loop3A_499 = arith.index_cast %parallel_loop3A_408 : i32 to index
          %parallel_loop3A_500 = arith.constant 144 : index
          %parallel_loop3A_501 = tpu.vector_load %arg8[%parallel_loop3A_499, %parallel_loop3A_500] {strides = array<i32>} : memref<128x768xf32, #tpu.memory_space<vmem>>, vector<1x16xf32>,
          %parallel_loop3A_502 = vector.shape_cast %parallel_loop3A_501 : vector<1x16xf32> to vector<16xf32>
          %parallel_loop3A_503 = arith.addf %parallel_loop3A_502, %get3A_184 : vector<16xf32>
          %parallel_loop3A_504 = arith.index_cast %parallel_loop3A_408 : i32 to index
          %parallel_loop3A_505 = arith.constant 144 : index
          %parallel_loop3A_506 = tpu.vector_load %arg8[%parallel_loop3A_504, %parallel_loop3A_505] {strides = array<i32>} : memref<128x768xf32, #tpu.memory_space<vmem>>, vector<1x16xf32>,
          %parallel_loop3A_507 = vector.shape_cast %parallel_loop3A_506 : vector<1x16xf32> to vector<16xf32>
          %parallel_loop3A_508 = vector.shape_cast %parallel_loop3A_503 : vector<16xf32> to vector<1x16xf32>
          tpu.vector_store %arg8[%parallel_loop3A_504, %parallel_loop3A_505], %parallel_loop3A_508 {strides = array<i32>} : memref<128x768xf32, #tpu.memory_space<vmem>>, vector<1x16xf32>,
          %parallel_loop3A_509 = arith.index_cast %parallel_loop3A_408 : i32 to index
          %parallel_loop3A_510 = arith.constant 160 : index
          %parallel_loop3A_511 = tpu.vector_load %arg8[%parallel_loop3A_509, %parallel_loop3A_510] {strides = array<i32>} : memref<128x768xf32, #tpu.memory_space<vmem>>, vector<1x16xf32>,
          %parallel_loop3A_512 = vector.shape_cast %parallel_loop3A_511 : vector<1x16xf32> to vector<16xf32>
          %parallel_loop3A_513 = arith.addf %parallel_loop3A_512, %get3A_189 : vector<16xf32>
          %parallel_loop3A_514 = arith.index_cast %parallel_loop3A_408 : i32 to index
          %parallel_loop3A_515 = arith.constant 160 : index
          %parallel_loop3A_516 = tpu.vector_load %arg8[%parallel_loop3A_514, %parallel_loop3A_515] {strides = array<i32>} : memref<128x768xf32, #tpu.memory_space<vmem>>, vector<1x16xf32>,
          %parallel_loop3A_517 = vector.shape_cast %parallel_loop3A_516 : vector<1x16xf32> to vector<16xf32>
          %parallel_loop3A_518 = vector.shape_cast %parallel_loop3A_513 : vector<16xf32> to vector<1x16xf32>
          tpu.vector_store %arg8[%parallel_loop3A_514, %parallel_loop3A_515], %parallel_loop3A_518 {strides = array<i32>} : memref<128x768xf32, #tpu.memory_space<vmem>>, vector<1x16xf32>,
          %parallel_loop3A_519 = arith.index_cast %parallel_loop3A_408 : i32 to index
          %parallel_loop3A_520 = arith.constant 176 : index
          %parallel_loop3A_521 = tpu.vector_load %arg8[%parallel_loop3A_519, %parallel_loop3A_520] {strides = array<i32>} : memref<128x768xf32, #tpu.memory_space<vmem>>, vector<1x16xf32>,
          %parallel_loop3A_522 = vector.shape_cast %parallel_loop3A_521 : vector<1x16xf32> to vector<16xf32>
          %parallel_loop3A_523 = arith.addf %parallel_loop3A_522, %get3A_194 : vector<16xf32>
          %parallel_loop3A_524 = arith.index_cast %parallel_loop3A_408 : i32 to index
          %parallel_loop3A_525 = arith.constant 176 : index
          %parallel_loop3A_526 = tpu.vector_load %arg8[%parallel_loop3A_524, %parallel_loop3A_525] {strides = array<i32>} : memref<128x768xf32, #tpu.memory_space<vmem>>, vector<1x16xf32>,
          %parallel_loop3A_527 = vector.shape_cast %parallel_loop3A_526 : vector<1x16xf32> to vector<16xf32>
          %parallel_loop3A_528 = vector.shape_cast %parallel_loop3A_523 : vector<16xf32> to vector<1x16xf32>
          tpu.vector_store %arg8[%parallel_loop3A_524, %parallel_loop3A_525], %parallel_loop3A_528 {strides = array<i32>} : memref<128x768xf32, #tpu.memory_space<vmem>>, vector<1x16xf32>,
          %parallel_loop3A_529 = arith.index_cast %parallel_loop3A_408 : i32 to index
          %parallel_loop3A_530 = arith.constant 192 : index
          %parallel_loop3A_531 = tpu.vector_load %arg8[%parallel_loop3A_529, %parallel_loop3A_530] {strides = array<i32>} : memref<128x768xf32, #tpu.memory_space<vmem>>, vector<1x16xf32>,
          %parallel_loop3A_532 = vector.shape_cast %parallel_loop3A_531 : vector<1x16xf32> to vector<16xf32>
          %parallel_loop3A_533 = arith.addf %parallel_loop3A_532, %get3A_199 : vector<16xf32>
          %parallel_loop3A_534 = arith.index_cast %parallel_loop3A_408 : i32 to index
          %parallel_loop3A_535 = arith.constant 192 : index
          %parallel_loop3A_536 = tpu.vector_load %arg8[%parallel_loop3A_534, %parallel_loop3A_535] {strides = array<i32>} : memref<128x768xf32, #tpu.memory_space<vmem>>, vector<1x16xf32>,
          %parallel_loop3A_537 = vector.shape_cast %parallel_loop3A_536 : vector<1x16xf32> to vector<16xf32>
          %parallel_loop3A_538 = vector.shape_cast %parallel_loop3A_533 : vector<16xf32> to vector<1x16xf32>
          tpu.vector_store %arg8[%parallel_loop3A_534, %parallel_loop3A_535], %parallel_loop3A_538 {strides = array<i32>} : memref<128x768xf32, #tpu.memory_space<vmem>>, vector<1x16xf32>,
          %parallel_loop3A_539 = arith.index_cast %parallel_loop3A_408 : i32 to index
          %parallel_loop3A_540 = arith.constant 208 : index
          %parallel_loop3A_541 = tpu.vector_load %arg8[%parallel_loop3A_539, %parallel_loop3A_540] {strides = array<i32>} : memref<128x768xf32, #tpu.memory_space<vmem>>, vector<1x16xf32>,
          %parallel_loop3A_542 = vector.shape_cast %parallel_loop3A_541 : vector<1x16xf32> to vector<16xf32>
          %parallel_loop3A_543 = arith.addf %parallel_loop3A_542, %get3A_204 : vector<16xf32>
          %parallel_loop3A_544 = arith.index_cast %parallel_loop3A_408 : i32 to index
          %parallel_loop3A_545 = arith.constant 208 : index
          %parallel_loop3A_546 = tpu.vector_load %arg8[%parallel_loop3A_544, %parallel_loop3A_545] {strides = array<i32>} : memref<128x768xf32, #tpu.memory_space<vmem>>, vector<1x16xf32>,
          %parallel_loop3A_547 = vector.shape_cast %parallel_loop3A_546 : vector<1x16xf32> to vector<16xf32>
          %parallel_loop3A_548 = vector.shape_cast %parallel_loop3A_543 : vector<16xf32> to vector<1x16xf32>
          tpu.vector_store %arg8[%parallel_loop3A_544, %parallel_loop3A_545], %parallel_loop3A_548 {strides = array<i32>} : memref<128x768xf32, #tpu.memory_space<vmem>>, vector<1x16xf32>,
          %parallel_loop3A_549 = arith.index_cast %parallel_loop3A_408 : i32 to index
          %parallel_loop3A_550 = arith.constant 224 : index
          %parallel_loop3A_551 = tpu.vector_load %arg8[%parallel_loop3A_549, %parallel_loop3A_550] {strides = array<i32>} : memref<128x768xf32, #tpu.memory_space<vmem>>, vector<1x16xf32>,
          %parallel_loop3A_552 = vector.shape_cast %parallel_loop3A_551 : vector<1x16xf32> to vector<16xf32>
          %parallel_loop3A_553 = arith.addf %parallel_loop3A_552, %get3A_209 : vector<16xf32>
          %parallel_loop3A_554 = arith.index_cast %parallel_loop3A_408 : i32 to index
          %parallel_loop3A_555 = arith.constant 224 : index
          %parallel_loop3A_556 = tpu.vector_load %arg8[%parallel_loop3A_554, %parallel_loop3A_555] {strides = array<i32>} : memref<128x768xf32, #tpu.memory_space<vmem>>, vector<1x16xf32>,
          %parallel_loop3A_557 = vector.shape_cast %parallel_loop3A_556 : vector<1x16xf32> to vector<16xf32>
          %parallel_loop3A_558 = vector.shape_cast %parallel_loop3A_553 : vector<16xf32> to vector<1x16xf32>
          tpu.vector_store %arg8[%parallel_loop3A_554, %parallel_loop3A_555], %parallel_loop3A_558 {strides = array<i32>} : memref<128x768xf32, #tpu.memory_space<vmem>>, vector<1x16xf32>,
          %parallel_loop3A_559 = arith.index_cast %parallel_loop3A_408 : i32 to index
          %parallel_loop3A_560 = arith.constant 240 : index
          %parallel_loop3A_561 = tpu.vector_load %arg8[%parallel_loop3A_559, %parallel_loop3A_560] {strides = array<i32>} : memref<128x768xf32, #tpu.memory_space<vmem>>, vector<1x16xf32>,
          %parallel_loop3A_562 = vector.shape_cast %parallel_loop3A_561 : vector<1x16xf32> to vector<16xf32>
          %parallel_loop3A_563 = arith.addf %parallel_loop3A_562, %get3A_214 : vector<16xf32>
          %parallel_loop3A_564 = arith.index_cast %parallel_loop3A_408 : i32 to index
          %parallel_loop3A_565 = arith.constant 240 : index
          %parallel_loop3A_566 = tpu.vector_load %arg8[%parallel_loop3A_564, %parallel_loop3A_565] {strides = array<i32>} : memref<128x768xf32, #tpu.memory_space<vmem>>, vector<1x16xf32>,
          %parallel_loop3A_567 = vector.shape_cast %parallel_loop3A_566 : vector<1x16xf32> to vector<16xf32>
          %parallel_loop3A_568 = vector.shape_cast %parallel_loop3A_563 : vector<16xf32> to vector<1x16xf32>
          tpu.vector_store %arg8[%parallel_loop3A_564, %parallel_loop3A_565], %parallel_loop3A_568 {strides = array<i32>} : memref<128x768xf32, #tpu.memory_space<vmem>>, vector<1x16xf32>,
          %parallel_loop3A_569 = arith.index_cast %parallel_loop3A_408 : i32 to index
          %parallel_loop3A_570 = arith.constant 256 : index
          %parallel_loop3A_571 = tpu.vector_load %arg8[%parallel_loop3A_569, %parallel_loop3A_570] {strides = array<i32>} : memref<128x768xf32, #tpu.memory_space<vmem>>, vector<1x16xf32>,
          %parallel_loop3A_572 = vector.shape_cast %parallel_loop3A_571 : vector<1x16xf32> to vector<16xf32>
          %parallel_loop3A_573 = arith.addf %parallel_loop3A_572, %get3A_219 : vector<16xf32>
          %parallel_loop3A_574 = arith.index_cast %parallel_loop3A_408 : i32 to index
          %parallel_loop3A_575 = arith.constant 256 : index
          %parallel_loop3A_576 = tpu.vector_load %arg8[%parallel_loop3A_574, %parallel_loop3A_575] {strides = array<i32>} : memref<128x768xf32, #tpu.memory_space<vmem>>, vector<1x16xf32>,
          %parallel_loop3A_577 = vector.shape_cast %parallel_loop3A_576 : vector<1x16xf32> to vector<16xf32>
          %parallel_loop3A_578 = vector.shape_cast %parallel_loop3A_573 : vector<16xf32> to vector<1x16xf32>
          tpu.vector_store %arg8[%parallel_loop3A_574, %parallel_loop3A_575], %parallel_loop3A_578 {strides = array<i32>} : memref<128x768xf32, #tpu.memory_space<vmem>>, vector<1x16xf32>,
          %parallel_loop3A_579 = arith.index_cast %parallel_loop3A_408 : i32 to index
          %parallel_loop3A_580 = arith.constant 272 : index
          %parallel_loop3A_581 = tpu.vector_load %arg8[%parallel_loop3A_579, %parallel_loop3A_580] {strides = array<i32>} : memref<128x768xf32, #tpu.memory_space<vmem>>, vector<1x16xf32>,
          %parallel_loop3A_582 = vector.shape_cast %parallel_loop3A_581 : vector<1x16xf32> to vector<16xf32>
          %parallel_loop3A_583 = arith.addf %parallel_loop3A_582, %get3A_224 : vector<16xf32>
          %parallel_loop3A_584 = arith.index_cast %parallel_loop3A_408 : i32 to index
          %parallel_loop3A_585 = arith.constant 272 : index
          %parallel_loop3A_586 = tpu.vector_load %arg8[%parallel_loop3A_584, %parallel_loop3A_585] {strides = array<i32>} : memref<128x768xf32, #tpu.memory_space<vmem>>, vector<1x16xf32>,
          %parallel_loop3A_587 = vector.shape_cast %parallel_loop3A_586 : vector<1x16xf32> to vector<16xf32>
          %parallel_loop3A_588 = vector.shape_cast %parallel_loop3A_583 : vector<16xf32> to vector<1x16xf32>
          tpu.vector_store %arg8[%parallel_loop3A_584, %parallel_loop3A_585], %parallel_loop3A_588 {strides = array<i32>} : memref<128x768xf32, #tpu.memory_space<vmem>>, vector<1x16xf32>,
          %parallel_loop3A_589 = arith.index_cast %parallel_loop3A_408 : i32 to index
          %parallel_loop3A_590 = arith.constant 288 : index
          %parallel_loop3A_591 = tpu.vector_load %arg8[%parallel_loop3A_589, %parallel_loop3A_590] {strides = array<i32>} : memref<128x768xf32, #tpu.memory_space<vmem>>, vector<1x16xf32>,
          %parallel_loop3A_592 = vector.shape_cast %parallel_loop3A_591 : vector<1x16xf32> to vector<16xf32>
          %parallel_loop3A_593 = arith.addf %parallel_loop3A_592, %get3A_229 : vector<16xf32>
          %parallel_loop3A_594 = arith.index_cast %parallel_loop3A_408 : i32 to index
          %parallel_loop3A_595 = arith.constant 288 : index
          %parallel_loop3A_596 = tpu.vector_load %arg8[%parallel_loop3A_594, %parallel_loop3A_595] {strides = array<i32>} : memref<128x768xf32, #tpu.memory_space<vmem>>, vector<1x16xf32>,
          %parallel_loop3A_597 = vector.shape_cast %parallel_loop3A_596 : vector<1x16xf32> to vector<16xf32>
          %parallel_loop3A_598 = vector.shape_cast %parallel_loop3A_593 : vector<16xf32> to vector<1x16xf32>
          tpu.vector_store %arg8[%parallel_loop3A_594, %parallel_loop3A_595], %parallel_loop3A_598 {strides = array<i32>} : memref<128x768xf32, #tpu.memory_space<vmem>>, vector<1x16xf32>,
          %parallel_loop3A_599 = arith.index_cast %parallel_loop3A_408 : i32 to index
          %parallel_loop3A_600 = arith.constant 304 : index
          %parallel_loop3A_601 = tpu.vector_load %arg8[%parallel_loop3A_599, %parallel_loop3A_600] {strides = array<i32>} : memref<128x768xf32, #tpu.memory_space<vmem>>, vector<1x16xf32>,
          %parallel_loop3A_602 = vector.shape_cast %parallel_loop3A_601 : vector<1x16xf32> to vector<16xf32>
          %parallel_loop3A_603 = arith.addf %parallel_loop3A_602, %get3A_234 : vector<16xf32>
          %parallel_loop3A_604 = arith.index_cast %parallel_loop3A_408 : i32 to index
          %parallel_loop3A_605 = arith.constant 304 : index
          %parallel_loop3A_606 = tpu.vector_load %arg8[%parallel_loop3A_604, %parallel_loop3A_605] {strides = array<i32>} : memref<128x768xf32, #tpu.memory_space<vmem>>, vector<1x16xf32>,
          %parallel_loop3A_607 = vector.shape_cast %parallel_loop3A_606 : vector<1x16xf32> to vector<16xf32>
          %parallel_loop3A_608 = vector.shape_cast %parallel_loop3A_603 : vector<16xf32> to vector<1x16xf32>
          tpu.vector_store %arg8[%parallel_loop3A_604, %parallel_loop3A_605], %parallel_loop3A_608 {strides = array<i32>} : memref<128x768xf32, #tpu.memory_space<vmem>>, vector<1x16xf32>,
          %parallel_loop3A_609 = arith.index_cast %parallel_loop3A_408 : i32 to index
          %parallel_loop3A_610 = arith.constant 320 : index
          %parallel_loop3A_611 = tpu.vector_load %arg8[%parallel_loop3A_609, %parallel_loop3A_610] {strides = array<i32>} : memref<128x768xf32, #tpu.memory_space<vmem>>, vector<1x16xf32>,
          %parallel_loop3A_612 = vector.shape_cast %parallel_loop3A_611 : vector<1x16xf32> to vector<16xf32>
          %parallel_loop3A_613 = arith.addf %parallel_loop3A_612, %get3A_239 : vector<16xf32>
          %parallel_loop3A_614 = arith.index_cast %parallel_loop3A_408 : i32 to index
          %parallel_loop3A_615 = arith.constant 320 : index
          %parallel_loop3A_616 = tpu.vector_load %arg8[%parallel_loop3A_614, %parallel_loop3A_615] {strides = array<i32>} : memref<128x768xf32, #tpu.memory_space<vmem>>, vector<1x16xf32>,
          %parallel_loop3A_617 = vector.shape_cast %parallel_loop3A_616 : vector<1x16xf32> to vector<16xf32>
          %parallel_loop3A_618 = vector.shape_cast %parallel_loop3A_613 : vector<16xf32> to vector<1x16xf32>
          tpu.vector_store %arg8[%parallel_loop3A_614, %parallel_loop3A_615], %parallel_loop3A_618 {strides = array<i32>} : memref<128x768xf32, #tpu.memory_space<vmem>>, vector<1x16xf32>,
          %parallel_loop3A_619 = arith.index_cast %parallel_loop3A_408 : i32 to index
          %parallel_loop3A_620 = arith.constant 336 : index
          %parallel_loop3A_621 = tpu.vector_load %arg8[%parallel_loop3A_619, %parallel_loop3A_620] {strides = array<i32>} : memref<128x768xf32, #tpu.memory_space<vmem>>, vector<1x16xf32>,
          %parallel_loop3A_622 = vector.shape_cast %parallel_loop3A_621 : vector<1x16xf32> to vector<16xf32>
          %parallel_loop3A_623 = arith.addf %parallel_loop3A_622, %get3A_244 : vector<16xf32>
          %parallel_loop3A_624 = arith.index_cast %parallel_loop3A_408 : i32 to index
          %parallel_loop3A_625 = arith.constant 336 : index
          %parallel_loop3A_626 = tpu.vector_load %arg8[%parallel_loop3A_624, %parallel_loop3A_625] {strides = array<i32>} : memref<128x768xf32, #tpu.memory_space<vmem>>, vector<1x16xf32>,
          %parallel_loop3A_627 = vector.shape_cast %parallel_loop3A_626 : vector<1x16xf32> to vector<16xf32>
          %parallel_loop3A_628 = vector.shape_cast %parallel_loop3A_623 : vector<16xf32> to vector<1x16xf32>
          tpu.vector_store %arg8[%parallel_loop3A_624, %parallel_loop3A_625], %parallel_loop3A_628 {strides = array<i32>} : memref<128x768xf32, #tpu.memory_space<vmem>>, vector<1x16xf32>,
          %parallel_loop3A_629 = arith.index_cast %parallel_loop3A_408 : i32 to index
          %parallel_loop3A_630 = arith.constant 352 : index
          %parallel_loop3A_631 = tpu.vector_load %arg8[%parallel_loop3A_629, %parallel_loop3A_630] {strides = array<i32>} : memref<128x768xf32, #tpu.memory_space<vmem>>, vector<1x16xf32>,
          %parallel_loop3A_632 = vector.shape_cast %parallel_loop3A_631 : vector<1x16xf32> to vector<16xf32>
          %parallel_loop3A_633 = arith.addf %parallel_loop3A_632, %get3A_249 : vector<16xf32>
          %parallel_loop3A_634 = arith.index_cast %parallel_loop3A_408 : i32 to index
          %parallel_loop3A_635 = arith.constant 352 : index
          %parallel_loop3A_636 = tpu.vector_load %arg8[%parallel_loop3A_634, %parallel_loop3A_635] {strides = array<i32>} : memref<128x768xf32, #tpu.memory_space<vmem>>, vector<1x16xf32>,
          %parallel_loop3A_637 = vector.shape_cast %parallel_loop3A_636 : vector<1x16xf32> to vector<16xf32>
          %parallel_loop3A_638 = vector.shape_cast %parallel_loop3A_633 : vector<16xf32> to vector<1x16xf32>
          tpu.vector_store %arg8[%parallel_loop3A_634, %parallel_loop3A_635], %parallel_loop3A_638 {strides = array<i32>} : memref<128x768xf32, #tpu.memory_space<vmem>>, vector<1x16xf32>,
          %parallel_loop3A_639 = arith.index_cast %parallel_loop3A_408 : i32 to index
          %parallel_loop3A_640 = arith.constant 368 : index
          %parallel_loop3A_641 = tpu.vector_load %arg8[%parallel_loop3A_639, %parallel_loop3A_640] {strides = array<i32>} : memref<128x768xf32, #tpu.memory_space<vmem>>, vector<1x16xf32>,
          %parallel_loop3A_642 = vector.shape_cast %parallel_loop3A_641 : vector<1x16xf32> to vector<16xf32>
          %parallel_loop3A_643 = arith.addf %parallel_loop3A_642, %get3A_254 : vector<16xf32>
          %parallel_loop3A_644 = arith.index_cast %parallel_loop3A_408 : i32 to index
          %parallel_loop3A_645 = arith.constant 368 : index
          %parallel_loop3A_646 = tpu.vector_load %arg8[%parallel_loop3A_644, %parallel_loop3A_645] {strides = array<i32>} : memref<128x768xf32, #tpu.memory_space<vmem>>, vector<1x16xf32>,
          %parallel_loop3A_647 = vector.shape_cast %parallel_loop3A_646 : vector<1x16xf32> to vector<16xf32>
          %parallel_loop3A_648 = vector.shape_cast %parallel_loop3A_643 : vector<16xf32> to vector<1x16xf32>
          tpu.vector_store %arg8[%parallel_loop3A_644, %parallel_loop3A_645], %parallel_loop3A_648 {strides = array<i32>} : memref<128x768xf32, #tpu.memory_space<vmem>>, vector<1x16xf32>,
        } {sc.loop_unroll_factor = 2 : i64, sc.parallel_access}
        %get3A_257 = arith.constant 1 : i32
        %get3A_258 = arith.index_cast %get3A_257 : i32 to index
        %get3A_259 = arith.constant 384 : index
        %get3A_260 = tpu.vector_load %arg7[%get3A_258, %get3A_259] {strides = array<i32>} : memref<4x768xf32, #tpu.memory_space<vmem>>, vector<1x16xf32>,
        %get3A_261 = vector.shape_cast %get3A_260 : vector<1x16xf32> to vector<16xf32>
        %get3A_262 = arith.constant 1 : i32
        %get3A_263 = arith.index_cast %get3A_262 : i32 to index
        %get3A_264 = arith.constant 400 : index
        %get3A_265 = tpu.vector_load %arg7[%get3A_263, %get3A_264] {strides = array<i32>} : memref<4x768xf32, #tpu.memory_space<vmem>>, vector<1x16xf32>,
        %get3A_266 = vector.shape_cast %get3A_265 : vector<1x16xf32> to vector<16xf32>
        %get3A_267 = arith.constant 1 : i32
        %get3A_268 = arith.index_cast %get3A_267 : i32 to index
        %get3A_269 = arith.constant 416 : index
        %get3A_270 = tpu.vector_load %arg7[%get3A_268, %get3A_269] {strides = array<i32>} : memref<4x768xf32, #tpu.memory_space<vmem>>, vector<1x16xf32>,
        %get3A_271 = vector.shape_cast %get3A_270 : vector<1x16xf32> to vector<16xf32>
        %get3A_272 = arith.constant 1 : i32
        %get3A_273 = arith.index_cast %get3A_272 : i32 to index
        %get3A_274 = arith.constant 432 : index
        %get3A_275 = tpu.vector_load %arg7[%get3A_273, %get3A_274] {strides = array<i32>} : memref<4x768xf32, #tpu.memory_space<vmem>>, vector<1x16xf32>,
        %get3A_276 = vector.shape_cast %get3A_275 : vector<1x16xf32> to vector<16xf32>
        %get3A_277 = arith.constant 1 : i32
        %get3A_278 = arith.index_cast %get3A_277 : i32 to index
        %get3A_279 = arith.constant 448 : index
        %get3A_280 = tpu.vector_load %arg7[%get3A_278, %get3A_279] {strides = array<i32>} : memref<4x768xf32, #tpu.memory_space<vmem>>, vector<1x16xf32>,
        %get3A_281 = vector.shape_cast %get3A_280 : vector<1x16xf32> to vector<16xf32>
        %get3A_282 = arith.constant 1 : i32
        %get3A_283 = arith.index_cast %get3A_282 : i32 to index
        %get3A_284 = arith.constant 464 : index
        %get3A_285 = tpu.vector_load %arg7[%get3A_283, %get3A_284] {strides = array<i32>} : memref<4x768xf32, #tpu.memory_space<vmem>>, vector<1x16xf32>,
        %get3A_286 = vector.shape_cast %get3A_285 : vector<1x16xf32> to vector<16xf32>
        %get3A_287 = arith.constant 1 : i32
        %get3A_288 = arith.index_cast %get3A_287 : i32 to index
        %get3A_289 = arith.constant 480 : index
        %get3A_290 = tpu.vector_load %arg7[%get3A_288, %get3A_289] {strides = array<i32>} : memref<4x768xf32, #tpu.memory_space<vmem>>, vector<1x16xf32>,
        %get3A_291 = vector.shape_cast %get3A_290 : vector<1x16xf32> to vector<16xf32>
        %get3A_292 = arith.constant 1 : i32
        %get3A_293 = arith.index_cast %get3A_292 : i32 to index
        %get3A_294 = arith.constant 496 : index
        %get3A_295 = tpu.vector_load %arg7[%get3A_293, %get3A_294] {strides = array<i32>} : memref<4x768xf32, #tpu.memory_space<vmem>>, vector<1x16xf32>,
        %get3A_296 = vector.shape_cast %get3A_295 : vector<1x16xf32> to vector<16xf32>
        %get3A_297 = arith.constant 1 : i32
        %get3A_298 = arith.index_cast %get3A_297 : i32 to index
        %get3A_299 = arith.constant 512 : index
        %get3A_300 = tpu.vector_load %arg7[%get3A_298, %get3A_299] {strides = array<i32>} : memref<4x768xf32, #tpu.memory_space<vmem>>, vector<1x16xf32>,
        %get3A_301 = vector.shape_cast %get3A_300 : vector<1x16xf32> to vector<16xf32>
        %get3A_302 = arith.constant 1 : i32
        %get3A_303 = arith.index_cast %get3A_302 : i32 to index
        %get3A_304 = arith.constant 528 : index
        %get3A_305 = tpu.vector_load %arg7[%get3A_303, %get3A_304] {strides = array<i32>} : memref<4x768xf32, #tpu.memory_space<vmem>>, vector<1x16xf32>,
        %get3A_306 = vector.shape_cast %get3A_305 : vector<1x16xf32> to vector<16xf32>
        %get3A_307 = arith.constant 1 : i32
        %get3A_308 = arith.index_cast %get3A_307 : i32 to index
        %get3A_309 = arith.constant 544 : index
        %get3A_310 = tpu.vector_load %arg7[%get3A_308, %get3A_309] {strides = array<i32>} : memref<4x768xf32, #tpu.memory_space<vmem>>, vector<1x16xf32>,
        %get3A_311 = vector.shape_cast %get3A_310 : vector<1x16xf32> to vector<16xf32>
        %get3A_312 = arith.constant 1 : i32
        %get3A_313 = arith.index_cast %get3A_312 : i32 to index
        %get3A_314 = arith.constant 560 : index
        %get3A_315 = tpu.vector_load %arg7[%get3A_313, %get3A_314] {strides = array<i32>} : memref<4x768xf32, #tpu.memory_space<vmem>>, vector<1x16xf32>,
        %get3A_316 = vector.shape_cast %get3A_315 : vector<1x16xf32> to vector<16xf32>
        %get3A_317 = arith.constant 1 : i32
        %get3A_318 = arith.index_cast %get3A_317 : i32 to index
        %get3A_319 = arith.constant 576 : index
        %get3A_320 = tpu.vector_load %arg7[%get3A_318, %get3A_319] {strides = array<i32>} : memref<4x768xf32, #tpu.memory_space<vmem>>, vector<1x16xf32>,
        %get3A_321 = vector.shape_cast %get3A_320 : vector<1x16xf32> to vector<16xf32>
        %get3A_322 = arith.constant 1 : i32
        %get3A_323 = arith.index_cast %get3A_322 : i32 to index
        %get3A_324 = arith.constant 592 : index
        %get3A_325 = tpu.vector_load %arg7[%get3A_323, %get3A_324] {strides = array<i32>} : memref<4x768xf32, #tpu.memory_space<vmem>>, vector<1x16xf32>,
        %get3A_326 = vector.shape_cast %get3A_325 : vector<1x16xf32> to vector<16xf32>
        %get3A_327 = arith.constant 1 : i32
        %get3A_328 = arith.index_cast %get3A_327 : i32 to index
        %get3A_329 = arith.constant 608 : index
        %get3A_330 = tpu.vector_load %arg7[%get3A_328, %get3A_329] {strides = array<i32>} : memref<4x768xf32, #tpu.memory_space<vmem>>, vector<1x16xf32>,
        %get3A_331 = vector.shape_cast %get3A_330 : vector<1x16xf32> to vector<16xf32>
        %get3A_332 = arith.constant 1 : i32
        %get3A_333 = arith.index_cast %get3A_332 : i32 to index
        %get3A_334 = arith.constant 624 : index
        %get3A_335 = tpu.vector_load %arg7[%get3A_333, %get3A_334] {strides = array<i32>} : memref<4x768xf32, #tpu.memory_space<vmem>>, vector<1x16xf32>,
        %get3A_336 = vector.shape_cast %get3A_335 : vector<1x16xf32> to vector<16xf32>
        %get3A_337 = arith.constant 1 : i32
        %get3A_338 = arith.index_cast %get3A_337 : i32 to index
        %get3A_339 = arith.constant 640 : index
        %get3A_340 = tpu.vector_load %arg7[%get3A_338, %get3A_339] {strides = array<i32>} : memref<4x768xf32, #tpu.memory_space<vmem>>, vector<1x16xf32>,
        %get3A_341 = vector.shape_cast %get3A_340 : vector<1x16xf32> to vector<16xf32>
        %get3A_342 = arith.constant 1 : i32
        %get3A_343 = arith.index_cast %get3A_342 : i32 to index
        %get3A_344 = arith.constant 656 : index
        %get3A_345 = tpu.vector_load %arg7[%get3A_343, %get3A_344] {strides = array<i32>} : memref<4x768xf32, #tpu.memory_space<vmem>>, vector<1x16xf32>,
        %get3A_346 = vector.shape_cast %get3A_345 : vector<1x16xf32> to vector<16xf32>
        %get3A_347 = arith.constant 1 : i32
        %get3A_348 = arith.index_cast %get3A_347 : i32 to index
        %get3A_349 = arith.constant 672 : index
        %get3A_350 = tpu.vector_load %arg7[%get3A_348, %get3A_349] {strides = array<i32>} : memref<4x768xf32, #tpu.memory_space<vmem>>, vector<1x16xf32>,
        %get3A_351 = vector.shape_cast %get3A_350 : vector<1x16xf32> to vector<16xf32>
        %get3A_352 = arith.constant 1 : i32
        %get3A_353 = arith.index_cast %get3A_352 : i32 to index
        %get3A_354 = arith.constant 688 : index
        %get3A_355 = tpu.vector_load %arg7[%get3A_353, %get3A_354] {strides = array<i32>} : memref<4x768xf32, #tpu.memory_space<vmem>>, vector<1x16xf32>,
        %get3A_356 = vector.shape_cast %get3A_355 : vector<1x16xf32> to vector<16xf32>
        %get3A_357 = arith.constant 1 : i32
        %get3A_358 = arith.index_cast %get3A_357 : i32 to index
        %get3A_359 = arith.constant 704 : index
        %get3A_360 = tpu.vector_load %arg7[%get3A_358, %get3A_359] {strides = array<i32>} : memref<4x768xf32, #tpu.memory_space<vmem>>, vector<1x16xf32>,
        %get3A_361 = vector.shape_cast %get3A_360 : vector<1x16xf32> to vector<16xf32>
        %get3A_362 = arith.constant 1 : i32
        %get3A_363 = arith.index_cast %get3A_362 : i32 to index
        %get3A_364 = arith.constant 720 : index
        %get3A_365 = tpu.vector_load %arg7[%get3A_363, %get3A_364] {strides = array<i32>} : memref<4x768xf32, #tpu.memory_space<vmem>>, vector<1x16xf32>,
        %get3A_366 = vector.shape_cast %get3A_365 : vector<1x16xf32> to vector<16xf32>
        %get3A_367 = arith.constant 1 : i32
        %get3A_368 = arith.index_cast %get3A_367 : i32 to index
        %get3A_369 = arith.constant 736 : index
        %get3A_370 = tpu.vector_load %arg7[%get3A_368, %get3A_369] {strides = array<i32>} : memref<4x768xf32, #tpu.memory_space<vmem>>, vector<1x16xf32>,
        %get3A_371 = vector.shape_cast %get3A_370 : vector<1x16xf32> to vector<16xf32>
        %get3A_372 = arith.constant 1 : i32
        %get3A_373 = arith.index_cast %get3A_372 : i32 to index
        %get3A_374 = arith.constant 752 : index
        %get3A_375 = tpu.vector_load %arg7[%get3A_373, %get3A_374] {strides = array<i32>} : memref<4x768xf32, #tpu.memory_space<vmem>>, vector<1x16xf32>,
        %get3A_376 = vector.shape_cast %get3A_375 : vector<1x16xf32> to vector<16xf32>
        %parallel_loop3A_377 = arith.constant 0 : i32
        %parallel_loop3A_378 = arith.constant 32 : i32
        %parallel_loop3A_379 = arith.constant 1 : i32
        scf.for %parallel_loop3A_406 = %parallel_loop3A_377 to %parallel_loop3A_378 step %parallel_loop3A_379  : i32 {
          %parallel_loop3A_407 = arith.constant 32 : i32
          %parallel_loop3A_408 = arith.addi %parallel_loop3A_407, %parallel_loop3A_406 : i32
          %parallel_loop3A_409 = arith.index_cast %parallel_loop3A_408 : i32 to index
          %parallel_loop3A_410 = arith.constant 384 : index
          %parallel_loop3A_411 = tpu.vector_load %arg8[%parallel_loop3A_409, %parallel_loop3A_410] {strides = array<i32>} : memref<128x768xf32, #tpu.memory_space<vmem>>, vector<1x16xf32>,
          %parallel_loop3A_412 = vector.shape_cast %parallel_loop3A_411 : vector<1x16xf32> to vector<16xf32>
          %parallel_loop3A_413 = arith.addf %parallel_loop3A_412, %get3A_261 : vector<16xf32>
          %parallel_loop3A_414 = arith.index_cast %parallel_loop3A_408 : i32 to index
          %parallel_loop3A_415 = arith.constant 384 : index
          %parallel_loop3A_416 = tpu.vector_load %arg8[%parallel_loop3A_414, %parallel_loop3A_415] {strides = array<i32>} : memref<128x768xf32, #tpu.memory_space<vmem>>, vector<1x16xf32>,
          %parallel_loop3A_417 = vector.shape_cast %parallel_loop3A_416 : vector<1x16xf32> to vector<16xf32>
          %parallel_loop3A_418 = vector.shape_cast %parallel_loop3A_413 : vector<16xf32> to vector<1x16xf32>
          tpu.vector_store %arg8[%parallel_loop3A_414, %parallel_loop3A_415], %parallel_loop3A_418 {strides = array<i32>} : memref<128x768xf32, #tpu.memory_space<vmem>>, vector<1x16xf32>,
          %parallel_loop3A_419 = arith.index_cast %parallel_loop3A_408 : i32 to index
          %parallel_loop3A_420 = arith.constant 400 : index
          %parallel_loop3A_421 = tpu.vector_load %arg8[%parallel_loop3A_419, %parallel_loop3A_420] {strides = array<i32>} : memref<128x768xf32, #tpu.memory_space<vmem>>, vector<1x16xf32>,
          %parallel_loop3A_422 = vector.shape_cast %parallel_loop3A_421 : vector<1x16xf32> to vector<16xf32>
          %parallel_loop3A_423 = arith.addf %parallel_loop3A_422, %get3A_266 : vector<16xf32>
          %parallel_loop3A_424 = arith.index_cast %parallel_loop3A_408 : i32 to index
          %parallel_loop3A_425 = arith.constant 400 : index
          %parallel_loop3A_426 = tpu.vector_load %arg8[%parallel_loop3A_424, %parallel_loop3A_425] {strides = array<i32>} : memref<128x768xf32, #tpu.memory_space<vmem>>, vector<1x16xf32>,
          %parallel_loop3A_427 = vector.shape_cast %parallel_loop3A_426 : vector<1x16xf32> to vector<16xf32>
          %parallel_loop3A_428 = vector.shape_cast %parallel_loop3A_423 : vector<16xf32> to vector<1x16xf32>
          tpu.vector_store %arg8[%parallel_loop3A_424, %parallel_loop3A_425], %parallel_loop3A_428 {strides = array<i32>} : memref<128x768xf32, #tpu.memory_space<vmem>>, vector<1x16xf32>,
          %parallel_loop3A_429 = arith.index_cast %parallel_loop3A_408 : i32 to index
          %parallel_loop3A_430 = arith.constant 416 : index
          %parallel_loop3A_431 = tpu.vector_load %arg8[%parallel_loop3A_429, %parallel_loop3A_430] {strides = array<i32>} : memref<128x768xf32, #tpu.memory_space<vmem>>, vector<1x16xf32>,
          %parallel_loop3A_432 = vector.shape_cast %parallel_loop3A_431 : vector<1x16xf32> to vector<16xf32>
          %parallel_loop3A_433 = arith.addf %parallel_loop3A_432, %get3A_271 : vector<16xf32>
          %parallel_loop3A_434 = arith.index_cast %parallel_loop3A_408 : i32 to index
          %parallel_loop3A_435 = arith.constant 416 : index
          %parallel_loop3A_436 = tpu.vector_load %arg8[%parallel_loop3A_434, %parallel_loop3A_435] {strides = array<i32>} : memref<128x768xf32, #tpu.memory_space<vmem>>, vector<1x16xf32>,
          %parallel_loop3A_437 = vector.shape_cast %parallel_loop3A_436 : vector<1x16xf32> to vector<16xf32>
          %parallel_loop3A_438 = vector.shape_cast %parallel_loop3A_433 : vector<16xf32> to vector<1x16xf32>
          tpu.vector_store %arg8[%parallel_loop3A_434, %parallel_loop3A_435], %parallel_loop3A_438 {strides = array<i32>} : memref<128x768xf32, #tpu.memory_space<vmem>>, vector<1x16xf32>,
          %parallel_loop3A_439 = arith.index_cast %parallel_loop3A_408 : i32 to index
          %parallel_loop3A_440 = arith.constant 432 : index
          %parallel_loop3A_441 = tpu.vector_load %arg8[%parallel_loop3A_439, %parallel_loop3A_440] {strides = array<i32>} : memref<128x768xf32, #tpu.memory_space<vmem>>, vector<1x16xf32>,
          %parallel_loop3A_442 = vector.shape_cast %parallel_loop3A_441 : vector<1x16xf32> to vector<16xf32>
          %parallel_loop3A_443 = arith.addf %parallel_loop3A_442, %get3A_276 : vector<16xf32>
          %parallel_loop3A_444 = arith.index_cast %parallel_loop3A_408 : i32 to index
          %parallel_loop3A_445 = arith.constant 432 : index
          %parallel_loop3A_446 = tpu.vector_load %arg8[%parallel_loop3A_444, %parallel_loop3A_445] {strides = array<i32>} : memref<128x768xf32, #tpu.memory_space<vmem>>, vector<1x16xf32>,
          %parallel_loop3A_447 = vector.shape_cast %parallel_loop3A_446 : vector<1x16xf32> to vector<16xf32>
          %parallel_loop3A_448 = vector.shape_cast %parallel_loop3A_443 : vector<16xf32> to vector<1x16xf32>
          tpu.vector_store %arg8[%parallel_loop3A_444, %parallel_loop3A_445], %parallel_loop3A_448 {strides = array<i32>} : memref<128x768xf32, #tpu.memory_space<vmem>>, vector<1x16xf32>,
          %parallel_loop3A_449 = arith.index_cast %parallel_loop3A_408 : i32 to index
          %parallel_loop3A_450 = arith.constant 448 : index
          %parallel_loop3A_451 = tpu.vector_load %arg8[%parallel_loop3A_449, %parallel_loop3A_450] {strides = array<i32>} : memref<128x768xf32, #tpu.memory_space<vmem>>, vector<1x16xf32>,
          %parallel_loop3A_452 = vector.shape_cast %parallel_loop3A_451 : vector<1x16xf32> to vector<16xf32>
          %parallel_loop3A_453 = arith.addf %parallel_loop3A_452, %get3A_281 : vector<16xf32>
          %parallel_loop3A_454 = arith.index_cast %parallel_loop3A_408 : i32 to index
          %parallel_loop3A_455 = arith.constant 448 : index
          %parallel_loop3A_456 = tpu.vector_load %arg8[%parallel_loop3A_454, %parallel_loop3A_455] {strides = array<i32>} : memref<128x768xf32, #tpu.memory_space<vmem>>, vector<1x16xf32>,
          %parallel_loop3A_457 = vector.shape_cast %parallel_loop3A_456 : vector<1x16xf32> to vector<16xf32>
          %parallel_loop3A_458 = vector.shape_cast %parallel_loop3A_453 : vector<16xf32> to vector<1x16xf32>
          tpu.vector_store %arg8[%parallel_loop3A_454, %parallel_loop3A_455], %parallel_loop3A_458 {strides = array<i32>} : memref<128x768xf32, #tpu.memory_space<vmem>>, vector<1x16xf32>,
          %parallel_loop3A_459 = arith.index_cast %parallel_loop3A_408 : i32 to index
          %parallel_loop3A_460 = arith.constant 464 : index
          %parallel_loop3A_461 = tpu.vector_load %arg8[%parallel_loop3A_459, %parallel_loop3A_460] {strides = array<i32>} : memref<128x768xf32, #tpu.memory_space<vmem>>, vector<1x16xf32>,
          %parallel_loop3A_462 = vector.shape_cast %parallel_loop3A_461 : vector<1x16xf32> to vector<16xf32>
          %parallel_loop3A_463 = arith.addf %parallel_loop3A_462, %get3A_286 : vector<16xf32>
          %parallel_loop3A_464 = arith.index_cast %parallel_loop3A_408 : i32 to index
          %parallel_loop3A_465 = arith.constant 464 : index
          %parallel_loop3A_466 = tpu.vector_load %arg8[%parallel_loop3A_464, %parallel_loop3A_465] {strides = array<i32>} : memref<128x768xf32, #tpu.memory_space<vmem>>, vector<1x16xf32>,
          %parallel_loop3A_467 = vector.shape_cast %parallel_loop3A_466 : vector<1x16xf32> to vector<16xf32>
          %parallel_loop3A_468 = vector.shape_cast %parallel_loop3A_463 : vector<16xf32> to vector<1x16xf32>
          tpu.vector_store %arg8[%parallel_loop3A_464, %parallel_loop3A_465], %parallel_loop3A_468 {strides = array<i32>} : memref<128x768xf32, #tpu.memory_space<vmem>>, vector<1x16xf32>,
          %parallel_loop3A_469 = arith.index_cast %parallel_loop3A_408 : i32 to index
          %parallel_loop3A_470 = arith.constant 480 : index
          %parallel_loop3A_471 = tpu.vector_load %arg8[%parallel_loop3A_469, %parallel_loop3A_470] {strides = array<i32>} : memref<128x768xf32, #tpu.memory_space<vmem>>, vector<1x16xf32>,
          %parallel_loop3A_472 = vector.shape_cast %parallel_loop3A_471 : vector<1x16xf32> to vector<16xf32>
          %parallel_loop3A_473 = arith.addf %parallel_loop3A_472, %get3A_291 : vector<16xf32>
          %parallel_loop3A_474 = arith.index_cast %parallel_loop3A_408 : i32 to index
          %parallel_loop3A_475 = arith.constant 480 : index
          %parallel_loop3A_476 = tpu.vector_load %arg8[%parallel_loop3A_474, %parallel_loop3A_475] {strides = array<i32>} : memref<128x768xf32, #tpu.memory_space<vmem>>, vector<1x16xf32>,
          %parallel_loop3A_477 = vector.shape_cast %parallel_loop3A_476 : vector<1x16xf32> to vector<16xf32>
          %parallel_loop3A_478 = vector.shape_cast %parallel_loop3A_473 : vector<16xf32> to vector<1x16xf32>
          tpu.vector_store %arg8[%parallel_loop3A_474, %parallel_loop3A_475], %parallel_loop3A_478 {strides = array<i32>} : memref<128x768xf32, #tpu.memory_space<vmem>>, vector<1x16xf32>,
          %parallel_loop3A_479 = arith.index_cast %parallel_loop3A_408 : i32 to index
          %parallel_loop3A_480 = arith.constant 496 : index
          %parallel_loop3A_481 = tpu.vector_load %arg8[%parallel_loop3A_479, %parallel_loop3A_480] {strides = array<i32>} : memref<128x768xf32, #tpu.memory_space<vmem>>, vector<1x16xf32>,
          %parallel_loop3A_482 = vector.shape_cast %parallel_loop3A_481 : vector<1x16xf32> to vector<16xf32>
          %parallel_loop3A_483 = arith.addf %parallel_loop3A_482, %get3A_296 : vector<16xf32>
          %parallel_loop3A_484 = arith.index_cast %parallel_loop3A_408 : i32 to index
          %parallel_loop3A_485 = arith.constant 496 : index
          %parallel_loop3A_486 = tpu.vector_load %arg8[%parallel_loop3A_484, %parallel_loop3A_485] {strides = array<i32>} : memref<128x768xf32, #tpu.memory_space<vmem>>, vector<1x16xf32>,
          %parallel_loop3A_487 = vector.shape_cast %parallel_loop3A_486 : vector<1x16xf32> to vector<16xf32>
          %parallel_loop3A_488 = vector.shape_cast %parallel_loop3A_483 : vector<16xf32> to vector<1x16xf32>
          tpu.vector_store %arg8[%parallel_loop3A_484, %parallel_loop3A_485], %parallel_loop3A_488 {strides = array<i32>} : memref<128x768xf32, #tpu.memory_space<vmem>>, vector<1x16xf32>,
          %parallel_loop3A_489 = arith.index_cast %parallel_loop3A_408 : i32 to index
          %parallel_loop3A_490 = arith.constant 512 : index
          %parallel_loop3A_491 = tpu.vector_load %arg8[%parallel_loop3A_489, %parallel_loop3A_490] {strides = array<i32>} : memref<128x768xf32, #tpu.memory_space<vmem>>, vector<1x16xf32>,
          %parallel_loop3A_492 = vector.shape_cast %parallel_loop3A_491 : vector<1x16xf32> to vector<16xf32>
          %parallel_loop3A_493 = arith.addf %parallel_loop3A_492, %get3A_301 : vector<16xf32>
          %parallel_loop3A_494 = arith.index_cast %parallel_loop3A_408 : i32 to index
          %parallel_loop3A_495 = arith.constant 512 : index
          %parallel_loop3A_496 = tpu.vector_load %arg8[%parallel_loop3A_494, %parallel_loop3A_495] {strides = array<i32>} : memref<128x768xf32, #tpu.memory_space<vmem>>, vector<1x16xf32>,
          %parallel_loop3A_497 = vector.shape_cast %parallel_loop3A_496 : vector<1x16xf32> to vector<16xf32>
          %parallel_loop3A_498 = vector.shape_cast %parallel_loop3A_493 : vector<16xf32> to vector<1x16xf32>
          tpu.vector_store %arg8[%parallel_loop3A_494, %parallel_loop3A_495], %parallel_loop3A_498 {strides = array<i32>} : memref<128x768xf32, #tpu.memory_space<vmem>>, vector<1x16xf32>,
          %parallel_loop3A_499 = arith.index_cast %parallel_loop3A_408 : i32 to index
          %parallel_loop3A_500 = arith.constant 528 : index
          %parallel_loop3A_501 = tpu.vector_load %arg8[%parallel_loop3A_499, %parallel_loop3A_500] {strides = array<i32>} : memref<128x768xf32, #tpu.memory_space<vmem>>, vector<1x16xf32>,
          %parallel_loop3A_502 = vector.shape_cast %parallel_loop3A_501 : vector<1x16xf32> to vector<16xf32>
          %parallel_loop3A_503 = arith.addf %parallel_loop3A_502, %get3A_306 : vector<16xf32>
          %parallel_loop3A_504 = arith.index_cast %parallel_loop3A_408 : i32 to index
          %parallel_loop3A_505 = arith.constant 528 : index
          %parallel_loop3A_506 = tpu.vector_load %arg8[%parallel_loop3A_504, %parallel_loop3A_505] {strides = array<i32>} : memref<128x768xf32, #tpu.memory_space<vmem>>, vector<1x16xf32>,
          %parallel_loop3A_507 = vector.shape_cast %parallel_loop3A_506 : vector<1x16xf32> to vector<16xf32>
          %parallel_loop3A_508 = vector.shape_cast %parallel_loop3A_503 : vector<16xf32> to vector<1x16xf32>
          tpu.vector_store %arg8[%parallel_loop3A_504, %parallel_loop3A_505], %parallel_loop3A_508 {strides = array<i32>} : memref<128x768xf32, #tpu.memory_space<vmem>>, vector<1x16xf32>,
          %parallel_loop3A_509 = arith.index_cast %parallel_loop3A_408 : i32 to index
          %parallel_loop3A_510 = arith.constant 544 : index
          %parallel_loop3A_511 = tpu.vector_load %arg8[%parallel_loop3A_509, %parallel_loop3A_510] {strides = array<i32>} : memref<128x768xf32, #tpu.memory_space<vmem>>, vector<1x16xf32>,
          %parallel_loop3A_512 = vector.shape_cast %parallel_loop3A_511 : vector<1x16xf32> to vector<16xf32>
          %parallel_loop3A_513 = arith.addf %parallel_loop3A_512, %get3A_311 : vector<16xf32>
          %parallel_loop3A_514 = arith.index_cast %parallel_loop3A_408 : i32 to index
          %parallel_loop3A_515 = arith.constant 544 : index
          %parallel_loop3A_516 = tpu.vector_load %arg8[%parallel_loop3A_514, %parallel_loop3A_515] {strides = array<i32>} : memref<128x768xf32, #tpu.memory_space<vmem>>, vector<1x16xf32>,
          %parallel_loop3A_517 = vector.shape_cast %parallel_loop3A_516 : vector<1x16xf32> to vector<16xf32>
          %parallel_loop3A_518 = vector.shape_cast %parallel_loop3A_513 : vector<16xf32> to vector<1x16xf32>
          tpu.vector_store %arg8[%parallel_loop3A_514, %parallel_loop3A_515], %parallel_loop3A_518 {strides = array<i32>} : memref<128x768xf32, #tpu.memory_space<vmem>>, vector<1x16xf32>,
          %parallel_loop3A_519 = arith.index_cast %parallel_loop3A_408 : i32 to index
          %parallel_loop3A_520 = arith.constant 560 : index
          %parallel_loop3A_521 = tpu.vector_load %arg8[%parallel_loop3A_519, %parallel_loop3A_520] {strides = array<i32>} : memref<128x768xf32, #tpu.memory_space<vmem>>, vector<1x16xf32>,
          %parallel_loop3A_522 = vector.shape_cast %parallel_loop3A_521 : vector<1x16xf32> to vector<16xf32>
          %parallel_loop3A_523 = arith.addf %parallel_loop3A_522, %get3A_316 : vector<16xf32>
          %parallel_loop3A_524 = arith.index_cast %parallel_loop3A_408 : i32 to index
          %parallel_loop3A_525 = arith.constant 560 : index
          %parallel_loop3A_526 = tpu.vector_load %arg8[%parallel_loop3A_524, %parallel_loop3A_525] {strides = array<i32>} : memref<128x768xf32, #tpu.memory_space<vmem>>, vector<1x16xf32>,
          %parallel_loop3A_527 = vector.shape_cast %parallel_loop3A_526 : vector<1x16xf32> to vector<16xf32>
          %parallel_loop3A_528 = vector.shape_cast %parallel_loop3A_523 : vector<16xf32> to vector<1x16xf32>
          tpu.vector_store %arg8[%parallel_loop3A_524, %parallel_loop3A_525], %parallel_loop3A_528 {strides = array<i32>} : memref<128x768xf32, #tpu.memory_space<vmem>>, vector<1x16xf32>,
          %parallel_loop3A_529 = arith.index_cast %parallel_loop3A_408 : i32 to index
          %parallel_loop3A_530 = arith.constant 576 : index
          %parallel_loop3A_531 = tpu.vector_load %arg8[%parallel_loop3A_529, %parallel_loop3A_530] {strides = array<i32>} : memref<128x768xf32, #tpu.memory_space<vmem>>, vector<1x16xf32>,
          %parallel_loop3A_532 = vector.shape_cast %parallel_loop3A_531 : vector<1x16xf32> to vector<16xf32>
          %parallel_loop3A_533 = arith.addf %parallel_loop3A_532, %get3A_321 : vector<16xf32>
          %parallel_loop3A_534 = arith.index_cast %parallel_loop3A_408 : i32 to index
          %parallel_loop3A_535 = arith.constant 576 : index
          %parallel_loop3A_536 = tpu.vector_load %arg8[%parallel_loop3A_534, %parallel_loop3A_535] {strides = array<i32>} : memref<128x768xf32, #tpu.memory_space<vmem>>, vector<1x16xf32>,
          %parallel_loop3A_537 = vector.shape_cast %parallel_loop3A_536 : vector<1x16xf32> to vector<16xf32>
          %parallel_loop3A_538 = vector.shape_cast %parallel_loop3A_533 : vector<16xf32> to vector<1x16xf32>
          tpu.vector_store %arg8[%parallel_loop3A_534, %parallel_loop3A_535], %parallel_loop3A_538 {strides = array<i32>} : memref<128x768xf32, #tpu.memory_space<vmem>>, vector<1x16xf32>,
          %parallel_loop3A_539 = arith.index_cast %parallel_loop3A_408 : i32 to index
          %parallel_loop3A_540 = arith.constant 592 : index
          %parallel_loop3A_541 = tpu.vector_load %arg8[%parallel_loop3A_539, %parallel_loop3A_540] {strides = array<i32>} : memref<128x768xf32, #tpu.memory_space<vmem>>, vector<1x16xf32>,
          %parallel_loop3A_542 = vector.shape_cast %parallel_loop3A_541 : vector<1x16xf32> to vector<16xf32>
          %parallel_loop3A_543 = arith.addf %parallel_loop3A_542, %get3A_326 : vector<16xf32>
          %parallel_loop3A_544 = arith.index_cast %parallel_loop3A_408 : i32 to index
          %parallel_loop3A_545 = arith.constant 592 : index
          %parallel_loop3A_546 = tpu.vector_load %arg8[%parallel_loop3A_544, %parallel_loop3A_545] {strides = array<i32>} : memref<128x768xf32, #tpu.memory_space<vmem>>, vector<1x16xf32>,
          %parallel_loop3A_547 = vector.shape_cast %parallel_loop3A_546 : vector<1x16xf32> to vector<16xf32>
          %parallel_loop3A_548 = vector.shape_cast %parallel_loop3A_543 : vector<16xf32> to vector<1x16xf32>
          tpu.vector_store %arg8[%parallel_loop3A_544, %parallel_loop3A_545], %parallel_loop3A_548 {strides = array<i32>} : memref<128x768xf32, #tpu.memory_space<vmem>>, vector<1x16xf32>,
          %parallel_loop3A_549 = arith.index_cast %parallel_loop3A_408 : i32 to index
          %parallel_loop3A_550 = arith.constant 608 : index
          %parallel_loop3A_551 = tpu.vector_load %arg8[%parallel_loop3A_549, %parallel_loop3A_550] {strides = array<i32>} : memref<128x768xf32, #tpu.memory_space<vmem>>, vector<1x16xf32>,
          %parallel_loop3A_552 = vector.shape_cast %parallel_loop3A_551 : vector<1x16xf32> to vector<16xf32>
          %parallel_loop3A_553 = arith.addf %parallel_loop3A_552, %get3A_331 : vector<16xf32>
          %parallel_loop3A_554 = arith.index_cast %parallel_loop3A_408 : i32 to index
          %parallel_loop3A_555 = arith.constant 608 : index
          %parallel_loop3A_556 = tpu.vector_load %arg8[%parallel_loop3A_554, %parallel_loop3A_555] {strides = array<i32>} : memref<128x768xf32, #tpu.memory_space<vmem>>, vector<1x16xf32>,
          %parallel_loop3A_557 = vector.shape_cast %parallel_loop3A_556 : vector<1x16xf32> to vector<16xf32>
          %parallel_loop3A_558 = vector.shape_cast %parallel_loop3A_553 : vector<16xf32> to vector<1x16xf32>
          tpu.vector_store %arg8[%parallel_loop3A_554, %parallel_loop3A_555], %parallel_loop3A_558 {strides = array<i32>} : memref<128x768xf32, #tpu.memory_space<vmem>>, vector<1x16xf32>,
          %parallel_loop3A_559 = arith.index_cast %parallel_loop3A_408 : i32 to index
          %parallel_loop3A_560 = arith.constant 624 : index
          %parallel_loop3A_561 = tpu.vector_load %arg8[%parallel_loop3A_559, %parallel_loop3A_560] {strides = array<i32>} : memref<128x768xf32, #tpu.memory_space<vmem>>, vector<1x16xf32>,
          %parallel_loop3A_562 = vector.shape_cast %parallel_loop3A_561 : vector<1x16xf32> to vector<16xf32>
          %parallel_loop3A_563 = arith.addf %parallel_loop3A_562, %get3A_336 : vector<16xf32>
          %parallel_loop3A_564 = arith.index_cast %parallel_loop3A_408 : i32 to index
          %parallel_loop3A_565 = arith.constant 624 : index
          %parallel_loop3A_566 = tpu.vector_load %arg8[%parallel_loop3A_564, %parallel_loop3A_565] {strides = array<i32>} : memref<128x768xf32, #tpu.memory_space<vmem>>, vector<1x16xf32>,
          %parallel_loop3A_567 = vector.shape_cast %parallel_loop3A_566 : vector<1x16xf32> to vector<16xf32>
          %parallel_loop3A_568 = vector.shape_cast %parallel_loop3A_563 : vector<16xf32> to vector<1x16xf32>
          tpu.vector_store %arg8[%parallel_loop3A_564, %parallel_loop3A_565], %parallel_loop3A_568 {strides = array<i32>} : memref<128x768xf32, #tpu.memory_space<vmem>>, vector<1x16xf32>,
          %parallel_loop3A_569 = arith.index_cast %parallel_loop3A_408 : i32 to index
          %parallel_loop3A_570 = arith.constant 640 : index
          %parallel_loop3A_571 = tpu.vector_load %arg8[%parallel_loop3A_569, %parallel_loop3A_570] {strides = array<i32>} : memref<128x768xf32, #tpu.memory_space<vmem>>, vector<1x16xf32>,
          %parallel_loop3A_572 = vector.shape_cast %parallel_loop3A_571 : vector<1x16xf32> to vector<16xf32>
          %parallel_loop3A_573 = arith.addf %parallel_loop3A_572, %get3A_341 : vector<16xf32>
          %parallel_loop3A_574 = arith.index_cast %parallel_loop3A_408 : i32 to index
          %parallel_loop3A_575 = arith.constant 640 : index
          %parallel_loop3A_576 = tpu.vector_load %arg8[%parallel_loop3A_574, %parallel_loop3A_575] {strides = array<i32>} : memref<128x768xf32, #tpu.memory_space<vmem>>, vector<1x16xf32>,
          %parallel_loop3A_577 = vector.shape_cast %parallel_loop3A_576 : vector<1x16xf32> to vector<16xf32>
          %parallel_loop3A_578 = vector.shape_cast %parallel_loop3A_573 : vector<16xf32> to vector<1x16xf32>
          tpu.vector_store %arg8[%parallel_loop3A_574, %parallel_loop3A_575], %parallel_loop3A_578 {strides = array<i32>} : memref<128x768xf32, #tpu.memory_space<vmem>>, vector<1x16xf32>,
          %parallel_loop3A_579 = arith.index_cast %parallel_loop3A_408 : i32 to index
          %parallel_loop3A_580 = arith.constant 656 : index
          %parallel_loop3A_581 = tpu.vector_load %arg8[%parallel_loop3A_579, %parallel_loop3A_580] {strides = array<i32>} : memref<128x768xf32, #tpu.memory_space<vmem>>, vector<1x16xf32>,
          %parallel_loop3A_582 = vector.shape_cast %parallel_loop3A_581 : vector<1x16xf32> to vector<16xf32>
          %parallel_loop3A_583 = arith.addf %parallel_loop3A_582, %get3A_346 : vector<16xf32>
          %parallel_loop3A_584 = arith.index_cast %parallel_loop3A_408 : i32 to index
          %parallel_loop3A_585 = arith.constant 656 : index
          %parallel_loop3A_586 = tpu.vector_load %arg8[%parallel_loop3A_584, %parallel_loop3A_585] {strides = array<i32>} : memref<128x768xf32, #tpu.memory_space<vmem>>, vector<1x16xf32>,
          %parallel_loop3A_587 = vector.shape_cast %parallel_loop3A_586 : vector<1x16xf32> to vector<16xf32>
          %parallel_loop3A_588 = vector.shape_cast %parallel_loop3A_583 : vector<16xf32> to vector<1x16xf32>
          tpu.vector_store %arg8[%parallel_loop3A_584, %parallel_loop3A_585], %parallel_loop3A_588 {strides = array<i32>} : memref<128x768xf32, #tpu.memory_space<vmem>>, vector<1x16xf32>,
          %parallel_loop3A_589 = arith.index_cast %parallel_loop3A_408 : i32 to index
          %parallel_loop3A_590 = arith.constant 672 : index
          %parallel_loop3A_591 = tpu.vector_load %arg8[%parallel_loop3A_589, %parallel_loop3A_590] {strides = array<i32>} : memref<128x768xf32, #tpu.memory_space<vmem>>, vector<1x16xf32>,
          %parallel_loop3A_592 = vector.shape_cast %parallel_loop3A_591 : vector<1x16xf32> to vector<16xf32>
          %parallel_loop3A_593 = arith.addf %parallel_loop3A_592, %get3A_351 : vector<16xf32>
          %parallel_loop3A_594 = arith.index_cast %parallel_loop3A_408 : i32 to index
          %parallel_loop3A_595 = arith.constant 672 : index
          %parallel_loop3A_596 = tpu.vector_load %arg8[%parallel_loop3A_594, %parallel_loop3A_595] {strides = array<i32>} : memref<128x768xf32, #tpu.memory_space<vmem>>, vector<1x16xf32>,
          %parallel_loop3A_597 = vector.shape_cast %parallel_loop3A_596 : vector<1x16xf32> to vector<16xf32>
          %parallel_loop3A_598 = vector.shape_cast %parallel_loop3A_593 : vector<16xf32> to vector<1x16xf32>
          tpu.vector_store %arg8[%parallel_loop3A_594, %parallel_loop3A_595], %parallel_loop3A_598 {strides = array<i32>} : memref<128x768xf32, #tpu.memory_space<vmem>>, vector<1x16xf32>,
          %parallel_loop3A_599 = arith.index_cast %parallel_loop3A_408 : i32 to index
          %parallel_loop3A_600 = arith.constant 688 : index
          %parallel_loop3A_601 = tpu.vector_load %arg8[%parallel_loop3A_599, %parallel_loop3A_600] {strides = array<i32>} : memref<128x768xf32, #tpu.memory_space<vmem>>, vector<1x16xf32>,
          %parallel_loop3A_602 = vector.shape_cast %parallel_loop3A_601 : vector<1x16xf32> to vector<16xf32>
          %parallel_loop3A_603 = arith.addf %parallel_loop3A_602, %get3A_356 : vector<16xf32>
          %parallel_loop3A_604 = arith.index_cast %parallel_loop3A_408 : i32 to index
          %parallel_loop3A_605 = arith.constant 688 : index
          %parallel_loop3A_606 = tpu.vector_load %arg8[%parallel_loop3A_604, %parallel_loop3A_605] {strides = array<i32>} : memref<128x768xf32, #tpu.memory_space<vmem>>, vector<1x16xf32>,
          %parallel_loop3A_607 = vector.shape_cast %parallel_loop3A_606 : vector<1x16xf32> to vector<16xf32>
          %parallel_loop3A_608 = vector.shape_cast %parallel_loop3A_603 : vector<16xf32> to vector<1x16xf32>
          tpu.vector_store %arg8[%parallel_loop3A_604, %parallel_loop3A_605], %parallel_loop3A_608 {strides = array<i32>} : memref<128x768xf32, #tpu.memory_space<vmem>>, vector<1x16xf32>,
          %parallel_loop3A_609 = arith.index_cast %parallel_loop3A_408 : i32 to index
          %parallel_loop3A_610 = arith.constant 704 : index
          %parallel_loop3A_611 = tpu.vector_load %arg8[%parallel_loop3A_609, %parallel_loop3A_610] {strides = array<i32>} : memref<128x768xf32, #tpu.memory_space<vmem>>, vector<1x16xf32>,
          %parallel_loop3A_612 = vector.shape_cast %parallel_loop3A_611 : vector<1x16xf32> to vector<16xf32>
          %parallel_loop3A_613 = arith.addf %parallel_loop3A_612, %get3A_361 : vector<16xf32>
          %parallel_loop3A_614 = arith.index_cast %parallel_loop3A_408 : i32 to index
          %parallel_loop3A_615 = arith.constant 704 : index
          %parallel_loop3A_616 = tpu.vector_load %arg8[%parallel_loop3A_614, %parallel_loop3A_615] {strides = array<i32>} : memref<128x768xf32, #tpu.memory_space<vmem>>, vector<1x16xf32>,
          %parallel_loop3A_617 = vector.shape_cast %parallel_loop3A_616 : vector<1x16xf32> to vector<16xf32>
          %parallel_loop3A_618 = vector.shape_cast %parallel_loop3A_613 : vector<16xf32> to vector<1x16xf32>
          tpu.vector_store %arg8[%parallel_loop3A_614, %parallel_loop3A_615], %parallel_loop3A_618 {strides = array<i32>} : memref<128x768xf32, #tpu.memory_space<vmem>>, vector<1x16xf32>,
          %parallel_loop3A_619 = arith.index_cast %parallel_loop3A_408 : i32 to index
          %parallel_loop3A_620 = arith.constant 720 : index
          %parallel_loop3A_621 = tpu.vector_load %arg8[%parallel_loop3A_619, %parallel_loop3A_620] {strides = array<i32>} : memref<128x768xf32, #tpu.memory_space<vmem>>, vector<1x16xf32>,
          %parallel_loop3A_622 = vector.shape_cast %parallel_loop3A_621 : vector<1x16xf32> to vector<16xf32>
          %parallel_loop3A_623 = arith.addf %parallel_loop3A_622, %get3A_366 : vector<16xf32>
          %parallel_loop3A_624 = arith.index_cast %parallel_loop3A_408 : i32 to index
          %parallel_loop3A_625 = arith.constant 720 : index
          %parallel_loop3A_626 = tpu.vector_load %arg8[%parallel_loop3A_624, %parallel_loop3A_625] {strides = array<i32>} : memref<128x768xf32, #tpu.memory_space<vmem>>, vector<1x16xf32>,
          %parallel_loop3A_627 = vector.shape_cast %parallel_loop3A_626 : vector<1x16xf32> to vector<16xf32>
          %parallel_loop3A_628 = vector.shape_cast %parallel_loop3A_623 : vector<16xf32> to vector<1x16xf32>
          tpu.vector_store %arg8[%parallel_loop3A_624, %parallel_loop3A_625], %parallel_loop3A_628 {strides = array<i32>} : memref<128x768xf32, #tpu.memory_space<vmem>>, vector<1x16xf32>,
          %parallel_loop3A_629 = arith.index_cast %parallel_loop3A_408 : i32 to index
          %parallel_loop3A_630 = arith.constant 736 : index
          %parallel_loop3A_631 = tpu.vector_load %arg8[%parallel_loop3A_629, %parallel_loop3A_630] {strides = array<i32>} : memref<128x768xf32, #tpu.memory_space<vmem>>, vector<1x16xf32>,
          %parallel_loop3A_632 = vector.shape_cast %parallel_loop3A_631 : vector<1x16xf32> to vector<16xf32>
          %parallel_loop3A_633 = arith.addf %parallel_loop3A_632, %get3A_371 : vector<16xf32>
          %parallel_loop3A_634 = arith.index_cast %parallel_loop3A_408 : i32 to index
          %parallel_loop3A_635 = arith.constant 736 : index
          %parallel_loop3A_636 = tpu.vector_load %arg8[%parallel_loop3A_634, %parallel_loop3A_635] {strides = array<i32>} : memref<128x768xf32, #tpu.memory_space<vmem>>, vector<1x16xf32>,
          %parallel_loop3A_637 = vector.shape_cast %parallel_loop3A_636 : vector<1x16xf32> to vector<16xf32>
          %parallel_loop3A_638 = vector.shape_cast %parallel_loop3A_633 : vector<16xf32> to vector<1x16xf32>
          tpu.vector_store %arg8[%parallel_loop3A_634, %parallel_loop3A_635], %parallel_loop3A_638 {strides = array<i32>} : memref<128x768xf32, #tpu.memory_space<vmem>>, vector<1x16xf32>,
          %parallel_loop3A_639 = arith.index_cast %parallel_loop3A_408 : i32 to index
          %parallel_loop3A_640 = arith.constant 752 : index
          %parallel_loop3A_641 = tpu.vector_load %arg8[%parallel_loop3A_639, %parallel_loop3A_640] {strides = array<i32>} : memref<128x768xf32, #tpu.memory_space<vmem>>, vector<1x16xf32>,
          %parallel_loop3A_642 = vector.shape_cast %parallel_loop3A_641 : vector<1x16xf32> to vector<16xf32>
          %parallel_loop3A_643 = arith.addf %parallel_loop3A_642, %get3A_376 : vector<16xf32>
          %parallel_loop3A_644 = arith.index_cast %parallel_loop3A_408 : i32 to index
          %parallel_loop3A_645 = arith.constant 752 : index
          %parallel_loop3A_646 = tpu.vector_load %arg8[%parallel_loop3A_644, %parallel_loop3A_645] {strides = array<i32>} : memref<128x768xf32, #tpu.memory_space<vmem>>, vector<1x16xf32>,
          %parallel_loop3A_647 = vector.shape_cast %parallel_loop3A_646 : vector<1x16xf32> to vector<16xf32>
          %parallel_loop3A_648 = vector.shape_cast %parallel_loop3A_643 : vector<16xf32> to vector<1x16xf32>
          tpu.vector_store %arg8[%parallel_loop3A_644, %parallel_loop3A_645], %parallel_loop3A_648 {strides = array<i32>} : memref<128x768xf32, #tpu.memory_space<vmem>>, vector<1x16xf32>,
        } {sc.loop_unroll_factor = 2 : i64, sc.parallel_access}
        %mul3A_380 = arith.constant 1024 : i32
        %mul3A_381 = arith.muli %add3A_90, %mul3A_380 : i32
        %mul3A_382 = arith.constant 32 : i32
        %mul3A_383 = arith.muli %add3A, %mul3A_382 : i32
        %add3A_384 = arith.addi %mul3A_381, %mul3A_383 : i32
        %dma_start3A_385 = arith.constant 32 : i32
        %dma_start3A_386 = arith.constant 0 : i32
        %dma_start3A_387 = tpu.memref_slice %arg8[%dma_start3A_385, %dma_start3A_386] : memref<128x768xf32, #tpu.memory_space<vmem>> -> memref<32x768xf32, #tpu.memory_space<vmem>>
        %dma_start3A_388 = arith.constant 0 : i32
        %dma_start3A_389 = tpu.memref_slice %arg5[%add3A_384, %dma_start3A_388] : memref<78848x768xf32, #tpu.memory_space<hbm>> -> memref<32x768xf32, #tpu.memory_space<hbm>>
        %dma_start3A_390 = arith.constant 0 : i32
        %dma_start3A_391 = tpu.memref_slice %arg5[%add3A_384, %dma_start3A_390] : memref<78848x768xf32, #tpu.memory_space<hbm>> -> memref<32x768xf32, #tpu.memory_space<hbm>>
        %dma_start3A_392 = arith.constant 32 : i32
        %dma_start3A_393 = arith.constant 0 : i32
        %dma_start3A_394 = tpu.memref_slice %arg8[%dma_start3A_392, %dma_start3A_393] : memref<128x768xf32, #tpu.memory_space<vmem>> -> memref<32x768xf32, #tpu.memory_space<vmem>>
        tpu.enqueue_dma source(%dma_start3A_394 : memref<32x768xf32, #tpu.memory_space<vmem>>) target(%dma_start3A_391 : memref<32x768xf32, #tpu.memory_space<hbm>>) target_semaphore(%arg14 : memref<!tpu.dma_semaphore, #tpu.memory_space<semaphore_mem>>)
        %ge3A = arith.constant 2 : i32
        %ge3A_395 = arith.cmpi sge, %add3A_90, %ge3A : i32
        %convert_element_type3A_396 = arith.extui %ge3A_395 : i1 to i32
        %cond3A_397 = arith.constant 0 : i32
        %cond3A_398 = arith.cmpi ne, %convert_element_type3A_396, %cond3A_397 : i32
        scf.if %cond3A_398 {
          %sub3A = arith.constant 2 : i32
          %sub3A_406 = arith.subi %add3A_90, %sub3A : i32
          %mul3A_407 = arith.constant 1024 : i32
          %mul3A_408 = arith.muli %sub3A_406, %mul3A_407 : i32
          %mul3A_409 = arith.constant 32 : i32
          %mul3A_410 = arith.muli %add3A, %mul3A_409 : i32
          %add3A_411 = arith.addi %mul3A_408, %mul3A_410 : i32
          %dma_wait3A_412 = arith.constant 96 : i32
          %dma_wait3A_413 = arith.constant 0 : i32
          %dma_wait3A_414 = tpu.memref_slice %arg8[%dma_wait3A_412, %dma_wait3A_413] : memref<128x768xf32, #tpu.memory_space<vmem>> -> memref<32x768xf32, #tpu.memory_space<vmem>>
          %dma_wait3A_415 = arith.constant 0 : i32
          %dma_wait3A_416 = tpu.memref_slice %arg5[%add3A_411, %dma_wait3A_415] : memref<78848x768xf32, #tpu.memory_space<hbm>> -> memref<32x768xf32, #tpu.memory_space<hbm>>
          %dma_wait3A_417 = arith.constant 0 : i32
          %dma_wait3A_418 = tpu.memref_slice %arg5[%add3A_411, %dma_wait3A_417] : memref<78848x768xf32, #tpu.memory_space<hbm>> -> memref<32x768xf32, #tpu.memory_space<hbm>>
          %dma_wait3A_419 = arith.constant 96 : i32
          %dma_wait3A_420 = arith.constant 0 : i32
          %dma_wait3A_421 = tpu.memref_slice %arg8[%dma_wait3A_419, %dma_wait3A_420] : memref<128x768xf32, #tpu.memory_space<vmem>> -> memref<32x768xf32, #tpu.memory_space<vmem>>
          tpu.wait_dma2 semaphore(%arg16 : memref<!tpu.dma_semaphore, #tpu.memory_space<semaphore_mem>>) src(%dma_wait3A_421 : memref<32x768xf32, #tpu.memory_space<vmem>>) dst(%dma_wait3A_418 : memref<32x768xf32, #tpu.memory_space<hbm>>)
        } else {
        }
        %add3A_399 = arith.constant 2 : i32
        %add3A_400 = arith.addi %add3A_90, %add3A_399 : i32
        %lt3A_401 = arith.constant 77 : i32
        %lt3A_402 = arith.cmpi slt, %add3A_400, %lt3A_401 : i32
        %convert_element_type3A_403 = arith.extui %lt3A_402 : i1 to i32
        %cond3A_404 = arith.constant 0 : i32
        %cond3A_405 = arith.cmpi ne, %convert_element_type3A_403, %cond3A_404 : i32
        scf.if %cond3A_405 {
          %add3A_406 = arith.constant 2 : i32
          %add3A_407 = arith.addi %add3A_90, %add3A_406 : i32
          %dma_start3A_408 = arith.constant 96 : i32
          %dma_start3A_409 = arith.constant 0 : i32
          %dma_start3A_410 = tpu.memref_slice %arg8[%dma_start3A_408, %dma_start3A_409] : memref<128x768xf32, #tpu.memory_space<vmem>> -> memref<32x768xf32, #tpu.memory_space<vmem>>
          %dma_start3A_411 = arith.constant 0 : i32
          %dma_start3A_412 = tpu.memref_slice %arg6[%add3A_407, %dma_start3A_411] : memref<77x32xi32, #tpu.memory_space<vmem>> -> memref<1x32xi32, #tpu.memory_space<vmem>>
          %dma_start3A_413 = tpu.memref_squeeze %dma_start3A_412 : memref<1x32xi32, #tpu.memory_space<vmem>> -> memref<32xi32, #tpu.memory_space<vmem>>
          %dma_start3A_414 = arith.constant 0 : i32
          %dma_start3A_415 = arith.constant 0 : i32
          %dma_start3A_416 = tpu.memref_slice %arg3[%dma_start3A_414, %dma_start3A_415] : memref<49408x768xf32, #tpu.memory_space<hbm>> -> memref<49408x768xf32, #tpu.memory_space<hbm>>
          tpu.enqueue_indirect_dma source(%dma_start3A_416 : memref<49408x768xf32, #tpu.memory_space<hbm>>) target(%dma_start3A_410 : memref<32x768xf32, #tpu.memory_space<vmem>>) offsets(%dma_start3A_413 : memref<32xi32, #tpu.memory_space<vmem>>) semaphore(%arg12 : memref<!tpu.dma_semaphore, #tpu.memory_space<semaphore_mem>>)
          %add3A_417 = arith.constant 2 : i32
          %add3A_418 = arith.addi %add3A_90, %add3A_417 : i32
          %dma_start3A_419 = arith.constant 3 : i32
          %dma_start3A_420 = arith.constant 0 : i32
          %dma_start3A_421 = tpu.memref_slice %arg7[%dma_start3A_419, %dma_start3A_420] : memref<4x768xf32, #tpu.memory_space<vmem>> -> memref<1x768xf32, #tpu.memory_space<vmem>>
          %dma_start3A_422 = tpu.memref_squeeze %dma_start3A_421 : memref<1x768xf32, #tpu.memory_space<vmem>> -> memref<768xf32, #tpu.memory_space<vmem>>
          %dma_start3A_423 = arith.constant 0 : i32
          %dma_start3A_424 = tpu.memref_slice %arg4[%add3A_418, %dma_start3A_423] : memref<77x768xf32, #tpu.memory_space<hbm>> -> memref<1x768xf32, #tpu.memory_space<hbm>>
          %dma_start3A_425 = tpu.memref_squeeze %dma_start3A_424 : memref<1x768xf32, #tpu.memory_space<hbm>> -> memref<768xf32, #tpu.memory_space<hbm>>
          %dma_start3A_426 = arith.constant 0 : i32
          %dma_start3A_427 = tpu.memref_slice %arg7[%dma_start3A_419, %dma_start3A_426] : memref<4x768xf32, #tpu.memory_space<vmem>> -> memref<1x768xf32, #tpu.memory_space<vmem>>
          %dma_start3A_428 = tpu.memref_squeeze %dma_start3A_427 : memref<1x768xf32, #tpu.memory_space<vmem>> -> memref<768xf32, #tpu.memory_space<vmem>>
          %dma_start3A_429 = arith.constant 0 : i32
          %dma_start3A_430 = tpu.memref_slice %arg4[%add3A_418, %dma_start3A_429] : memref<77x768xf32, #tpu.memory_space<hbm>> -> memref<1x768xf32, #tpu.memory_space<hbm>>
          %dma_start3A_431 = tpu.memref_squeeze %dma_start3A_430 : memref<1x768xf32, #tpu.memory_space<hbm>> -> memref<768xf32, #tpu.memory_space<hbm>>
          tpu.enqueue_dma source(%dma_start3A_431 : memref<768xf32, #tpu.memory_space<hbm>>) target(%dma_start3A_428 : memref<768xf32, #tpu.memory_space<vmem>>) target_semaphore(%arg12 : memref<!tpu.dma_semaphore, #tpu.memory_space<semaphore_mem>>)
        } else {
        }
      } else {
      }
      %mul3A_96 = arith.constant 4 : i32
      %mul3A_97 = arith.muli %mul3A_96, %scan3A_80 : i32
      %add3A_98 = arith.constant 2 : i32
      %add3A_99 = arith.addi %mul3A_97, %add3A_98 : i32
      %lt3A_100 = arith.constant 77 : i32
      %lt3A_101 = arith.cmpi slt, %add3A_99, %lt3A_100 : i32
      %convert_element_type3A_102 = arith.extui %lt3A_101 : i1 to i32
      %cond3A_103 = arith.constant 0 : i32
      %cond3A_104 = arith.cmpi ne, %convert_element_type3A_102, %cond3A_103 : i32
      scf.if %cond3A_104 {
        %dma_wait3A_114 = arith.constant 64 : i32
        %dma_wait3A_115 = arith.constant 0 : i32
        %dma_wait3A_116 = tpu.memref_slice %arg8[%dma_wait3A_114, %dma_wait3A_115] : memref<128x768xf32, #tpu.memory_space<vmem>> -> memref<32x768xf32, #tpu.memory_space<vmem>>
        %dma_wait3A_117 = arith.constant 0 : i32
        %dma_wait3A_118 = tpu.memref_slice %arg6[%add3A_99, %dma_wait3A_117] : memref<77x32xi32, #tpu.memory_space<vmem>> -> memref<1x32xi32, #tpu.memory_space<vmem>>
        %dma_wait3A_119 = tpu.memref_squeeze %dma_wait3A_118 : memref<1x32xi32, #tpu.memory_space<vmem>> -> memref<32xi32, #tpu.memory_space<vmem>>
        %dma_wait3A_120 = arith.constant 0 : i32
        %dma_wait3A_121 = arith.constant 0 : i32
        %dma_wait3A_122 = tpu.memref_slice %arg3[%dma_wait3A_120, %dma_wait3A_121] : memref<49408x768xf32, #tpu.memory_space<hbm>> -> memref<49408x768xf32, #tpu.memory_space<hbm>>
        tpu.wait_indirect_dma semaphore(%arg11 : memref<!tpu.dma_semaphore, #tpu.memory_space<semaphore_mem>>) src(%dma_wait3A_122 : memref<49408x768xf32, #tpu.memory_space<hbm>>) dst(%dma_wait3A_116 : memref<32x768xf32, #tpu.memory_space<vmem>>)
        %dma_wait3A_123 = arith.constant 2 : i32
        %dma_wait3A_124 = arith.constant 0 : i32
        %dma_wait3A_125 = tpu.memref_slice %arg7[%dma_wait3A_123, %dma_wait3A_124] : memref<4x768xf32, #tpu.memory_space<vmem>> -> memref<1x768xf32, #tpu.memory_space<vmem>>
        %dma_wait3A_126 = tpu.memref_squeeze %dma_wait3A_125 : memref<1x768xf32, #tpu.memory_space<vmem>> -> memref<768xf32, #tpu.memory_space<vmem>>
        %dma_wait3A_127 = arith.constant 0 : i32
        %dma_wait3A_128 = tpu.memref_slice %arg4[%add3A_99, %dma_wait3A_127] : memref<77x768xf32, #tpu.memory_space<hbm>> -> memref<1x768xf32, #tpu.memory_space<hbm>>
        %dma_wait3A_129 = tpu.memref_squeeze %dma_wait3A_128 : memref<1x768xf32, #tpu.memory_space<hbm>> -> memref<768xf32, #tpu.memory_space<hbm>>
        %dma_wait3A_130 = arith.constant 0 : i32
        %dma_wait3A_131 = tpu.memref_slice %arg7[%dma_wait3A_123, %dma_wait3A_130] : memref<4x768xf32, #tpu.memory_space<vmem>> -> memref<1x768xf32, #tpu.memory_space<vmem>>
        %dma_wait3A_132 = tpu.memref_squeeze %dma_wait3A_131 : memref<1x768xf32, #tpu.memory_space<vmem>> -> memref<768xf32, #tpu.memory_space<vmem>>
        %dma_wait3A_133 = arith.constant 0 : i32
        %dma_wait3A_134 = tpu.memref_slice %arg4[%add3A_99, %dma_wait3A_133] : memref<77x768xf32, #tpu.memory_space<hbm>> -> memref<1x768xf32, #tpu.memory_space<hbm>>
        %dma_wait3A_135 = tpu.memref_squeeze %dma_wait3A_134 : memref<1x768xf32, #tpu.memory_space<hbm>> -> memref<768xf32, #tpu.memory_space<hbm>>
        tpu.wait_dma2 semaphore(%arg11 : memref<!tpu.dma_semaphore, #tpu.memory_space<semaphore_mem>>) src(%dma_wait3A_135 : memref<768xf32, #tpu.memory_space<hbm>>) dst(%dma_wait3A_132 : memref<768xf32, #tpu.memory_space<vmem>>)
        %get3A = arith.constant 2 : i32
        %get3A_136 = arith.index_cast %get3A : i32 to index
        %get3A_137 = arith.constant 0 : index
        %get3A_138 = tpu.vector_load %arg7[%get3A_136, %get3A_137] {strides = array<i32>} : memref<4x768xf32, #tpu.memory_space<vmem>>, vector<1x16xf32>,
        %get3A_139 = vector.shape_cast %get3A_138 : vector<1x16xf32> to vector<16xf32>
        %get3A_140 = arith.constant 2 : i32
        %get3A_141 = arith.index_cast %get3A_140 : i32 to index
        %get3A_142 = arith.constant 16 : index
        %get3A_143 = tpu.vector_load %arg7[%get3A_141, %get3A_142] {strides = array<i32>} : memref<4x768xf32, #tpu.memory_space<vmem>>, vector<1x16xf32>,
        %get3A_144 = vector.shape_cast %get3A_143 : vector<1x16xf32> to vector<16xf32>
        %get3A_145 = arith.constant 2 : i32
        %get3A_146 = arith.index_cast %get3A_145 : i32 to index
        %get3A_147 = arith.constant 32 : index
        %get3A_148 = tpu.vector_load %arg7[%get3A_146, %get3A_147] {strides = array<i32>} : memref<4x768xf32, #tpu.memory_space<vmem>>, vector<1x16xf32>,
        %get3A_149 = vector.shape_cast %get3A_148 : vector<1x16xf32> to vector<16xf32>
        %get3A_150 = arith.constant 2 : i32
        %get3A_151 = arith.index_cast %get3A_150 : i32 to index
        %get3A_152 = arith.constant 48 : index
        %get3A_153 = tpu.vector_load %arg7[%get3A_151, %get3A_152] {strides = array<i32>} : memref<4x768xf32, #tpu.memory_space<vmem>>, vector<1x16xf32>,
        %get3A_154 = vector.shape_cast %get3A_153 : vector<1x16xf32> to vector<16xf32>
        %get3A_155 = arith.constant 2 : i32
        %get3A_156 = arith.index_cast %get3A_155 : i32 to index
        %get3A_157 = arith.constant 64 : index
        %get3A_158 = tpu.vector_load %arg7[%get3A_156, %get3A_157] {strides = array<i32>} : memref<4x768xf32, #tpu.memory_space<vmem>>, vector<1x16xf32>,
        %get3A_159 = vector.shape_cast %get3A_158 : vector<1x16xf32> to vector<16xf32>
        %get3A_160 = arith.constant 2 : i32
        %get3A_161 = arith.index_cast %get3A_160 : i32 to index
        %get3A_162 = arith.constant 80 : index
        %get3A_163 = tpu.vector_load %arg7[%get3A_161, %get3A_162] {strides = array<i32>} : memref<4x768xf32, #tpu.memory_space<vmem>>, vector<1x16xf32>,
        %get3A_164 = vector.shape_cast %get3A_163 : vector<1x16xf32> to vector<16xf32>
        %get3A_165 = arith.constant 2 : i32
        %get3A_166 = arith.index_cast %get3A_165 : i32 to index
        %get3A_167 = arith.constant 96 : index
        %get3A_168 = tpu.vector_load %arg7[%get3A_166, %get3A_167] {strides = array<i32>} : memref<4x768xf32, #tpu.memory_space<vmem>>, vector<1x16xf32>,
        %get3A_169 = vector.shape_cast %get3A_168 : vector<1x16xf32> to vector<16xf32>
        %get3A_170 = arith.constant 2 : i32
        %get3A_171 = arith.index_cast %get3A_170 : i32 to index
        %get3A_172 = arith.constant 112 : index
        %get3A_173 = tpu.vector_load %arg7[%get3A_171, %get3A_172] {strides = array<i32>} : memref<4x768xf32, #tpu.memory_space<vmem>>, vector<1x16xf32>,
        %get3A_174 = vector.shape_cast %get3A_173 : vector<1x16xf32> to vector<16xf32>
        %get3A_175 = arith.constant 2 : i32
        %get3A_176 = arith.index_cast %get3A_175 : i32 to index
        %get3A_177 = arith.constant 128 : index
        %get3A_178 = tpu.vector_load %arg7[%get3A_176, %get3A_177] {strides = array<i32>} : memref<4x768xf32, #tpu.memory_space<vmem>>, vector<1x16xf32>,
        %get3A_179 = vector.shape_cast %get3A_178 : vector<1x16xf32> to vector<16xf32>
        %get3A_180 = arith.constant 2 : i32
        %get3A_181 = arith.index_cast %get3A_180 : i32 to index
        %get3A_182 = arith.constant 144 : index
        %get3A_183 = tpu.vector_load %arg7[%get3A_181, %get3A_182] {strides = array<i32>} : memref<4x768xf32, #tpu.memory_space<vmem>>, vector<1x16xf32>,
        %get3A_184 = vector.shape_cast %get3A_183 : vector<1x16xf32> to vector<16xf32>
        %get3A_185 = arith.constant 2 : i32
        %get3A_186 = arith.index_cast %get3A_185 : i32 to index
        %get3A_187 = arith.constant 160 : index
        %get3A_188 = tpu.vector_load %arg7[%get3A_186, %get3A_187] {strides = array<i32>} : memref<4x768xf32, #tpu.memory_space<vmem>>, vector<1x16xf32>,
        %get3A_189 = vector.shape_cast %get3A_188 : vector<1x16xf32> to vector<16xf32>
        %get3A_190 = arith.constant 2 : i32
        %get3A_191 = arith.index_cast %get3A_190 : i32 to index
        %get3A_192 = arith.constant 176 : index
        %get3A_193 = tpu.vector_load %arg7[%get3A_191, %get3A_192] {strides = array<i32>} : memref<4x768xf32, #tpu.memory_space<vmem>>, vector<1x16xf32>,
        %get3A_194 = vector.shape_cast %get3A_193 : vector<1x16xf32> to vector<16xf32>
        %get3A_195 = arith.constant 2 : i32
        %get3A_196 = arith.index_cast %get3A_195 : i32 to index
        %get3A_197 = arith.constant 192 : index
        %get3A_198 = tpu.vector_load %arg7[%get3A_196, %get3A_197] {strides = array<i32>} : memref<4x768xf32, #tpu.memory_space<vmem>>, vector<1x16xf32>,
        %get3A_199 = vector.shape_cast %get3A_198 : vector<1x16xf32> to vector<16xf32>
        %get3A_200 = arith.constant 2 : i32
        %get3A_201 = arith.index_cast %get3A_200 : i32 to index
        %get3A_202 = arith.constant 208 : index
        %get3A_203 = tpu.vector_load %arg7[%get3A_201, %get3A_202] {strides = array<i32>} : memref<4x768xf32, #tpu.memory_space<vmem>>, vector<1x16xf32>,
        %get3A_204 = vector.shape_cast %get3A_203 : vector<1x16xf32> to vector<16xf32>
        %get3A_205 = arith.constant 2 : i32
        %get3A_206 = arith.index_cast %get3A_205 : i32 to index
        %get3A_207 = arith.constant 224 : index
        %get3A_208 = tpu.vector_load %arg7[%get3A_206, %get3A_207] {strides = array<i32>} : memref<4x768xf32, #tpu.memory_space<vmem>>, vector<1x16xf32>,
        %get3A_209 = vector.shape_cast %get3A_208 : vector<1x16xf32> to vector<16xf32>
        %get3A_210 = arith.constant 2 : i32
        %get3A_211 = arith.index_cast %get3A_210 : i32 to index
        %get3A_212 = arith.constant 240 : index
        %get3A_213 = tpu.vector_load %arg7[%get3A_211, %get3A_212] {strides = array<i32>} : memref<4x768xf32, #tpu.memory_space<vmem>>, vector<1x16xf32>,
        %get3A_214 = vector.shape_cast %get3A_213 : vector<1x16xf32> to vector<16xf32>
        %get3A_215 = arith.constant 2 : i32
        %get3A_216 = arith.index_cast %get3A_215 : i32 to index
        %get3A_217 = arith.constant 256 : index
        %get3A_218 = tpu.vector_load %arg7[%get3A_216, %get3A_217] {strides = array<i32>} : memref<4x768xf32, #tpu.memory_space<vmem>>, vector<1x16xf32>,
        %get3A_219 = vector.shape_cast %get3A_218 : vector<1x16xf32> to vector<16xf32>
        %get3A_220 = arith.constant 2 : i32
        %get3A_221 = arith.index_cast %get3A_220 : i32 to index
        %get3A_222 = arith.constant 272 : index
        %get3A_223 = tpu.vector_load %arg7[%get3A_221, %get3A_222] {strides = array<i32>} : memref<4x768xf32, #tpu.memory_space<vmem>>, vector<1x16xf32>,
        %get3A_224 = vector.shape_cast %get3A_223 : vector<1x16xf32> to vector<16xf32>
        %get3A_225 = arith.constant 2 : i32
        %get3A_226 = arith.index_cast %get3A_225 : i32 to index
        %get3A_227 = arith.constant 288 : index
        %get3A_228 = tpu.vector_load %arg7[%get3A_226, %get3A_227] {strides = array<i32>} : memref<4x768xf32, #tpu.memory_space<vmem>>, vector<1x16xf32>,
        %get3A_229 = vector.shape_cast %get3A_228 : vector<1x16xf32> to vector<16xf32>
        %get3A_230 = arith.constant 2 : i32
        %get3A_231 = arith.index_cast %get3A_230 : i32 to index
        %get3A_232 = arith.constant 304 : index
        %get3A_233 = tpu.vector_load %arg7[%get3A_231, %get3A_232] {strides = array<i32>} : memref<4x768xf32, #tpu.memory_space<vmem>>, vector<1x16xf32>,
        %get3A_234 = vector.shape_cast %get3A_233 : vector<1x16xf32> to vector<16xf32>
        %get3A_235 = arith.constant 2 : i32
        %get3A_236 = arith.index_cast %get3A_235 : i32 to index
        %get3A_237 = arith.constant 320 : index
        %get3A_238 = tpu.vector_load %arg7[%get3A_236, %get3A_237] {strides = array<i32>} : memref<4x768xf32, #tpu.memory_space<vmem>>, vector<1x16xf32>,
        %get3A_239 = vector.shape_cast %get3A_238 : vector<1x16xf32> to vector<16xf32>
        %get3A_240 = arith.constant 2 : i32
        %get3A_241 = arith.index_cast %get3A_240 : i32 to index
        %get3A_242 = arith.constant 336 : index
        %get3A_243 = tpu.vector_load %arg7[%get3A_241, %get3A_242] {strides = array<i32>} : memref<4x768xf32, #tpu.memory_space<vmem>>, vector<1x16xf32>,
        %get3A_244 = vector.shape_cast %get3A_243 : vector<1x16xf32> to vector<16xf32>
        %get3A_245 = arith.constant 2 : i32
        %get3A_246 = arith.index_cast %get3A_245 : i32 to index
        %get3A_247 = arith.constant 352 : index
        %get3A_248 = tpu.vector_load %arg7[%get3A_246, %get3A_247] {strides = array<i32>} : memref<4x768xf32, #tpu.memory_space<vmem>>, vector<1x16xf32>,
        %get3A_249 = vector.shape_cast %get3A_248 : vector<1x16xf32> to vector<16xf32>
        %get3A_250 = arith.constant 2 : i32
        %get3A_251 = arith.index_cast %get3A_250 : i32 to index
        %get3A_252 = arith.constant 368 : index
        %get3A_253 = tpu.vector_load %arg7[%get3A_251, %get3A_252] {strides = array<i32>} : memref<4x768xf32, #tpu.memory_space<vmem>>, vector<1x16xf32>,
        %get3A_254 = vector.shape_cast %get3A_253 : vector<1x16xf32> to vector<16xf32>
        %parallel_loop3A = arith.constant 0 : i32
        %parallel_loop3A_255 = arith.constant 32 : i32
        %parallel_loop3A_256 = arith.constant 1 : i32
        scf.for %parallel_loop3A_406 = %parallel_loop3A to %parallel_loop3A_255 step %parallel_loop3A_256  : i32 {
          %parallel_loop3A_407 = arith.constant 64 : i32
          %parallel_loop3A_408 = arith.addi %parallel_loop3A_407, %parallel_loop3A_406 : i32
          %parallel_loop3A_409 = arith.index_cast %parallel_loop3A_408 : i32 to index
          %parallel_loop3A_410 = arith.constant 0 : index
          %parallel_loop3A_411 = tpu.vector_load %arg8[%parallel_loop3A_409, %parallel_loop3A_410] {strides = array<i32>} : memref<128x768xf32, #tpu.memory_space<vmem>>, vector<1x16xf32>,
          %parallel_loop3A_412 = vector.shape_cast %parallel_loop3A_411 : vector<1x16xf32> to vector<16xf32>
          %parallel_loop3A_413 = arith.addf %parallel_loop3A_412, %get3A_139 : vector<16xf32>
          %parallel_loop3A_414 = arith.index_cast %parallel_loop3A_408 : i32 to index
          %parallel_loop3A_415 = arith.constant 0 : index
          %parallel_loop3A_416 = tpu.vector_load %arg8[%parallel_loop3A_414, %parallel_loop3A_415] {strides = array<i32>} : memref<128x768xf32, #tpu.memory_space<vmem>>, vector<1x16xf32>,
          %parallel_loop3A_417 = vector.shape_cast %parallel_loop3A_416 : vector<1x16xf32> to vector<16xf32>
          %parallel_loop3A_418 = vector.shape_cast %parallel_loop3A_413 : vector<16xf32> to vector<1x16xf32>
          tpu.vector_store %arg8[%parallel_loop3A_414, %parallel_loop3A_415], %parallel_loop3A_418 {strides = array<i32>} : memref<128x768xf32, #tpu.memory_space<vmem>>, vector<1x16xf32>,
          %parallel_loop3A_419 = arith.index_cast %parallel_loop3A_408 : i32 to index
          %parallel_loop3A_420 = arith.constant 16 : index
          %parallel_loop3A_421 = tpu.vector_load %arg8[%parallel_loop3A_419, %parallel_loop3A_420] {strides = array<i32>} : memref<128x768xf32, #tpu.memory_space<vmem>>, vector<1x16xf32>,
          %parallel_loop3A_422 = vector.shape_cast %parallel_loop3A_421 : vector<1x16xf32> to vector<16xf32>
          %parallel_loop3A_423 = arith.addf %parallel_loop3A_422, %get3A_144 : vector<16xf32>
          %parallel_loop3A_424 = arith.index_cast %parallel_loop3A_408 : i32 to index
          %parallel_loop3A_425 = arith.constant 16 : index
          %parallel_loop3A_426 = tpu.vector_load %arg8[%parallel_loop3A_424, %parallel_loop3A_425] {strides = array<i32>} : memref<128x768xf32, #tpu.memory_space<vmem>>, vector<1x16xf32>,
          %parallel_loop3A_427 = vector.shape_cast %parallel_loop3A_426 : vector<1x16xf32> to vector<16xf32>
          %parallel_loop3A_428 = vector.shape_cast %parallel_loop3A_423 : vector<16xf32> to vector<1x16xf32>
          tpu.vector_store %arg8[%parallel_loop3A_424, %parallel_loop3A_425], %parallel_loop3A_428 {strides = array<i32>} : memref<128x768xf32, #tpu.memory_space<vmem>>, vector<1x16xf32>,
          %parallel_loop3A_429 = arith.index_cast %parallel_loop3A_408 : i32 to index
          %parallel_loop3A_430 = arith.constant 32 : index
          %parallel_loop3A_431 = tpu.vector_load %arg8[%parallel_loop3A_429, %parallel_loop3A_430] {strides = array<i32>} : memref<128x768xf32, #tpu.memory_space<vmem>>, vector<1x16xf32>,
          %parallel_loop3A_432 = vector.shape_cast %parallel_loop3A_431 : vector<1x16xf32> to vector<16xf32>
          %parallel_loop3A_433 = arith.addf %parallel_loop3A_432, %get3A_149 : vector<16xf32>
          %parallel_loop3A_434 = arith.index_cast %parallel_loop3A_408 : i32 to index
          %parallel_loop3A_435 = arith.constant 32 : index
          %parallel_loop3A_436 = tpu.vector_load %arg8[%parallel_loop3A_434, %parallel_loop3A_435] {strides = array<i32>} : memref<128x768xf32, #tpu.memory_space<vmem>>, vector<1x16xf32>,
          %parallel_loop3A_437 = vector.shape_cast %parallel_loop3A_436 : vector<1x16xf32> to vector<16xf32>
          %parallel_loop3A_438 = vector.shape_cast %parallel_loop3A_433 : vector<16xf32> to vector<1x16xf32>
          tpu.vector_store %arg8[%parallel_loop3A_434, %parallel_loop3A_435], %parallel_loop3A_438 {strides = array<i32>} : memref<128x768xf32, #tpu.memory_space<vmem>>, vector<1x16xf32>,
          %parallel_loop3A_439 = arith.index_cast %parallel_loop3A_408 : i32 to index
          %parallel_loop3A_440 = arith.constant 48 : index
          %parallel_loop3A_441 = tpu.vector_load %arg8[%parallel_loop3A_439, %parallel_loop3A_440] {strides = array<i32>} : memref<128x768xf32, #tpu.memory_space<vmem>>, vector<1x16xf32>,
          %parallel_loop3A_442 = vector.shape_cast %parallel_loop3A_441 : vector<1x16xf32> to vector<16xf32>
          %parallel_loop3A_443 = arith.addf %parallel_loop3A_442, %get3A_154 : vector<16xf32>
          %parallel_loop3A_444 = arith.index_cast %parallel_loop3A_408 : i32 to index
          %parallel_loop3A_445 = arith.constant 48 : index
          %parallel_loop3A_446 = tpu.vector_load %arg8[%parallel_loop3A_444, %parallel_loop3A_445] {strides = array<i32>} : memref<128x768xf32, #tpu.memory_space<vmem>>, vector<1x16xf32>,
          %parallel_loop3A_447 = vector.shape_cast %parallel_loop3A_446 : vector<1x16xf32> to vector<16xf32>
          %parallel_loop3A_448 = vector.shape_cast %parallel_loop3A_443 : vector<16xf32> to vector<1x16xf32>
          tpu.vector_store %arg8[%parallel_loop3A_444, %parallel_loop3A_445], %parallel_loop3A_448 {strides = array<i32>} : memref<128x768xf32, #tpu.memory_space<vmem>>, vector<1x16xf32>,
          %parallel_loop3A_449 = arith.index_cast %parallel_loop3A_408 : i32 to index
          %parallel_loop3A_450 = arith.constant 64 : index
          %parallel_loop3A_451 = tpu.vector_load %arg8[%parallel_loop3A_449, %parallel_loop3A_450] {strides = array<i32>} : memref<128x768xf32, #tpu.memory_space<vmem>>, vector<1x16xf32>,
          %parallel_loop3A_452 = vector.shape_cast %parallel_loop3A_451 : vector<1x16xf32> to vector<16xf32>
          %parallel_loop3A_453 = arith.addf %parallel_loop3A_452, %get3A_159 : vector<16xf32>
          %parallel_loop3A_454 = arith.index_cast %parallel_loop3A_408 : i32 to index
          %parallel_loop3A_455 = arith.constant 64 : index
          %parallel_loop3A_456 = tpu.vector_load %arg8[%parallel_loop3A_454, %parallel_loop3A_455] {strides = array<i32>} : memref<128x768xf32, #tpu.memory_space<vmem>>, vector<1x16xf32>,
          %parallel_loop3A_457 = vector.shape_cast %parallel_loop3A_456 : vector<1x16xf32> to vector<16xf32>
          %parallel_loop3A_458 = vector.shape_cast %parallel_loop3A_453 : vector<16xf32> to vector<1x16xf32>
          tpu.vector_store %arg8[%parallel_loop3A_454, %parallel_loop3A_455], %parallel_loop3A_458 {strides = array<i32>} : memref<128x768xf32, #tpu.memory_space<vmem>>, vector<1x16xf32>,
          %parallel_loop3A_459 = arith.index_cast %parallel_loop3A_408 : i32 to index
          %parallel_loop3A_460 = arith.constant 80 : index
          %parallel_loop3A_461 = tpu.vector_load %arg8[%parallel_loop3A_459, %parallel_loop3A_460] {strides = array<i32>} : memref<128x768xf32, #tpu.memory_space<vmem>>, vector<1x16xf32>,
          %parallel_loop3A_462 = vector.shape_cast %parallel_loop3A_461 : vector<1x16xf32> to vector<16xf32>
          %parallel_loop3A_463 = arith.addf %parallel_loop3A_462, %get3A_164 : vector<16xf32>
          %parallel_loop3A_464 = arith.index_cast %parallel_loop3A_408 : i32 to index
          %parallel_loop3A_465 = arith.constant 80 : index
          %parallel_loop3A_466 = tpu.vector_load %arg8[%parallel_loop3A_464, %parallel_loop3A_465] {strides = array<i32>} : memref<128x768xf32, #tpu.memory_space<vmem>>, vector<1x16xf32>,
          %parallel_loop3A_467 = vector.shape_cast %parallel_loop3A_466 : vector<1x16xf32> to vector<16xf32>
          %parallel_loop3A_468 = vector.shape_cast %parallel_loop3A_463 : vector<16xf32> to vector<1x16xf32>
          tpu.vector_store %arg8[%parallel_loop3A_464, %parallel_loop3A_465], %parallel_loop3A_468 {strides = array<i32>} : memref<128x768xf32, #tpu.memory_space<vmem>>, vector<1x16xf32>,
          %parallel_loop3A_469 = arith.index_cast %parallel_loop3A_408 : i32 to index
          %parallel_loop3A_470 = arith.constant 96 : index
          %parallel_loop3A_471 = tpu.vector_load %arg8[%parallel_loop3A_469, %parallel_loop3A_470] {strides = array<i32>} : memref<128x768xf32, #tpu.memory_space<vmem>>, vector<1x16xf32>,
          %parallel_loop3A_472 = vector.shape_cast %parallel_loop3A_471 : vector<1x16xf32> to vector<16xf32>
          %parallel_loop3A_473 = arith.addf %parallel_loop3A_472, %get3A_169 : vector<16xf32>
          %parallel_loop3A_474 = arith.index_cast %parallel_loop3A_408 : i32 to index
          %parallel_loop3A_475 = arith.constant 96 : index
          %parallel_loop3A_476 = tpu.vector_load %arg8[%parallel_loop3A_474, %parallel_loop3A_475] {strides = array<i32>} : memref<128x768xf32, #tpu.memory_space<vmem>>, vector<1x16xf32>,
          %parallel_loop3A_477 = vector.shape_cast %parallel_loop3A_476 : vector<1x16xf32> to vector<16xf32>
          %parallel_loop3A_478 = vector.shape_cast %parallel_loop3A_473 : vector<16xf32> to vector<1x16xf32>
          tpu.vector_store %arg8[%parallel_loop3A_474, %parallel_loop3A_475], %parallel_loop3A_478 {strides = array<i32>} : memref<128x768xf32, #tpu.memory_space<vmem>>, vector<1x16xf32>,
          %parallel_loop3A_479 = arith.index_cast %parallel_loop3A_408 : i32 to index
          %parallel_loop3A_480 = arith.constant 112 : index
          %parallel_loop3A_481 = tpu.vector_load %arg8[%parallel_loop3A_479, %parallel_loop3A_480] {strides = array<i32>} : memref<128x768xf32, #tpu.memory_space<vmem>>, vector<1x16xf32>,
          %parallel_loop3A_482 = vector.shape_cast %parallel_loop3A_481 : vector<1x16xf32> to vector<16xf32>
          %parallel_loop3A_483 = arith.addf %parallel_loop3A_482, %get3A_174 : vector<16xf32>
          %parallel_loop3A_484 = arith.index_cast %parallel_loop3A_408 : i32 to index
          %parallel_loop3A_485 = arith.constant 112 : index
          %parallel_loop3A_486 = tpu.vector_load %arg8[%parallel_loop3A_484, %parallel_loop3A_485] {strides = array<i32>} : memref<128x768xf32, #tpu.memory_space<vmem>>, vector<1x16xf32>,
          %parallel_loop3A_487 = vector.shape_cast %parallel_loop3A_486 : vector<1x16xf32> to vector<16xf32>
          %parallel_loop3A_488 = vector.shape_cast %parallel_loop3A_483 : vector<16xf32> to vector<1x16xf32>
          tpu.vector_store %arg8[%parallel_loop3A_484, %parallel_loop3A_485], %parallel_loop3A_488 {strides = array<i32>} : memref<128x768xf32, #tpu.memory_space<vmem>>, vector<1x16xf32>,
          %parallel_loop3A_489 = arith.index_cast %parallel_loop3A_408 : i32 to index
          %parallel_loop3A_490 = arith.constant 128 : index
          %parallel_loop3A_491 = tpu.vector_load %arg8[%parallel_loop3A_489, %parallel_loop3A_490] {strides = array<i32>} : memref<128x768xf32, #tpu.memory_space<vmem>>, vector<1x16xf32>,
          %parallel_loop3A_492 = vector.shape_cast %parallel_loop3A_491 : vector<1x16xf32> to vector<16xf32>
          %parallel_loop3A_493 = arith.addf %parallel_loop3A_492, %get3A_179 : vector<16xf32>
          %parallel_loop3A_494 = arith.index_cast %parallel_loop3A_408 : i32 to index
          %parallel_loop3A_495 = arith.constant 128 : index
          %parallel_loop3A_496 = tpu.vector_load %arg8[%parallel_loop3A_494, %parallel_loop3A_495] {strides = array<i32>} : memref<128x768xf32, #tpu.memory_space<vmem>>, vector<1x16xf32>,
          %parallel_loop3A_497 = vector.shape_cast %parallel_loop3A_496 : vector<1x16xf32> to vector<16xf32>
          %parallel_loop3A_498 = vector.shape_cast %parallel_loop3A_493 : vector<16xf32> to vector<1x16xf32>
          tpu.vector_store %arg8[%parallel_loop3A_494, %parallel_loop3A_495], %parallel_loop3A_498 {strides = array<i32>} : memref<128x768xf32, #tpu.memory_space<vmem>>, vector<1x16xf32>,
          %parallel_loop3A_499 = arith.index_cast %parallel_loop3A_408 : i32 to index
          %parallel_loop3A_500 = arith.constant 144 : index
          %parallel_loop3A_501 = tpu.vector_load %arg8[%parallel_loop3A_499, %parallel_loop3A_500] {strides = array<i32>} : memref<128x768xf32, #tpu.memory_space<vmem>>, vector<1x16xf32>,
          %parallel_loop3A_502 = vector.shape_cast %parallel_loop3A_501 : vector<1x16xf32> to vector<16xf32>
          %parallel_loop3A_503 = arith.addf %parallel_loop3A_502, %get3A_184 : vector<16xf32>
          %parallel_loop3A_504 = arith.index_cast %parallel_loop3A_408 : i32 to index
          %parallel_loop3A_505 = arith.constant 144 : index
          %parallel_loop3A_506 = tpu.vector_load %arg8[%parallel_loop3A_504, %parallel_loop3A_505] {strides = array<i32>} : memref<128x768xf32, #tpu.memory_space<vmem>>, vector<1x16xf32>,
          %parallel_loop3A_507 = vector.shape_cast %parallel_loop3A_506 : vector<1x16xf32> to vector<16xf32>
          %parallel_loop3A_508 = vector.shape_cast %parallel_loop3A_503 : vector<16xf32> to vector<1x16xf32>
          tpu.vector_store %arg8[%parallel_loop3A_504, %parallel_loop3A_505], %parallel_loop3A_508 {strides = array<i32>} : memref<128x768xf32, #tpu.memory_space<vmem>>, vector<1x16xf32>,
          %parallel_loop3A_509 = arith.index_cast %parallel_loop3A_408 : i32 to index
          %parallel_loop3A_510 = arith.constant 160 : index
          %parallel_loop3A_511 = tpu.vector_load %arg8[%parallel_loop3A_509, %parallel_loop3A_510] {strides = array<i32>} : memref<128x768xf32, #tpu.memory_space<vmem>>, vector<1x16xf32>,
          %parallel_loop3A_512 = vector.shape_cast %parallel_loop3A_511 : vector<1x16xf32> to vector<16xf32>
          %parallel_loop3A_513 = arith.addf %parallel_loop3A_512, %get3A_189 : vector<16xf32>
          %parallel_loop3A_514 = arith.index_cast %parallel_loop3A_408 : i32 to index
          %parallel_loop3A_515 = arith.constant 160 : index
          %parallel_loop3A_516 = tpu.vector_load %arg8[%parallel_loop3A_514, %parallel_loop3A_515] {strides = array<i32>} : memref<128x768xf32, #tpu.memory_space<vmem>>, vector<1x16xf32>,
          %parallel_loop3A_517 = vector.shape_cast %parallel_loop3A_516 : vector<1x16xf32> to vector<16xf32>
          %parallel_loop3A_518 = vector.shape_cast %parallel_loop3A_513 : vector<16xf32> to vector<1x16xf32>
          tpu.vector_store %arg8[%parallel_loop3A_514, %parallel_loop3A_515], %parallel_loop3A_518 {strides = array<i32>} : memref<128x768xf32, #tpu.memory_space<vmem>>, vector<1x16xf32>,
          %parallel_loop3A_519 = arith.index_cast %parallel_loop3A_408 : i32 to index
          %parallel_loop3A_520 = arith.constant 176 : index
          %parallel_loop3A_521 = tpu.vector_load %arg8[%parallel_loop3A_519, %parallel_loop3A_520] {strides = array<i32>} : memref<128x768xf32, #tpu.memory_space<vmem>>, vector<1x16xf32>,
          %parallel_loop3A_522 = vector.shape_cast %parallel_loop3A_521 : vector<1x16xf32> to vector<16xf32>
          %parallel_loop3A_523 = arith.addf %parallel_loop3A_522, %get3A_194 : vector<16xf32>
          %parallel_loop3A_524 = arith.index_cast %parallel_loop3A_408 : i32 to index
          %parallel_loop3A_525 = arith.constant 176 : index
          %parallel_loop3A_526 = tpu.vector_load %arg8[%parallel_loop3A_524, %parallel_loop3A_525] {strides = array<i32>} : memref<128x768xf32, #tpu.memory_space<vmem>>, vector<1x16xf32>,
          %parallel_loop3A_527 = vector.shape_cast %parallel_loop3A_526 : vector<1x16xf32> to vector<16xf32>
          %parallel_loop3A_528 = vector.shape_cast %parallel_loop3A_523 : vector<16xf32> to vector<1x16xf32>
          tpu.vector_store %arg8[%parallel_loop3A_524, %parallel_loop3A_525], %parallel_loop3A_528 {strides = array<i32>} : memref<128x768xf32, #tpu.memory_space<vmem>>, vector<1x16xf32>,
          %parallel_loop3A_529 = arith.index_cast %parallel_loop3A_408 : i32 to index
          %parallel_loop3A_530 = arith.constant 192 : index
          %parallel_loop3A_531 = tpu.vector_load %arg8[%parallel_loop3A_529, %parallel_loop3A_530] {strides = array<i32>} : memref<128x768xf32, #tpu.memory_space<vmem>>, vector<1x16xf32>,
          %parallel_loop3A_532 = vector.shape_cast %parallel_loop3A_531 : vector<1x16xf32> to vector<16xf32>
          %parallel_loop3A_533 = arith.addf %parallel_loop3A_532, %get3A_199 : vector<16xf32>
          %parallel_loop3A_534 = arith.index_cast %parallel_loop3A_408 : i32 to index
          %parallel_loop3A_535 = arith.constant 192 : index
          %parallel_loop3A_536 = tpu.vector_load %arg8[%parallel_loop3A_534, %parallel_loop3A_535] {strides = array<i32>} : memref<128x768xf32, #tpu.memory_space<vmem>>, vector<1x16xf32>,
          %parallel_loop3A_537 = vector.shape_cast %parallel_loop3A_536 : vector<1x16xf32> to vector<16xf32>
          %parallel_loop3A_538 = vector.shape_cast %parallel_loop3A_533 : vector<16xf32> to vector<1x16xf32>
          tpu.vector_store %arg8[%parallel_loop3A_534, %parallel_loop3A_535], %parallel_loop3A_538 {strides = array<i32>} : memref<128x768xf32, #tpu.memory_space<vmem>>, vector<1x16xf32>,
          %parallel_loop3A_539 = arith.index_cast %parallel_loop3A_408 : i32 to index
          %parallel_loop3A_540 = arith.constant 208 : index
          %parallel_loop3A_541 = tpu.vector_load %arg8[%parallel_loop3A_539, %parallel_loop3A_540] {strides = array<i32>} : memref<128x768xf32, #tpu.memory_space<vmem>>, vector<1x16xf32>,
          %parallel_loop3A_542 = vector.shape_cast %parallel_loop3A_541 : vector<1x16xf32> to vector<16xf32>
          %parallel_loop3A_543 = arith.addf %parallel_loop3A_542, %get3A_204 : vector<16xf32>
          %parallel_loop3A_544 = arith.index_cast %parallel_loop3A_408 : i32 to index
          %parallel_loop3A_545 = arith.constant 208 : index
          %parallel_loop3A_546 = tpu.vector_load %arg8[%parallel_loop3A_544, %parallel_loop3A_545] {strides = array<i32>} : memref<128x768xf32, #tpu.memory_space<vmem>>, vector<1x16xf32>,
          %parallel_loop3A_547 = vector.shape_cast %parallel_loop3A_546 : vector<1x16xf32> to vector<16xf32>
          %parallel_loop3A_548 = vector.shape_cast %parallel_loop3A_543 : vector<16xf32> to vector<1x16xf32>
          tpu.vector_store %arg8[%parallel_loop3A_544, %parallel_loop3A_545], %parallel_loop3A_548 {strides = array<i32>} : memref<128x768xf32, #tpu.memory_space<vmem>>, vector<1x16xf32>,
          %parallel_loop3A_549 = arith.index_cast %parallel_loop3A_408 : i32 to index
          %parallel_loop3A_550 = arith.constant 224 : index
          %parallel_loop3A_551 = tpu.vector_load %arg8[%parallel_loop3A_549, %parallel_loop3A_550] {strides = array<i32>} : memref<128x768xf32, #tpu.memory_space<vmem>>, vector<1x16xf32>,
          %parallel_loop3A_552 = vector.shape_cast %parallel_loop3A_551 : vector<1x16xf32> to vector<16xf32>
          %parallel_loop3A_553 = arith.addf %parallel_loop3A_552, %get3A_209 : vector<16xf32>
          %parallel_loop3A_554 = arith.index_cast %parallel_loop3A_408 : i32 to index
          %parallel_loop3A_555 = arith.constant 224 : index
          %parallel_loop3A_556 = tpu.vector_load %arg8[%parallel_loop3A_554, %parallel_loop3A_555] {strides = array<i32>} : memref<128x768xf32, #tpu.memory_space<vmem>>, vector<1x16xf32>,
          %parallel_loop3A_557 = vector.shape_cast %parallel_loop3A_556 : vector<1x16xf32> to vector<16xf32>
          %parallel_loop3A_558 = vector.shape_cast %parallel_loop3A_553 : vector<16xf32> to vector<1x16xf32>
          tpu.vector_store %arg8[%parallel_loop3A_554, %parallel_loop3A_555], %parallel_loop3A_558 {strides = array<i32>} : memref<128x768xf32, #tpu.memory_space<vmem>>, vector<1x16xf32>,
          %parallel_loop3A_559 = arith.index_cast %parallel_loop3A_408 : i32 to index
          %parallel_loop3A_560 = arith.constant 240 : index
          %parallel_loop3A_561 = tpu.vector_load %arg8[%parallel_loop3A_559, %parallel_loop3A_560] {strides = array<i32>} : memref<128x768xf32, #tpu.memory_space<vmem>>, vector<1x16xf32>,
          %parallel_loop3A_562 = vector.shape_cast %parallel_loop3A_561 : vector<1x16xf32> to vector<16xf32>
          %parallel_loop3A_563 = arith.addf %parallel_loop3A_562, %get3A_214 : vector<16xf32>
          %parallel_loop3A_564 = arith.index_cast %parallel_loop3A_408 : i32 to index
          %parallel_loop3A_565 = arith.constant 240 : index
          %parallel_loop3A_566 = tpu.vector_load %arg8[%parallel_loop3A_564, %parallel_loop3A_565] {strides = array<i32>} : memref<128x768xf32, #tpu.memory_space<vmem>>, vector<1x16xf32>,
          %parallel_loop3A_567 = vector.shape_cast %parallel_loop3A_566 : vector<1x16xf32> to vector<16xf32>
          %parallel_loop3A_568 = vector.shape_cast %parallel_loop3A_563 : vector<16xf32> to vector<1x16xf32>
          tpu.vector_store %arg8[%parallel_loop3A_564, %parallel_loop3A_565], %parallel_loop3A_568 {strides = array<i32>} : memref<128x768xf32, #tpu.memory_space<vmem>>, vector<1x16xf32>,
          %parallel_loop3A_569 = arith.index_cast %parallel_loop3A_408 : i32 to index
          %parallel_loop3A_570 = arith.constant 256 : index
          %parallel_loop3A_571 = tpu.vector_load %arg8[%parallel_loop3A_569, %parallel_loop3A_570] {strides = array<i32>} : memref<128x768xf32, #tpu.memory_space<vmem>>, vector<1x16xf32>,
          %parallel_loop3A_572 = vector.shape_cast %parallel_loop3A_571 : vector<1x16xf32> to vector<16xf32>
          %parallel_loop3A_573 = arith.addf %parallel_loop3A_572, %get3A_219 : vector<16xf32>
          %parallel_loop3A_574 = arith.index_cast %parallel_loop3A_408 : i32 to index
          %parallel_loop3A_575 = arith.constant 256 : index
          %parallel_loop3A_576 = tpu.vector_load %arg8[%parallel_loop3A_574, %parallel_loop3A_575] {strides = array<i32>} : memref<128x768xf32, #tpu.memory_space<vmem>>, vector<1x16xf32>,
          %parallel_loop3A_577 = vector.shape_cast %parallel_loop3A_576 : vector<1x16xf32> to vector<16xf32>
          %parallel_loop3A_578 = vector.shape_cast %parallel_loop3A_573 : vector<16xf32> to vector<1x16xf32>
          tpu.vector_store %arg8[%parallel_loop3A_574, %parallel_loop3A_575], %parallel_loop3A_578 {strides = array<i32>} : memref<128x768xf32, #tpu.memory_space<vmem>>, vector<1x16xf32>,
          %parallel_loop3A_579 = arith.index_cast %parallel_loop3A_408 : i32 to index
          %parallel_loop3A_580 = arith.constant 272 : index
          %parallel_loop3A_581 = tpu.vector_load %arg8[%parallel_loop3A_579, %parallel_loop3A_580] {strides = array<i32>} : memref<128x768xf32, #tpu.memory_space<vmem>>, vector<1x16xf32>,
          %parallel_loop3A_582 = vector.shape_cast %parallel_loop3A_581 : vector<1x16xf32> to vector<16xf32>
          %parallel_loop3A_583 = arith.addf %parallel_loop3A_582, %get3A_224 : vector<16xf32>
          %parallel_loop3A_584 = arith.index_cast %parallel_loop3A_408 : i32 to index
          %parallel_loop3A_585 = arith.constant 272 : index
          %parallel_loop3A_586 = tpu.vector_load %arg8[%parallel_loop3A_584, %parallel_loop3A_585] {strides = array<i32>} : memref<128x768xf32, #tpu.memory_space<vmem>>, vector<1x16xf32>,
          %parallel_loop3A_587 = vector.shape_cast %parallel_loop3A_586 : vector<1x16xf32> to vector<16xf32>
          %parallel_loop3A_588 = vector.shape_cast %parallel_loop3A_583 : vector<16xf32> to vector<1x16xf32>
          tpu.vector_store %arg8[%parallel_loop3A_584, %parallel_loop3A_585], %parallel_loop3A_588 {strides = array<i32>} : memref<128x768xf32, #tpu.memory_space<vmem>>, vector<1x16xf32>,
          %parallel_loop3A_589 = arith.index_cast %parallel_loop3A_408 : i32 to index
          %parallel_loop3A_590 = arith.constant 288 : index
          %parallel_loop3A_591 = tpu.vector_load %arg8[%parallel_loop3A_589, %parallel_loop3A_590] {strides = array<i32>} : memref<128x768xf32, #tpu.memory_space<vmem>>, vector<1x16xf32>,
          %parallel_loop3A_592 = vector.shape_cast %parallel_loop3A_591 : vector<1x16xf32> to vector<16xf32>
          %parallel_loop3A_593 = arith.addf %parallel_loop3A_592, %get3A_229 : vector<16xf32>
          %parallel_loop3A_594 = arith.index_cast %parallel_loop3A_408 : i32 to index
          %parallel_loop3A_595 = arith.constant 288 : index
          %parallel_loop3A_596 = tpu.vector_load %arg8[%parallel_loop3A_594, %parallel_loop3A_595] {strides = array<i32>} : memref<128x768xf32, #tpu.memory_space<vmem>>, vector<1x16xf32>,
          %parallel_loop3A_597 = vector.shape_cast %parallel_loop3A_596 : vector<1x16xf32> to vector<16xf32>
          %parallel_loop3A_598 = vector.shape_cast %parallel_loop3A_593 : vector<16xf32> to vector<1x16xf32>
          tpu.vector_store %arg8[%parallel_loop3A_594, %parallel_loop3A_595], %parallel_loop3A_598 {strides = array<i32>} : memref<128x768xf32, #tpu.memory_space<vmem>>, vector<1x16xf32>,
          %parallel_loop3A_599 = arith.index_cast %parallel_loop3A_408 : i32 to index
          %parallel_loop3A_600 = arith.constant 304 : index
          %parallel_loop3A_601 = tpu.vector_load %arg8[%parallel_loop3A_599, %parallel_loop3A_600] {strides = array<i32>} : memref<128x768xf32, #tpu.memory_space<vmem>>, vector<1x16xf32>,
          %parallel_loop3A_602 = vector.shape_cast %parallel_loop3A_601 : vector<1x16xf32> to vector<16xf32>
          %parallel_loop3A_603 = arith.addf %parallel_loop3A_602, %get3A_234 : vector<16xf32>
          %parallel_loop3A_604 = arith.index_cast %parallel_loop3A_408 : i32 to index
          %parallel_loop3A_605 = arith.constant 304 : index
          %parallel_loop3A_606 = tpu.vector_load %arg8[%parallel_loop3A_604, %parallel_loop3A_605] {strides = array<i32>} : memref<128x768xf32, #tpu.memory_space<vmem>>, vector<1x16xf32>,
          %parallel_loop3A_607 = vector.shape_cast %parallel_loop3A_606 : vector<1x16xf32> to vector<16xf32>
          %parallel_loop3A_608 = vector.shape_cast %parallel_loop3A_603 : vector<16xf32> to vector<1x16xf32>
          tpu.vector_store %arg8[%parallel_loop3A_604, %parallel_loop3A_605], %parallel_loop3A_608 {strides = array<i32>} : memref<128x768xf32, #tpu.memory_space<vmem>>, vector<1x16xf32>,
          %parallel_loop3A_609 = arith.index_cast %parallel_loop3A_408 : i32 to index
          %parallel_loop3A_610 = arith.constant 320 : index
          %parallel_loop3A_611 = tpu.vector_load %arg8[%parallel_loop3A_609, %parallel_loop3A_610] {strides = array<i32>} : memref<128x768xf32, #tpu.memory_space<vmem>>, vector<1x16xf32>,
          %parallel_loop3A_612 = vector.shape_cast %parallel_loop3A_611 : vector<1x16xf32> to vector<16xf32>
          %parallel_loop3A_613 = arith.addf %parallel_loop3A_612, %get3A_239 : vector<16xf32>
          %parallel_loop3A_614 = arith.index_cast %parallel_loop3A_408 : i32 to index
          %parallel_loop3A_615 = arith.constant 320 : index
          %parallel_loop3A_616 = tpu.vector_load %arg8[%parallel_loop3A_614, %parallel_loop3A_615] {strides = array<i32>} : memref<128x768xf32, #tpu.memory_space<vmem>>, vector<1x16xf32>,
          %parallel_loop3A_617 = vector.shape_cast %parallel_loop3A_616 : vector<1x16xf32> to vector<16xf32>
          %parallel_loop3A_618 = vector.shape_cast %parallel_loop3A_613 : vector<16xf32> to vector<1x16xf32>
          tpu.vector_store %arg8[%parallel_loop3A_614, %parallel_loop3A_615], %parallel_loop3A_618 {strides = array<i32>} : memref<128x768xf32, #tpu.memory_space<vmem>>, vector<1x16xf32>,
          %parallel_loop3A_619 = arith.index_cast %parallel_loop3A_408 : i32 to index
          %parallel_loop3A_620 = arith.constant 336 : index
          %parallel_loop3A_621 = tpu.vector_load %arg8[%parallel_loop3A_619, %parallel_loop3A_620] {strides = array<i32>} : memref<128x768xf32, #tpu.memory_space<vmem>>, vector<1x16xf32>,
          %parallel_loop3A_622 = vector.shape_cast %parallel_loop3A_621 : vector<1x16xf32> to vector<16xf32>
          %parallel_loop3A_623 = arith.addf %parallel_loop3A_622, %get3A_244 : vector<16xf32>
          %parallel_loop3A_624 = arith.index_cast %parallel_loop3A_408 : i32 to index
          %parallel_loop3A_625 = arith.constant 336 : index
          %parallel_loop3A_626 = tpu.vector_load %arg8[%parallel_loop3A_624, %parallel_loop3A_625] {strides = array<i32>} : memref<128x768xf32, #tpu.memory_space<vmem>>, vector<1x16xf32>,
          %parallel_loop3A_627 = vector.shape_cast %parallel_loop3A_626 : vector<1x16xf32> to vector<16xf32>
          %parallel_loop3A_628 = vector.shape_cast %parallel_loop3A_623 : vector<16xf32> to vector<1x16xf32>
          tpu.vector_store %arg8[%parallel_loop3A_624, %parallel_loop3A_625], %parallel_loop3A_628 {strides = array<i32>} : memref<128x768xf32, #tpu.memory_space<vmem>>, vector<1x16xf32>,
          %parallel_loop3A_629 = arith.index_cast %parallel_loop3A_408 : i32 to index
          %parallel_loop3A_630 = arith.constant 352 : index
          %parallel_loop3A_631 = tpu.vector_load %arg8[%parallel_loop3A_629, %parallel_loop3A_630] {strides = array<i32>} : memref<128x768xf32, #tpu.memory_space<vmem>>, vector<1x16xf32>,
          %parallel_loop3A_632 = vector.shape_cast %parallel_loop3A_631 : vector<1x16xf32> to vector<16xf32>
          %parallel_loop3A_633 = arith.addf %parallel_loop3A_632, %get3A_249 : vector<16xf32>
          %parallel_loop3A_634 = arith.index_cast %parallel_loop3A_408 : i32 to index
          %parallel_loop3A_635 = arith.constant 352 : index
          %parallel_loop3A_636 = tpu.vector_load %arg8[%parallel_loop3A_634, %parallel_loop3A_635] {strides = array<i32>} : memref<128x768xf32, #tpu.memory_space<vmem>>, vector<1x16xf32>,
          %parallel_loop3A_637 = vector.shape_cast %parallel_loop3A_636 : vector<1x16xf32> to vector<16xf32>
          %parallel_loop3A_638 = vector.shape_cast %parallel_loop3A_633 : vector<16xf32> to vector<1x16xf32>
          tpu.vector_store %arg8[%parallel_loop3A_634, %parallel_loop3A_635], %parallel_loop3A_638 {strides = array<i32>} : memref<128x768xf32, #tpu.memory_space<vmem>>, vector<1x16xf32>,
          %parallel_loop3A_639 = arith.index_cast %parallel_loop3A_408 : i32 to index
          %parallel_loop3A_640 = arith.constant 368 : index
          %parallel_loop3A_641 = tpu.vector_load %arg8[%parallel_loop3A_639, %parallel_loop3A_640] {strides = array<i32>} : memref<128x768xf32, #tpu.memory_space<vmem>>, vector<1x16xf32>,
          %parallel_loop3A_642 = vector.shape_cast %parallel_loop3A_641 : vector<1x16xf32> to vector<16xf32>
          %parallel_loop3A_643 = arith.addf %parallel_loop3A_642, %get3A_254 : vector<16xf32>
          %parallel_loop3A_644 = arith.index_cast %parallel_loop3A_408 : i32 to index
          %parallel_loop3A_645 = arith.constant 368 : index
          %parallel_loop3A_646 = tpu.vector_load %arg8[%parallel_loop3A_644, %parallel_loop3A_645] {strides = array<i32>} : memref<128x768xf32, #tpu.memory_space<vmem>>, vector<1x16xf32>,
          %parallel_loop3A_647 = vector.shape_cast %parallel_loop3A_646 : vector<1x16xf32> to vector<16xf32>
          %parallel_loop3A_648 = vector.shape_cast %parallel_loop3A_643 : vector<16xf32> to vector<1x16xf32>
          tpu.vector_store %arg8[%parallel_loop3A_644, %parallel_loop3A_645], %parallel_loop3A_648 {strides = array<i32>} : memref<128x768xf32, #tpu.memory_space<vmem>>, vector<1x16xf32>,
        } {sc.loop_unroll_factor = 2 : i64, sc.parallel_access}
        %get3A_257 = arith.constant 2 : i32
        %get3A_258 = arith.index_cast %get3A_257 : i32 to index
        %get3A_259 = arith.constant 384 : index
        %get3A_260 = tpu.vector_load %arg7[%get3A_258, %get3A_259] {strides = array<i32>} : memref<4x768xf32, #tpu.memory_space<vmem>>, vector<1x16xf32>,
        %get3A_261 = vector.shape_cast %get3A_260 : vector<1x16xf32> to vector<16xf32>
        %get3A_262 = arith.constant 2 : i32
        %get3A_263 = arith.index_cast %get3A_262 : i32 to index
        %get3A_264 = arith.constant 400 : index
        %get3A_265 = tpu.vector_load %arg7[%get3A_263, %get3A_264] {strides = array<i32>} : memref<4x768xf32, #tpu.memory_space<vmem>>, vector<1x16xf32>,
        %get3A_266 = vector.shape_cast %get3A_265 : vector<1x16xf32> to vector<16xf32>
        %get3A_267 = arith.constant 2 : i32
        %get3A_268 = arith.index_cast %get3A_267 : i32 to index
        %get3A_269 = arith.constant 416 : index
        %get3A_270 = tpu.vector_load %arg7[%get3A_268, %get3A_269] {strides = array<i32>} : memref<4x768xf32, #tpu.memory_space<vmem>>, vector<1x16xf32>,
        %get3A_271 = vector.shape_cast %get3A_270 : vector<1x16xf32> to vector<16xf32>
        %get3A_272 = arith.constant 2 : i32
        %get3A_273 = arith.index_cast %get3A_272 : i32 to index
        %get3A_274 = arith.constant 432 : index
        %get3A_275 = tpu.vector_load %arg7[%get3A_273, %get3A_274] {strides = array<i32>} : memref<4x768xf32, #tpu.memory_space<vmem>>, vector<1x16xf32>,
        %get3A_276 = vector.shape_cast %get3A_275 : vector<1x16xf32> to vector<16xf32>
        %get3A_277 = arith.constant 2 : i32
        %get3A_278 = arith.index_cast %get3A_277 : i32 to index
        %get3A_279 = arith.constant 448 : index
        %get3A_280 = tpu.vector_load %arg7[%get3A_278, %get3A_279] {strides = array<i32>} : memref<4x768xf32, #tpu.memory_space<vmem>>, vector<1x16xf32>,
        %get3A_281 = vector.shape_cast %get3A_280 : vector<1x16xf32> to vector<16xf32>
        %get3A_282 = arith.constant 2 : i32
        %get3A_283 = arith.index_cast %get3A_282 : i32 to index
        %get3A_284 = arith.constant 464 : index
        %get3A_285 = tpu.vector_load %arg7[%get3A_283, %get3A_284] {strides = array<i32>} : memref<4x768xf32, #tpu.memory_space<vmem>>, vector<1x16xf32>,
        %get3A_286 = vector.shape_cast %get3A_285 : vector<1x16xf32> to vector<16xf32>
        %get3A_287 = arith.constant 2 : i32
        %get3A_288 = arith.index_cast %get3A_287 : i32 to index
        %get3A_289 = arith.constant 480 : index
        %get3A_290 = tpu.vector_load %arg7[%get3A_288, %get3A_289] {strides = array<i32>} : memref<4x768xf32, #tpu.memory_space<vmem>>, vector<1x16xf32>,
        %get3A_291 = vector.shape_cast %get3A_290 : vector<1x16xf32> to vector<16xf32>
        %get3A_292 = arith.constant 2 : i32
        %get3A_293 = arith.index_cast %get3A_292 : i32 to index
        %get3A_294 = arith.constant 496 : index
        %get3A_295 = tpu.vector_load %arg7[%get3A_293, %get3A_294] {strides = array<i32>} : memref<4x768xf32, #tpu.memory_space<vmem>>, vector<1x16xf32>,
        %get3A_296 = vector.shape_cast %get3A_295 : vector<1x16xf32> to vector<16xf32>
        %get3A_297 = arith.constant 2 : i32
        %get3A_298 = arith.index_cast %get3A_297 : i32 to index
        %get3A_299 = arith.constant 512 : index
        %get3A_300 = tpu.vector_load %arg7[%get3A_298, %get3A_299] {strides = array<i32>} : memref<4x768xf32, #tpu.memory_space<vmem>>, vector<1x16xf32>,
        %get3A_301 = vector.shape_cast %get3A_300 : vector<1x16xf32> to vector<16xf32>
        %get3A_302 = arith.constant 2 : i32
        %get3A_303 = arith.index_cast %get3A_302 : i32 to index
        %get3A_304 = arith.constant 528 : index
        %get3A_305 = tpu.vector_load %arg7[%get3A_303, %get3A_304] {strides = array<i32>} : memref<4x768xf32, #tpu.memory_space<vmem>>, vector<1x16xf32>,
        %get3A_306 = vector.shape_cast %get3A_305 : vector<1x16xf32> to vector<16xf32>
        %get3A_307 = arith.constant 2 : i32
        %get3A_308 = arith.index_cast %get3A_307 : i32 to index
        %get3A_309 = arith.constant 544 : index
        %get3A_310 = tpu.vector_load %arg7[%get3A_308, %get3A_309] {strides = array<i32>} : memref<4x768xf32, #tpu.memory_space<vmem>>, vector<1x16xf32>,
        %get3A_311 = vector.shape_cast %get3A_310 : vector<1x16xf32> to vector<16xf32>
        %get3A_312 = arith.constant 2 : i32
        %get3A_313 = arith.index_cast %get3A_312 : i32 to index
        %get3A_314 = arith.constant 560 : index
        %get3A_315 = tpu.vector_load %arg7[%get3A_313, %get3A_314] {strides = array<i32>} : memref<4x768xf32, #tpu.memory_space<vmem>>, vector<1x16xf32>,
        %get3A_316 = vector.shape_cast %get3A_315 : vector<1x16xf32> to vector<16xf32>
        %get3A_317 = arith.constant 2 : i32
        %get3A_318 = arith.index_cast %get3A_317 : i32 to index
        %get3A_319 = arith.constant 576 : index
        %get3A_320 = tpu.vector_load %arg7[%get3A_318, %get3A_319] {strides = array<i32>} : memref<4x768xf32, #tpu.memory_space<vmem>>, vector<1x16xf32>,
        %get3A_321 = vector.shape_cast %get3A_320 : vector<1x16xf32> to vector<16xf32>
        %get3A_322 = arith.constant 2 : i32
        %get3A_323 = arith.index_cast %get3A_322 : i32 to index
        %get3A_324 = arith.constant 592 : index
        %get3A_325 = tpu.vector_load %arg7[%get3A_323, %get3A_324] {strides = array<i32>} : memref<4x768xf32, #tpu.memory_space<vmem>>, vector<1x16xf32>,
        %get3A_326 = vector.shape_cast %get3A_325 : vector<1x16xf32> to vector<16xf32>
        %get3A_327 = arith.constant 2 : i32
        %get3A_328 = arith.index_cast %get3A_327 : i32 to index
        %get3A_329 = arith.constant 608 : index
        %get3A_330 = tpu.vector_load %arg7[%get3A_328, %get3A_329] {strides = array<i32>} : memref<4x768xf32, #tpu.memory_space<vmem>>, vector<1x16xf32>,
        %get3A_331 = vector.shape_cast %get3A_330 : vector<1x16xf32> to vector<16xf32>
        %get3A_332 = arith.constant 2 : i32
        %get3A_333 = arith.index_cast %get3A_332 : i32 to index
        %get3A_334 = arith.constant 624 : index
        %get3A_335 = tpu.vector_load %arg7[%get3A_333, %get3A_334] {strides = array<i32>} : memref<4x768xf32, #tpu.memory_space<vmem>>, vector<1x16xf32>,
        %get3A_336 = vector.shape_cast %get3A_335 : vector<1x16xf32> to vector<16xf32>
        %get3A_337 = arith.constant 2 : i32
        %get3A_338 = arith.index_cast %get3A_337 : i32 to index
        %get3A_339 = arith.constant 640 : index
        %get3A_340 = tpu.vector_load %arg7[%get3A_338, %get3A_339] {strides = array<i32>} : memref<4x768xf32, #tpu.memory_space<vmem>>, vector<1x16xf32>,
        %get3A_341 = vector.shape_cast %get3A_340 : vector<1x16xf32> to vector<16xf32>
        %get3A_342 = arith.constant 2 : i32
        %get3A_343 = arith.index_cast %get3A_342 : i32 to index
        %get3A_344 = arith.constant 656 : index
        %get3A_345 = tpu.vector_load %arg7[%get3A_343, %get3A_344] {strides = array<i32>} : memref<4x768xf32, #tpu.memory_space<vmem>>, vector<1x16xf32>,
        %get3A_346 = vector.shape_cast %get3A_345 : vector<1x16xf32> to vector<16xf32>
        %get3A_347 = arith.constant 2 : i32
        %get3A_348 = arith.index_cast %get3A_347 : i32 to index
        %get3A_349 = arith.constant 672 : index
        %get3A_350 = tpu.vector_load %arg7[%get3A_348, %get3A_349] {strides = array<i32>} : memref<4x768xf32, #tpu.memory_space<vmem>>, vector<1x16xf32>,
        %get3A_351 = vector.shape_cast %get3A_350 : vector<1x16xf32> to vector<16xf32>
        %get3A_352 = arith.constant 2 : i32
        %get3A_353 = arith.index_cast %get3A_352 : i32 to index
        %get3A_354 = arith.constant 688 : index
        %get3A_355 = tpu.vector_load %arg7[%get3A_353, %get3A_354] {strides = array<i32>} : memref<4x768xf32, #tpu.memory_space<vmem>>, vector<1x16xf32>,
        %get3A_356 = vector.shape_cast %get3A_355 : vector<1x16xf32> to vector<16xf32>
        %get3A_357 = arith.constant 2 : i32
        %get3A_358 = arith.index_cast %get3A_357 : i32 to index
        %get3A_359 = arith.constant 704 : index
        %get3A_360 = tpu.vector_load %arg7[%get3A_358, %get3A_359] {strides = array<i32>} : memref<4x768xf32, #tpu.memory_space<vmem>>, vector<1x16xf32>,
        %get3A_361 = vector.shape_cast %get3A_360 : vector<1x16xf32> to vector<16xf32>
        %get3A_362 = arith.constant 2 : i32
        %get3A_363 = arith.index_cast %get3A_362 : i32 to index
        %get3A_364 = arith.constant 720 : index
        %get3A_365 = tpu.vector_load %arg7[%get3A_363, %get3A_364] {strides = array<i32>} : memref<4x768xf32, #tpu.memory_space<vmem>>, vector<1x16xf32>,
        %get3A_366 = vector.shape_cast %get3A_365 : vector<1x16xf32> to vector<16xf32>
        %get3A_367 = arith.constant 2 : i32
        %get3A_368 = arith.index_cast %get3A_367 : i32 to index
        %get3A_369 = arith.constant 736 : index
        %get3A_370 = tpu.vector_load %arg7[%get3A_368, %get3A_369] {strides = array<i32>} : memref<4x768xf32, #tpu.memory_space<vmem>>, vector<1x16xf32>,
        %get3A_371 = vector.shape_cast %get3A_370 : vector<1x16xf32> to vector<16xf32>
        %get3A_372 = arith.constant 2 : i32
        %get3A_373 = arith.index_cast %get3A_372 : i32 to index
        %get3A_374 = arith.constant 752 : index
        %get3A_375 = tpu.vector_load %arg7[%get3A_373, %get3A_374] {strides = array<i32>} : memref<4x768xf32, #tpu.memory_space<vmem>>, vector<1x16xf32>,
        %get3A_376 = vector.shape_cast %get3A_375 : vector<1x16xf32> to vector<16xf32>
        %parallel_loop3A_377 = arith.constant 0 : i32
        %parallel_loop3A_378 = arith.constant 32 : i32
        %parallel_loop3A_379 = arith.constant 1 : i32
        scf.for %parallel_loop3A_406 = %parallel_loop3A_377 to %parallel_loop3A_378 step %parallel_loop3A_379  : i32 {
          %parallel_loop3A_407 = arith.constant 64 : i32
          %parallel_loop3A_408 = arith.addi %parallel_loop3A_407, %parallel_loop3A_406 : i32
          %parallel_loop3A_409 = arith.index_cast %parallel_loop3A_408 : i32 to index
          %parallel_loop3A_410 = arith.constant 384 : index
          %parallel_loop3A_411 = tpu.vector_load %arg8[%parallel_loop3A_409, %parallel_loop3A_410] {strides = array<i32>} : memref<128x768xf32, #tpu.memory_space<vmem>>, vector<1x16xf32>,
          %parallel_loop3A_412 = vector.shape_cast %parallel_loop3A_411 : vector<1x16xf32> to vector<16xf32>
          %parallel_loop3A_413 = arith.addf %parallel_loop3A_412, %get3A_261 : vector<16xf32>
          %parallel_loop3A_414 = arith.index_cast %parallel_loop3A_408 : i32 to index
          %parallel_loop3A_415 = arith.constant 384 : index
          %parallel_loop3A_416 = tpu.vector_load %arg8[%parallel_loop3A_414, %parallel_loop3A_415] {strides = array<i32>} : memref<128x768xf32, #tpu.memory_space<vmem>>, vector<1x16xf32>,
          %parallel_loop3A_417 = vector.shape_cast %parallel_loop3A_416 : vector<1x16xf32> to vector<16xf32>
          %parallel_loop3A_418 = vector.shape_cast %parallel_loop3A_413 : vector<16xf32> to vector<1x16xf32>
          tpu.vector_store %arg8[%parallel_loop3A_414, %parallel_loop3A_415], %parallel_loop3A_418 {strides = array<i32>} : memref<128x768xf32, #tpu.memory_space<vmem>>, vector<1x16xf32>,
          %parallel_loop3A_419 = arith.index_cast %parallel_loop3A_408 : i32 to index
          %parallel_loop3A_420 = arith.constant 400 : index
          %parallel_loop3A_421 = tpu.vector_load %arg8[%parallel_loop3A_419, %parallel_loop3A_420] {strides = array<i32>} : memref<128x768xf32, #tpu.memory_space<vmem>>, vector<1x16xf32>,
          %parallel_loop3A_422 = vector.shape_cast %parallel_loop3A_421 : vector<1x16xf32> to vector<16xf32>
          %parallel_loop3A_423 = arith.addf %parallel_loop3A_422, %get3A_266 : vector<16xf32>
          %parallel_loop3A_424 = arith.index_cast %parallel_loop3A_408 : i32 to index
          %parallel_loop3A_425 = arith.constant 400 : index
          %parallel_loop3A_426 = tpu.vector_load %arg8[%parallel_loop3A_424, %parallel_loop3A_425] {strides = array<i32>} : memref<128x768xf32, #tpu.memory_space<vmem>>, vector<1x16xf32>,
          %parallel_loop3A_427 = vector.shape_cast %parallel_loop3A_426 : vector<1x16xf32> to vector<16xf32>
          %parallel_loop3A_428 = vector.shape_cast %parallel_loop3A_423 : vector<16xf32> to vector<1x16xf32>
          tpu.vector_store %arg8[%parallel_loop3A_424, %parallel_loop3A_425], %parallel_loop3A_428 {strides = array<i32>} : memref<128x768xf32, #tpu.memory_space<vmem>>, vector<1x16xf32>,
          %parallel_loop3A_429 = arith.index_cast %parallel_loop3A_408 : i32 to index
          %parallel_loop3A_430 = arith.constant 416 : index
          %parallel_loop3A_431 = tpu.vector_load %arg8[%parallel_loop3A_429, %parallel_loop3A_430] {strides = array<i32>} : memref<128x768xf32, #tpu.memory_space<vmem>>, vector<1x16xf32>,
          %parallel_loop3A_432 = vector.shape_cast %parallel_loop3A_431 : vector<1x16xf32> to vector<16xf32>
          %parallel_loop3A_433 = arith.addf %parallel_loop3A_432, %get3A_271 : vector<16xf32>
          %parallel_loop3A_434 = arith.index_cast %parallel_loop3A_408 : i32 to index
          %parallel_loop3A_435 = arith.constant 416 : index
          %parallel_loop3A_436 = tpu.vector_load %arg8[%parallel_loop3A_434, %parallel_loop3A_435] {strides = array<i32>} : memref<128x768xf32, #tpu.memory_space<vmem>>, vector<1x16xf32>,
          %parallel_loop3A_437 = vector.shape_cast %parallel_loop3A_436 : vector<1x16xf32> to vector<16xf32>
          %parallel_loop3A_438 = vector.shape_cast %parallel_loop3A_433 : vector<16xf32> to vector<1x16xf32>
          tpu.vector_store %arg8[%parallel_loop3A_434, %parallel_loop3A_435], %parallel_loop3A_438 {strides = array<i32>} : memref<128x768xf32, #tpu.memory_space<vmem>>, vector<1x16xf32>,
          %parallel_loop3A_439 = arith.index_cast %parallel_loop3A_408 : i32 to index
          %parallel_loop3A_440 = arith.constant 432 : index
          %parallel_loop3A_441 = tpu.vector_load %arg8[%parallel_loop3A_439, %parallel_loop3A_440] {strides = array<i32>} : memref<128x768xf32, #tpu.memory_space<vmem>>, vector<1x16xf32>,
          %parallel_loop3A_442 = vector.shape_cast %parallel_loop3A_441 : vector<1x16xf32> to vector<16xf32>
          %parallel_loop3A_443 = arith.addf %parallel_loop3A_442, %get3A_276 : vector<16xf32>
          %parallel_loop3A_444 = arith.index_cast %parallel_loop3A_408 : i32 to index
          %parallel_loop3A_445 = arith.constant 432 : index
          %parallel_loop3A_446 = tpu.vector_load %arg8[%parallel_loop3A_444, %parallel_loop3A_445] {strides = array<i32>} : memref<128x768xf32, #tpu.memory_space<vmem>>, vector<1x16xf32>,
          %parallel_loop3A_447 = vector.shape_cast %parallel_loop3A_446 : vector<1x16xf32> to vector<16xf32>
          %parallel_loop3A_448 = vector.shape_cast %parallel_loop3A_443 : vector<16xf32> to vector<1x16xf32>
          tpu.vector_store %arg8[%parallel_loop3A_444, %parallel_loop3A_445], %parallel_loop3A_448 {strides = array<i32>} : memref<128x768xf32, #tpu.memory_space<vmem>>, vector<1x16xf32>,
          %parallel_loop3A_449 = arith.index_cast %parallel_loop3A_408 : i32 to index
          %parallel_loop3A_450 = arith.constant 448 : index
          %parallel_loop3A_451 = tpu.vector_load %arg8[%parallel_loop3A_449, %parallel_loop3A_450] {strides = array<i32>} : memref<128x768xf32, #tpu.memory_space<vmem>>, vector<1x16xf32>,
          %parallel_loop3A_452 = vector.shape_cast %parallel_loop3A_451 : vector<1x16xf32> to vector<16xf32>
          %parallel_loop3A_453 = arith.addf %parallel_loop3A_452, %get3A_281 : vector<16xf32>
          %parallel_loop3A_454 = arith.index_cast %parallel_loop3A_408 : i32 to index
          %parallel_loop3A_455 = arith.constant 448 : index
          %parallel_loop3A_456 = tpu.vector_load %arg8[%parallel_loop3A_454, %parallel_loop3A_455] {strides = array<i32>} : memref<128x768xf32, #tpu.memory_space<vmem>>, vector<1x16xf32>,
          %parallel_loop3A_457 = vector.shape_cast %parallel_loop3A_456 : vector<1x16xf32> to vector<16xf32>
          %parallel_loop3A_458 = vector.shape_cast %parallel_loop3A_453 : vector<16xf32> to vector<1x16xf32>
          tpu.vector_store %arg8[%parallel_loop3A_454, %parallel_loop3A_455], %parallel_loop3A_458 {strides = array<i32>} : memref<128x768xf32, #tpu.memory_space<vmem>>, vector<1x16xf32>,
          %parallel_loop3A_459 = arith.index_cast %parallel_loop3A_408 : i32 to index
          %parallel_loop3A_460 = arith.constant 464 : index
          %parallel_loop3A_461 = tpu.vector_load %arg8[%parallel_loop3A_459, %parallel_loop3A_460] {strides = array<i32>} : memref<128x768xf32, #tpu.memory_space<vmem>>, vector<1x16xf32>,
          %parallel_loop3A_462 = vector.shape_cast %parallel_loop3A_461 : vector<1x16xf32> to vector<16xf32>
          %parallel_loop3A_463 = arith.addf %parallel_loop3A_462, %get3A_286 : vector<16xf32>
          %parallel_loop3A_464 = arith.index_cast %parallel_loop3A_408 : i32 to index
          %parallel_loop3A_465 = arith.constant 464 : index
          %parallel_loop3A_466 = tpu.vector_load %arg8[%parallel_loop3A_464, %parallel_loop3A_465] {strides = array<i32>} : memref<128x768xf32, #tpu.memory_space<vmem>>, vector<1x16xf32>,
          %parallel_loop3A_467 = vector.shape_cast %parallel_loop3A_466 : vector<1x16xf32> to vector<16xf32>
          %parallel_loop3A_468 = vector.shape_cast %parallel_loop3A_463 : vector<16xf32> to vector<1x16xf32>
          tpu.vector_store %arg8[%parallel_loop3A_464, %parallel_loop3A_465], %parallel_loop3A_468 {strides = array<i32>} : memref<128x768xf32, #tpu.memory_space<vmem>>, vector<1x16xf32>,
          %parallel_loop3A_469 = arith.index_cast %parallel_loop3A_408 : i32 to index
          %parallel_loop3A_470 = arith.constant 480 : index
          %parallel_loop3A_471 = tpu.vector_load %arg8[%parallel_loop3A_469, %parallel_loop3A_470] {strides = array<i32>} : memref<128x768xf32, #tpu.memory_space<vmem>>, vector<1x16xf32>,
          %parallel_loop3A_472 = vector.shape_cast %parallel_loop3A_471 : vector<1x16xf32> to vector<16xf32>
          %parallel_loop3A_473 = arith.addf %parallel_loop3A_472, %get3A_291 : vector<16xf32>
          %parallel_loop3A_474 = arith.index_cast %parallel_loop3A_408 : i32 to index
          %parallel_loop3A_475 = arith.constant 480 : index
          %parallel_loop3A_476 = tpu.vector_load %arg8[%parallel_loop3A_474, %parallel_loop3A_475] {strides = array<i32>} : memref<128x768xf32, #tpu.memory_space<vmem>>, vector<1x16xf32>,
          %parallel_loop3A_477 = vector.shape_cast %parallel_loop3A_476 : vector<1x16xf32> to vector<16xf32>
          %parallel_loop3A_478 = vector.shape_cast %parallel_loop3A_473 : vector<16xf32> to vector<1x16xf32>
          tpu.vector_store %arg8[%parallel_loop3A_474, %parallel_loop3A_475], %parallel_loop3A_478 {strides = array<i32>} : memref<128x768xf32, #tpu.memory_space<vmem>>, vector<1x16xf32>,
          %parallel_loop3A_479 = arith.index_cast %parallel_loop3A_408 : i32 to index
          %parallel_loop3A_480 = arith.constant 496 : index
          %parallel_loop3A_481 = tpu.vector_load %arg8[%parallel_loop3A_479, %parallel_loop3A_480] {strides = array<i32>} : memref<128x768xf32, #tpu.memory_space<vmem>>, vector<1x16xf32>,
          %parallel_loop3A_482 = vector.shape_cast %parallel_loop3A_481 : vector<1x16xf32> to vector<16xf32>
          %parallel_loop3A_483 = arith.addf %parallel_loop3A_482, %get3A_296 : vector<16xf32>
          %parallel_loop3A_484 = arith.index_cast %parallel_loop3A_408 : i32 to index
          %parallel_loop3A_485 = arith.constant 496 : index
          %parallel_loop3A_486 = tpu.vector_load %arg8[%parallel_loop3A_484, %parallel_loop3A_485] {strides = array<i32>} : memref<128x768xf32, #tpu.memory_space<vmem>>, vector<1x16xf32>,
          %parallel_loop3A_487 = vector.shape_cast %parallel_loop3A_486 : vector<1x16xf32> to vector<16xf32>
          %parallel_loop3A_488 = vector.shape_cast %parallel_loop3A_483 : vector<16xf32> to vector<1x16xf32>
          tpu.vector_store %arg8[%parallel_loop3A_484, %parallel_loop3A_485], %parallel_loop3A_488 {strides = array<i32>} : memref<128x768xf32, #tpu.memory_space<vmem>>, vector<1x16xf32>,
          %parallel_loop3A_489 = arith.index_cast %parallel_loop3A_408 : i32 to index
          %parallel_loop3A_490 = arith.constant 512 : index
          %parallel_loop3A_491 = tpu.vector_load %arg8[%parallel_loop3A_489, %parallel_loop3A_490] {strides = array<i32>} : memref<128x768xf32, #tpu.memory_space<vmem>>, vector<1x16xf32>,
          %parallel_loop3A_492 = vector.shape_cast %parallel_loop3A_491 : vector<1x16xf32> to vector<16xf32>
          %parallel_loop3A_493 = arith.addf %parallel_loop3A_492, %get3A_301 : vector<16xf32>
          %parallel_loop3A_494 = arith.index_cast %parallel_loop3A_408 : i32 to index
          %parallel_loop3A_495 = arith.constant 512 : index
          %parallel_loop3A_496 = tpu.vector_load %arg8[%parallel_loop3A_494, %parallel_loop3A_495] {strides = array<i32>} : memref<128x768xf32, #tpu.memory_space<vmem>>, vector<1x16xf32>,
          %parallel_loop3A_497 = vector.shape_cast %parallel_loop3A_496 : vector<1x16xf32> to vector<16xf32>
          %parallel_loop3A_498 = vector.shape_cast %parallel_loop3A_493 : vector<16xf32> to vector<1x16xf32>
          tpu.vector_store %arg8[%parallel_loop3A_494, %parallel_loop3A_495], %parallel_loop3A_498 {strides = array<i32>} : memref<128x768xf32, #tpu.memory_space<vmem>>, vector<1x16xf32>,
          %parallel_loop3A_499 = arith.index_cast %parallel_loop3A_408 : i32 to index
          %parallel_loop3A_500 = arith.constant 528 : index
          %parallel_loop3A_501 = tpu.vector_load %arg8[%parallel_loop3A_499, %parallel_loop3A_500] {strides = array<i32>} : memref<128x768xf32, #tpu.memory_space<vmem>>, vector<1x16xf32>,
          %parallel_loop3A_502 = vector.shape_cast %parallel_loop3A_501 : vector<1x16xf32> to vector<16xf32>
          %parallel_loop3A_503 = arith.addf %parallel_loop3A_502, %get3A_306 : vector<16xf32>
          %parallel_loop3A_504 = arith.index_cast %parallel_loop3A_408 : i32 to index
          %parallel_loop3A_505 = arith.constant 528 : index
          %parallel_loop3A_506 = tpu.vector_load %arg8[%parallel_loop3A_504, %parallel_loop3A_505] {strides = array<i32>} : memref<128x768xf32, #tpu.memory_space<vmem>>, vector<1x16xf32>,
          %parallel_loop3A_507 = vector.shape_cast %parallel_loop3A_506 : vector<1x16xf32> to vector<16xf32>
          %parallel_loop3A_508 = vector.shape_cast %parallel_loop3A_503 : vector<16xf32> to vector<1x16xf32>
          tpu.vector_store %arg8[%parallel_loop3A_504, %parallel_loop3A_505], %parallel_loop3A_508 {strides = array<i32>} : memref<128x768xf32, #tpu.memory_space<vmem>>, vector<1x16xf32>,
          %parallel_loop3A_509 = arith.index_cast %parallel_loop3A_408 : i32 to index
          %parallel_loop3A_510 = arith.constant 544 : index
          %parallel_loop3A_511 = tpu.vector_load %arg8[%parallel_loop3A_509, %parallel_loop3A_510] {strides = array<i32>} : memref<128x768xf32, #tpu.memory_space<vmem>>, vector<1x16xf32>,
          %parallel_loop3A_512 = vector.shape_cast %parallel_loop3A_511 : vector<1x16xf32> to vector<16xf32>
          %parallel_loop3A_513 = arith.addf %parallel_loop3A_512, %get3A_311 : vector<16xf32>
          %parallel_loop3A_514 = arith.index_cast %parallel_loop3A_408 : i32 to index
          %parallel_loop3A_515 = arith.constant 544 : index
          %parallel_loop3A_516 = tpu.vector_load %arg8[%parallel_loop3A_514, %parallel_loop3A_515] {strides = array<i32>} : memref<128x768xf32, #tpu.memory_space<vmem>>, vector<1x16xf32>,
          %parallel_loop3A_517 = vector.shape_cast %parallel_loop3A_516 : vector<1x16xf32> to vector<16xf32>
          %parallel_loop3A_518 = vector.shape_cast %parallel_loop3A_513 : vector<16xf32> to vector<1x16xf32>
          tpu.vector_store %arg8[%parallel_loop3A_514, %parallel_loop3A_515], %parallel_loop3A_518 {strides = array<i32>} : memref<128x768xf32, #tpu.memory_space<vmem>>, vector<1x16xf32>,
          %parallel_loop3A_519 = arith.index_cast %parallel_loop3A_408 : i32 to index
          %parallel_loop3A_520 = arith.constant 560 : index
          %parallel_loop3A_521 = tpu.vector_load %arg8[%parallel_loop3A_519, %parallel_loop3A_520] {strides = array<i32>} : memref<128x768xf32, #tpu.memory_space<vmem>>, vector<1x16xf32>,
          %parallel_loop3A_522 = vector.shape_cast %parallel_loop3A_521 : vector<1x16xf32> to vector<16xf32>
          %parallel_loop3A_523 = arith.addf %parallel_loop3A_522, %get3A_316 : vector<16xf32>
          %parallel_loop3A_524 = arith.index_cast %parallel_loop3A_408 : i32 to index
          %parallel_loop3A_525 = arith.constant 560 : index
          %parallel_loop3A_526 = tpu.vector_load %arg8[%parallel_loop3A_524, %parallel_loop3A_525] {strides = array<i32>} : memref<128x768xf32, #tpu.memory_space<vmem>>, vector<1x16xf32>,
          %parallel_loop3A_527 = vector.shape_cast %parallel_loop3A_526 : vector<1x16xf32> to vector<16xf32>
          %parallel_loop3A_528 = vector.shape_cast %parallel_loop3A_523 : vector<16xf32> to vector<1x16xf32>
          tpu.vector_store %arg8[%parallel_loop3A_524, %parallel_loop3A_525], %parallel_loop3A_528 {strides = array<i32>} : memref<128x768xf32, #tpu.memory_space<vmem>>, vector<1x16xf32>,
          %parallel_loop3A_529 = arith.index_cast %parallel_loop3A_408 : i32 to index
          %parallel_loop3A_530 = arith.constant 576 : index
          %parallel_loop3A_531 = tpu.vector_load %arg8[%parallel_loop3A_529, %parallel_loop3A_530] {strides = array<i32>} : memref<128x768xf32, #tpu.memory_space<vmem>>, vector<1x16xf32>,
          %parallel_loop3A_532 = vector.shape_cast %parallel_loop3A_531 : vector<1x16xf32> to vector<16xf32>
          %parallel_loop3A_533 = arith.addf %parallel_loop3A_532, %get3A_321 : vector<16xf32>
          %parallel_loop3A_534 = arith.index_cast %parallel_loop3A_408 : i32 to index
          %parallel_loop3A_535 = arith.constant 576 : index
          %parallel_loop3A_536 = tpu.vector_load %arg8[%parallel_loop3A_534, %parallel_loop3A_535] {strides = array<i32>} : memref<128x768xf32, #tpu.memory_space<vmem>>, vector<1x16xf32>,
          %parallel_loop3A_537 = vector.shape_cast %parallel_loop3A_536 : vector<1x16xf32> to vector<16xf32>
          %parallel_loop3A_538 = vector.shape_cast %parallel_loop3A_533 : vector<16xf32> to vector<1x16xf32>
          tpu.vector_store %arg8[%parallel_loop3A_534, %parallel_loop3A_535], %parallel_loop3A_538 {strides = array<i32>} : memref<128x768xf32, #tpu.memory_space<vmem>>, vector<1x16xf32>,
          %parallel_loop3A_539 = arith.index_cast %parallel_loop3A_408 : i32 to index
          %parallel_loop3A_540 = arith.constant 592 : index
          %parallel_loop3A_541 = tpu.vector_load %arg8[%parallel_loop3A_539, %parallel_loop3A_540] {strides = array<i32>} : memref<128x768xf32, #tpu.memory_space<vmem>>, vector<1x16xf32>,
          %parallel_loop3A_542 = vector.shape_cast %parallel_loop3A_541 : vector<1x16xf32> to vector<16xf32>
          %parallel_loop3A_543 = arith.addf %parallel_loop3A_542, %get3A_326 : vector<16xf32>
          %parallel_loop3A_544 = arith.index_cast %parallel_loop3A_408 : i32 to index
          %parallel_loop3A_545 = arith.constant 592 : index
          %parallel_loop3A_546 = tpu.vector_load %arg8[%parallel_loop3A_544, %parallel_loop3A_545] {strides = array<i32>} : memref<128x768xf32, #tpu.memory_space<vmem>>, vector<1x16xf32>,
          %parallel_loop3A_547 = vector.shape_cast %parallel_loop3A_546 : vector<1x16xf32> to vector<16xf32>
          %parallel_loop3A_548 = vector.shape_cast %parallel_loop3A_543 : vector<16xf32> to vector<1x16xf32>
          tpu.vector_store %arg8[%parallel_loop3A_544, %parallel_loop3A_545], %parallel_loop3A_548 {strides = array<i32>} : memref<128x768xf32, #tpu.memory_space<vmem>>, vector<1x16xf32>,
          %parallel_loop3A_549 = arith.index_cast %parallel_loop3A_408 : i32 to index
          %parallel_loop3A_550 = arith.constant 608 : index
          %parallel_loop3A_551 = tpu.vector_load %arg8[%parallel_loop3A_549, %parallel_loop3A_550] {strides = array<i32>} : memref<128x768xf32, #tpu.memory_space<vmem>>, vector<1x16xf32>,
          %parallel_loop3A_552 = vector.shape_cast %parallel_loop3A_551 : vector<1x16xf32> to vector<16xf32>
          %parallel_loop3A_553 = arith.addf %parallel_loop3A_552, %get3A_331 : vector<16xf32>
          %parallel_loop3A_554 = arith.index_cast %parallel_loop3A_408 : i32 to index
          %parallel_loop3A_555 = arith.constant 608 : index
          %parallel_loop3A_556 = tpu.vector_load %arg8[%parallel_loop3A_554, %parallel_loop3A_555] {strides = array<i32>} : memref<128x768xf32, #tpu.memory_space<vmem>>, vector<1x16xf32>,
          %parallel_loop3A_557 = vector.shape_cast %parallel_loop3A_556 : vector<1x16xf32> to vector<16xf32>
          %parallel_loop3A_558 = vector.shape_cast %parallel_loop3A_553 : vector<16xf32> to vector<1x16xf32>
          tpu.vector_store %arg8[%parallel_loop3A_554, %parallel_loop3A_555], %parallel_loop3A_558 {strides = array<i32>} : memref<128x768xf32, #tpu.memory_space<vmem>>, vector<1x16xf32>,
          %parallel_loop3A_559 = arith.index_cast %parallel_loop3A_408 : i32 to index
          %parallel_loop3A_560 = arith.constant 624 : index
          %parallel_loop3A_561 = tpu.vector_load %arg8[%parallel_loop3A_559, %parallel_loop3A_560] {strides = array<i32>} : memref<128x768xf32, #tpu.memory_space<vmem>>, vector<1x16xf32>,
          %parallel_loop3A_562 = vector.shape_cast %parallel_loop3A_561 : vector<1x16xf32> to vector<16xf32>
          %parallel_loop3A_563 = arith.addf %parallel_loop3A_562, %get3A_336 : vector<16xf32>
          %parallel_loop3A_564 = arith.index_cast %parallel_loop3A_408 : i32 to index
          %parallel_loop3A_565 = arith.constant 624 : index
          %parallel_loop3A_566 = tpu.vector_load %arg8[%parallel_loop3A_564, %parallel_loop3A_565] {strides = array<i32>} : memref<128x768xf32, #tpu.memory_space<vmem>>, vector<1x16xf32>,
          %parallel_loop3A_567 = vector.shape_cast %parallel_loop3A_566 : vector<1x16xf32> to vector<16xf32>
          %parallel_loop3A_568 = vector.shape_cast %parallel_loop3A_563 : vector<16xf32> to vector<1x16xf32>
          tpu.vector_store %arg8[%parallel_loop3A_564, %parallel_loop3A_565], %parallel_loop3A_568 {strides = array<i32>} : memref<128x768xf32, #tpu.memory_space<vmem>>, vector<1x16xf32>,
          %parallel_loop3A_569 = arith.index_cast %parallel_loop3A_408 : i32 to index
          %parallel_loop3A_570 = arith.constant 640 : index
          %parallel_loop3A_571 = tpu.vector_load %arg8[%parallel_loop3A_569, %parallel_loop3A_570] {strides = array<i32>} : memref<128x768xf32, #tpu.memory_space<vmem>>, vector<1x16xf32>,
          %parallel_loop3A_572 = vector.shape_cast %parallel_loop3A_571 : vector<1x16xf32> to vector<16xf32>
          %parallel_loop3A_573 = arith.addf %parallel_loop3A_572, %get3A_341 : vector<16xf32>
          %parallel_loop3A_574 = arith.index_cast %parallel_loop3A_408 : i32 to index
          %parallel_loop3A_575 = arith.constant 640 : index
          %parallel_loop3A_576 = tpu.vector_load %arg8[%parallel_loop3A_574, %parallel_loop3A_575] {strides = array<i32>} : memref<128x768xf32, #tpu.memory_space<vmem>>, vector<1x16xf32>,
          %parallel_loop3A_577 = vector.shape_cast %parallel_loop3A_576 : vector<1x16xf32> to vector<16xf32>
          %parallel_loop3A_578 = vector.shape_cast %parallel_loop3A_573 : vector<16xf32> to vector<1x16xf32>
          tpu.vector_store %arg8[%parallel_loop3A_574, %parallel_loop3A_575], %parallel_loop3A_578 {strides = array<i32>} : memref<128x768xf32, #tpu.memory_space<vmem>>, vector<1x16xf32>,
          %parallel_loop3A_579 = arith.index_cast %parallel_loop3A_408 : i32 to index
          %parallel_loop3A_580 = arith.constant 656 : index
          %parallel_loop3A_581 = tpu.vector_load %arg8[%parallel_loop3A_579, %parallel_loop3A_580] {strides = array<i32>} : memref<128x768xf32, #tpu.memory_space<vmem>>, vector<1x16xf32>,
          %parallel_loop3A_582 = vector.shape_cast %parallel_loop3A_581 : vector<1x16xf32> to vector<16xf32>
          %parallel_loop3A_583 = arith.addf %parallel_loop3A_582, %get3A_346 : vector<16xf32>
          %parallel_loop3A_584 = arith.index_cast %parallel_loop3A_408 : i32 to index
          %parallel_loop3A_585 = arith.constant 656 : index
          %parallel_loop3A_586 = tpu.vector_load %arg8[%parallel_loop3A_584, %parallel_loop3A_585] {strides = array<i32>} : memref<128x768xf32, #tpu.memory_space<vmem>>, vector<1x16xf32>,
          %parallel_loop3A_587 = vector.shape_cast %parallel_loop3A_586 : vector<1x16xf32> to vector<16xf32>
          %parallel_loop3A_588 = vector.shape_cast %parallel_loop3A_583 : vector<16xf32> to vector<1x16xf32>
          tpu.vector_store %arg8[%parallel_loop3A_584, %parallel_loop3A_585], %parallel_loop3A_588 {strides = array<i32>} : memref<128x768xf32, #tpu.memory_space<vmem>>, vector<1x16xf32>,
          %parallel_loop3A_589 = arith.index_cast %parallel_loop3A_408 : i32 to index
          %parallel_loop3A_590 = arith.constant 672 : index
          %parallel_loop3A_591 = tpu.vector_load %arg8[%parallel_loop3A_589, %parallel_loop3A_590] {strides = array<i32>} : memref<128x768xf32, #tpu.memory_space<vmem>>, vector<1x16xf32>,
          %parallel_loop3A_592 = vector.shape_cast %parallel_loop3A_591 : vector<1x16xf32> to vector<16xf32>
          %parallel_loop3A_593 = arith.addf %parallel_loop3A_592, %get3A_351 : vector<16xf32>
          %parallel_loop3A_594 = arith.index_cast %parallel_loop3A_408 : i32 to index
          %parallel_loop3A_595 = arith.constant 672 : index
          %parallel_loop3A_596 = tpu.vector_load %arg8[%parallel_loop3A_594, %parallel_loop3A_595] {strides = array<i32>} : memref<128x768xf32, #tpu.memory_space<vmem>>, vector<1x16xf32>,
          %parallel_loop3A_597 = vector.shape_cast %parallel_loop3A_596 : vector<1x16xf32> to vector<16xf32>
          %parallel_loop3A_598 = vector.shape_cast %parallel_loop3A_593 : vector<16xf32> to vector<1x16xf32>
          tpu.vector_store %arg8[%parallel_loop3A_594, %parallel_loop3A_595], %parallel_loop3A_598 {strides = array<i32>} : memref<128x768xf32, #tpu.memory_space<vmem>>, vector<1x16xf32>,
          %parallel_loop3A_599 = arith.index_cast %parallel_loop3A_408 : i32 to index
          %parallel_loop3A_600 = arith.constant 688 : index
          %parallel_loop3A_601 = tpu.vector_load %arg8[%parallel_loop3A_599, %parallel_loop3A_600] {strides = array<i32>} : memref<128x768xf32, #tpu.memory_space<vmem>>, vector<1x16xf32>,
          %parallel_loop3A_602 = vector.shape_cast %parallel_loop3A_601 : vector<1x16xf32> to vector<16xf32>
          %parallel_loop3A_603 = arith.addf %parallel_loop3A_602, %get3A_356 : vector<16xf32>
          %parallel_loop3A_604 = arith.index_cast %parallel_loop3A_408 : i32 to index
          %parallel_loop3A_605 = arith.constant 688 : index
          %parallel_loop3A_606 = tpu.vector_load %arg8[%parallel_loop3A_604, %parallel_loop3A_605] {strides = array<i32>} : memref<128x768xf32, #tpu.memory_space<vmem>>, vector<1x16xf32>,
          %parallel_loop3A_607 = vector.shape_cast %parallel_loop3A_606 : vector<1x16xf32> to vector<16xf32>
          %parallel_loop3A_608 = vector.shape_cast %parallel_loop3A_603 : vector<16xf32> to vector<1x16xf32>
          tpu.vector_store %arg8[%parallel_loop3A_604, %parallel_loop3A_605], %parallel_loop3A_608 {strides = array<i32>} : memref<128x768xf32, #tpu.memory_space<vmem>>, vector<1x16xf32>,
          %parallel_loop3A_609 = arith.index_cast %parallel_loop3A_408 : i32 to index
          %parallel_loop3A_610 = arith.constant 704 : index
          %parallel_loop3A_611 = tpu.vector_load %arg8[%parallel_loop3A_609, %parallel_loop3A_610] {strides = array<i32>} : memref<128x768xf32, #tpu.memory_space<vmem>>, vector<1x16xf32>,
          %parallel_loop3A_612 = vector.shape_cast %parallel_loop3A_611 : vector<1x16xf32> to vector<16xf32>
          %parallel_loop3A_613 = arith.addf %parallel_loop3A_612, %get3A_361 : vector<16xf32>
          %parallel_loop3A_614 = arith.index_cast %parallel_loop3A_408 : i32 to index
          %parallel_loop3A_615 = arith.constant 704 : index
          %parallel_loop3A_616 = tpu.vector_load %arg8[%parallel_loop3A_614, %parallel_loop3A_615] {strides = array<i32>} : memref<128x768xf32, #tpu.memory_space<vmem>>, vector<1x16xf32>,
          %parallel_loop3A_617 = vector.shape_cast %parallel_loop3A_616 : vector<1x16xf32> to vector<16xf32>
          %parallel_loop3A_618 = vector.shape_cast %parallel_loop3A_613 : vector<16xf32> to vector<1x16xf32>
          tpu.vector_store %arg8[%parallel_loop3A_614, %parallel_loop3A_615], %parallel_loop3A_618 {strides = array<i32>} : memref<128x768xf32, #tpu.memory_space<vmem>>, vector<1x16xf32>,
          %parallel_loop3A_619 = arith.index_cast %parallel_loop3A_408 : i32 to index
          %parallel_loop3A_620 = arith.constant 720 : index
          %parallel_loop3A_621 = tpu.vector_load %arg8[%parallel_loop3A_619, %parallel_loop3A_620] {strides = array<i32>} : memref<128x768xf32, #tpu.memory_space<vmem>>, vector<1x16xf32>,
          %parallel_loop3A_622 = vector.shape_cast %parallel_loop3A_621 : vector<1x16xf32> to vector<16xf32>
          %parallel_loop3A_623 = arith.addf %parallel_loop3A_622, %get3A_366 : vector<16xf32>
          %parallel_loop3A_624 = arith.index_cast %parallel_loop3A_408 : i32 to index
          %parallel_loop3A_625 = arith.constant 720 : index
          %parallel_loop3A_626 = tpu.vector_load %arg8[%parallel_loop3A_624, %parallel_loop3A_625] {strides = array<i32>} : memref<128x768xf32, #tpu.memory_space<vmem>>, vector<1x16xf32>,
          %parallel_loop3A_627 = vector.shape_cast %parallel_loop3A_626 : vector<1x16xf32> to vector<16xf32>
          %parallel_loop3A_628 = vector.shape_cast %parallel_loop3A_623 : vector<16xf32> to vector<1x16xf32>
          tpu.vector_store %arg8[%parallel_loop3A_624, %parallel_loop3A_625], %parallel_loop3A_628 {strides = array<i32>} : memref<128x768xf32, #tpu.memory_space<vmem>>, vector<1x16xf32>,
          %parallel_loop3A_629 = arith.index_cast %parallel_loop3A_408 : i32 to index
          %parallel_loop3A_630 = arith.constant 736 : index
          %parallel_loop3A_631 = tpu.vector_load %arg8[%parallel_loop3A_629, %parallel_loop3A_630] {strides = array<i32>} : memref<128x768xf32, #tpu.memory_space<vmem>>, vector<1x16xf32>,
          %parallel_loop3A_632 = vector.shape_cast %parallel_loop3A_631 : vector<1x16xf32> to vector<16xf32>
          %parallel_loop3A_633 = arith.addf %parallel_loop3A_632, %get3A_371 : vector<16xf32>
          %parallel_loop3A_634 = arith.index_cast %parallel_loop3A_408 : i32 to index
          %parallel_loop3A_635 = arith.constant 736 : index
          %parallel_loop3A_636 = tpu.vector_load %arg8[%parallel_loop3A_634, %parallel_loop3A_635] {strides = array<i32>} : memref<128x768xf32, #tpu.memory_space<vmem>>, vector<1x16xf32>,
          %parallel_loop3A_637 = vector.shape_cast %parallel_loop3A_636 : vector<1x16xf32> to vector<16xf32>
          %parallel_loop3A_638 = vector.shape_cast %parallel_loop3A_633 : vector<16xf32> to vector<1x16xf32>
          tpu.vector_store %arg8[%parallel_loop3A_634, %parallel_loop3A_635], %parallel_loop3A_638 {strides = array<i32>} : memref<128x768xf32, #tpu.memory_space<vmem>>, vector<1x16xf32>,
          %parallel_loop3A_639 = arith.index_cast %parallel_loop3A_408 : i32 to index
          %parallel_loop3A_640 = arith.constant 752 : index
          %parallel_loop3A_641 = tpu.vector_load %arg8[%parallel_loop3A_639, %parallel_loop3A_640] {strides = array<i32>} : memref<128x768xf32, #tpu.memory_space<vmem>>, vector<1x16xf32>,
          %parallel_loop3A_642 = vector.shape_cast %parallel_loop3A_641 : vector<1x16xf32> to vector<16xf32>
          %parallel_loop3A_643 = arith.addf %parallel_loop3A_642, %get3A_376 : vector<16xf32>
          %parallel_loop3A_644 = arith.index_cast %parallel_loop3A_408 : i32 to index
          %parallel_loop3A_645 = arith.constant 752 : index
          %parallel_loop3A_646 = tpu.vector_load %arg8[%parallel_loop3A_644, %parallel_loop3A_645] {strides = array<i32>} : memref<128x768xf32, #tpu.memory_space<vmem>>, vector<1x16xf32>,
          %parallel_loop3A_647 = vector.shape_cast %parallel_loop3A_646 : vector<1x16xf32> to vector<16xf32>
          %parallel_loop3A_648 = vector.shape_cast %parallel_loop3A_643 : vector<16xf32> to vector<1x16xf32>
          tpu.vector_store %arg8[%parallel_loop3A_644, %parallel_loop3A_645], %parallel_loop3A_648 {strides = array<i32>} : memref<128x768xf32, #tpu.memory_space<vmem>>, vector<1x16xf32>,
        } {sc.loop_unroll_factor = 2 : i64, sc.parallel_access}
        %mul3A_380 = arith.constant 1024 : i32
        %mul3A_381 = arith.muli %add3A_99, %mul3A_380 : i32
        %mul3A_382 = arith.constant 32 : i32
        %mul3A_383 = arith.muli %add3A, %mul3A_382 : i32
        %add3A_384 = arith.addi %mul3A_381, %mul3A_383 : i32
        %dma_start3A_385 = arith.constant 64 : i32
        %dma_start3A_386 = arith.constant 0 : i32
        %dma_start3A_387 = tpu.memref_slice %arg8[%dma_start3A_385, %dma_start3A_386] : memref<128x768xf32, #tpu.memory_space<vmem>> -> memref<32x768xf32, #tpu.memory_space<vmem>>
        %dma_start3A_388 = arith.constant 0 : i32
        %dma_start3A_389 = tpu.memref_slice %arg5[%add3A_384, %dma_start3A_388] : memref<78848x768xf32, #tpu.memory_space<hbm>> -> memref<32x768xf32, #tpu.memory_space<hbm>>
        %dma_start3A_390 = arith.constant 0 : i32
        %dma_start3A_391 = tpu.memref_slice %arg5[%add3A_384, %dma_start3A_390] : memref<78848x768xf32, #tpu.memory_space<hbm>> -> memref<32x768xf32, #tpu.memory_space<hbm>>
        %dma_start3A_392 = arith.constant 64 : i32
        %dma_start3A_393 = arith.constant 0 : i32
        %dma_start3A_394 = tpu.memref_slice %arg8[%dma_start3A_392, %dma_start3A_393] : memref<128x768xf32, #tpu.memory_space<vmem>> -> memref<32x768xf32, #tpu.memory_space<vmem>>
        tpu.enqueue_dma source(%dma_start3A_394 : memref<32x768xf32, #tpu.memory_space<vmem>>) target(%dma_start3A_391 : memref<32x768xf32, #tpu.memory_space<hbm>>) target_semaphore(%arg15 : memref<!tpu.dma_semaphore, #tpu.memory_space<semaphore_mem>>)
        %ge3A = arith.constant 2 : i32
        %ge3A_395 = arith.cmpi sge, %add3A_99, %ge3A : i32
        %convert_element_type3A_396 = arith.extui %ge3A_395 : i1 to i32
        %cond3A_397 = arith.constant 0 : i32
        %cond3A_398 = arith.cmpi ne, %convert_element_type3A_396, %cond3A_397 : i32
        scf.if %cond3A_398 {
          %sub3A = arith.constant 2 : i32
          %sub3A_406 = arith.subi %add3A_99, %sub3A : i32
          %mul3A_407 = arith.constant 1024 : i32
          %mul3A_408 = arith.muli %sub3A_406, %mul3A_407 : i32
          %mul3A_409 = arith.constant 32 : i32
          %mul3A_410 = arith.muli %add3A, %mul3A_409 : i32
          %add3A_411 = arith.addi %mul3A_408, %mul3A_410 : i32
          %dma_wait3A_412 = arith.constant 0 : i32
          %dma_wait3A_413 = arith.constant 0 : i32
          %dma_wait3A_414 = tpu.memref_slice %arg8[%dma_wait3A_412, %dma_wait3A_413] : memref<128x768xf32, #tpu.memory_space<vmem>> -> memref<32x768xf32, #tpu.memory_space<vmem>>
          %dma_wait3A_415 = arith.constant 0 : i32
          %dma_wait3A_416 = tpu.memref_slice %arg5[%add3A_411, %dma_wait3A_415] : memref<78848x768xf32, #tpu.memory_space<hbm>> -> memref<32x768xf32, #tpu.memory_space<hbm>>
          %dma_wait3A_417 = arith.constant 0 : i32
          %dma_wait3A_418 = tpu.memref_slice %arg5[%add3A_411, %dma_wait3A_417] : memref<78848x768xf32, #tpu.memory_space<hbm>> -> memref<32x768xf32, #tpu.memory_space<hbm>>
          %dma_wait3A_419 = arith.constant 0 : i32
          %dma_wait3A_420 = arith.constant 0 : i32
          %dma_wait3A_421 = tpu.memref_slice %arg8[%dma_wait3A_419, %dma_wait3A_420] : memref<128x768xf32, #tpu.memory_space<vmem>> -> memref<32x768xf32, #tpu.memory_space<vmem>>
          tpu.wait_dma2 semaphore(%arg13 : memref<!tpu.dma_semaphore, #tpu.memory_space<semaphore_mem>>) src(%dma_wait3A_421 : memref<32x768xf32, #tpu.memory_space<vmem>>) dst(%dma_wait3A_418 : memref<32x768xf32, #tpu.memory_space<hbm>>)
        } else {
        }
        %add3A_399 = arith.constant 2 : i32
        %add3A_400 = arith.addi %add3A_99, %add3A_399 : i32
        %lt3A_401 = arith.constant 77 : i32
        %lt3A_402 = arith.cmpi slt, %add3A_400, %lt3A_401 : i32
        %convert_element_type3A_403 = arith.extui %lt3A_402 : i1 to i32
        %cond3A_404 = arith.constant 0 : i32
        %cond3A_405 = arith.cmpi ne, %convert_element_type3A_403, %cond3A_404 : i32
        scf.if %cond3A_405 {
          %add3A_406 = arith.constant 2 : i32
          %add3A_407 = arith.addi %add3A_99, %add3A_406 : i32
          %dma_start3A_408 = arith.constant 0 : i32
          %dma_start3A_409 = arith.constant 0 : i32
          %dma_start3A_410 = tpu.memref_slice %arg8[%dma_start3A_408, %dma_start3A_409] : memref<128x768xf32, #tpu.memory_space<vmem>> -> memref<32x768xf32, #tpu.memory_space<vmem>>
          %dma_start3A_411 = arith.constant 0 : i32
          %dma_start3A_412 = tpu.memref_slice %arg6[%add3A_407, %dma_start3A_411] : memref<77x32xi32, #tpu.memory_space<vmem>> -> memref<1x32xi32, #tpu.memory_space<vmem>>
          %dma_start3A_413 = tpu.memref_squeeze %dma_start3A_412 : memref<1x32xi32, #tpu.memory_space<vmem>> -> memref<32xi32, #tpu.memory_space<vmem>>
          %dma_start3A_414 = arith.constant 0 : i32
          %dma_start3A_415 = arith.constant 0 : i32
          %dma_start3A_416 = tpu.memref_slice %arg3[%dma_start3A_414, %dma_start3A_415] : memref<49408x768xf32, #tpu.memory_space<hbm>> -> memref<49408x768xf32, #tpu.memory_space<hbm>>
          tpu.enqueue_indirect_dma source(%dma_start3A_416 : memref<49408x768xf32, #tpu.memory_space<hbm>>) target(%dma_start3A_410 : memref<32x768xf32, #tpu.memory_space<vmem>>) offsets(%dma_start3A_413 : memref<32xi32, #tpu.memory_space<vmem>>) semaphore(%arg9 : memref<!tpu.dma_semaphore, #tpu.memory_space<semaphore_mem>>)
          %add3A_417 = arith.constant 2 : i32
          %add3A_418 = arith.addi %add3A_99, %add3A_417 : i32
          %dma_start3A_419 = arith.constant 0 : i32
          %dma_start3A_420 = arith.constant 0 : i32
          %dma_start3A_421 = tpu.memref_slice %arg7[%dma_start3A_419, %dma_start3A_420] : memref<4x768xf32, #tpu.memory_space<vmem>> -> memref<1x768xf32, #tpu.memory_space<vmem>>
          %dma_start3A_422 = tpu.memref_squeeze %dma_start3A_421 : memref<1x768xf32, #tpu.memory_space<vmem>> -> memref<768xf32, #tpu.memory_space<vmem>>
          %dma_start3A_423 = arith.constant 0 : i32
          %dma_start3A_424 = tpu.memref_slice %arg4[%add3A_418, %dma_start3A_423] : memref<77x768xf32, #tpu.memory_space<hbm>> -> memref<1x768xf32, #tpu.memory_space<hbm>>
          %dma_start3A_425 = tpu.memref_squeeze %dma_start3A_424 : memref<1x768xf32, #tpu.memory_space<hbm>> -> memref<768xf32, #tpu.memory_space<hbm>>
          %dma_start3A_426 = arith.constant 0 : i32
          %dma_start3A_427 = tpu.memref_slice %arg7[%dma_start3A_419, %dma_start3A_426] : memref<4x768xf32, #tpu.memory_space<vmem>> -> memref<1x768xf32, #tpu.memory_space<vmem>>
          %dma_start3A_428 = tpu.memref_squeeze %dma_start3A_427 : memref<1x768xf32, #tpu.memory_space<vmem>> -> memref<768xf32, #tpu.memory_space<vmem>>
          %dma_start3A_429 = arith.constant 0 : i32
          %dma_start3A_430 = tpu.memref_slice %arg4[%add3A_418, %dma_start3A_429] : memref<77x768xf32, #tpu.memory_space<hbm>> -> memref<1x768xf32, #tpu.memory_space<hbm>>
          %dma_start3A_431 = tpu.memref_squeeze %dma_start3A_430 : memref<1x768xf32, #tpu.memory_space<hbm>> -> memref<768xf32, #tpu.memory_space<hbm>>
          tpu.enqueue_dma source(%dma_start3A_431 : memref<768xf32, #tpu.memory_space<hbm>>) target(%dma_start3A_428 : memref<768xf32, #tpu.memory_space<vmem>>) target_semaphore(%arg9 : memref<!tpu.dma_semaphore, #tpu.memory_space<semaphore_mem>>)
        } else {
        }
      } else {
      }
      %mul3A_105 = arith.constant 4 : i32
      %mul3A_106 = arith.muli %mul3A_105, %scan3A_80 : i32
      %add3A_107 = arith.constant 3 : i32
      %add3A_108 = arith.addi %mul3A_106, %add3A_107 : i32
      %lt3A_109 = arith.constant 77 : i32
      %lt3A_110 = arith.cmpi slt, %add3A_108, %lt3A_109 : i32
      %convert_element_type3A_111 = arith.extui %lt3A_110 : i1 to i32
      %cond3A_112 = arith.constant 0 : i32
      %cond3A_113 = arith.cmpi ne, %convert_element_type3A_111, %cond3A_112 : i32
      scf.if %cond3A_113 {
        %dma_wait3A_114 = arith.constant 96 : i32
        %dma_wait3A_115 = arith.constant 0 : i32
        %dma_wait3A_116 = tpu.memref_slice %arg8[%dma_wait3A_114, %dma_wait3A_115] : memref<128x768xf32, #tpu.memory_space<vmem>> -> memref<32x768xf32, #tpu.memory_space<vmem>>
        %dma_wait3A_117 = arith.constant 0 : i32
        %dma_wait3A_118 = tpu.memref_slice %arg6[%add3A_108, %dma_wait3A_117] : memref<77x32xi32, #tpu.memory_space<vmem>> -> memref<1x32xi32, #tpu.memory_space<vmem>>
        %dma_wait3A_119 = tpu.memref_squeeze %dma_wait3A_118 : memref<1x32xi32, #tpu.memory_space<vmem>> -> memref<32xi32, #tpu.memory_space<vmem>>
        %dma_wait3A_120 = arith.constant 0 : i32
        %dma_wait3A_121 = arith.constant 0 : i32
        %dma_wait3A_122 = tpu.memref_slice %arg3[%dma_wait3A_120, %dma_wait3A_121] : memref<49408x768xf32, #tpu.memory_space<hbm>> -> memref<49408x768xf32, #tpu.memory_space<hbm>>
        tpu.wait_indirect_dma semaphore(%arg12 : memref<!tpu.dma_semaphore, #tpu.memory_space<semaphore_mem>>) src(%dma_wait3A_122 : memref<49408x768xf32, #tpu.memory_space<hbm>>) dst(%dma_wait3A_116 : memref<32x768xf32, #tpu.memory_space<vmem>>)
        %dma_wait3A_123 = arith.constant 3 : i32
        %dma_wait3A_124 = arith.constant 0 : i32
        %dma_wait3A_125 = tpu.memref_slice %arg7[%dma_wait3A_123, %dma_wait3A_124] : memref<4x768xf32, #tpu.memory_space<vmem>> -> memref<1x768xf32, #tpu.memory_space<vmem>>
        %dma_wait3A_126 = tpu.memref_squeeze %dma_wait3A_125 : memref<1x768xf32, #tpu.memory_space<vmem>> -> memref<768xf32, #tpu.memory_space<vmem>>
        %dma_wait3A_127 = arith.constant 0 : i32
        %dma_wait3A_128 = tpu.memref_slice %arg4[%add3A_108, %dma_wait3A_127] : memref<77x768xf32, #tpu.memory_space<hbm>> -> memref<1x768xf32, #tpu.memory_space<hbm>>
        %dma_wait3A_129 = tpu.memref_squeeze %dma_wait3A_128 : memref<1x768xf32, #tpu.memory_space<hbm>> -> memref<768xf32, #tpu.memory_space<hbm>>
        %dma_wait3A_130 = arith.constant 0 : i32
        %dma_wait3A_131 = tpu.memref_slice %arg7[%dma_wait3A_123, %dma_wait3A_130] : memref<4x768xf32, #tpu.memory_space<vmem>> -> memref<1x768xf32, #tpu.memory_space<vmem>>
        %dma_wait3A_132 = tpu.memref_squeeze %dma_wait3A_131 : memref<1x768xf32, #tpu.memory_space<vmem>> -> memref<768xf32, #tpu.memory_space<vmem>>
        %dma_wait3A_133 = arith.constant 0 : i32
        %dma_wait3A_134 = tpu.memref_slice %arg4[%add3A_108, %dma_wait3A_133] : memref<77x768xf32, #tpu.memory_space<hbm>> -> memref<1x768xf32, #tpu.memory_space<hbm>>
        %dma_wait3A_135 = tpu.memref_squeeze %dma_wait3A_134 : memref<1x768xf32, #tpu.memory_space<hbm>> -> memref<768xf32, #tpu.memory_space<hbm>>
        tpu.wait_dma2 semaphore(%arg12 : memref<!tpu.dma_semaphore, #tpu.memory_space<semaphore_mem>>) src(%dma_wait3A_135 : memref<768xf32, #tpu.memory_space<hbm>>) dst(%dma_wait3A_132 : memref<768xf32, #tpu.memory_space<vmem>>)
        %get3A = arith.constant 3 : i32
        %get3A_136 = arith.index_cast %get3A : i32 to index
        %get3A_137 = arith.constant 0 : index
        %get3A_138 = tpu.vector_load %arg7[%get3A_136, %get3A_137] {strides = array<i32>} : memref<4x768xf32, #tpu.memory_space<vmem>>, vector<1x16xf32>,
        %get3A_139 = vector.shape_cast %get3A_138 : vector<1x16xf32> to vector<16xf32>
        %get3A_140 = arith.constant 3 : i32
        %get3A_141 = arith.index_cast %get3A_140 : i32 to index
        %get3A_142 = arith.constant 16 : index
        %get3A_143 = tpu.vector_load %arg7[%get3A_141, %get3A_142] {strides = array<i32>} : memref<4x768xf32, #tpu.memory_space<vmem>>, vector<1x16xf32>,
        %get3A_144 = vector.shape_cast %get3A_143 : vector<1x16xf32> to vector<16xf32>
        %get3A_145 = arith.constant 3 : i32
        %get3A_146 = arith.index_cast %get3A_145 : i32 to index
        %get3A_147 = arith.constant 32 : index
        %get3A_148 = tpu.vector_load %arg7[%get3A_146, %get3A_147] {strides = array<i32>} : memref<4x768xf32, #tpu.memory_space<vmem>>, vector<1x16xf32>,
        %get3A_149 = vector.shape_cast %get3A_148 : vector<1x16xf32> to vector<16xf32>
        %get3A_150 = arith.constant 3 : i32
        %get3A_151 = arith.index_cast %get3A_150 : i32 to index
        %get3A_152 = arith.constant 48 : index
        %get3A_153 = tpu.vector_load %arg7[%get3A_151, %get3A_152] {strides = array<i32>} : memref<4x768xf32, #tpu.memory_space<vmem>>, vector<1x16xf32>,
        %get3A_154 = vector.shape_cast %get3A_153 : vector<1x16xf32> to vector<16xf32>
        %get3A_155 = arith.constant 3 : i32
        %get3A_156 = arith.index_cast %get3A_155 : i32 to index
        %get3A_157 = arith.constant 64 : index
        %get3A_158 = tpu.vector_load %arg7[%get3A_156, %get3A_157] {strides = array<i32>} : memref<4x768xf32, #tpu.memory_space<vmem>>, vector<1x16xf32>,
        %get3A_159 = vector.shape_cast %get3A_158 : vector<1x16xf32> to vector<16xf32>
        %get3A_160 = arith.constant 3 : i32
        %get3A_161 = arith.index_cast %get3A_160 : i32 to index
        %get3A_162 = arith.constant 80 : index
        %get3A_163 = tpu.vector_load %arg7[%get3A_161, %get3A_162] {strides = array<i32>} : memref<4x768xf32, #tpu.memory_space<vmem>>, vector<1x16xf32>,
        %get3A_164 = vector.shape_cast %get3A_163 : vector<1x16xf32> to vector<16xf32>
        %get3A_165 = arith.constant 3 : i32
        %get3A_166 = arith.index_cast %get3A_165 : i32 to index
        %get3A_167 = arith.constant 96 : index
        %get3A_168 = tpu.vector_load %arg7[%get3A_166, %get3A_167] {strides = array<i32>} : memref<4x768xf32, #tpu.memory_space<vmem>>, vector<1x16xf32>,
        %get3A_169 = vector.shape_cast %get3A_168 : vector<1x16xf32> to vector<16xf32>
        %get3A_170 = arith.constant 3 : i32
        %get3A_171 = arith.index_cast %get3A_170 : i32 to index
        %get3A_172 = arith.constant 112 : index
        %get3A_173 = tpu.vector_load %arg7[%get3A_171, %get3A_172] {strides = array<i32>} : memref<4x768xf32, #tpu.memory_space<vmem>>, vector<1x16xf32>,
        %get3A_174 = vector.shape_cast %get3A_173 : vector<1x16xf32> to vector<16xf32>
        %get3A_175 = arith.constant 3 : i32
        %get3A_176 = arith.index_cast %get3A_175 : i32 to index
        %get3A_177 = arith.constant 128 : index
        %get3A_178 = tpu.vector_load %arg7[%get3A_176, %get3A_177] {strides = array<i32>} : memref<4x768xf32, #tpu.memory_space<vmem>>, vector<1x16xf32>,
        %get3A_179 = vector.shape_cast %get3A_178 : vector<1x16xf32> to vector<16xf32>
        %get3A_180 = arith.constant 3 : i32
        %get3A_181 = arith.index_cast %get3A_180 : i32 to index
        %get3A_182 = arith.constant 144 : index
        %get3A_183 = tpu.vector_load %arg7[%get3A_181, %get3A_182] {strides = array<i32>} : memref<4x768xf32, #tpu.memory_space<vmem>>, vector<1x16xf32>,
        %get3A_184 = vector.shape_cast %get3A_183 : vector<1x16xf32> to vector<16xf32>
        %get3A_185 = arith.constant 3 : i32
        %get3A_186 = arith.index_cast %get3A_185 : i32 to index
        %get3A_187 = arith.constant 160 : index
        %get3A_188 = tpu.vector_load %arg7[%get3A_186, %get3A_187] {strides = array<i32>} : memref<4x768xf32, #tpu.memory_space<vmem>>, vector<1x16xf32>,
        %get3A_189 = vector.shape_cast %get3A_188 : vector<1x16xf32> to vector<16xf32>
        %get3A_190 = arith.constant 3 : i32
        %get3A_191 = arith.index_cast %get3A_190 : i32 to index
        %get3A_192 = arith.constant 176 : index
        %get3A_193 = tpu.vector_load %arg7[%get3A_191, %get3A_192] {strides = array<i32>} : memref<4x768xf32, #tpu.memory_space<vmem>>, vector<1x16xf32>,
        %get3A_194 = vector.shape_cast %get3A_193 : vector<1x16xf32> to vector<16xf32>
        %get3A_195 = arith.constant 3 : i32
        %get3A_196 = arith.index_cast %get3A_195 : i32 to index
        %get3A_197 = arith.constant 192 : index
        %get3A_198 = tpu.vector_load %arg7[%get3A_196, %get3A_197] {strides = array<i32>} : memref<4x768xf32, #tpu.memory_space<vmem>>, vector<1x16xf32>,
        %get3A_199 = vector.shape_cast %get3A_198 : vector<1x16xf32> to vector<16xf32>
        %get3A_200 = arith.constant 3 : i32
        %get3A_201 = arith.index_cast %get3A_200 : i32 to index
        %get3A_202 = arith.constant 208 : index
        %get3A_203 = tpu.vector_load %arg7[%get3A_201, %get3A_202] {strides = array<i32>} : memref<4x768xf32, #tpu.memory_space<vmem>>, vector<1x16xf32>,
        %get3A_204 = vector.shape_cast %get3A_203 : vector<1x16xf32> to vector<16xf32>
        %get3A_205 = arith.constant 3 : i32
        %get3A_206 = arith.index_cast %get3A_205 : i32 to index
        %get3A_207 = arith.constant 224 : index
        %get3A_208 = tpu.vector_load %arg7[%get3A_206, %get3A_207] {strides = array<i32>} : memref<4x768xf32, #tpu.memory_space<vmem>>, vector<1x16xf32>,
        %get3A_209 = vector.shape_cast %get3A_208 : vector<1x16xf32> to vector<16xf32>
        %get3A_210 = arith.constant 3 : i32
        %get3A_211 = arith.index_cast %get3A_210 : i32 to index
        %get3A_212 = arith.constant 240 : index
        %get3A_213 = tpu.vector_load %arg7[%get3A_211, %get3A_212] {strides = array<i32>} : memref<4x768xf32, #tpu.memory_space<vmem>>, vector<1x16xf32>,
        %get3A_214 = vector.shape_cast %get3A_213 : vector<1x16xf32> to vector<16xf32>
        %get3A_215 = arith.constant 3 : i32
        %get3A_216 = arith.index_cast %get3A_215 : i32 to index
        %get3A_217 = arith.constant 256 : index
        %get3A_218 = tpu.vector_load %arg7[%get3A_216, %get3A_217] {strides = array<i32>} : memref<4x768xf32, #tpu.memory_space<vmem>>, vector<1x16xf32>,
        %get3A_219 = vector.shape_cast %get3A_218 : vector<1x16xf32> to vector<16xf32>
        %get3A_220 = arith.constant 3 : i32
        %get3A_221 = arith.index_cast %get3A_220 : i32 to index
        %get3A_222 = arith.constant 272 : index
        %get3A_223 = tpu.vector_load %arg7[%get3A_221, %get3A_222] {strides = array<i32>} : memref<4x768xf32, #tpu.memory_space<vmem>>, vector<1x16xf32>,
        %get3A_224 = vector.shape_cast %get3A_223 : vector<1x16xf32> to vector<16xf32>
        %get3A_225 = arith.constant 3 : i32
        %get3A_226 = arith.index_cast %get3A_225 : i32 to index
        %get3A_227 = arith.constant 288 : index
        %get3A_228 = tpu.vector_load %arg7[%get3A_226, %get3A_227] {strides = array<i32>} : memref<4x768xf32, #tpu.memory_space<vmem>>, vector<1x16xf32>,
        %get3A_229 = vector.shape_cast %get3A_228 : vector<1x16xf32> to vector<16xf32>
        %get3A_230 = arith.constant 3 : i32
        %get3A_231 = arith.index_cast %get3A_230 : i32 to index
        %get3A_232 = arith.constant 304 : index
        %get3A_233 = tpu.vector_load %arg7[%get3A_231, %get3A_232] {strides = array<i32>} : memref<4x768xf32, #tpu.memory_space<vmem>>, vector<1x16xf32>,
        %get3A_234 = vector.shape_cast %get3A_233 : vector<1x16xf32> to vector<16xf32>
        %get3A_235 = arith.constant 3 : i32
        %get3A_236 = arith.index_cast %get3A_235 : i32 to index
        %get3A_237 = arith.constant 320 : index
        %get3A_238 = tpu.vector_load %arg7[%get3A_236, %get3A_237] {strides = array<i32>} : memref<4x768xf32, #tpu.memory_space<vmem>>, vector<1x16xf32>,
        %get3A_239 = vector.shape_cast %get3A_238 : vector<1x16xf32> to vector<16xf32>
        %get3A_240 = arith.constant 3 : i32
        %get3A_241 = arith.index_cast %get3A_240 : i32 to index
        %get3A_242 = arith.constant 336 : index
        %get3A_243 = tpu.vector_load %arg7[%get3A_241, %get3A_242] {strides = array<i32>} : memref<4x768xf32, #tpu.memory_space<vmem>>, vector<1x16xf32>,
        %get3A_244 = vector.shape_cast %get3A_243 : vector<1x16xf32> to vector<16xf32>
        %get3A_245 = arith.constant 3 : i32
        %get3A_246 = arith.index_cast %get3A_245 : i32 to index
        %get3A_247 = arith.constant 352 : index
        %get3A_248 = tpu.vector_load %arg7[%get3A_246, %get3A_247] {strides = array<i32>} : memref<4x768xf32, #tpu.memory_space<vmem>>, vector<1x16xf32>,
        %get3A_249 = vector.shape_cast %get3A_248 : vector<1x16xf32> to vector<16xf32>
        %get3A_250 = arith.constant 3 : i32
        %get3A_251 = arith.index_cast %get3A_250 : i32 to index
        %get3A_252 = arith.constant 368 : index
        %get3A_253 = tpu.vector_load %arg7[%get3A_251, %get3A_252] {strides = array<i32>} : memref<4x768xf32, #tpu.memory_space<vmem>>, vector<1x16xf32>,
        %get3A_254 = vector.shape_cast %get3A_253 : vector<1x16xf32> to vector<16xf32>
        %parallel_loop3A = arith.constant 0 : i32
        %parallel_loop3A_255 = arith.constant 32 : i32
        %parallel_loop3A_256 = arith.constant 1 : i32
        scf.for %parallel_loop3A_406 = %parallel_loop3A to %parallel_loop3A_255 step %parallel_loop3A_256  : i32 {
          %parallel_loop3A_407 = arith.constant 96 : i32
          %parallel_loop3A_408 = arith.addi %parallel_loop3A_407, %parallel_loop3A_406 : i32
          %parallel_loop3A_409 = arith.index_cast %parallel_loop3A_408 : i32 to index
          %parallel_loop3A_410 = arith.constant 0 : index
          %parallel_loop3A_411 = tpu.vector_load %arg8[%parallel_loop3A_409, %parallel_loop3A_410] {strides = array<i32>} : memref<128x768xf32, #tpu.memory_space<vmem>>, vector<1x16xf32>,
          %parallel_loop3A_412 = vector.shape_cast %parallel_loop3A_411 : vector<1x16xf32> to vector<16xf32>
          %parallel_loop3A_413 = arith.addf %parallel_loop3A_412, %get3A_139 : vector<16xf32>
          %parallel_loop3A_414 = arith.index_cast %parallel_loop3A_408 : i32 to index
          %parallel_loop3A_415 = arith.constant 0 : index
          %parallel_loop3A_416 = tpu.vector_load %arg8[%parallel_loop3A_414, %parallel_loop3A_415] {strides = array<i32>} : memref<128x768xf32, #tpu.memory_space<vmem>>, vector<1x16xf32>,
          %parallel_loop3A_417 = vector.shape_cast %parallel_loop3A_416 : vector<1x16xf32> to vector<16xf32>
          %parallel_loop3A_418 = vector.shape_cast %parallel_loop3A_413 : vector<16xf32> to vector<1x16xf32>
          tpu.vector_store %arg8[%parallel_loop3A_414, %parallel_loop3A_415], %parallel_loop3A_418 {strides = array<i32>} : memref<128x768xf32, #tpu.memory_space<vmem>>, vector<1x16xf32>,
          %parallel_loop3A_419 = arith.index_cast %parallel_loop3A_408 : i32 to index
          %parallel_loop3A_420 = arith.constant 16 : index
          %parallel_loop3A_421 = tpu.vector_load %arg8[%parallel_loop3A_419, %parallel_loop3A_420] {strides = array<i32>} : memref<128x768xf32, #tpu.memory_space<vmem>>, vector<1x16xf32>,
          %parallel_loop3A_422 = vector.shape_cast %parallel_loop3A_421 : vector<1x16xf32> to vector<16xf32>
          %parallel_loop3A_423 = arith.addf %parallel_loop3A_422, %get3A_144 : vector<16xf32>
          %parallel_loop3A_424 = arith.index_cast %parallel_loop3A_408 : i32 to index
          %parallel_loop3A_425 = arith.constant 16 : index
          %parallel_loop3A_426 = tpu.vector_load %arg8[%parallel_loop3A_424, %parallel_loop3A_425] {strides = array<i32>} : memref<128x768xf32, #tpu.memory_space<vmem>>, vector<1x16xf32>,
          %parallel_loop3A_427 = vector.shape_cast %parallel_loop3A_426 : vector<1x16xf32> to vector<16xf32>
          %parallel_loop3A_428 = vector.shape_cast %parallel_loop3A_423 : vector<16xf32> to vector<1x16xf32>
          tpu.vector_store %arg8[%parallel_loop3A_424, %parallel_loop3A_425], %parallel_loop3A_428 {strides = array<i32>} : memref<128x768xf32, #tpu.memory_space<vmem>>, vector<1x16xf32>,
          %parallel_loop3A_429 = arith.index_cast %parallel_loop3A_408 : i32 to index
          %parallel_loop3A_430 = arith.constant 32 : index
          %parallel_loop3A_431 = tpu.vector_load %arg8[%parallel_loop3A_429, %parallel_loop3A_430] {strides = array<i32>} : memref<128x768xf32, #tpu.memory_space<vmem>>, vector<1x16xf32>,
          %parallel_loop3A_432 = vector.shape_cast %parallel_loop3A_431 : vector<1x16xf32> to vector<16xf32>
          %parallel_loop3A_433 = arith.addf %parallel_loop3A_432, %get3A_149 : vector<16xf32>
          %parallel_loop3A_434 = arith.index_cast %parallel_loop3A_408 : i32 to index
          %parallel_loop3A_435 = arith.constant 32 : index
          %parallel_loop3A_436 = tpu.vector_load %arg8[%parallel_loop3A_434, %parallel_loop3A_435] {strides = array<i32>} : memref<128x768xf32, #tpu.memory_space<vmem>>, vector<1x16xf32>,
          %parallel_loop3A_437 = vector.shape_cast %parallel_loop3A_436 : vector<1x16xf32> to vector<16xf32>
          %parallel_loop3A_438 = vector.shape_cast %parallel_loop3A_433 : vector<16xf32> to vector<1x16xf32>
          tpu.vector_store %arg8[%parallel_loop3A_434, %parallel_loop3A_435], %parallel_loop3A_438 {strides = array<i32>} : memref<128x768xf32, #tpu.memory_space<vmem>>, vector<1x16xf32>,
          %parallel_loop3A_439 = arith.index_cast %parallel_loop3A_408 : i32 to index
          %parallel_loop3A_440 = arith.constant 48 : index
          %parallel_loop3A_441 = tpu.vector_load %arg8[%parallel_loop3A_439, %parallel_loop3A_440] {strides = array<i32>} : memref<128x768xf32, #tpu.memory_space<vmem>>, vector<1x16xf32>,
          %parallel_loop3A_442 = vector.shape_cast %parallel_loop3A_441 : vector<1x16xf32> to vector<16xf32>
          %parallel_loop3A_443 = arith.addf %parallel_loop3A_442, %get3A_154 : vector<16xf32>
          %parallel_loop3A_444 = arith.index_cast %parallel_loop3A_408 : i32 to index
          %parallel_loop3A_445 = arith.constant 48 : index
          %parallel_loop3A_446 = tpu.vector_load %arg8[%parallel_loop3A_444, %parallel_loop3A_445] {strides = array<i32>} : memref<128x768xf32, #tpu.memory_space<vmem>>, vector<1x16xf32>,
          %parallel_loop3A_447 = vector.shape_cast %parallel_loop3A_446 : vector<1x16xf32> to vector<16xf32>
          %parallel_loop3A_448 = vector.shape_cast %parallel_loop3A_443 : vector<16xf32> to vector<1x16xf32>
          tpu.vector_store %arg8[%parallel_loop3A_444, %parallel_loop3A_445], %parallel_loop3A_448 {strides = array<i32>} : memref<128x768xf32, #tpu.memory_space<vmem>>, vector<1x16xf32>,
          %parallel_loop3A_449 = arith.index_cast %parallel_loop3A_408 : i32 to index
          %parallel_loop3A_450 = arith.constant 64 : index
          %parallel_loop3A_451 = tpu.vector_load %arg8[%parallel_loop3A_449, %parallel_loop3A_450] {strides = array<i32>} : memref<128x768xf32, #tpu.memory_space<vmem>>, vector<1x16xf32>,
          %parallel_loop3A_452 = vector.shape_cast %parallel_loop3A_451 : vector<1x16xf32> to vector<16xf32>
          %parallel_loop3A_453 = arith.addf %parallel_loop3A_452, %get3A_159 : vector<16xf32>
          %parallel_loop3A_454 = arith.index_cast %parallel_loop3A_408 : i32 to index
          %parallel_loop3A_455 = arith.constant 64 : index
          %parallel_loop3A_456 = tpu.vector_load %arg8[%parallel_loop3A_454, %parallel_loop3A_455] {strides = array<i32>} : memref<128x768xf32, #tpu.memory_space<vmem>>, vector<1x16xf32>,
          %parallel_loop3A_457 = vector.shape_cast %parallel_loop3A_456 : vector<1x16xf32> to vector<16xf32>
          %parallel_loop3A_458 = vector.shape_cast %parallel_loop3A_453 : vector<16xf32> to vector<1x16xf32>
          tpu.vector_store %arg8[%parallel_loop3A_454, %parallel_loop3A_455], %parallel_loop3A_458 {strides = array<i32>} : memref<128x768xf32, #tpu.memory_space<vmem>>, vector<1x16xf32>,
          %parallel_loop3A_459 = arith.index_cast %parallel_loop3A_408 : i32 to index
          %parallel_loop3A_460 = arith.constant 80 : index
          %parallel_loop3A_461 = tpu.vector_load %arg8[%parallel_loop3A_459, %parallel_loop3A_460] {strides = array<i32>} : memref<128x768xf32, #tpu.memory_space<vmem>>, vector<1x16xf32>,
          %parallel_loop3A_462 = vector.shape_cast %parallel_loop3A_461 : vector<1x16xf32> to vector<16xf32>
          %parallel_loop3A_463 = arith.addf %parallel_loop3A_462, %get3A_164 : vector<16xf32>
          %parallel_loop3A_464 = arith.index_cast %parallel_loop3A_408 : i32 to index
          %parallel_loop3A_465 = arith.constant 80 : index
          %parallel_loop3A_466 = tpu.vector_load %arg8[%parallel_loop3A_464, %parallel_loop3A_465] {strides = array<i32>} : memref<128x768xf32, #tpu.memory_space<vmem>>, vector<1x16xf32>,
          %parallel_loop3A_467 = vector.shape_cast %parallel_loop3A_466 : vector<1x16xf32> to vector<16xf32>
          %parallel_loop3A_468 = vector.shape_cast %parallel_loop3A_463 : vector<16xf32> to vector<1x16xf32>
          tpu.vector_store %arg8[%parallel_loop3A_464, %parallel_loop3A_465], %parallel_loop3A_468 {strides = array<i32>} : memref<128x768xf32, #tpu.memory_space<vmem>>, vector<1x16xf32>,
          %parallel_loop3A_469 = arith.index_cast %parallel_loop3A_408 : i32 to index
          %parallel_loop3A_470 = arith.constant 96 : index
          %parallel_loop3A_471 = tpu.vector_load %arg8[%parallel_loop3A_469, %parallel_loop3A_470] {strides = array<i32>} : memref<128x768xf32, #tpu.memory_space<vmem>>, vector<1x16xf32>,
          %parallel_loop3A_472 = vector.shape_cast %parallel_loop3A_471 : vector<1x16xf32> to vector<16xf32>
          %parallel_loop3A_473 = arith.addf %parallel_loop3A_472, %get3A_169 : vector<16xf32>
          %parallel_loop3A_474 = arith.index_cast %parallel_loop3A_408 : i32 to index
          %parallel_loop3A_475 = arith.constant 96 : index
          %parallel_loop3A_476 = tpu.vector_load %arg8[%parallel_loop3A_474, %parallel_loop3A_475] {strides = array<i32>} : memref<128x768xf32, #tpu.memory_space<vmem>>, vector<1x16xf32>,
          %parallel_loop3A_477 = vector.shape_cast %parallel_loop3A_476 : vector<1x16xf32> to vector<16xf32>
          %parallel_loop3A_478 = vector.shape_cast %parallel_loop3A_473 : vector<16xf32> to vector<1x16xf32>
          tpu.vector_store %arg8[%parallel_loop3A_474, %parallel_loop3A_475], %parallel_loop3A_478 {strides = array<i32>} : memref<128x768xf32, #tpu.memory_space<vmem>>, vector<1x16xf32>,
          %parallel_loop3A_479 = arith.index_cast %parallel_loop3A_408 : i32 to index
          %parallel_loop3A_480 = arith.constant 112 : index
          %parallel_loop3A_481 = tpu.vector_load %arg8[%parallel_loop3A_479, %parallel_loop3A_480] {strides = array<i32>} : memref<128x768xf32, #tpu.memory_space<vmem>>, vector<1x16xf32>,
          %parallel_loop3A_482 = vector.shape_cast %parallel_loop3A_481 : vector<1x16xf32> to vector<16xf32>
          %parallel_loop3A_483 = arith.addf %parallel_loop3A_482, %get3A_174 : vector<16xf32>
          %parallel_loop3A_484 = arith.index_cast %parallel_loop3A_408 : i32 to index
          %parallel_loop3A_485 = arith.constant 112 : index
          %parallel_loop3A_486 = tpu.vector_load %arg8[%parallel_loop3A_484, %parallel_loop3A_485] {strides = array<i32>} : memref<128x768xf32, #tpu.memory_space<vmem>>, vector<1x16xf32>,
          %parallel_loop3A_487 = vector.shape_cast %parallel_loop3A_486 : vector<1x16xf32> to vector<16xf32>
          %parallel_loop3A_488 = vector.shape_cast %parallel_loop3A_483 : vector<16xf32> to vector<1x16xf32>
          tpu.vector_store %arg8[%parallel_loop3A_484, %parallel_loop3A_485], %parallel_loop3A_488 {strides = array<i32>} : memref<128x768xf32, #tpu.memory_space<vmem>>, vector<1x16xf32>,
          %parallel_loop3A_489 = arith.index_cast %parallel_loop3A_408 : i32 to index
          %parallel_loop3A_490 = arith.constant 128 : index
          %parallel_loop3A_491 = tpu.vector_load %arg8[%parallel_loop3A_489, %parallel_loop3A_490] {strides = array<i32>} : memref<128x768xf32, #tpu.memory_space<vmem>>, vector<1x16xf32>,
          %parallel_loop3A_492 = vector.shape_cast %parallel_loop3A_491 : vector<1x16xf32> to vector<16xf32>
          %parallel_loop3A_493 = arith.addf %parallel_loop3A_492, %get3A_179 : vector<16xf32>
          %parallel_loop3A_494 = arith.index_cast %parallel_loop3A_408 : i32 to index
          %parallel_loop3A_495 = arith.constant 128 : index
          %parallel_loop3A_496 = tpu.vector_load %arg8[%parallel_loop3A_494, %parallel_loop3A_495] {strides = array<i32>} : memref<128x768xf32, #tpu.memory_space<vmem>>, vector<1x16xf32>,
          %parallel_loop3A_497 = vector.shape_cast %parallel_loop3A_496 : vector<1x16xf32> to vector<16xf32>
          %parallel_loop3A_498 = vector.shape_cast %parallel_loop3A_493 : vector<16xf32> to vector<1x16xf32>
          tpu.vector_store %arg8[%parallel_loop3A_494, %parallel_loop3A_495], %parallel_loop3A_498 {strides = array<i32>} : memref<128x768xf32, #tpu.memory_space<vmem>>, vector<1x16xf32>,
          %parallel_loop3A_499 = arith.index_cast %parallel_loop3A_408 : i32 to index
          %parallel_loop3A_500 = arith.constant 144 : index
          %parallel_loop3A_501 = tpu.vector_load %arg8[%parallel_loop3A_499, %parallel_loop3A_500] {strides = array<i32>} : memref<128x768xf32, #tpu.memory_space<vmem>>, vector<1x16xf32>,
          %parallel_loop3A_502 = vector.shape_cast %parallel_loop3A_501 : vector<1x16xf32> to vector<16xf32>
          %parallel_loop3A_503 = arith.addf %parallel_loop3A_502, %get3A_184 : vector<16xf32>
          %parallel_loop3A_504 = arith.index_cast %parallel_loop3A_408 : i32 to index
          %parallel_loop3A_505 = arith.constant 144 : index
          %parallel_loop3A_506 = tpu.vector_load %arg8[%parallel_loop3A_504, %parallel_loop3A_505] {strides = array<i32>} : memref<128x768xf32, #tpu.memory_space<vmem>>, vector<1x16xf32>,
          %parallel_loop3A_507 = vector.shape_cast %parallel_loop3A_506 : vector<1x16xf32> to vector<16xf32>
          %parallel_loop3A_508 = vector.shape_cast %parallel_loop3A_503 : vector<16xf32> to vector<1x16xf32>
          tpu.vector_store %arg8[%parallel_loop3A_504, %parallel_loop3A_505], %parallel_loop3A_508 {strides = array<i32>} : memref<128x768xf32, #tpu.memory_space<vmem>>, vector<1x16xf32>,
          %parallel_loop3A_509 = arith.index_cast %parallel_loop3A_408 : i32 to index
          %parallel_loop3A_510 = arith.constant 160 : index
          %parallel_loop3A_511 = tpu.vector_load %arg8[%parallel_loop3A_509, %parallel_loop3A_510] {strides = array<i32>} : memref<128x768xf32, #tpu.memory_space<vmem>>, vector<1x16xf32>,
          %parallel_loop3A_512 = vector.shape_cast %parallel_loop3A_511 : vector<1x16xf32> to vector<16xf32>
          %parallel_loop3A_513 = arith.addf %parallel_loop3A_512, %get3A_189 : vector<16xf32>
          %parallel_loop3A_514 = arith.index_cast %parallel_loop3A_408 : i32 to index
          %parallel_loop3A_515 = arith.constant 160 : index
          %parallel_loop3A_516 = tpu.vector_load %arg8[%parallel_loop3A_514, %parallel_loop3A_515] {strides = array<i32>} : memref<128x768xf32, #tpu.memory_space<vmem>>, vector<1x16xf32>,
          %parallel_loop3A_517 = vector.shape_cast %parallel_loop3A_516 : vector<1x16xf32> to vector<16xf32>
          %parallel_loop3A_518 = vector.shape_cast %parallel_loop3A_513 : vector<16xf32> to vector<1x16xf32>
          tpu.vector_store %arg8[%parallel_loop3A_514, %parallel_loop3A_515], %parallel_loop3A_518 {strides = array<i32>} : memref<128x768xf32, #tpu.memory_space<vmem>>, vector<1x16xf32>,
          %parallel_loop3A_519 = arith.index_cast %parallel_loop3A_408 : i32 to index
          %parallel_loop3A_520 = arith.constant 176 : index
          %parallel_loop3A_521 = tpu.vector_load %arg8[%parallel_loop3A_519, %parallel_loop3A_520] {strides = array<i32>} : memref<128x768xf32, #tpu.memory_space<vmem>>, vector<1x16xf32>,
          %parallel_loop3A_522 = vector.shape_cast %parallel_loop3A_521 : vector<1x16xf32> to vector<16xf32>
          %parallel_loop3A_523 = arith.addf %parallel_loop3A_522, %get3A_194 : vector<16xf32>
          %parallel_loop3A_524 = arith.index_cast %parallel_loop3A_408 : i32 to index
          %parallel_loop3A_525 = arith.constant 176 : index
          %parallel_loop3A_526 = tpu.vector_load %arg8[%parallel_loop3A_524, %parallel_loop3A_525] {strides = array<i32>} : memref<128x768xf32, #tpu.memory_space<vmem>>, vector<1x16xf32>,
          %parallel_loop3A_527 = vector.shape_cast %parallel_loop3A_526 : vector<1x16xf32> to vector<16xf32>
          %parallel_loop3A_528 = vector.shape_cast %parallel_loop3A_523 : vector<16xf32> to vector<1x16xf32>
          tpu.vector_store %arg8[%parallel_loop3A_524, %parallel_loop3A_525], %parallel_loop3A_528 {strides = array<i32>} : memref<128x768xf32, #tpu.memory_space<vmem>>, vector<1x16xf32>,
          %parallel_loop3A_529 = arith.index_cast %parallel_loop3A_408 : i32 to index
          %parallel_loop3A_530 = arith.constant 192 : index
          %parallel_loop3A_531 = tpu.vector_load %arg8[%parallel_loop3A_529, %parallel_loop3A_530] {strides = array<i32>} : memref<128x768xf32, #tpu.memory_space<vmem>>, vector<1x16xf32>,
          %parallel_loop3A_532 = vector.shape_cast %parallel_loop3A_531 : vector<1x16xf32> to vector<16xf32>
          %parallel_loop3A_533 = arith.addf %parallel_loop3A_532, %get3A_199 : vector<16xf32>
          %parallel_loop3A_534 = arith.index_cast %parallel_loop3A_408 : i32 to index
          %parallel_loop3A_535 = arith.constant 192 : index
          %parallel_loop3A_536 = tpu.vector_load %arg8[%parallel_loop3A_534, %parallel_loop3A_535] {strides = array<i32>} : memref<128x768xf32, #tpu.memory_space<vmem>>, vector<1x16xf32>,
          %parallel_loop3A_537 = vector.shape_cast %parallel_loop3A_536 : vector<1x16xf32> to vector<16xf32>
          %parallel_loop3A_538 = vector.shape_cast %parallel_loop3A_533 : vector<16xf32> to vector<1x16xf32>
          tpu.vector_store %arg8[%parallel_loop3A_534, %parallel_loop3A_535], %parallel_loop3A_538 {strides = array<i32>} : memref<128x768xf32, #tpu.memory_space<vmem>>, vector<1x16xf32>,
          %parallel_loop3A_539 = arith.index_cast %parallel_loop3A_408 : i32 to index
          %parallel_loop3A_540 = arith.constant 208 : index
          %parallel_loop3A_541 = tpu.vector_load %arg8[%parallel_loop3A_539, %parallel_loop3A_540] {strides = array<i32>} : memref<128x768xf32, #tpu.memory_space<vmem>>, vector<1x16xf32>,
          %parallel_loop3A_542 = vector.shape_cast %parallel_loop3A_541 : vector<1x16xf32> to vector<16xf32>
          %parallel_loop3A_543 = arith.addf %parallel_loop3A_542, %get3A_204 : vector<16xf32>
          %parallel_loop3A_544 = arith.index_cast %parallel_loop3A_408 : i32 to index
          %parallel_loop3A_545 = arith.constant 208 : index
          %parallel_loop3A_546 = tpu.vector_load %arg8[%parallel_loop3A_544, %parallel_loop3A_545] {strides = array<i32>} : memref<128x768xf32, #tpu.memory_space<vmem>>, vector<1x16xf32>,
          %parallel_loop3A_547 = vector.shape_cast %parallel_loop3A_546 : vector<1x16xf32> to vector<16xf32>
          %parallel_loop3A_548 = vector.shape_cast %parallel_loop3A_543 : vector<16xf32> to vector<1x16xf32>
          tpu.vector_store %arg8[%parallel_loop3A_544, %parallel_loop3A_545], %parallel_loop3A_548 {strides = array<i32>} : memref<128x768xf32, #tpu.memory_space<vmem>>, vector<1x16xf32>,
          %parallel_loop3A_549 = arith.index_cast %parallel_loop3A_408 : i32 to index
          %parallel_loop3A_550 = arith.constant 224 : index
          %parallel_loop3A_551 = tpu.vector_load %arg8[%parallel_loop3A_549, %parallel_loop3A_550] {strides = array<i32>} : memref<128x768xf32, #tpu.memory_space<vmem>>, vector<1x16xf32>,
          %parallel_loop3A_552 = vector.shape_cast %parallel_loop3A_551 : vector<1x16xf32> to vector<16xf32>
          %parallel_loop3A_553 = arith.addf %parallel_loop3A_552, %get3A_209 : vector<16xf32>
          %parallel_loop3A_554 = arith.index_cast %parallel_loop3A_408 : i32 to index
          %parallel_loop3A_555 = arith.constant 224 : index
          %parallel_loop3A_556 = tpu.vector_load %arg8[%parallel_loop3A_554, %parallel_loop3A_555] {strides = array<i32>} : memref<128x768xf32, #tpu.memory_space<vmem>>, vector<1x16xf32>,
          %parallel_loop3A_557 = vector.shape_cast %parallel_loop3A_556 : vector<1x16xf32> to vector<16xf32>
          %parallel_loop3A_558 = vector.shape_cast %parallel_loop3A_553 : vector<16xf32> to vector<1x16xf32>
          tpu.vector_store %arg8[%parallel_loop3A_554, %parallel_loop3A_555], %parallel_loop3A_558 {strides = array<i32>} : memref<128x768xf32, #tpu.memory_space<vmem>>, vector<1x16xf32>,
          %parallel_loop3A_559 = arith.index_cast %parallel_loop3A_408 : i32 to index
          %parallel_loop3A_560 = arith.constant 240 : index
          %parallel_loop3A_561 = tpu.vector_load %arg8[%parallel_loop3A_559, %parallel_loop3A_560] {strides = array<i32>} : memref<128x768xf32, #tpu.memory_space<vmem>>, vector<1x16xf32>,
          %parallel_loop3A_562 = vector.shape_cast %parallel_loop3A_561 : vector<1x16xf32> to vector<16xf32>
          %parallel_loop3A_563 = arith.addf %parallel_loop3A_562, %get3A_214 : vector<16xf32>
          %parallel_loop3A_564 = arith.index_cast %parallel_loop3A_408 : i32 to index
          %parallel_loop3A_565 = arith.constant 240 : index
          %parallel_loop3A_566 = tpu.vector_load %arg8[%parallel_loop3A_564, %parallel_loop3A_565] {strides = array<i32>} : memref<128x768xf32, #tpu.memory_space<vmem>>, vector<1x16xf32>,
          %parallel_loop3A_567 = vector.shape_cast %parallel_loop3A_566 : vector<1x16xf32> to vector<16xf32>
          %parallel_loop3A_568 = vector.shape_cast %parallel_loop3A_563 : vector<16xf32> to vector<1x16xf32>
          tpu.vector_store %arg8[%parallel_loop3A_564, %parallel_loop3A_565], %parallel_loop3A_568 {strides = array<i32>} : memref<128x768xf32, #tpu.memory_space<vmem>>, vector<1x16xf32>,
          %parallel_loop3A_569 = arith.index_cast %parallel_loop3A_408 : i32 to index
          %parallel_loop3A_570 = arith.constant 256 : index
          %parallel_loop3A_571 = tpu.vector_load %arg8[%parallel_loop3A_569, %parallel_loop3A_570] {strides = array<i32>} : memref<128x768xf32, #tpu.memory_space<vmem>>, vector<1x16xf32>,
          %parallel_loop3A_572 = vector.shape_cast %parallel_loop3A_571 : vector<1x16xf32> to vector<16xf32>
          %parallel_loop3A_573 = arith.addf %parallel_loop3A_572, %get3A_219 : vector<16xf32>
          %parallel_loop3A_574 = arith.index_cast %parallel_loop3A_408 : i32 to index
          %parallel_loop3A_575 = arith.constant 256 : index
          %parallel_loop3A_576 = tpu.vector_load %arg8[%parallel_loop3A_574, %parallel_loop3A_575] {strides = array<i32>} : memref<128x768xf32, #tpu.memory_space<vmem>>, vector<1x16xf32>,
          %parallel_loop3A_577 = vector.shape_cast %parallel_loop3A_576 : vector<1x16xf32> to vector<16xf32>
          %parallel_loop3A_578 = vector.shape_cast %parallel_loop3A_573 : vector<16xf32> to vector<1x16xf32>
          tpu.vector_store %arg8[%parallel_loop3A_574, %parallel_loop3A_575], %parallel_loop3A_578 {strides = array<i32>} : memref<128x768xf32, #tpu.memory_space<vmem>>, vector<1x16xf32>,
          %parallel_loop3A_579 = arith.index_cast %parallel_loop3A_408 : i32 to index
          %parallel_loop3A_580 = arith.constant 272 : index
          %parallel_loop3A_581 = tpu.vector_load %arg8[%parallel_loop3A_579, %parallel_loop3A_580] {strides = array<i32>} : memref<128x768xf32, #tpu.memory_space<vmem>>, vector<1x16xf32>,
          %parallel_loop3A_582 = vector.shape_cast %parallel_loop3A_581 : vector<1x16xf32> to vector<16xf32>
          %parallel_loop3A_583 = arith.addf %parallel_loop3A_582, %get3A_224 : vector<16xf32>
          %parallel_loop3A_584 = arith.index_cast %parallel_loop3A_408 : i32 to index
          %parallel_loop3A_585 = arith.constant 272 : index
          %parallel_loop3A_586 = tpu.vector_load %arg8[%parallel_loop3A_584, %parallel_loop3A_585] {strides = array<i32>} : memref<128x768xf32, #tpu.memory_space<vmem>>, vector<1x16xf32>,
          %parallel_loop3A_587 = vector.shape_cast %parallel_loop3A_586 : vector<1x16xf32> to vector<16xf32>
          %parallel_loop3A_588 = vector.shape_cast %parallel_loop3A_583 : vector<16xf32> to vector<1x16xf32>
          tpu.vector_store %arg8[%parallel_loop3A_584, %parallel_loop3A_585], %parallel_loop3A_588 {strides = array<i32>} : memref<128x768xf32, #tpu.memory_space<vmem>>, vector<1x16xf32>,
          %parallel_loop3A_589 = arith.index_cast %parallel_loop3A_408 : i32 to index
          %parallel_loop3A_590 = arith.constant 288 : index
          %parallel_loop3A_591 = tpu.vector_load %arg8[%parallel_loop3A_589, %parallel_loop3A_590] {strides = array<i32>} : memref<128x768xf32, #tpu.memory_space<vmem>>, vector<1x16xf32>,
          %parallel_loop3A_592 = vector.shape_cast %parallel_loop3A_591 : vector<1x16xf32> to vector<16xf32>
          %parallel_loop3A_593 = arith.addf %parallel_loop3A_592, %get3A_229 : vector<16xf32>
          %parallel_loop3A_594 = arith.index_cast %parallel_loop3A_408 : i32 to index
          %parallel_loop3A_595 = arith.constant 288 : index
          %parallel_loop3A_596 = tpu.vector_load %arg8[%parallel_loop3A_594, %parallel_loop3A_595] {strides = array<i32>} : memref<128x768xf32, #tpu.memory_space<vmem>>, vector<1x16xf32>,
          %parallel_loop3A_597 = vector.shape_cast %parallel_loop3A_596 : vector<1x16xf32> to vector<16xf32>
          %parallel_loop3A_598 = vector.shape_cast %parallel_loop3A_593 : vector<16xf32> to vector<1x16xf32>
          tpu.vector_store %arg8[%parallel_loop3A_594, %parallel_loop3A_595], %parallel_loop3A_598 {strides = array<i32>} : memref<128x768xf32, #tpu.memory_space<vmem>>, vector<1x16xf32>,
          %parallel_loop3A_599 = arith.index_cast %parallel_loop3A_408 : i32 to index
          %parallel_loop3A_600 = arith.constant 304 : index
          %parallel_loop3A_601 = tpu.vector_load %arg8[%parallel_loop3A_599, %parallel_loop3A_600] {strides = array<i32>} : memref<128x768xf32, #tpu.memory_space<vmem>>, vector<1x16xf32>,
          %parallel_loop3A_602 = vector.shape_cast %parallel_loop3A_601 : vector<1x16xf32> to vector<16xf32>
          %parallel_loop3A_603 = arith.addf %parallel_loop3A_602, %get3A_234 : vector<16xf32>
          %parallel_loop3A_604 = arith.index_cast %parallel_loop3A_408 : i32 to index
          %parallel_loop3A_605 = arith.constant 304 : index
          %parallel_loop3A_606 = tpu.vector_load %arg8[%parallel_loop3A_604, %parallel_loop3A_605] {strides = array<i32>} : memref<128x768xf32, #tpu.memory_space<vmem>>, vector<1x16xf32>,
          %parallel_loop3A_607 = vector.shape_cast %parallel_loop3A_606 : vector<1x16xf32> to vector<16xf32>
          %parallel_loop3A_608 = vector.shape_cast %parallel_loop3A_603 : vector<16xf32> to vector<1x16xf32>
          tpu.vector_store %arg8[%parallel_loop3A_604, %parallel_loop3A_605], %parallel_loop3A_608 {strides = array<i32>} : memref<128x768xf32, #tpu.memory_space<vmem>>, vector<1x16xf32>,
          %parallel_loop3A_609 = arith.index_cast %parallel_loop3A_408 : i32 to index
          %parallel_loop3A_610 = arith.constant 320 : index
          %parallel_loop3A_611 = tpu.vector_load %arg8[%parallel_loop3A_609, %parallel_loop3A_610] {strides = array<i32>} : memref<128x768xf32, #tpu.memory_space<vmem>>, vector<1x16xf32>,
          %parallel_loop3A_612 = vector.shape_cast %parallel_loop3A_611 : vector<1x16xf32> to vector<16xf32>
          %parallel_loop3A_613 = arith.addf %parallel_loop3A_612, %get3A_239 : vector<16xf32>
          %parallel_loop3A_614 = arith.index_cast %parallel_loop3A_408 : i32 to index
          %parallel_loop3A_615 = arith.constant 320 : index
          %parallel_loop3A_616 = tpu.vector_load %arg8[%parallel_loop3A_614, %parallel_loop3A_615] {strides = array<i32>} : memref<128x768xf32, #tpu.memory_space<vmem>>, vector<1x16xf32>,
          %parallel_loop3A_617 = vector.shape_cast %parallel_loop3A_616 : vector<1x16xf32> to vector<16xf32>
          %parallel_loop3A_618 = vector.shape_cast %parallel_loop3A_613 : vector<16xf32> to vector<1x16xf32>
          tpu.vector_store %arg8[%parallel_loop3A_614, %parallel_loop3A_615], %parallel_loop3A_618 {strides = array<i32>} : memref<128x768xf32, #tpu.memory_space<vmem>>, vector<1x16xf32>,
          %parallel_loop3A_619 = arith.index_cast %parallel_loop3A_408 : i32 to index
          %parallel_loop3A_620 = arith.constant 336 : index
          %parallel_loop3A_621 = tpu.vector_load %arg8[%parallel_loop3A_619, %parallel_loop3A_620] {strides = array<i32>} : memref<128x768xf32, #tpu.memory_space<vmem>>, vector<1x16xf32>,
          %parallel_loop3A_622 = vector.shape_cast %parallel_loop3A_621 : vector<1x16xf32> to vector<16xf32>
          %parallel_loop3A_623 = arith.addf %parallel_loop3A_622, %get3A_244 : vector<16xf32>
          %parallel_loop3A_624 = arith.index_cast %parallel_loop3A_408 : i32 to index
          %parallel_loop3A_625 = arith.constant 336 : index
          %parallel_loop3A_626 = tpu.vector_load %arg8[%parallel_loop3A_624, %parallel_loop3A_625] {strides = array<i32>} : memref<128x768xf32, #tpu.memory_space<vmem>>, vector<1x16xf32>,
          %parallel_loop3A_627 = vector.shape_cast %parallel_loop3A_626 : vector<1x16xf32> to vector<16xf32>
          %parallel_loop3A_628 = vector.shape_cast %parallel_loop3A_623 : vector<16xf32> to vector<1x16xf32>
          tpu.vector_store %arg8[%parallel_loop3A_624, %parallel_loop3A_625], %parallel_loop3A_628 {strides = array<i32>} : memref<128x768xf32, #tpu.memory_space<vmem>>, vector<1x16xf32>,
          %parallel_loop3A_629 = arith.index_cast %parallel_loop3A_408 : i32 to index
          %parallel_loop3A_630 = arith.constant 352 : index
          %parallel_loop3A_631 = tpu.vector_load %arg8[%parallel_loop3A_629, %parallel_loop3A_630] {strides = array<i32>} : memref<128x768xf32, #tpu.memory_space<vmem>>, vector<1x16xf32>,
          %parallel_loop3A_632 = vector.shape_cast %parallel_loop3A_631 : vector<1x16xf32> to vector<16xf32>
          %parallel_loop3A_633 = arith.addf %parallel_loop3A_632, %get3A_249 : vector<16xf32>
          %parallel_loop3A_634 = arith.index_cast %parallel_loop3A_408 : i32 to index
          %parallel_loop3A_635 = arith.constant 352 : index
          %parallel_loop3A_636 = tpu.vector_load %arg8[%parallel_loop3A_634, %parallel_loop3A_635] {strides = array<i32>} : memref<128x768xf32, #tpu.memory_space<vmem>>, vector<1x16xf32>,
          %parallel_loop3A_637 = vector.shape_cast %parallel_loop3A_636 : vector<1x16xf32> to vector<16xf32>
          %parallel_loop3A_638 = vector.shape_cast %parallel_loop3A_633 : vector<16xf32> to vector<1x16xf32>
          tpu.vector_store %arg8[%parallel_loop3A_634, %parallel_loop3A_635], %parallel_loop3A_638 {strides = array<i32>} : memref<128x768xf32, #tpu.memory_space<vmem>>, vector<1x16xf32>,
          %parallel_loop3A_639 = arith.index_cast %parallel_loop3A_408 : i32 to index
          %parallel_loop3A_640 = arith.constant 368 : index
          %parallel_loop3A_641 = tpu.vector_load %arg8[%parallel_loop3A_639, %parallel_loop3A_640] {strides = array<i32>} : memref<128x768xf32, #tpu.memory_space<vmem>>, vector<1x16xf32>,
          %parallel_loop3A_642 = vector.shape_cast %parallel_loop3A_641 : vector<1x16xf32> to vector<16xf32>
          %parallel_loop3A_643 = arith.addf %parallel_loop3A_642, %get3A_254 : vector<16xf32>
          %parallel_loop3A_644 = arith.index_cast %parallel_loop3A_408 : i32 to index
          %parallel_loop3A_645 = arith.constant 368 : index
          %parallel_loop3A_646 = tpu.vector_load %arg8[%parallel_loop3A_644, %parallel_loop3A_645] {strides = array<i32>} : memref<128x768xf32, #tpu.memory_space<vmem>>, vector<1x16xf32>,
          %parallel_loop3A_647 = vector.shape_cast %parallel_loop3A_646 : vector<1x16xf32> to vector<16xf32>
          %parallel_loop3A_648 = vector.shape_cast %parallel_loop3A_643 : vector<16xf32> to vector<1x16xf32>
          tpu.vector_store %arg8[%parallel_loop3A_644, %parallel_loop3A_645], %parallel_loop3A_648 {strides = array<i32>} : memref<128x768xf32, #tpu.memory_space<vmem>>, vector<1x16xf32>,
        } {sc.loop_unroll_factor = 2 : i64, sc.parallel_access}
        %get3A_257 = arith.constant 3 : i32
        %get3A_258 = arith.index_cast %get3A_257 : i32 to index
        %get3A_259 = arith.constant 384 : index
        %get3A_260 = tpu.vector_load %arg7[%get3A_258, %get3A_259] {strides = array<i32>} : memref<4x768xf32, #tpu.memory_space<vmem>>, vector<1x16xf32>,
        %get3A_261 = vector.shape_cast %get3A_260 : vector<1x16xf32> to vector<16xf32>
        %get3A_262 = arith.constant 3 : i32
        %get3A_263 = arith.index_cast %get3A_262 : i32 to index
        %get3A_264 = arith.constant 400 : index
        %get3A_265 = tpu.vector_load %arg7[%get3A_263, %get3A_264] {strides = array<i32>} : memref<4x768xf32, #tpu.memory_space<vmem>>, vector<1x16xf32>,
        %get3A_266 = vector.shape_cast %get3A_265 : vector<1x16xf32> to vector<16xf32>
        %get3A_267 = arith.constant 3 : i32
        %get3A_268 = arith.index_cast %get3A_267 : i32 to index
        %get3A_269 = arith.constant 416 : index
        %get3A_270 = tpu.vector_load %arg7[%get3A_268, %get3A_269] {strides = array<i32>} : memref<4x768xf32, #tpu.memory_space<vmem>>, vector<1x16xf32>,
        %get3A_271 = vector.shape_cast %get3A_270 : vector<1x16xf32> to vector<16xf32>
        %get3A_272 = arith.constant 3 : i32
        %get3A_273 = arith.index_cast %get3A_272 : i32 to index
        %get3A_274 = arith.constant 432 : index
        %get3A_275 = tpu.vector_load %arg7[%get3A_273, %get3A_274] {strides = array<i32>} : memref<4x768xf32, #tpu.memory_space<vmem>>, vector<1x16xf32>,
        %get3A_276 = vector.shape_cast %get3A_275 : vector<1x16xf32> to vector<16xf32>
        %get3A_277 = arith.constant 3 : i32
        %get3A_278 = arith.index_cast %get3A_277 : i32 to index
        %get3A_279 = arith.constant 448 : index
        %get3A_280 = tpu.vector_load %arg7[%get3A_278, %get3A_279] {strides = array<i32>} : memref<4x768xf32, #tpu.memory_space<vmem>>, vector<1x16xf32>,
        %get3A_281 = vector.shape_cast %get3A_280 : vector<1x16xf32> to vector<16xf32>
        %get3A_282 = arith.constant 3 : i32
        %get3A_283 = arith.index_cast %get3A_282 : i32 to index
        %get3A_284 = arith.constant 464 : index
        %get3A_285 = tpu.vector_load %arg7[%get3A_283, %get3A_284] {strides = array<i32>} : memref<4x768xf32, #tpu.memory_space<vmem>>, vector<1x16xf32>,
        %get3A_286 = vector.shape_cast %get3A_285 : vector<1x16xf32> to vector<16xf32>
        %get3A_287 = arith.constant 3 : i32
        %get3A_288 = arith.index_cast %get3A_287 : i32 to index
        %get3A_289 = arith.constant 480 : index
        %get3A_290 = tpu.vector_load %arg7[%get3A_288, %get3A_289] {strides = array<i32>} : memref<4x768xf32, #tpu.memory_space<vmem>>, vector<1x16xf32>,
        %get3A_291 = vector.shape_cast %get3A_290 : vector<1x16xf32> to vector<16xf32>
        %get3A_292 = arith.constant 3 : i32
        %get3A_293 = arith.index_cast %get3A_292 : i32 to index
        %get3A_294 = arith.constant 496 : index
        %get3A_295 = tpu.vector_load %arg7[%get3A_293, %get3A_294] {strides = array<i32>} : memref<4x768xf32, #tpu.memory_space<vmem>>, vector<1x16xf32>,
        %get3A_296 = vector.shape_cast %get3A_295 : vector<1x16xf32> to vector<16xf32>
        %get3A_297 = arith.constant 3 : i32
        %get3A_298 = arith.index_cast %get3A_297 : i32 to index
        %get3A_299 = arith.constant 512 : index
        %get3A_300 = tpu.vector_load %arg7[%get3A_298, %get3A_299] {strides = array<i32>} : memref<4x768xf32, #tpu.memory_space<vmem>>, vector<1x16xf32>,
        %get3A_301 = vector.shape_cast %get3A_300 : vector<1x16xf32> to vector<16xf32>
        %get3A_302 = arith.constant 3 : i32
        %get3A_303 = arith.index_cast %get3A_302 : i32 to index
        %get3A_304 = arith.constant 528 : index
        %get3A_305 = tpu.vector_load %arg7[%get3A_303, %get3A_304] {strides = array<i32>} : memref<4x768xf32, #tpu.memory_space<vmem>>, vector<1x16xf32>,
        %get3A_306 = vector.shape_cast %get3A_305 : vector<1x16xf32> to vector<16xf32>
        %get3A_307 = arith.constant 3 : i32
        %get3A_308 = arith.index_cast %get3A_307 : i32 to index
        %get3A_309 = arith.constant 544 : index
        %get3A_310 = tpu.vector_load %arg7[%get3A_308, %get3A_309] {strides = array<i32>} : memref<4x768xf32, #tpu.memory_space<vmem>>, vector<1x16xf32>,
        %get3A_311 = vector.shape_cast %get3A_310 : vector<1x16xf32> to vector<16xf32>
        %get3A_312 = arith.constant 3 : i32
        %get3A_313 = arith.index_cast %get3A_312 : i32 to index
        %get3A_314 = arith.constant 560 : index
        %get3A_315 = tpu.vector_load %arg7[%get3A_313, %get3A_314] {strides = array<i32>} : memref<4x768xf32, #tpu.memory_space<vmem>>, vector<1x16xf32>,
        %get3A_316 = vector.shape_cast %get3A_315 : vector<1x16xf32> to vector<16xf32>
        %get3A_317 = arith.constant 3 : i32
        %get3A_318 = arith.index_cast %get3A_317 : i32 to index
        %get3A_319 = arith.constant 576 : index
        %get3A_320 = tpu.vector_load %arg7[%get3A_318, %get3A_319] {strides = array<i32>} : memref<4x768xf32, #tpu.memory_space<vmem>>, vector<1x16xf32>,
        %get3A_321 = vector.shape_cast %get3A_320 : vector<1x16xf32> to vector<16xf32>
        %get3A_322 = arith.constant 3 : i32
        %get3A_323 = arith.index_cast %get3A_322 : i32 to index
        %get3A_324 = arith.constant 592 : index
        %get3A_325 = tpu.vector_load %arg7[%get3A_323, %get3A_324] {strides = array<i32>} : memref<4x768xf32, #tpu.memory_space<vmem>>, vector<1x16xf32>,
        %get3A_326 = vector.shape_cast %get3A_325 : vector<1x16xf32> to vector<16xf32>
        %get3A_327 = arith.constant 3 : i32
        %get3A_328 = arith.index_cast %get3A_327 : i32 to index
        %get3A_329 = arith.constant 608 : index
        %get3A_330 = tpu.vector_load %arg7[%get3A_328, %get3A_329] {strides = array<i32>} : memref<4x768xf32, #tpu.memory_space<vmem>>, vector<1x16xf32>,
        %get3A_331 = vector.shape_cast %get3A_330 : vector<1x16xf32> to vector<16xf32>
        %get3A_332 = arith.constant 3 : i32
        %get3A_333 = arith.index_cast %get3A_332 : i32 to index
        %get3A_334 = arith.constant 624 : index
        %get3A_335 = tpu.vector_load %arg7[%get3A_333, %get3A_334] {strides = array<i32>} : memref<4x768xf32, #tpu.memory_space<vmem>>, vector<1x16xf32>,
        %get3A_336 = vector.shape_cast %get3A_335 : vector<1x16xf32> to vector<16xf32>
        %get3A_337 = arith.constant 3 : i32
        %get3A_338 = arith.index_cast %get3A_337 : i32 to index
        %get3A_339 = arith.constant 640 : index
        %get3A_340 = tpu.vector_load %arg7[%get3A_338, %get3A_339] {strides = array<i32>} : memref<4x768xf32, #tpu.memory_space<vmem>>, vector<1x16xf32>,
        %get3A_341 = vector.shape_cast %get3A_340 : vector<1x16xf32> to vector<16xf32>
        %get3A_342 = arith.constant 3 : i32
        %get3A_343 = arith.index_cast %get3A_342 : i32 to index
        %get3A_344 = arith.constant 656 : index
        %get3A_345 = tpu.vector_load %arg7[%get3A_343, %get3A_344] {strides = array<i32>} : memref<4x768xf32, #tpu.memory_space<vmem>>, vector<1x16xf32>,
        %get3A_346 = vector.shape_cast %get3A_345 : vector<1x16xf32> to vector<16xf32>
        %get3A_347 = arith.constant 3 : i32
        %get3A_348 = arith.index_cast %get3A_347 : i32 to index
        %get3A_349 = arith.constant 672 : index
        %get3A_350 = tpu.vector_load %arg7[%get3A_348, %get3A_349] {strides = array<i32>} : memref<4x768xf32, #tpu.memory_space<vmem>>, vector<1x16xf32>,
        %get3A_351 = vector.shape_cast %get3A_350 : vector<1x16xf32> to vector<16xf32>
        %get3A_352 = arith.constant 3 : i32
        %get3A_353 = arith.index_cast %get3A_352 : i32 to index
        %get3A_354 = arith.constant 688 : index
        %get3A_355 = tpu.vector_load %arg7[%get3A_353, %get3A_354] {strides = array<i32>} : memref<4x768xf32, #tpu.memory_space<vmem>>, vector<1x16xf32>,
        %get3A_356 = vector.shape_cast %get3A_355 : vector<1x16xf32> to vector<16xf32>
        %get3A_357 = arith.constant 3 : i32
        %get3A_358 = arith.index_cast %get3A_357 : i32 to index
        %get3A_359 = arith.constant 704 : index
        %get3A_360 = tpu.vector_load %arg7[%get3A_358, %get3A_359] {strides = array<i32>} : memref<4x768xf32, #tpu.memory_space<vmem>>, vector<1x16xf32>,
        %get3A_361 = vector.shape_cast %get3A_360 : vector<1x16xf32> to vector<16xf32>
        %get3A_362 = arith.constant 3 : i32
        %get3A_363 = arith.index_cast %get3A_362 : i32 to index
        %get3A_364 = arith.constant 720 : index
        %get3A_365 = tpu.vector_load %arg7[%get3A_363, %get3A_364] {strides = array<i32>} : memref<4x768xf32, #tpu.memory_space<vmem>>, vector<1x16xf32>,
        %get3A_366 = vector.shape_cast %get3A_365 : vector<1x16xf32> to vector<16xf32>
        %get3A_367 = arith.constant 3 : i32
        %get3A_368 = arith.index_cast %get3A_367 : i32 to index
        %get3A_369 = arith.constant 736 : index
        %get3A_370 = tpu.vector_load %arg7[%get3A_368, %get3A_369] {strides = array<i32>} : memref<4x768xf32, #tpu.memory_space<vmem>>, vector<1x16xf32>,
        %get3A_371 = vector.shape_cast %get3A_370 : vector<1x16xf32> to vector<16xf32>
        %get3A_372 = arith.constant 3 : i32
        %get3A_373 = arith.index_cast %get3A_372 : i32 to index
        %get3A_374 = arith.constant 752 : index
        %get3A_375 = tpu.vector_load %arg7[%get3A_373, %get3A_374] {strides = array<i32>} : memref<4x768xf32, #tpu.memory_space<vmem>>, vector<1x16xf32>,
        %get3A_376 = vector.shape_cast %get3A_375 : vector<1x16xf32> to vector<16xf32>
        %parallel_loop3A_377 = arith.constant 0 : i32
        %parallel_loop3A_378 = arith.constant 32 : i32
        %parallel_loop3A_379 = arith.constant 1 : i32
        scf.for %parallel_loop3A_406 = %parallel_loop3A_377 to %parallel_loop3A_378 step %parallel_loop3A_379  : i32 {
          %parallel_loop3A_407 = arith.constant 96 : i32
          %parallel_loop3A_408 = arith.addi %parallel_loop3A_407, %parallel_loop3A_406 : i32
          %parallel_loop3A_409 = arith.index_cast %parallel_loop3A_408 : i32 to index
          %parallel_loop3A_410 = arith.constant 384 : index
          %parallel_loop3A_411 = tpu.vector_load %arg8[%parallel_loop3A_409, %parallel_loop3A_410] {strides = array<i32>} : memref<128x768xf32, #tpu.memory_space<vmem>>, vector<1x16xf32>,
          %parallel_loop3A_412 = vector.shape_cast %parallel_loop3A_411 : vector<1x16xf32> to vector<16xf32>
          %parallel_loop3A_413 = arith.addf %parallel_loop3A_412, %get3A_261 : vector<16xf32>
          %parallel_loop3A_414 = arith.index_cast %parallel_loop3A_408 : i32 to index
          %parallel_loop3A_415 = arith.constant 384 : index
          %parallel_loop3A_416 = tpu.vector_load %arg8[%parallel_loop3A_414, %parallel_loop3A_415] {strides = array<i32>} : memref<128x768xf32, #tpu.memory_space<vmem>>, vector<1x16xf32>,
          %parallel_loop3A_417 = vector.shape_cast %parallel_loop3A_416 : vector<1x16xf32> to vector<16xf32>
          %parallel_loop3A_418 = vector.shape_cast %parallel_loop3A_413 : vector<16xf32> to vector<1x16xf32>
          tpu.vector_store %arg8[%parallel_loop3A_414, %parallel_loop3A_415], %parallel_loop3A_418 {strides = array<i32>} : memref<128x768xf32, #tpu.memory_space<vmem>>, vector<1x16xf32>,
          %parallel_loop3A_419 = arith.index_cast %parallel_loop3A_408 : i32 to index
          %parallel_loop3A_420 = arith.constant 400 : index
          %parallel_loop3A_421 = tpu.vector_load %arg8[%parallel_loop3A_419, %parallel_loop3A_420] {strides = array<i32>} : memref<128x768xf32, #tpu.memory_space<vmem>>, vector<1x16xf32>,
          %parallel_loop3A_422 = vector.shape_cast %parallel_loop3A_421 : vector<1x16xf32> to vector<16xf32>
          %parallel_loop3A_423 = arith.addf %parallel_loop3A_422, %get3A_266 : vector<16xf32>
          %parallel_loop3A_424 = arith.index_cast %parallel_loop3A_408 : i32 to index
          %parallel_loop3A_425 = arith.constant 400 : index
          %parallel_loop3A_426 = tpu.vector_load %arg8[%parallel_loop3A_424, %parallel_loop3A_425] {strides = array<i32>} : memref<128x768xf32, #tpu.memory_space<vmem>>, vector<1x16xf32>,
          %parallel_loop3A_427 = vector.shape_cast %parallel_loop3A_426 : vector<1x16xf32> to vector<16xf32>
          %parallel_loop3A_428 = vector.shape_cast %parallel_loop3A_423 : vector<16xf32> to vector<1x16xf32>
          tpu.vector_store %arg8[%parallel_loop3A_424, %parallel_loop3A_425], %parallel_loop3A_428 {strides = array<i32>} : memref<128x768xf32, #tpu.memory_space<vmem>>, vector<1x16xf32>,
          %parallel_loop3A_429 = arith.index_cast %parallel_loop3A_408 : i32 to index
          %parallel_loop3A_430 = arith.constant 416 : index
          %parallel_loop3A_431 = tpu.vector_load %arg8[%parallel_loop3A_429, %parallel_loop3A_430] {strides = array<i32>} : memref<128x768xf32, #tpu.memory_space<vmem>>, vector<1x16xf32>,
          %parallel_loop3A_432 = vector.shape_cast %parallel_loop3A_431 : vector<1x16xf32> to vector<16xf32>
          %parallel_loop3A_433 = arith.addf %parallel_loop3A_432, %get3A_271 : vector<16xf32>
          %parallel_loop3A_434 = arith.index_cast %parallel_loop3A_408 : i32 to index
          %parallel_loop3A_435 = arith.constant 416 : index
          %parallel_loop3A_436 = tpu.vector_load %arg8[%parallel_loop3A_434, %parallel_loop3A_435] {strides = array<i32>} : memref<128x768xf32, #tpu.memory_space<vmem>>, vector<1x16xf32>,
          %parallel_loop3A_437 = vector.shape_cast %parallel_loop3A_436 : vector<1x16xf32> to vector<16xf32>
          %parallel_loop3A_438 = vector.shape_cast %parallel_loop3A_433 : vector<16xf32> to vector<1x16xf32>
          tpu.vector_store %arg8[%parallel_loop3A_434, %parallel_loop3A_435], %parallel_loop3A_438 {strides = array<i32>} : memref<128x768xf32, #tpu.memory_space<vmem>>, vector<1x16xf32>,
          %parallel_loop3A_439 = arith.index_cast %parallel_loop3A_408 : i32 to index
          %parallel_loop3A_440 = arith.constant 432 : index
          %parallel_loop3A_441 = tpu.vector_load %arg8[%parallel_loop3A_439, %parallel_loop3A_440] {strides = array<i32>} : memref<128x768xf32, #tpu.memory_space<vmem>>, vector<1x16xf32>,
          %parallel_loop3A_442 = vector.shape_cast %parallel_loop3A_441 : vector<1x16xf32> to vector<16xf32>
          %parallel_loop3A_443 = arith.addf %parallel_loop3A_442, %get3A_276 : vector<16xf32>
          %parallel_loop3A_444 = arith.index_cast %parallel_loop3A_408 : i32 to index
          %parallel_loop3A_445 = arith.constant 432 : index
          %parallel_loop3A_446 = tpu.vector_load %arg8[%parallel_loop3A_444, %parallel_loop3A_445] {strides = array<i32>} : memref<128x768xf32, #tpu.memory_space<vmem>>, vector<1x16xf32>,
          %parallel_loop3A_447 = vector.shape_cast %parallel_loop3A_446 : vector<1x16xf32> to vector<16xf32>
          %parallel_loop3A_448 = vector.shape_cast %parallel_loop3A_443 : vector<16xf32> to vector<1x16xf32>
          tpu.vector_store %arg8[%parallel_loop3A_444, %parallel_loop3A_445], %parallel_loop3A_448 {strides = array<i32>} : memref<128x768xf32, #tpu.memory_space<vmem>>, vector<1x16xf32>,
          %parallel_loop3A_449 = arith.index_cast %parallel_loop3A_408 : i32 to index
          %parallel_loop3A_450 = arith.constant 448 : index
          %parallel_loop3A_451 = tpu.vector_load %arg8[%parallel_loop3A_449, %parallel_loop3A_450] {strides = array<i32>} : memref<128x768xf32, #tpu.memory_space<vmem>>, vector<1x16xf32>,
          %parallel_loop3A_452 = vector.shape_cast %parallel_loop3A_451 : vector<1x16xf32> to vector<16xf32>
          %parallel_loop3A_453 = arith.addf %parallel_loop3A_452, %get3A_281 : vector<16xf32>
          %parallel_loop3A_454 = arith.index_cast %parallel_loop3A_408 : i32 to index
          %parallel_loop3A_455 = arith.constant 448 : index
          %parallel_loop3A_456 = tpu.vector_load %arg8[%parallel_loop3A_454, %parallel_loop3A_455] {strides = array<i32>} : memref<128x768xf32, #tpu.memory_space<vmem>>, vector<1x16xf32>,
          %parallel_loop3A_457 = vector.shape_cast %parallel_loop3A_456 : vector<1x16xf32> to vector<16xf32>
          %parallel_loop3A_458 = vector.shape_cast %parallel_loop3A_453 : vector<16xf32> to vector<1x16xf32>
          tpu.vector_store %arg8[%parallel_loop3A_454, %parallel_loop3A_455], %parallel_loop3A_458 {strides = array<i32>} : memref<128x768xf32, #tpu.memory_space<vmem>>, vector<1x16xf32>,
          %parallel_loop3A_459 = arith.index_cast %parallel_loop3A_408 : i32 to index
          %parallel_loop3A_460 = arith.constant 464 : index
          %parallel_loop3A_461 = tpu.vector_load %arg8[%parallel_loop3A_459, %parallel_loop3A_460] {strides = array<i32>} : memref<128x768xf32, #tpu.memory_space<vmem>>, vector<1x16xf32>,
          %parallel_loop3A_462 = vector.shape_cast %parallel_loop3A_461 : vector<1x16xf32> to vector<16xf32>
          %parallel_loop3A_463 = arith.addf %parallel_loop3A_462, %get3A_286 : vector<16xf32>
          %parallel_loop3A_464 = arith.index_cast %parallel_loop3A_408 : i32 to index
          %parallel_loop3A_465 = arith.constant 464 : index
          %parallel_loop3A_466 = tpu.vector_load %arg8[%parallel_loop3A_464, %parallel_loop3A_465] {strides = array<i32>} : memref<128x768xf32, #tpu.memory_space<vmem>>, vector<1x16xf32>,
          %parallel_loop3A_467 = vector.shape_cast %parallel_loop3A_466 : vector<1x16xf32> to vector<16xf32>
          %parallel_loop3A_468 = vector.shape_cast %parallel_loop3A_463 : vector<16xf32> to vector<1x16xf32>
          tpu.vector_store %arg8[%parallel_loop3A_464, %parallel_loop3A_465], %parallel_loop3A_468 {strides = array<i32>} : memref<128x768xf32, #tpu.memory_space<vmem>>, vector<1x16xf32>,
          %parallel_loop3A_469 = arith.index_cast %parallel_loop3A_408 : i32 to index
          %parallel_loop3A_470 = arith.constant 480 : index
          %parallel_loop3A_471 = tpu.vector_load %arg8[%parallel_loop3A_469, %parallel_loop3A_470] {strides = array<i32>} : memref<128x768xf32, #tpu.memory_space<vmem>>, vector<1x16xf32>,
          %parallel_loop3A_472 = vector.shape_cast %parallel_loop3A_471 : vector<1x16xf32> to vector<16xf32>
          %parallel_loop3A_473 = arith.addf %parallel_loop3A_472, %get3A_291 : vector<16xf32>
          %parallel_loop3A_474 = arith.index_cast %parallel_loop3A_408 : i32 to index
          %parallel_loop3A_475 = arith.constant 480 : index
          %parallel_loop3A_476 = tpu.vector_load %arg8[%parallel_loop3A_474, %parallel_loop3A_475] {strides = array<i32>} : memref<128x768xf32, #tpu.memory_space<vmem>>, vector<1x16xf32>,
          %parallel_loop3A_477 = vector.shape_cast %parallel_loop3A_476 : vector<1x16xf32> to vector<16xf32>
          %parallel_loop3A_478 = vector.shape_cast %parallel_loop3A_473 : vector<16xf32> to vector<1x16xf32>
          tpu.vector_store %arg8[%parallel_loop3A_474, %parallel_loop3A_475], %parallel_loop3A_478 {strides = array<i32>} : memref<128x768xf32, #tpu.memory_space<vmem>>, vector<1x16xf32>,
          %parallel_loop3A_479 = arith.index_cast %parallel_loop3A_408 : i32 to index
          %parallel_loop3A_480 = arith.constant 496 : index
          %parallel_loop3A_481 = tpu.vector_load %arg8[%parallel_loop3A_479, %parallel_loop3A_480] {strides = array<i32>} : memref<128x768xf32, #tpu.memory_space<vmem>>, vector<1x16xf32>,
          %parallel_loop3A_482 = vector.shape_cast %parallel_loop3A_481 : vector<1x16xf32> to vector<16xf32>
          %parallel_loop3A_483 = arith.addf %parallel_loop3A_482, %get3A_296 : vector<16xf32>
          %parallel_loop3A_484 = arith.index_cast %parallel_loop3A_408 : i32 to index
          %parallel_loop3A_485 = arith.constant 496 : index
          %parallel_loop3A_486 = tpu.vector_load %arg8[%parallel_loop3A_484, %parallel_loop3A_485] {strides = array<i32>} : memref<128x768xf32, #tpu.memory_space<vmem>>, vector<1x16xf32>,
          %parallel_loop3A_487 = vector.shape_cast %parallel_loop3A_486 : vector<1x16xf32> to vector<16xf32>
          %parallel_loop3A_488 = vector.shape_cast %parallel_loop3A_483 : vector<16xf32> to vector<1x16xf32>
          tpu.vector_store %arg8[%parallel_loop3A_484, %parallel_loop3A_485], %parallel_loop3A_488 {strides = array<i32>} : memref<128x768xf32, #tpu.memory_space<vmem>>, vector<1x16xf32>,
          %parallel_loop3A_489 = arith.index_cast %parallel_loop3A_408 : i32 to index
          %parallel_loop3A_490 = arith.constant 512 : index
          %parallel_loop3A_491 = tpu.vector_load %arg8[%parallel_loop3A_489, %parallel_loop3A_490] {strides = array<i32>} : memref<128x768xf32, #tpu.memory_space<vmem>>, vector<1x16xf32>,
          %parallel_loop3A_492 = vector.shape_cast %parallel_loop3A_491 : vector<1x16xf32> to vector<16xf32>
          %parallel_loop3A_493 = arith.addf %parallel_loop3A_492, %get3A_301 : vector<16xf32>
          %parallel_loop3A_494 = arith.index_cast %parallel_loop3A_408 : i32 to index
          %parallel_loop3A_495 = arith.constant 512 : index
          %parallel_loop3A_496 = tpu.vector_load %arg8[%parallel_loop3A_494, %parallel_loop3A_495] {strides = array<i32>} : memref<128x768xf32, #tpu.memory_space<vmem>>, vector<1x16xf32>,
          %parallel_loop3A_497 = vector.shape_cast %parallel_loop3A_496 : vector<1x16xf32> to vector<16xf32>
          %parallel_loop3A_498 = vector.shape_cast %parallel_loop3A_493 : vector<16xf32> to vector<1x16xf32>
          tpu.vector_store %arg8[%parallel_loop3A_494, %parallel_loop3A_495], %parallel_loop3A_498 {strides = array<i32>} : memref<128x768xf32, #tpu.memory_space<vmem>>, vector<1x16xf32>,
          %parallel_loop3A_499 = arith.index_cast %parallel_loop3A_408 : i32 to index
          %parallel_loop3A_500 = arith.constant 528 : index
          %parallel_loop3A_501 = tpu.vector_load %arg8[%parallel_loop3A_499, %parallel_loop3A_500] {strides = array<i32>} : memref<128x768xf32, #tpu.memory_space<vmem>>, vector<1x16xf32>,
          %parallel_loop3A_502 = vector.shape_cast %parallel_loop3A_501 : vector<1x16xf32> to vector<16xf32>
          %parallel_loop3A_503 = arith.addf %parallel_loop3A_502, %get3A_306 : vector<16xf32>
          %parallel_loop3A_504 = arith.index_cast %parallel_loop3A_408 : i32 to index
          %parallel_loop3A_505 = arith.constant 528 : index
          %parallel_loop3A_506 = tpu.vector_load %arg8[%parallel_loop3A_504, %parallel_loop3A_505] {strides = array<i32>} : memref<128x768xf32, #tpu.memory_space<vmem>>, vector<1x16xf32>,
          %parallel_loop3A_507 = vector.shape_cast %parallel_loop3A_506 : vector<1x16xf32> to vector<16xf32>
          %parallel_loop3A_508 = vector.shape_cast %parallel_loop3A_503 : vector<16xf32> to vector<1x16xf32>
          tpu.vector_store %arg8[%parallel_loop3A_504, %parallel_loop3A_505], %parallel_loop3A_508 {strides = array<i32>} : memref<128x768xf32, #tpu.memory_space<vmem>>, vector<1x16xf32>,
          %parallel_loop3A_509 = arith.index_cast %parallel_loop3A_408 : i32 to index
          %parallel_loop3A_510 = arith.constant 544 : index
          %parallel_loop3A_511 = tpu.vector_load %arg8[%parallel_loop3A_509, %parallel_loop3A_510] {strides = array<i32>} : memref<128x768xf32, #tpu.memory_space<vmem>>, vector<1x16xf32>,
          %parallel_loop3A_512 = vector.shape_cast %parallel_loop3A_511 : vector<1x16xf32> to vector<16xf32>
          %parallel_loop3A_513 = arith.addf %parallel_loop3A_512, %get3A_311 : vector<16xf32>
          %parallel_loop3A_514 = arith.index_cast %parallel_loop3A_408 : i32 to index
          %parallel_loop3A_515 = arith.constant 544 : index
          %parallel_loop3A_516 = tpu.vector_load %arg8[%parallel_loop3A_514, %parallel_loop3A_515] {strides = array<i32>} : memref<128x768xf32, #tpu.memory_space<vmem>>, vector<1x16xf32>,
          %parallel_loop3A_517 = vector.shape_cast %parallel_loop3A_516 : vector<1x16xf32> to vector<16xf32>
          %parallel_loop3A_518 = vector.shape_cast %parallel_loop3A_513 : vector<16xf32> to vector<1x16xf32>
          tpu.vector_store %arg8[%parallel_loop3A_514, %parallel_loop3A_515], %parallel_loop3A_518 {strides = array<i32>} : memref<128x768xf32, #tpu.memory_space<vmem>>, vector<1x16xf32>,
          %parallel_loop3A_519 = arith.index_cast %parallel_loop3A_408 : i32 to index
          %parallel_loop3A_520 = arith.constant 560 : index
          %parallel_loop3A_521 = tpu.vector_load %arg8[%parallel_loop3A_519, %parallel_loop3A_520] {strides = array<i32>} : memref<128x768xf32, #tpu.memory_space<vmem>>, vector<1x16xf32>,
          %parallel_loop3A_522 = vector.shape_cast %parallel_loop3A_521 : vector<1x16xf32> to vector<16xf32>
          %parallel_loop3A_523 = arith.addf %parallel_loop3A_522, %get3A_316 : vector<16xf32>
          %parallel_loop3A_524 = arith.index_cast %parallel_loop3A_408 : i32 to index
          %parallel_loop3A_525 = arith.constant 560 : index
          %parallel_loop3A_526 = tpu.vector_load %arg8[%parallel_loop3A_524, %parallel_loop3A_525] {strides = array<i32>} : memref<128x768xf32, #tpu.memory_space<vmem>>, vector<1x16xf32>,
          %parallel_loop3A_527 = vector.shape_cast %parallel_loop3A_526 : vector<1x16xf32> to vector<16xf32>
          %parallel_loop3A_528 = vector.shape_cast %parallel_loop3A_523 : vector<16xf32> to vector<1x16xf32>
          tpu.vector_store %arg8[%parallel_loop3A_524, %parallel_loop3A_525], %parallel_loop3A_528 {strides = array<i32>} : memref<128x768xf32, #tpu.memory_space<vmem>>, vector<1x16xf32>,
          %parallel_loop3A_529 = arith.index_cast %parallel_loop3A_408 : i32 to index
          %parallel_loop3A_530 = arith.constant 576 : index
          %parallel_loop3A_531 = tpu.vector_load %arg8[%parallel_loop3A_529, %parallel_loop3A_530] {strides = array<i32>} : memref<128x768xf32, #tpu.memory_space<vmem>>, vector<1x16xf32>,
          %parallel_loop3A_532 = vector.shape_cast %parallel_loop3A_531 : vector<1x16xf32> to vector<16xf32>
          %parallel_loop3A_533 = arith.addf %parallel_loop3A_532, %get3A_321 : vector<16xf32>
          %parallel_loop3A_534 = arith.index_cast %parallel_loop3A_408 : i32 to index
          %parallel_loop3A_535 = arith.constant 576 : index
          %parallel_loop3A_536 = tpu.vector_load %arg8[%parallel_loop3A_534, %parallel_loop3A_535] {strides = array<i32>} : memref<128x768xf32, #tpu.memory_space<vmem>>, vector<1x16xf32>,
          %parallel_loop3A_537 = vector.shape_cast %parallel_loop3A_536 : vector<1x16xf32> to vector<16xf32>
          %parallel_loop3A_538 = vector.shape_cast %parallel_loop3A_533 : vector<16xf32> to vector<1x16xf32>
          tpu.vector_store %arg8[%parallel_loop3A_534, %parallel_loop3A_535], %parallel_loop3A_538 {strides = array<i32>} : memref<128x768xf32, #tpu.memory_space<vmem>>, vector<1x16xf32>,
          %parallel_loop3A_539 = arith.index_cast %parallel_loop3A_408 : i32 to index
          %parallel_loop3A_540 = arith.constant 592 : index
          %parallel_loop3A_541 = tpu.vector_load %arg8[%parallel_loop3A_539, %parallel_loop3A_540] {strides = array<i32>} : memref<128x768xf32, #tpu.memory_space<vmem>>, vector<1x16xf32>,
          %parallel_loop3A_542 = vector.shape_cast %parallel_loop3A_541 : vector<1x16xf32> to vector<16xf32>
          %parallel_loop3A_543 = arith.addf %parallel_loop3A_542, %get3A_326 : vector<16xf32>
          %parallel_loop3A_544 = arith.index_cast %parallel_loop3A_408 : i32 to index
          %parallel_loop3A_545 = arith.constant 592 : index
          %parallel_loop3A_546 = tpu.vector_load %arg8[%parallel_loop3A_544, %parallel_loop3A_545] {strides = array<i32>} : memref<128x768xf32, #tpu.memory_space<vmem>>, vector<1x16xf32>,
          %parallel_loop3A_547 = vector.shape_cast %parallel_loop3A_546 : vector<1x16xf32> to vector<16xf32>
          %parallel_loop3A_548 = vector.shape_cast %parallel_loop3A_543 : vector<16xf32> to vector<1x16xf32>
          tpu.vector_store %arg8[%parallel_loop3A_544, %parallel_loop3A_545], %parallel_loop3A_548 {strides = array<i32>} : memref<128x768xf32, #tpu.memory_space<vmem>>, vector<1x16xf32>,
          %parallel_loop3A_549 = arith.index_cast %parallel_loop3A_408 : i32 to index
          %parallel_loop3A_550 = arith.constant 608 : index
          %parallel_loop3A_551 = tpu.vector_load %arg8[%parallel_loop3A_549, %parallel_loop3A_550] {strides = array<i32>} : memref<128x768xf32, #tpu.memory_space<vmem>>, vector<1x16xf32>,
          %parallel_loop3A_552 = vector.shape_cast %parallel_loop3A_551 : vector<1x16xf32> to vector<16xf32>
          %parallel_loop3A_553 = arith.addf %parallel_loop3A_552, %get3A_331 : vector<16xf32>
          %parallel_loop3A_554 = arith.index_cast %parallel_loop3A_408 : i32 to index
          %parallel_loop3A_555 = arith.constant 608 : index
          %parallel_loop3A_556 = tpu.vector_load %arg8[%parallel_loop3A_554, %parallel_loop3A_555] {strides = array<i32>} : memref<128x768xf32, #tpu.memory_space<vmem>>, vector<1x16xf32>,
          %parallel_loop3A_557 = vector.shape_cast %parallel_loop3A_556 : vector<1x16xf32> to vector<16xf32>
          %parallel_loop3A_558 = vector.shape_cast %parallel_loop3A_553 : vector<16xf32> to vector<1x16xf32>
          tpu.vector_store %arg8[%parallel_loop3A_554, %parallel_loop3A_555], %parallel_loop3A_558 {strides = array<i32>} : memref<128x768xf32, #tpu.memory_space<vmem>>, vector<1x16xf32>,
          %parallel_loop3A_559 = arith.index_cast %parallel_loop3A_408 : i32 to index
          %parallel_loop3A_560 = arith.constant 624 : index
          %parallel_loop3A_561 = tpu.vector_load %arg8[%parallel_loop3A_559, %parallel_loop3A_560] {strides = array<i32>} : memref<128x768xf32, #tpu.memory_space<vmem>>, vector<1x16xf32>,
          %parallel_loop3A_562 = vector.shape_cast %parallel_loop3A_561 : vector<1x16xf32> to vector<16xf32>
          %parallel_loop3A_563 = arith.addf %parallel_loop3A_562, %get3A_336 : vector<16xf32>
          %parallel_loop3A_564 = arith.index_cast %parallel_loop3A_408 : i32 to index
          %parallel_loop3A_565 = arith.constant 624 : index
          %parallel_loop3A_566 = tpu.vector_load %arg8[%parallel_loop3A_564, %parallel_loop3A_565] {strides = array<i32>} : memref<128x768xf32, #tpu.memory_space<vmem>>, vector<1x16xf32>,
          %parallel_loop3A_567 = vector.shape_cast %parallel_loop3A_566 : vector<1x16xf32> to vector<16xf32>
          %parallel_loop3A_568 = vector.shape_cast %parallel_loop3A_563 : vector<16xf32> to vector<1x16xf32>
          tpu.vector_store %arg8[%parallel_loop3A_564, %parallel_loop3A_565], %parallel_loop3A_568 {strides = array<i32>} : memref<128x768xf32, #tpu.memory_space<vmem>>, vector<1x16xf32>,
          %parallel_loop3A_569 = arith.index_cast %parallel_loop3A_408 : i32 to index
          %parallel_loop3A_570 = arith.constant 640 : index
          %parallel_loop3A_571 = tpu.vector_load %arg8[%parallel_loop3A_569, %parallel_loop3A_570] {strides = array<i32>} : memref<128x768xf32, #tpu.memory_space<vmem>>, vector<1x16xf32>,
          %parallel_loop3A_572 = vector.shape_cast %parallel_loop3A_571 : vector<1x16xf32> to vector<16xf32>
          %parallel_loop3A_573 = arith.addf %parallel_loop3A_572, %get3A_341 : vector<16xf32>
          %parallel_loop3A_574 = arith.index_cast %parallel_loop3A_408 : i32 to index
          %parallel_loop3A_575 = arith.constant 640 : index
          %parallel_loop3A_576 = tpu.vector_load %arg8[%parallel_loop3A_574, %parallel_loop3A_575] {strides = array<i32>} : memref<128x768xf32, #tpu.memory_space<vmem>>, vector<1x16xf32>,
          %parallel_loop3A_577 = vector.shape_cast %parallel_loop3A_576 : vector<1x16xf32> to vector<16xf32>
          %parallel_loop3A_578 = vector.shape_cast %parallel_loop3A_573 : vector<16xf32> to vector<1x16xf32>
          tpu.vector_store %arg8[%parallel_loop3A_574, %parallel_loop3A_575], %parallel_loop3A_578 {strides = array<i32>} : memref<128x768xf32, #tpu.memory_space<vmem>>, vector<1x16xf32>,
          %parallel_loop3A_579 = arith.index_cast %parallel_loop3A_408 : i32 to index
          %parallel_loop3A_580 = arith.constant 656 : index
          %parallel_loop3A_581 = tpu.vector_load %arg8[%parallel_loop3A_579, %parallel_loop3A_580] {strides = array<i32>} : memref<128x768xf32, #tpu.memory_space<vmem>>, vector<1x16xf32>,
          %parallel_loop3A_582 = vector.shape_cast %parallel_loop3A_581 : vector<1x16xf32> to vector<16xf32>
          %parallel_loop3A_583 = arith.addf %parallel_loop3A_582, %get3A_346 : vector<16xf32>
          %parallel_loop3A_584 = arith.index_cast %parallel_loop3A_408 : i32 to index
          %parallel_loop3A_585 = arith.constant 656 : index
          %parallel_loop3A_586 = tpu.vector_load %arg8[%parallel_loop3A_584, %parallel_loop3A_585] {strides = array<i32>} : memref<128x768xf32, #tpu.memory_space<vmem>>, vector<1x16xf32>,
          %parallel_loop3A_587 = vector.shape_cast %parallel_loop3A_586 : vector<1x16xf32> to vector<16xf32>
          %parallel_loop3A_588 = vector.shape_cast %parallel_loop3A_583 : vector<16xf32> to vector<1x16xf32>
          tpu.vector_store %arg8[%parallel_loop3A_584, %parallel_loop3A_585], %parallel_loop3A_588 {strides = array<i32>} : memref<128x768xf32, #tpu.memory_space<vmem>>, vector<1x16xf32>,
          %parallel_loop3A_589 = arith.index_cast %parallel_loop3A_408 : i32 to index
          %parallel_loop3A_590 = arith.constant 672 : index
          %parallel_loop3A_591 = tpu.vector_load %arg8[%parallel_loop3A_589, %parallel_loop3A_590] {strides = array<i32>} : memref<128x768xf32, #tpu.memory_space<vmem>>, vector<1x16xf32>,
          %parallel_loop3A_592 = vector.shape_cast %parallel_loop3A_591 : vector<1x16xf32> to vector<16xf32>
          %parallel_loop3A_593 = arith.addf %parallel_loop3A_592, %get3A_351 : vector<16xf32>
          %parallel_loop3A_594 = arith.index_cast %parallel_loop3A_408 : i32 to index
          %parallel_loop3A_595 = arith.constant 672 : index
          %parallel_loop3A_596 = tpu.vector_load %arg8[%parallel_loop3A_594, %parallel_loop3A_595] {strides = array<i32>} : memref<128x768xf32, #tpu.memory_space<vmem>>, vector<1x16xf32>,
          %parallel_loop3A_597 = vector.shape_cast %parallel_loop3A_596 : vector<1x16xf32> to vector<16xf32>
          %parallel_loop3A_598 = vector.shape_cast %parallel_loop3A_593 : vector<16xf32> to vector<1x16xf32>
          tpu.vector_store %arg8[%parallel_loop3A_594, %parallel_loop3A_595], %parallel_loop3A_598 {strides = array<i32>} : memref<128x768xf32, #tpu.memory_space<vmem>>, vector<1x16xf32>,
          %parallel_loop3A_599 = arith.index_cast %parallel_loop3A_408 : i32 to index
          %parallel_loop3A_600 = arith.constant 688 : index
          %parallel_loop3A_601 = tpu.vector_load %arg8[%parallel_loop3A_599, %parallel_loop3A_600] {strides = array<i32>} : memref<128x768xf32, #tpu.memory_space<vmem>>, vector<1x16xf32>,
          %parallel_loop3A_602 = vector.shape_cast %parallel_loop3A_601 : vector<1x16xf32> to vector<16xf32>
          %parallel_loop3A_603 = arith.addf %parallel_loop3A_602, %get3A_356 : vector<16xf32>
          %parallel_loop3A_604 = arith.index_cast %parallel_loop3A_408 : i32 to index
          %parallel_loop3A_605 = arith.constant 688 : index
          %parallel_loop3A_606 = tpu.vector_load %arg8[%parallel_loop3A_604, %parallel_loop3A_605] {strides = array<i32>} : memref<128x768xf32, #tpu.memory_space<vmem>>, vector<1x16xf32>,
          %parallel_loop3A_607 = vector.shape_cast %parallel_loop3A_606 : vector<1x16xf32> to vector<16xf32>
          %parallel_loop3A_608 = vector.shape_cast %parallel_loop3A_603 : vector<16xf32> to vector<1x16xf32>
          tpu.vector_store %arg8[%parallel_loop3A_604, %parallel_loop3A_605], %parallel_loop3A_608 {strides = array<i32>} : memref<128x768xf32, #tpu.memory_space<vmem>>, vector<1x16xf32>,
          %parallel_loop3A_609 = arith.index_cast %parallel_loop3A_408 : i32 to index
          %parallel_loop3A_610 = arith.constant 704 : index
          %parallel_loop3A_611 = tpu.vector_load %arg8[%parallel_loop3A_609, %parallel_loop3A_610] {strides = array<i32>} : memref<128x768xf32, #tpu.memory_space<vmem>>, vector<1x16xf32>,
          %parallel_loop3A_612 = vector.shape_cast %parallel_loop3A_611 : vector<1x16xf32> to vector<16xf32>
          %parallel_loop3A_613 = arith.addf %parallel_loop3A_612, %get3A_361 : vector<16xf32>
          %parallel_loop3A_614 = arith.index_cast %parallel_loop3A_408 : i32 to index
          %parallel_loop3A_615 = arith.constant 704 : index
          %parallel_loop3A_616 = tpu.vector_load %arg8[%parallel_loop3A_614, %parallel_loop3A_615] {strides = array<i32>} : memref<128x768xf32, #tpu.memory_space<vmem>>, vector<1x16xf32>,
          %parallel_loop3A_617 = vector.shape_cast %parallel_loop3A_616 : vector<1x16xf32> to vector<16xf32>
          %parallel_loop3A_618 = vector.shape_cast %parallel_loop3A_613 : vector<16xf32> to vector<1x16xf32>
          tpu.vector_store %arg8[%parallel_loop3A_614, %parallel_loop3A_615], %parallel_loop3A_618 {strides = array<i32>} : memref<128x768xf32, #tpu.memory_space<vmem>>, vector<1x16xf32>,
          %parallel_loop3A_619 = arith.index_cast %parallel_loop3A_408 : i32 to index
          %parallel_loop3A_620 = arith.constant 720 : index
          %parallel_loop3A_621 = tpu.vector_load %arg8[%parallel_loop3A_619, %parallel_loop3A_620] {strides = array<i32>} : memref<128x768xf32, #tpu.memory_space<vmem>>, vector<1x16xf32>,
          %parallel_loop3A_622 = vector.shape_cast %parallel_loop3A_621 : vector<1x16xf32> to vector<16xf32>
          %parallel_loop3A_623 = arith.addf %parallel_loop3A_622, %get3A_366 : vector<16xf32>
          %parallel_loop3A_624 = arith.index_cast %parallel_loop3A_408 : i32 to index
          %parallel_loop3A_625 = arith.constant 720 : index
          %parallel_loop3A_626 = tpu.vector_load %arg8[%parallel_loop3A_624, %parallel_loop3A_625] {strides = array<i32>} : memref<128x768xf32, #tpu.memory_space<vmem>>, vector<1x16xf32>,
          %parallel_loop3A_627 = vector.shape_cast %parallel_loop3A_626 : vector<1x16xf32> to vector<16xf32>
          %parallel_loop3A_628 = vector.shape_cast %parallel_loop3A_623 : vector<16xf32> to vector<1x16xf32>
          tpu.vector_store %arg8[%parallel_loop3A_624, %parallel_loop3A_625], %parallel_loop3A_628 {strides = array<i32>} : memref<128x768xf32, #tpu.memory_space<vmem>>, vector<1x16xf32>,
          %parallel_loop3A_629 = arith.index_cast %parallel_loop3A_408 : i32 to index
          %parallel_loop3A_630 = arith.constant 736 : index
          %parallel_loop3A_631 = tpu.vector_load %arg8[%parallel_loop3A_629, %parallel_loop3A_630] {strides = array<i32>} : memref<128x768xf32, #tpu.memory_space<vmem>>, vector<1x16xf32>,
          %parallel_loop3A_632 = vector.shape_cast %parallel_loop3A_631 : vector<1x16xf32> to vector<16xf32>
          %parallel_loop3A_633 = arith.addf %parallel_loop3A_632, %get3A_371 : vector<16xf32>
          %parallel_loop3A_634 = arith.index_cast %parallel_loop3A_408 : i32 to index
          %parallel_loop3A_635 = arith.constant 736 : index
          %parallel_loop3A_636 = tpu.vector_load %arg8[%parallel_loop3A_634, %parallel_loop3A_635] {strides = array<i32>} : memref<128x768xf32, #tpu.memory_space<vmem>>, vector<1x16xf32>,
          %parallel_loop3A_637 = vector.shape_cast %parallel_loop3A_636 : vector<1x16xf32> to vector<16xf32>
          %parallel_loop3A_638 = vector.shape_cast %parallel_loop3A_633 : vector<16xf32> to vector<1x16xf32>
          tpu.vector_store %arg8[%parallel_loop3A_634, %parallel_loop3A_635], %parallel_loop3A_638 {strides = array<i32>} : memref<128x768xf32, #tpu.memory_space<vmem>>, vector<1x16xf32>,
          %parallel_loop3A_639 = arith.index_cast %parallel_loop3A_408 : i32 to index
          %parallel_loop3A_640 = arith.constant 752 : index
          %parallel_loop3A_641 = tpu.vector_load %arg8[%parallel_loop3A_639, %parallel_loop3A_640] {strides = array<i32>} : memref<128x768xf32, #tpu.memory_space<vmem>>, vector<1x16xf32>,
          %parallel_loop3A_642 = vector.shape_cast %parallel_loop3A_641 : vector<1x16xf32> to vector<16xf32>
          %parallel_loop3A_643 = arith.addf %parallel_loop3A_642, %get3A_376 : vector<16xf32>
          %parallel_loop3A_644 = arith.index_cast %parallel_loop3A_408 : i32 to index
          %parallel_loop3A_645 = arith.constant 752 : index
          %parallel_loop3A_646 = tpu.vector_load %arg8[%parallel_loop3A_644, %parallel_loop3A_645] {strides = array<i32>} : memref<128x768xf32, #tpu.memory_space<vmem>>, vector<1x16xf32>,
          %parallel_loop3A_647 = vector.shape_cast %parallel_loop3A_646 : vector<1x16xf32> to vector<16xf32>
          %parallel_loop3A_648 = vector.shape_cast %parallel_loop3A_643 : vector<16xf32> to vector<1x16xf32>
          tpu.vector_store %arg8[%parallel_loop3A_644, %parallel_loop3A_645], %parallel_loop3A_648 {strides = array<i32>} : memref<128x768xf32, #tpu.memory_space<vmem>>, vector<1x16xf32>,
        } {sc.loop_unroll_factor = 2 : i64, sc.parallel_access}
        %mul3A_380 = arith.constant 1024 : i32
        %mul3A_381 = arith.muli %add3A_108, %mul3A_380 : i32
        %mul3A_382 = arith.constant 32 : i32
        %mul3A_383 = arith.muli %add3A, %mul3A_382 : i32
        %add3A_384 = arith.addi %mul3A_381, %mul3A_383 : i32
        %dma_start3A_385 = arith.constant 96 : i32
        %dma_start3A_386 = arith.constant 0 : i32
        %dma_start3A_387 = tpu.memref_slice %arg8[%dma_start3A_385, %dma_start3A_386] : memref<128x768xf32, #tpu.memory_space<vmem>> -> memref<32x768xf32, #tpu.memory_space<vmem>>
        %dma_start3A_388 = arith.constant 0 : i32
        %dma_start3A_389 = tpu.memref_slice %arg5[%add3A_384, %dma_start3A_388] : memref<78848x768xf32, #tpu.memory_space<hbm>> -> memref<32x768xf32, #tpu.memory_space<hbm>>
        %dma_start3A_390 = arith.constant 0 : i32
        %dma_start3A_391 = tpu.memref_slice %arg5[%add3A_384, %dma_start3A_390] : memref<78848x768xf32, #tpu.memory_space<hbm>> -> memref<32x768xf32, #tpu.memory_space<hbm>>
        %dma_start3A_392 = arith.constant 96 : i32
        %dma_start3A_393 = arith.constant 0 : i32
        %dma_start3A_394 = tpu.memref_slice %arg8[%dma_start3A_392, %dma_start3A_393] : memref<128x768xf32, #tpu.memory_space<vmem>> -> memref<32x768xf32, #tpu.memory_space<vmem>>
        tpu.enqueue_dma source(%dma_start3A_394 : memref<32x768xf32, #tpu.memory_space<vmem>>) target(%dma_start3A_391 : memref<32x768xf32, #tpu.memory_space<hbm>>) target_semaphore(%arg16 : memref<!tpu.dma_semaphore, #tpu.memory_space<semaphore_mem>>)
        %ge3A = arith.constant 2 : i32
        %ge3A_395 = arith.cmpi sge, %add3A_108, %ge3A : i32
        %convert_element_type3A_396 = arith.extui %ge3A_395 : i1 to i32
        %cond3A_397 = arith.constant 0 : i32
        %cond3A_398 = arith.cmpi ne, %convert_element_type3A_396, %cond3A_397 : i32
        scf.if %cond3A_398 {
          %sub3A = arith.constant 2 : i32
          %sub3A_406 = arith.subi %add3A_108, %sub3A : i32
          %mul3A_407 = arith.constant 1024 : i32
          %mul3A_408 = arith.muli %sub3A_406, %mul3A_407 : i32
          %mul3A_409 = arith.constant 32 : i32
          %mul3A_410 = arith.muli %add3A, %mul3A_409 : i32
          %add3A_411 = arith.addi %mul3A_408, %mul3A_410 : i32
          %dma_wait3A_412 = arith.constant 32 : i32
          %dma_wait3A_413 = arith.constant 0 : i32
          %dma_wait3A_414 = tpu.memref_slice %arg8[%dma_wait3A_412, %dma_wait3A_413] : memref<128x768xf32, #tpu.memory_space<vmem>> -> memref<32x768xf32, #tpu.memory_space<vmem>>
          %dma_wait3A_415 = arith.constant 0 : i32
          %dma_wait3A_416 = tpu.memref_slice %arg5[%add3A_411, %dma_wait3A_415] : memref<78848x768xf32, #tpu.memory_space<hbm>> -> memref<32x768xf32, #tpu.memory_space<hbm>>
          %dma_wait3A_417 = arith.constant 0 : i32
          %dma_wait3A_418 = tpu.memref_slice %arg5[%add3A_411, %dma_wait3A_417] : memref<78848x768xf32, #tpu.memory_space<hbm>> -> memref<32x768xf32, #tpu.memory_space<hbm>>
          %dma_wait3A_419 = arith.constant 32 : i32
          %dma_wait3A_420 = arith.constant 0 : i32
          %dma_wait3A_421 = tpu.memref_slice %arg8[%dma_wait3A_419, %dma_wait3A_420] : memref<128x768xf32, #tpu.memory_space<vmem>> -> memref<32x768xf32, #tpu.memory_space<vmem>>
          tpu.wait_dma2 semaphore(%arg14 : memref<!tpu.dma_semaphore, #tpu.memory_space<semaphore_mem>>) src(%dma_wait3A_421 : memref<32x768xf32, #tpu.memory_space<vmem>>) dst(%dma_wait3A_418 : memref<32x768xf32, #tpu.memory_space<hbm>>)
        } else {
        }
        %add3A_399 = arith.constant 2 : i32
        %add3A_400 = arith.addi %add3A_108, %add3A_399 : i32
        %lt3A_401 = arith.constant 77 : i32
        %lt3A_402 = arith.cmpi slt, %add3A_400, %lt3A_401 : i32
        %convert_element_type3A_403 = arith.extui %lt3A_402 : i1 to i32
        %cond3A_404 = arith.constant 0 : i32
        %cond3A_405 = arith.cmpi ne, %convert_element_type3A_403, %cond3A_404 : i32
        scf.if %cond3A_405 {
          %add3A_406 = arith.constant 2 : i32
          %add3A_407 = arith.addi %add3A_108, %add3A_406 : i32
          %dma_start3A_408 = arith.constant 32 : i32
          %dma_start3A_409 = arith.constant 0 : i32
          %dma_start3A_410 = tpu.memref_slice %arg8[%dma_start3A_408, %dma_start3A_409] : memref<128x768xf32, #tpu.memory_space<vmem>> -> memref<32x768xf32, #tpu.memory_space<vmem>>
          %dma_start3A_411 = arith.constant 0 : i32
          %dma_start3A_412 = tpu.memref_slice %arg6[%add3A_407, %dma_start3A_411] : memref<77x32xi32, #tpu.memory_space<vmem>> -> memref<1x32xi32, #tpu.memory_space<vmem>>
          %dma_start3A_413 = tpu.memref_squeeze %dma_start3A_412 : memref<1x32xi32, #tpu.memory_space<vmem>> -> memref<32xi32, #tpu.memory_space<vmem>>
          %dma_start3A_414 = arith.constant 0 : i32
          %dma_start3A_415 = arith.constant 0 : i32
          %dma_start3A_416 = tpu.memref_slice %arg3[%dma_start3A_414, %dma_start3A_415] : memref<49408x768xf32, #tpu.memory_space<hbm>> -> memref<49408x768xf32, #tpu.memory_space<hbm>>
          tpu.enqueue_indirect_dma source(%dma_start3A_416 : memref<49408x768xf32, #tpu.memory_space<hbm>>) target(%dma_start3A_410 : memref<32x768xf32, #tpu.memory_space<vmem>>) offsets(%dma_start3A_413 : memref<32xi32, #tpu.memory_space<vmem>>) semaphore(%arg10 : memref<!tpu.dma_semaphore, #tpu.memory_space<semaphore_mem>>)
          %add3A_417 = arith.constant 2 : i32
          %add3A_418 = arith.addi %add3A_108, %add3A_417 : i32
          %dma_start3A_419 = arith.constant 1 : i32
          %dma_start3A_420 = arith.constant 0 : i32
          %dma_start3A_421 = tpu.memref_slice %arg7[%dma_start3A_419, %dma_start3A_420] : memref<4x768xf32, #tpu.memory_space<vmem>> -> memref<1x768xf32, #tpu.memory_space<vmem>>
          %dma_start3A_422 = tpu.memref_squeeze %dma_start3A_421 : memref<1x768xf32, #tpu.memory_space<vmem>> -> memref<768xf32, #tpu.memory_space<vmem>>
          %dma_start3A_423 = arith.constant 0 : i32
          %dma_start3A_424 = tpu.memref_slice %arg4[%add3A_418, %dma_start3A_423] : memref<77x768xf32, #tpu.memory_space<hbm>> -> memref<1x768xf32, #tpu.memory_space<hbm>>
          %dma_start3A_425 = tpu.memref_squeeze %dma_start3A_424 : memref<1x768xf32, #tpu.memory_space<hbm>> -> memref<768xf32, #tpu.memory_space<hbm>>
          %dma_start3A_426 = arith.constant 0 : i32
          %dma_start3A_427 = tpu.memref_slice %arg7[%dma_start3A_419, %dma_start3A_426] : memref<4x768xf32, #tpu.memory_space<vmem>> -> memref<1x768xf32, #tpu.memory_space<vmem>>
          %dma_start3A_428 = tpu.memref_squeeze %dma_start3A_427 : memref<1x768xf32, #tpu.memory_space<vmem>> -> memref<768xf32, #tpu.memory_space<vmem>>
          %dma_start3A_429 = arith.constant 0 : i32
          %dma_start3A_430 = tpu.memref_slice %arg4[%add3A_418, %dma_start3A_429] : memref<77x768xf32, #tpu.memory_space<hbm>> -> memref<1x768xf32, #tpu.memory_space<hbm>>
          %dma_start3A_431 = tpu.memref_squeeze %dma_start3A_430 : memref<1x768xf32, #tpu.memory_space<hbm>> -> memref<768xf32, #tpu.memory_space<hbm>>
          tpu.enqueue_dma source(%dma_start3A_431 : memref<768xf32, #tpu.memory_space<hbm>>) target(%dma_start3A_428 : memref<768xf32, #tpu.memory_space<vmem>>) target_semaphore(%arg10 : memref<!tpu.dma_semaphore, #tpu.memory_space<semaphore_mem>>)
        } else {
        }
      } else {
      }
    }
    %scan3A_52 = arith.constant 20 : i32
    %mul3A_53 = arith.constant 32 : i32
    %mul3A_54 = arith.muli %add3A, %mul3A_53 : i32
    %add3A_55 = arith.constant 76800 : i32
    %add3A_56 = arith.addi %add3A_55, %mul3A_54 : i32
    %dma_wait3A = arith.constant 96 : i32
    %dma_wait3A_57 = arith.constant 0 : i32
    %dma_wait3A_58 = tpu.memref_slice %arg8[%dma_wait3A, %dma_wait3A_57] : memref<128x768xf32, #tpu.memory_space<vmem>> -> memref<32x768xf32, #tpu.memory_space<vmem>>
    %dma_wait3A_59 = arith.constant 0 : i32
    %dma_wait3A_60 = tpu.memref_slice %arg5[%add3A_56, %dma_wait3A_59] : memref<78848x768xf32, #tpu.memory_space<hbm>> -> memref<32x768xf32, #tpu.memory_space<hbm>>
    %dma_wait3A_61 = arith.constant 0 : i32
    %dma_wait3A_62 = tpu.memref_slice %arg5[%add3A_56, %dma_wait3A_61] : memref<78848x768xf32, #tpu.memory_space<hbm>> -> memref<32x768xf32, #tpu.memory_space<hbm>>
    %dma_wait3A_63 = arith.constant 96 : i32
    %dma_wait3A_64 = arith.constant 0 : i32
    %dma_wait3A_65 = tpu.memref_slice %arg8[%dma_wait3A_63, %dma_wait3A_64] : memref<128x768xf32, #tpu.memory_space<vmem>> -> memref<32x768xf32, #tpu.memory_space<vmem>>
    tpu.wait_dma2 semaphore(%arg16 : memref<!tpu.dma_semaphore, #tpu.memory_space<semaphore_mem>>) src(%dma_wait3A_65 : memref<32x768xf32, #tpu.memory_space<vmem>>) dst(%dma_wait3A_62 : memref<32x768xf32, #tpu.memory_space<hbm>>)
    %mul3A_66 = arith.constant 32 : i32
    %mul3A_67 = arith.muli %add3A, %mul3A_66 : i32
    %add3A_68 = arith.constant 77824 : i32
    %add3A_69 = arith.addi %add3A_68, %mul3A_67 : i32
    %dma_wait3A_70 = arith.constant 0 : i32
    %dma_wait3A_71 = arith.constant 0 : i32
    %dma_wait3A_72 = tpu.memref_slice %arg8[%dma_wait3A_70, %dma_wait3A_71] : memref<128x768xf32, #tpu.memory_space<vmem>> -> memref<32x768xf32, #tpu.memory_space<vmem>>
    %dma_wait3A_73 = arith.constant 0 : i32
    %dma_wait3A_74 = tpu.memref_slice %arg5[%add3A_69, %dma_wait3A_73] : memref<78848x768xf32, #tpu.memory_space<hbm>> -> memref<32x768xf32, #tpu.memory_space<hbm>>
    %dma_wait3A_75 = arith.constant 0 : i32
    %dma_wait3A_76 = tpu.memref_slice %arg5[%add3A_69, %dma_wait3A_75] : memref<78848x768xf32, #tpu.memory_space<hbm>> -> memref<32x768xf32, #tpu.memory_space<hbm>>
    %dma_wait3A_77 = arith.constant 0 : i32
    %dma_wait3A_78 = arith.constant 0 : i32
    %dma_wait3A_79 = tpu.memref_slice %arg8[%dma_wait3A_77, %dma_wait3A_78] : memref<128x768xf32, #tpu.memory_space<vmem>> -> memref<32x768xf32, #tpu.memory_space<vmem>>
    tpu.wait_dma2 semaphore(%arg13 : memref<!tpu.dma_semaphore, #tpu.memory_space<semaphore_mem>>) src(%dma_wait3A_79 : memref<32x768xf32, #tpu.memory_space<vmem>>) dst(%dma_wait3A_76 : memref<32x768xf32, #tpu.memory_space<hbm>>)
    return
  }
}

</mosaic_0001>

<sc_bundles>
// kernel: _emb_call.3.cloned.1.call-start
scs
__scs_entry_jumppad:
0x0: {  	(pc) =	sbr.rel $0x88, $3  }
0x1: {  	(tag) =	ssettag $0x0;
	lr =	simm.s32 $0x1  }
0x2: {  	[smem:$0x3F9E] =	sst lr;
	_ =	strace $0xD0000000  }
0x3: {  	_ = 	snop  }
0x4: {  	_ = 	snop  }
0x5: {  	_ = 	snop  }
0x6: {  	_ = 	snop  }
0x7: {  	_ = 	snop  }
__scs_overlays_trampoline_lowered:
0x8: {  	[smem:$0x3FAD] =	sst s0  }
0x9: {  	[smem:$0x3FAE] =	sst s1  }
0xa: {  	[smem:$0x3FAF] =	sst s2  }
0xb: {  	[smem:$0x3FB0] =	sst s3  }
0xc: {  	[smem:$0x3FB1] =	sst s4  }
0xd: {  	[smem:$0x3FB2] =	sst s5  }
0xe: {  	[smem:$0x3FB3] =	sst s6  }
0xf: {  	[smem:$0x3FB4] =	sst s7  }
0x10: {  	[smem:$0x3FB5] =	sst s8  }
0x11: {  	[smem:$0x3FB6] =	sst s9;
	s0 =	simm.s32 @!p0 $0x0  }
0x12: {  	s1 =	sld [smem:$0x3F9C];
	s0 =	simm.s32 @p0 $0x1  }
0x13: {  	[smem:$0x3FB7] =	sst s0;
	s0 =	simm.s32 @!p1 $0x0  }
0x14: {  	s2 =	sld [smem:$0x3F9B];
	s0 =	simm.s32 @p1 $0x1  }
0x15: {  	[smem:$0x3FB8] =	sst s0;
	s0 =	simm.s32 @!p2 $0x0  }
0x16: {  	s3 =	sld [smem:$0x3FDB];
	s0 =	simm.s32 @p2 $0x1  }
0x17: {  	s4 =	simm.s32 $0x1BF5;
	[smem:$0x3FBA] =	sst s0  }
0x18: {  	s0 =	sld [smem:$0x3F9D];
	_ =	swait.ge [sflag:s4], $0x0  }
0x19: {  	s7 =	sld [smem:$0x3F9E]  }
0x1a: {  	s8 =	sadd.s32 $0xFFFFE003, lr  }
0x1b: {  	s9 =	sadd.s32 $0xFFFFFEF7, lr;
	s5 =	simm.s32 $0xFFFFFFFF;
	p2 =	slt.u32 s8, $0xFFFFF086  }
0x1c: {  	p1 =	slt.u32 s9, $0xF7A;
	s5 =	simm.s32 @!p2 $0x0  }
0x1d: {  	s5 =	simm.s32 @p1 $0x1;
	p0 =	seq.s32 s7, s2  }
0x1e: {  	s7 =	smul.u32 @!p0 $0xF7A, s2;
	p2 =	seq.s32 @!p0 s5, $0x0  }
0x1f: {  	s9 =	smul.u32 $0xF7A, s1;
	s8 =	simm.s32 @!p0 $0x1BF5;
	p2 =	por !p2, p0  }
0x20: {  	[sflag:s8] =	ssyncset.s32 @!p0 $0xFFFFF086;
	s6 =	sadd.s32 @!p0 s3, s7;
	s7 =	simm.s32 @!p0 $0x108  }
0x21: {  	s3 =	sadd.s32 s3, s9;
	s6 =	sadd.s32 @!p0 $0x88, s6;
	s7 =	simm.s32 @p2 $0x1082  }
0x22: {  	[simem:s7], [sflag:s8] =	dma.local @!p0 [hbm:s6], $0xF7A  }
0x23: {  	s9 =	sor.u32 $0xD0000000, s2;
	s6 =	simm.s32 $0x108;
	_ =	swait.ge @!p0 [sflag:s8], $0x0  }
0x24: {  	s3 =	sadd.s32 $0x88, s3;
	s6 =	simm.s32 @!p1 $0x1082;
	[sflag:s4] =	ssyncset.s32 $0xFFFFF086  }
0x25: {  	[simem:s6], [sflag:s4] =	dma.local [hbm:s3], $0xF7A  }
0x26: {  	[smem:$0x3F9E] =	sst s1;
	(tag) =	ssettag s2;
	_ =	strace s9  }
0x27: {  	s1 =	sld [smem:$0x3FAE]  }
0x28: {  	s2 =	sld [smem:$0x3FAF]  }
0x29: {  	s4 =	sld [smem:$0x3FB1]  }
0x2a: {  	p0 =	seq.s32 s5, $0x0;
	s5 =	sld [smem:$0x3FB2]  }
0x2b: {  	s6 =	sld [smem:$0x3FB3]  }
0x2c: {  	s7 =	sld [smem:$0x3FB4]  }
0x2d: {  	s3 =	simm.s32 $0x108;
	s8 =	sld [smem:$0x3FB5]  }
0x2e: {  	s3 =	simm.s32 @!p0 $0x1082;
	s9 =	sld [smem:$0x3FB6]  }
0x2f: {  	lr =	sadd.s32 s0, s3;
	s0 =	sld [smem:$0x3FAD]  }
0x30: {  	s3 =	sld [smem:$0x3FB0]  }
0x31: {  	[smem:$0x3FB9] =	sst s10  }
0x32: {  	s10 =	sld [smem:$0x3FB7];
	_ =	sdelay $0x3  }
0x33: {  	p0 =	seq.s32 s10, $0x1;
	s10 =	sld [smem:$0x3FB9];
	_ =	sdelay $0x3  }
0x34: {  	[smem:$0x3FB9] =	sst s10  }
0x35: {  	s10 =	sld [smem:$0x3FB8];
	_ =	sdelay $0x3  }
0x36: {  	p1 =	seq.s32 s10, $0x1;
	s10 =	sld [smem:$0x3FB9];
	_ =	sdelay $0x3  }
0x37: {  	[smem:$0x3FB9] =	sst s10  }
0x38: {  	s10 =	sld [smem:$0x3FBA]  }
0x39: {  	_ = 	snop;
	(pc) =	sbr.ind lr, $3  }
0x3a: {  	_ = 	snop  }
0x3b: {  	_ = 	snop  }
0x3c: {  	p2 =	seq.s32 s10, $0x1;
	s10 =	sld [smem:$0x3FB9]  }
0x3d: {  	_ =	shalt  }
0x3e: {  	_ =	shalt  }
0x3f: {  	_ =	shalt  }
0x40: {  	_ =	shalt  }
0x41: {  	_ =	shalt  }
0x42: {  	_ =	shalt  }
0x43: {  	_ =	shalt  }
0x44: {  	_ =	shalt  }
0x45: {  	_ =	shalt  }
0x46: {  	_ =	shalt  }
0x47: {  	_ =	shalt  }
0x48: {  	_ =	shalt  }
0x49: {  	_ =	shalt  }
0x4a: {  	_ =	shalt  }
0x4b: {  	_ =	shalt  }
0x4c: {  	_ =	shalt  }
0x4d: {  	_ =	shalt  }
0x4e: {  	_ =	shalt  }
0x4f: {  	_ =	shalt  }
0x50: {  	_ =	shalt  }
0x51: {  	_ =	shalt  }
0x52: {  	_ =	shalt  }
0x53: {  	_ =	shalt  }
0x54: {  	_ =	shalt  }
0x55: {  	_ =	shalt  }
0x56: {  	_ =	shalt  }
0x57: {  	_ =	shalt  }
0x58: {  	_ =	shalt  }
0x59: {  	_ =	shalt  }
0x5a: {  	_ =	shalt  }
0x5b: {  	_ =	shalt  }
0x5c: {  	_ =	shalt  }
0x5d: {  	_ =	shalt  }
0x5e: {  	_ =	shalt  }
0x5f: {  	_ =	shalt  }
0x60: {  	_ =	shalt  }
0x61: {  	_ =	shalt  }
0x62: {  	_ =	shalt  }
0x63: {  	_ =	shalt  }
0x64: {  	_ =	shalt  }
0x65: {  	_ =	shalt  }
0x66: {  	_ =	shalt  }
0x67: {  	_ =	shalt  }
0x68: {  	_ =	shalt  }
0x69: {  	_ =	shalt  }
0x6a: {  	_ =	shalt  }
0x6b: {  	_ =	shalt  }
0x6c: {  	_ =	shalt  }
0x6d: {  	_ =	shalt  }
0x6e: {  	_ =	shalt  }
0x6f: {  	_ =	shalt  }
0x70: {  	_ =	shalt  }
0x71: {  	_ =	shalt  }
0x72: {  	_ =	shalt  }
0x73: {  	_ =	shalt  }
0x74: {  	_ =	shalt  }
0x75: {  	_ =	shalt  }
0x76: {  	_ =	shalt  }
0x77: {  	_ =	shalt  }
0x78: {  	_ =	shalt  }
0x79: {  	_ =	shalt  }
0x7a: {  	_ =	shalt  }
0x7b: {  	_ =	shalt  }
0x7c: {  	_ =	shalt  }
0x7d: {  	_ =	shalt  }
0x7e: {  	_ =	shalt  }
0x7f: {  	_ =	shalt  }
0x80: {  	_ =	shalt  }
0x81: {  	_ =	shalt  }
0x82: {  	_ =	shalt  }
0x83: {  	_ =	shalt  }
0x84: {  	_ =	shalt  }
0x85: {  	_ =	shalt  }
0x86: {  	_ =	shalt  }
0x87: {  	_ =	shalt  }
.Lfunc_end0:
.L_simem_size_0:
called_computation_lowered:
.L_overlay_start_0:
0x88: {  	s2 =	sld [smem:$0x3FD9]  }
0x89: {  	s3 =	sld [smem:$0x3FFE];
	_ =	sdelay $0x1  }
0x8a: {  	s1 =	srdreg.scid  }
0x8b: {  	s0 =	sand.u32 $0x1, s1  }
0x8c: {  	s17 =	sshll.u32 s0, $0xA;
	s2 =	sadd.s32 s3, s2  }
0x8d: {  	s2 =	sadd.s32 s2, s17  }
0x8e: {  	[smem:$0x3FC5] =	sst s2  }
0x8f: {  	_ = 	snop  }
0x90: {  	s2 =	sld [smem:$0x3FC8]  }
0x91: {  	s18 =	sld [smem:$0x3FC7]  }
0x92: {  	s4 =	sld [smem:$0x3FD0];
	(tm) =	ssettm $0x1  }
0x93: {  	s5 =	sld [smem:$0x3FFB];
	_ =	sdelay $0x3  }
0x94: {  	_ =	strace s5  }
0x95: {  	s5 =	sld [smem:$0x3FFC];
	_ =	sdelay $0x3  }
0x96: {  	_ =	strace s5  }
0x97: {  	s5 =	sld [smem:$0x3FFD];
	_ =	sdelay $0x3  }
0x98: {  	_ =	strace s5  }
0x99: {  	_ =	strace $0x8FFFFFFF  }
0x9a: {  	s19 =	sld [smem:$0x3FDB];
	_ =	sdelay $0x1  }
0x9b: {  	s6 =	simm.s32 $_scs_section_size  }
0x9c: {  	s7 =	simm.s32 $_size__tile_overlayer_lowered;
	s8 =	simm.s32 $_tile_overlayer_lowered  }
0x9d: {  	s22 =	simm.s32 $0x1BFF;
	s21 =	sshll.u32 s8, $0x1;
	s5 =	sadd.s32 s6, s19  }
0x9e: {  	s9 =	simm.s32 $0x0;
	s20 =	sshll.u32 s7, $0x1;
	s7 =	sadd.s32 s21, s5  }
0x9f: {  	[timem:s9], [sflag:s22] =	dma.local [hbm:s7], s20  }
0xa0: {  	_ =	swait.ge [sflag:s22], s20  }
0xa1: {  	s6 =	ssub.s32 $0x0, s20;
	[sflag:s22] =	ssyncset.done $0x0  }
0xa2: {  	[sflag:s22] =	ssyncadd.s32 s6;
	_ =	sdelay $0x1  }
0xa3: {  	s23 =	simm.s32 $0x1B8B  }
0xa4: {  	_ =	swait.ge [sflag:s23], $0x1  }
0xa5: {  	[sflag:s23] =	ssyncset.done $0x0  }
0xa6: {  	s25 =	simm.s32 $0x1B8E;
	s24 =	sld [smem:$0x3FFE];
	[sflag:s23] =	ssyncadd.s32 $0xFFFFFFFF  }
0xa7: {  	s26 =	simm.s32 $execute0_lowered;
	[smem:$0x3FD2] =	sst s25  }
0xa8: {  	s7 =	sshll.u32 s26, $0x1;
	_ =	strace $0x80000046;
	[dreg:$0x1] =	wrdreg $0xFFFFFFFF  }
0xa9: {  	s28 =	simm.s32 $_size_execute0_lowered;
	s5 =	sadd.s32 s5, s7;
	[dreg:$0x0] =	wrdreg $0x0  }
0xaa: {  	s7 =	sshll.u32 s28, $0x1;
	[dreg:$0x2] =	wrdreg s5  }
0xab: {  	[dreg:$0x3] =	wrdreg s7  }
0xac: {  	[dreg:$0x4] =	wrdreg $0xC0  }
0xad: {  	_ =	task [dreg:s9], $0x5FFFF  }
0xae: {  	[dreg:$0x1] =	wrdreg $0xFFFFFFFF  }
0xaf: {  	[dreg:$0x0] =	wrdreg $0x60  }
0xb0: {  	[dreg:$0x2] =	wrdreg s24  }
0xb1: {  	[dreg:$0x3] =	wrdreg s2  }
0xb2: {  	[dreg:$0x4] =	wrdreg s18  }
0xb3: {  	[dreg:$0x5] =	wrdreg s4  }
0xb4: {  	[dreg:$0x6] =	wrdreg $0x9  }
0xb5: {  	_ =	task.clear_ibuf [dreg:s9], $0x7FFFF;
	_ =	strace $0x90000046  }
0xb6: {  	s29 =	simm.s32 $0x9;
	_ =	strace $0x80000048  }
0xb7: {  	_ =	swait.ge [sflag:s29], $0x1  }
0xb8: {  	[sflag:s29] =	ssyncadd.s32 $0xFFFFFFFF  }
0xb9: {  	_ =	strace $0x90000048  }
0xba: {  	_ =	sfence  }
0xbb: {  	s30 =	sld [smem:$0x0];
	_ =	sdelay $0x2  }
0xbc: {  	s31 =	sshll.u32 s1, $0xD;
	s1 =	sshrl.u32 s1, $0x2  }
0xbd: {  	s3 =	sand.u32 $0x4000, s31;
	s1 =	sadd.s32 s1, s30  }
0xbe: {  	s0 =	sor.u32 s3, s0;
	s1 =	sshll.u32 s1, $0x11  }
0xbf: {  	s0 =	sor.u32 s1, s0  }
0xc0: {  	s0 =	sadd.s32 $0x8F2B, s0  }
0xc1: {  	[sflag:s0] =	ssyncadd.remote.s32 $0x1  }
0xc2: {  	_ =	sfence.sel $0xFFFF  }
0xc3: {  	[dreg:$0x0] =	wrdreg $0xFFFFFFFF;
	(pc) =	sbr.abs _section_cstart, $3  }
0xc4: {  	[dreg:$0x1] =	wrdreg $0xFFFFFFFF  }
0xc5: {  	_ =	task.clear_ibuf [dreg:s9], $0x2FFFF;
	_ =	strace $0x9FFFFFFF  }
0xc6: {  	(tm) =	ssettm $0x7FFFFFFF  }
0xc7: {  	_ =	shalt  }
tec
execute0_lowered:
.L_overlay_start_1:
0x0: {  	(tag) =	ssettag $0x1  }
0x1: {  	s0 =	rddreg [dreg:$0x0]  }
0x2: {  	s1 =	rddreg [dreg:$0x1];
	s2 =	srdreg.scid  }
0x3: {  	s4 =	stileid.u32;
	s3 =	rddreg [dreg:$0x2];
	s18 =	simm.s32 $0x3400  }
0x4: {  	s12 =	simm.s32 $0x3200;
	s13 =	simm.s32 $0x9400;
	s15 =	simm.s32 $0x1  }
0x5: {  	s16 =	simm.s32 $0x2;
	s17 =	simm.s32 $0xF400;
	s14 =	simm.s32 $0x3  }
0x6: {  	s19 =	simm.s32 $0x15400;
	s20 =	simm.s32 $0x5;
	s21 =	simm.s32 $0x4  }
0x7: {  	s22 =	simm.s32 $0x6;
	s23 =	simm.s32 $0x0;
	s2 =	sand.u32 $0x1, s2  }
0x8: {  	s5 =	sshll.u32 s4, $0x1;
	s4 =	rddreg [dreg:$0x3];
	s8 =	sadd.s32 $0x200, s1  }
0x9: {  	s26 =	sadd.s32 $0x80, s3;
	s6 =	sor.u32 s2, s5;
	s5 =	simm.s32 $0x0  }
0xa: {  	s28 =	sadd.s32 $0x100, s3;
	s29 =	sadd.s32 $0x180, s3;
	[smem:$0x7FF] =	sst s5  }
0xb: {  	s30 =	sadd.s32 $0x200, s3;
	_ =	strace $0x80000047;
	[dreg:$0x7] =	wrdreg s26  }
0xc: {  	s2 =	ssub.s32 $0x2, s2;
	s7 =	smul.u32 $0x500, s6;
	[dreg:$0x8] =	wrdreg s28  }
.Ltmp0:
0xd: {  	s24 =	sshrl.u32 s2, $0x1;
	[dreg:$0x9] =	wrdreg s29;
	(pc) =	sbr.rel .LBB2_1-.Ltmp0, $4  }
0xe: {  	s31 =	sadd.s32 $0x280, s3;
	s2 =	ssub.s32 s2, s24;
	[dreg:$0xa] =	wrdreg s30  }
0xf: {  	v2 =	vlaneseq.u32;
	[dreg:$0xb] =	wrdreg s31;
	s0 =	sadd.s32 s7, s0;
	s25 =	smax.u32 s2, $0x1  }
0x10: {  	vm0 =	vmmov $0xffff;
	s9 =	sadd.s32 $0x10, s3;
	v1 =	vshrl.u32 v2, $0x3;
	s0 =	sadd.s32 $0x400, s0;
	[dreg:$0x6] =	wrdreg s25  }
0x11: {  	v0 =	vand.u32 $0x7, v2;
	v2 =	vor.u32 $0x8, v2;
	v1 =	vmul.u32 $0x8, v1;
	s10 =	sshll.u32 s6, $0x2;
	s7 =	sadd.s32 $0x100, s1;
	[dreg:$0x5] =	wrdreg s0  }
.LBB2_29:
0x12: {  	s0 =	simm.s32 $0x8  }
0x13: {  	_ =	swait.ge [sflag:s0], $0x6000  }
0x14: {  	[sflag:s0] =	ssyncset.done $0x0  }
0x15: {  	[sflag:s0] =	ssyncadd.s32 $0xFFFFA000  }
0x16: {  	_ =	swait.ge [sflag:s20], $0x6000  }
0x17: {  	s23 =	sadd.s32 $0x1, s23;
	s31 =	rddreg [dreg:$0x6]  }
0x18: {  	p0 =	sne.s32 s23, s31  }
.Ltmp1:
0x19: {  	_ = 	snop;
	(pc) =	sbr.rel @!p0 .LBB2_30-.Ltmp1, $3  }
0x1a: {  	_ =	sdelay $0x1  }
0x1b: {  	[sflag:s20] =	ssyncset.done $0x0  }
0x1c: {  	[sflag:s20] =	ssyncadd.s32 $0xFFFFA000  }
.LBB2_1:
0x1d: {  	s0 =	rddreg [dreg:$0x5];
	s28 =	simm.s32 $0x9  }
0x1e: {  	[tilespmem:s5], [sflag:$0x9] =	stream.linear.gather [hbm4b:s0+s5], $0x2680, $0x38;
	[tilespmem:$0x1B400] =	vst v63  }
0x1f: {  	_ =	swait.ge [sflag:s28], $0x2680  }
0x20: {  	[sflag:s28] =	ssyncset.done $0x0  }
0x21: {  	[sflag:s28] =	ssyncadd.s32 $0xFFFFD980  }
0x22: {  	v3 =	vld [tilespmem:$0x0];
	_ =	sdelay $0x4  }
0x23: {  	v4 =	vshrl.u32 v3, $0x3  }
0x24: {  	v4 =	vmul.u32 $0x30, v4  }
0x25: {  	v3 =	vand.u32 $0x7, v3  }
0x26: {  	v3 =	vor.u32 v3, v4  }
0x27: {  	v4 =	vperm.xlane v3, v0;
	_ =	sdelay $0x1  }
0x28: {  	v4 =	vadd.s32 v1, v4;
	_ =	sdelay $0x3  }
0x29: {  	v3 =	vperm.xlane v3, v2  }
0x2a: {  	[tilespmem:s18], [sflag:$0x1] =	stream.indirect_vreg.gather [hbm4b:s1+s5], $0x80, v4, vm0, $0xb8;
	[tilespmem:$0x1B400] =	vst v63  }
0x2b: {  	s29 =	simm.s32 $0x3C00;
	v3 =	vadd.s32 v1, v3  }
0x2c: {  	[tilespmem:s29], [sflag:$0x1] =	stream.indirect_vreg.gather [hbm4b:s7+s5], $0x80, v4, vm0, $0xb8;
	[tilespmem:$0x1B400] =	vst v63  }
0x2d: {  	s30 =	simm.s32 $0x4400  }
0x2e: {  	[tilespmem:s30], [sflag:$0x1] =	stream.indirect_vreg.gather [hbm4b:s8+s5], $0x80, v4, vm0, $0xb8;
	[tilespmem:$0x1B400] =	vst v63  }
0x2f: {  	s31 =	simm.s32 $0x4C00  }
0x30: {  	[tilespmem:s31], [sflag:$0x1] =	stream.indirect_vreg.gather [hbm4b:s1+s5], $0x80, v3, vm0, $0xb8;
	[tilespmem:$0x1B400] =	vst v63  }
0x31: {  	s2 =	simm.s32 $0x5400  }
0x32: {  	[tilespmem:s2], [sflag:$0x1] =	stream.indirect_vreg.gather [hbm4b:s7+s5], $0x80, v3, vm0, $0xb8;
	[tilespmem:$0x1B400] =	vst v63  }
0x33: {  	s6 =	simm.s32 $0x5C00  }
0x34: {  	[tilespmem:s6], [sflag:$0x1] =	stream.indirect_vreg.gather [hbm4b:s8+s5], $0x80, v3, vm0, $0xb8;
	[tilespmem:$0x1B400] =	vst v63  }
0x35: {  	v3 =	vld [tilespmem:$0x10];
	_ =	sdelay $0x4  }
0x36: {  	v61 =	vshrl.u32 v3, $0x3  }
0x37: {  	v4 =	vmul.u32 $0x30, v61  }
0x38: {  	v3 =	vand.u32 $0x7, v3  }
0x39: {  	v3 =	vor.u32 v3, v4  }
0x3a: {  	v4 =	vperm.xlane v3, v0;
	_ =	sdelay $0x1  }
0x3b: {  	v4 =	vadd.s32 v1, v4;
	_ =	sdelay $0x3  }
0x3c: {  	s11 =	simm.s32 $0x6400;
	v3 =	vperm.xlane v3, v2  }
0x3d: {  	[tilespmem:s11], [sflag:$0x1] =	stream.indirect_vreg.gather [hbm4b:s1+s5], $0x80, v4, vm0, $0xb8;
	[tilespmem:$0x1B400] =	vst v63  }
0x3e: {  	s24 =	simm.s32 $0x6C00;
	v3 =	vadd.s32 v1, v3  }
0x3f: {  	[tilespmem:s24], [sflag:$0x1] =	stream.indirect_vreg.gather [hbm4b:s7+s5], $0x80, v4, vm0, $0xb8;
	[tilespmem:$0x1B400] =	vst v63  }
0x40: {  	s25 =	simm.s32 $0x7400  }
0x41: {  	[tilespmem:s25], [sflag:$0x1] =	stream.indirect_vreg.gather [hbm4b:s8+s5], $0x80, v4, vm0, $0xb8;
	[tilespmem:$0x1B400] =	vst v63  }
0x42: {  	s26 =	simm.s32 $0x7C00  }
0x43: {  	[tilespmem:s26], [sflag:$0x1] =	stream.indirect_vreg.gather [hbm4b:s1+s5], $0x80, v3, vm0, $0xb8;
	[tilespmem:$0x1B400] =	vst v63  }
0x44: {  	s28 =	simm.s32 $0x8400  }
0x45: {  	[tilespmem:s28], [sflag:$0x1] =	stream.indirect_vreg.gather [hbm4b:s7+s5], $0x80, v3, vm0, $0xb8;
	[tilespmem:$0x1B400] =	vst v63  }
0x46: {  	s29 =	simm.s32 $0x8C00  }
0x47: {  	[tilespmem:s29], [sflag:$0x1] =	stream.indirect_vreg.gather [hbm4b:s8+s5], $0x80, v3, vm0, $0xb8;
	[tilespmem:$0x1B400] =	vst v63  }
0x48: {  	s30 =	simm.s32 $0x2800  }
0x49: {  	[tilespmem:s30], [sflag:$0x1] =	stream.linear.gather [hbm4b:s3+s5], $0x80, $0x38;
	[tilespmem:$0x1B400] =	vst v63  }
0x4a: {  	s31 =	rddreg [dreg:$0x7];
	s2 =	simm.s32 $0x2A00  }
0x4b: {  	[tilespmem:s2], [sflag:$0x1] =	stream.linear.gather [hbm4b:s31+s5], $0x80, $0x38;
	[tilespmem:$0x1B400] =	vst v63  }
0x4c: {  	s6 =	rddreg [dreg:$0x8];
	s11 =	simm.s32 $0x2C00  }
0x4d: {  	[tilespmem:s11], [sflag:$0x1] =	stream.linear.gather [hbm4b:s6+s5], $0x80, $0x38;
	[tilespmem:$0x1B400] =	vst v63  }
0x4e: {  	s24 =	rddreg [dreg:$0x9];
	s25 =	simm.s32 $0x2E00  }
0x4f: {  	[tilespmem:s25], [sflag:$0x1] =	stream.linear.gather [hbm4b:s24+s5], $0x80, $0x38;
	[tilespmem:$0x1B400] =	vst v63  }
0x50: {  	s26 =	rddreg [dreg:$0xa];
	s28 =	simm.s32 $0x3000  }
0x51: {  	[tilespmem:s28], [sflag:$0x1] =	stream.linear.gather [hbm4b:s26+s5], $0x80, $0x38;
	[tilespmem:$0x1B400] =	vst v63  }
0x52: {  	s29 =	rddreg [dreg:$0xb]  }
0x53: {  	[tilespmem:s12], [sflag:$0x1] =	stream.linear.gather [hbm4b:s29+s5], $0x80, $0x38;
	[tilespmem:$0x1B400] =	vst v63  }
0x54: {  	v3 =	vld [tilespmem:$0x80];
	_ =	sdelay $0x4  }
0x55: {  	v62 =	vshrl.u32 v3, $0x3  }
0x56: {  	v4 =	vmul.u32 $0x30, v62  }
0x57: {  	v3 =	vand.u32 $0x7, v3  }
0x58: {  	v3 =	vor.u32 v3, v4  }
0x59: {  	v4 =	vperm.xlane v3, v0;
	_ =	sdelay $0x1  }
0x5a: {  	v4 =	vadd.s32 v1, v4;
	_ =	sdelay $0x3  }
0x5b: {  	v3 =	vperm.xlane v3, v2  }
0x5c: {  	[tilespmem:s13], [sflag:$0x2] =	stream.indirect_vreg.gather [hbm4b:s1+s5], $0x80, v4, vm0, $0xb8;
	[tilespmem:$0x1B400] =	vst v63  }
0x5d: {  	s30 =	simm.s32 $0x9C00;
	v3 =	vadd.s32 v1, v3  }
0x5e: {  	[tilespmem:s30], [sflag:$0x2] =	stream.indirect_vreg.gather [hbm4b:s7+s5], $0x80, v4, vm0, $0xb8;
	[tilespmem:$0x1B400] =	vst v63  }
0x5f: {  	s31 =	simm.s32 $0xA400  }
0x60: {  	[tilespmem:s31], [sflag:$0x2] =	stream.indirect_vreg.gather [hbm4b:s8+s5], $0x80, v4, vm0, $0xb8;
	[tilespmem:$0x1B400] =	vst v63  }
0x61: {  	s2 =	simm.s32 $0xAC00  }
0x62: {  	[tilespmem:s2], [sflag:$0x2] =	stream.indirect_vreg.gather [hbm4b:s1+s5], $0x80, v3, vm0, $0xb8;
	[tilespmem:$0x1B400] =	vst v63  }
0x63: {  	s6 =	simm.s32 $0xB400  }
0x64: {  	[tilespmem:s6], [sflag:$0x2] =	stream.indirect_vreg.gather [hbm4b:s7+s5], $0x80, v3, vm0, $0xb8;
	[tilespmem:$0x1B400] =	vst v63  }
0x65: {  	s11 =	simm.s32 $0xBC00  }
0x66: {  	[tilespmem:s11], [sflag:$0x2] =	stream.indirect_vreg.gather [hbm4b:s8+s5], $0x80, v3, vm0, $0xb8;
	[tilespmem:$0x1B400] =	vst v63  }
0x67: {  	v3 =	vld [tilespmem:$0x90];
	_ =	sdelay $0x4  }
0x68: {  	v63 =	vshrl.u32 v3, $0x3  }
0x69: {  	v4 =	vmul.u32 $0x30, v63  }
0x6a: {  	v3 =	vand.u32 $0x7, v3  }
0x6b: {  	v3 =	vor.u32 v3, v4  }
0x6c: {  	v4 =	vperm.xlane v3, v0;
	_ =	sdelay $0x1  }
0x6d: {  	v4 =	vadd.s32 v1, v4;
	_ =	sdelay $0x3  }
0x6e: {  	s24 =	simm.s32 $0xC400;
	v3 =	vperm.xlane v3, v2  }
0x6f: {  	[tilespmem:s24], [sflag:$0x2] =	stream.indirect_vreg.gather [hbm4b:s1+s5], $0x80, v4, vm0, $0xb8;
	[tilespmem:$0x1B400] =	vst v63  }
0x70: {  	s25 =	simm.s32 $0xCC00;
	v3 =	vadd.s32 v1, v3  }
0x71: {  	[tilespmem:s25], [sflag:$0x2] =	stream.indirect_vreg.gather [hbm4b:s7+s5], $0x80, v4, vm0, $0xb8;
	[tilespmem:$0x1B400] =	vst v63  }
0x72: {  	s26 =	simm.s32 $0xD400  }
0x73: {  	[tilespmem:s26], [sflag:$0x2] =	stream.indirect_vreg.gather [hbm4b:s8+s5], $0x80, v4, vm0, $0xb8;
	[tilespmem:$0x1B400] =	vst v63  }
0x74: {  	s28 =	simm.s32 $0xDC00  }
0x75: {  	[tilespmem:s28], [sflag:$0x2] =	stream.indirect_vreg.gather [hbm4b:s1+s5], $0x80, v3, vm0, $0xb8;
	[tilespmem:$0x1B400] =	vst v63  }
0x76: {  	s29 =	simm.s32 $0xE400  }
0x77: {  	[tilespmem:s29], [sflag:$0x2] =	stream.indirect_vreg.gather [hbm4b:s7+s5], $0x80, v3, vm0, $0xb8;
	[tilespmem:$0x1B400] =	vst v63  }
0x78: {  	s30 =	simm.s32 $0xEC00  }
0x79: {  	[tilespmem:s30], [sflag:$0x2] =	stream.indirect_vreg.gather [hbm4b:s8+s5], $0x80, v3, vm0, $0xb8;
	[tilespmem:$0x1B400] =	vst v63  }
0x7a: {  	s31 =	simm.s32 $0x2880  }
0x7b: {  	[tilespmem:s31], [sflag:$0x2] =	stream.linear.gather [hbm4b:s9+s5], $0x80, $0x38;
	[tilespmem:$0x1B400] =	vst v63  }
0x7c: {  	s2 =	sadd.s32 $0x80, s9;
	s6 =	simm.s32 $0x2A80  }
0x7d: {  	[tilespmem:s6], [sflag:$0x2] =	stream.linear.gather [hbm4b:s2+s5], $0x80, $0x38;
	[tilespmem:$0x1B400] =	vst v63  }
0x7e: {  	s11 =	sadd.s32 $0x100, s9;
	s24 =	simm.s32 $0x2C80  }
0x7f: {  	[tilespmem:s24], [sflag:$0x2] =	stream.linear.gather [hbm4b:s11+s5], $0x80, $0x38;
	[tilespmem:$0x1B400] =	vst v63  }
0x80: {  	s25 =	sadd.s32 $0x180, s9;
	s26 =	simm.s32 $0x2E80  }
0x81: {  	[tilespmem:s26], [sflag:$0x2] =	stream.linear.gather [hbm4b:s25+s5], $0x80, $0x38;
	[tilespmem:$0x1B400] =	vst v63  }
.Ltmp2:
0x82: {  	_ = 	snop;
	(pc) =	sbr.rel .LBB2_2-.Ltmp2, $4  }
0x83: {  	s28 =	sadd.s32 $0x200, s9;
	s29 =	simm.s32 $0x3080  }
0x84: {  	[tilespmem:s29], [sflag:$0x2] =	stream.linear.gather [hbm4b:s28+s5], $0x80, $0x38;
	[tilespmem:$0x1B400] =	vst v63  }
0x85: {  	s30 =	sadd.s32 $0x280, s9;
	s31 =	simm.s32 $0x3280;
	s24 =	simm.s32 $0x0  }
0x86: {  	[tilespmem:s31], [sflag:$0x2] =	stream.linear.gather [hbm4b:s30+s5], $0x80, $0x38;
	[tilespmem:$0x1B400] =	vst v63  }
.LBB2_28:
0x87: {  	s24 =	sadd.s32 $0x1, s24  }
0x88: {  	p0 =	sne.s32 s24, $0x14  }
.Ltmp3:
0x89: {  	_ = 	snop;
	(pc) =	sbr.rel @!p0 .LBB2_29-.Ltmp3, $1  }
0x8a: {  	_ =	sdelay $0x3  }
.LBB2_2:
0x8b: {  	_ =	swait.ge [sflag:s15], $0x6000  }
0x8c: {  	[sflag:s15] =	ssyncset.done $0x0  }
0x8d: {  	[sflag:s15] =	ssyncadd.s32 $0xFFFFA000  }
0x8e: {  	_ =	swait.ge [sflag:s15], $0x300  }
0x8f: {  	[sflag:s15] =	ssyncset.done $0x0  }
0x90: {  	[sflag:s15] =	ssyncadd.s32 $0xFFFFFD00  }
0x91: {  	v10 =	vld [tilespmem:$0x2800]  }
0x92: {  	v11 =	vld [tilespmem:$0x2810]  }
0x93: {  	v12 =	vld [tilespmem:$0x2820]  }
0x94: {  	v13 =	vld [tilespmem:$0x2830]  }
0x95: {  	v15 =	vld [tilespmem:$0x2840]  }
0x96: {  	v16 =	vld [tilespmem:$0x2850]  }
0x97: {  	v17 =	vld [tilespmem:$0x2860]  }
0x98: {  	v18 =	vld [tilespmem:$0x2870]  }
0x99: {  	v19 =	vld [tilespmem:$0x2A00]  }
0x9a: {  	v20 =	vld [tilespmem:$0x2A10]  }
0x9b: {  	v21 =	vld [tilespmem:$0x2A20]  }
0x9c: {  	v22 =	vld [tilespmem:$0x2A30]  }
0x9d: {  	v23 =	vld [tilespmem:$0x2A40]  }
0x9e: {  	v24 =	vld [tilespmem:$0x2A50]  }
0x9f: {  	v25 =	vld [tilespmem:$0x2A60]  }
0xa0: {  	v26 =	vld [tilespmem:$0x2A70]  }
0xa1: {  	v14 =	vld [tilespmem:$0x2C00]  }
0xa2: {  	v9 =	vld [tilespmem:$0x2C10]  }
0xa3: {  	s0 =	simm.s32 $0x0;
	v6 =	vld [tilespmem:$0x2C20]  }
0xa4: {  	s2 =	smul.u32 $0x6000, s0;
	v3 =	vld [tilespmem:$0x2C30]  }
0xa5: {  	s25 =	simm.s32 $0x0;
	v4 =	vld [tilespmem:$0x2C40]  }
0xa6: {  	s31 =	sand.u32 $0x300, s25;
	s6 =	sshra.s32 s2, $0x2;
	v5 =	vld [tilespmem:$0x2C50]  }
0xa7: {  	s11 =	sor.u32 $0x80, s31;
	s2 =	sadd.s32 $0x3400, s6;
	v7 =	vld [tilespmem:$0x2C60]  }
0xa8: {  	s26 =	sor.u32 s11, s2;
	v8 =	vld [tilespmem:$0x2C70]  }
0xa9: {  	v27 =	vld [tilespmem:s26+$0x0]  }
0xaa: {  	v28 =	vld [tilespmem:s26+$0x10]  }
0xab: {  	v29 =	vld [tilespmem:s26+$0x20]  }
0xac: {  	v30 =	vld [tilespmem:s26+$0x30]  }
0xad: {  	v31 =	vld [tilespmem:s26+$0x40]  }
0xae: {  	v32 =	vld [tilespmem:s26+$0x50];
	v27 =	vadd.f32 v27, v10  }
0xaf: {  	v33 =	vld [tilespmem:s26+$0x60];
	v28 =	vadd.f32 v28, v11  }
0xb0: {  	[tilespmem:s26+$0x0] =	vst v27;
	v27 =	vadd.f32 v29, v12;
	v29 =	vld [tilespmem:s26+$0x70]  }
0xb1: {  	[tilespmem:s26+$0x10] =	vst v28;
	v28 =	vadd.f32 v30, v13;
	v30 =	vld [tilespmem:s26+$0x400]  }
0xb2: {  	[tilespmem:s26+$0x20] =	vst v27;
	v27 =	vadd.f32 v31, v15;
	v31 =	vld [tilespmem:s26+$0x410]  }
0xb3: {  	v50 =	vld [tilespmem:s26+$0x420];
	[tilespmem:s26+$0x30] =	vst v28;
	v28 =	vadd.f32 v32, v16  }
0xb4: {  	v51 =	vld [tilespmem:s26+$0x430];
	[tilespmem:s26+$0x40] =	vst v27;
	v27 =	vadd.f32 v33, v17  }
0xb5: {  	[tilespmem:s26+$0x50] =	vst v28;
	v28 =	vadd.f32 v29, v18;
	v29 =	vld [tilespmem:s26+$0x440]  }
0xb6: {  	[tilespmem:s26+$0x60] =	vst v27;
	v27 =	vadd.f32 v30, v19;
	v30 =	vld [tilespmem:s26+$0x450]  }
0xb7: {  	[tilespmem:s26+$0x70] =	vst v28;
	v28 =	vadd.f32 v31, v20;
	v31 =	vld [tilespmem:s26+$0x460]  }
0xb8: {  	s2 =	sor.u32 s31, s2;
	v52 =	vld [tilespmem:s26+$0x470];
	[tilespmem:s26+$0x400] =	vst v27;
	v27 =	vadd.f32 v50, v21  }
0xb9: {  	v34 =	vld [tilespmem:s2+$0x0];
	[tilespmem:s26+$0x410] =	vst v28;
	v28 =	vadd.f32 v51, v22  }
0xba: {  	v53 =	vld [tilespmem:s2+$0x10];
	[tilespmem:s26+$0x420] =	vst v27;
	v27 =	vadd.f32 v29, v23  }
0xbb: {  	v29 =	vld [tilespmem:s2+$0x20];
	[tilespmem:s26+$0x430] =	vst v28;
	v28 =	vadd.f32 v30, v24  }
0xbc: {  	v30 =	vld [tilespmem:s2+$0x30];
	[tilespmem:s26+$0x440] =	vst v27;
	v27 =	vadd.f32 v31, v25  }
0xbd: {  	v31 =	vld [tilespmem:s2+$0x40];
	[tilespmem:s26+$0x450] =	vst v28;
	v28 =	vadd.f32 v52, v26  }
0xbe: {  	s6 =	sadd.s32 $0x3C00, s6;
	v55 =	vld [tilespmem:s2+$0x50];
	v54 =	vadd.f32 v34, v10;
	[tilespmem:s26+$0x460] =	vst v27  }
0xbf: {  	s28 =	sor.u32 s11, s6;
	v56 =	vld [tilespmem:s2+$0x60];
	v27 =	vadd.f32 v53, v11;
	[tilespmem:s26+$0x470] =	vst v28  }
0xc0: {  	[tilespmem:s2+$0x0] =	vst v54;
	v28 =	vadd.f32 v29, v12;
	v29 =	vld [tilespmem:s28+$0x70]  }
0xc1: {  	[tilespmem:s2+$0x10] =	vst v27;
	v27 =	vadd.f32 v30, v13;
	v30 =	vld [tilespmem:s2+$0x70]  }
0xc2: {  	[tilespmem:s2+$0x20] =	vst v28;
	v28 =	vadd.f32 v31, v15;
	v31 =	vld [tilespmem:s2+$0x400]  }
0xc3: {  	v57 =	vld [tilespmem:s2+$0x410];
	[tilespmem:s2+$0x30] =	vst v27;
	v27 =	vadd.f32 v55, v16  }
0xc4: {  	v58 =	vld [tilespmem:s2+$0x420];
	[tilespmem:s2+$0x40] =	vst v28;
	v28 =	vadd.f32 v56, v17  }
0xc5: {  	[tilespmem:s2+$0x50] =	vst v27;
	v27 =	vld [tilespmem:s2+$0x430];
	v29 =	vadd.f32 v29, v8  }
0xc6: {  	[tilespmem:s2+$0x60] =	vst v28;
	v28 =	vadd.f32 v30, v18;
	v30 =	vld [tilespmem:s2+$0x440]  }
0xc7: {  	v59 =	vld [tilespmem:s2+$0x450];
	v31 =	vadd.f32 v31, v19;
	[tilespmem:s28+$0x70] =	vst v29  }
0xc8: {  	[tilespmem:s2+$0x70] =	vst v28;
	v28 =	vadd.f32 v57, v20;
	v29 =	vld [tilespmem:s2+$0x460]  }
0xc9: {  	v60 =	vld [tilespmem:s2+$0x470];
	[tilespmem:s2+$0x400] =	vst v31;
	v31 =	vadd.f32 v58, v21  }
0xca: {  	[tilespmem:s2+$0x410] =	vst v28;
	v27 =	vadd.f32 v27, v22;
	v28 =	vld [tilespmem:s28+$0x0]  }
0xcb: {  	v61 =	vld [tilespmem:s28+$0x10];
	[tilespmem:s2+$0x420] =	vst v31;
	v30 =	vadd.f32 v30, v23  }
0xcc: {  	v62 =	vld [tilespmem:s28+$0x20];
	[tilespmem:s2+$0x430] =	vst v27;
	v27 =	vadd.f32 v59, v24  }
0xcd: {  	v31 =	vld [tilespmem:s28+$0x30];
	[tilespmem:s2+$0x440] =	vst v30;
	v29 =	vadd.f32 v29, v25  }
0xce: {  	v30 =	vld [tilespmem:s28+$0x40];
	[tilespmem:s2+$0x450] =	vst v27;
	v27 =	vadd.f32 v60, v26  }
0xcf: {  	[tilespmem:s2+$0x460] =	vst v29;
	v63 =	vadd.f32 v28, v14;
	v28 =	vld [tilespmem:s28+$0x50]  }
0xd0: {  	s26 =	sor.u32 s31, s6;
	v33 =	vadd.f32 v61, v9;
	[tilespmem:s2+$0x470] =	vst v27;
	v27 =	vld [tilespmem:s28+$0x60]  }
0xd1: {  	v32 =	vadd.f32 v62, v6;
	s2 =	simm.s32 $0x0;
	v29 =	vld [tilespmem:s26+$0x0];
	[tilespmem:s28+$0x0] =	vst v63  }
.LBB2_3:
0xd2: {  	s2 =	sadd.s32 $0x2, s2;
	v34 =	vld [tilespmem:s26+$0x10];
	[tilespmem:s28+$0x10] =	vst v33;
	v31 =	vadd.f32 v31, v3  }
0xd3: {  	s0 =	sshrl.u32 s2, $0x3;
	p0 =	slt.u32 s2, $0x1E;
	v33 =	vld [tilespmem:s26+$0x20];
	[tilespmem:s28+$0x20] =	vst v32;
	v30 =	vadd.f32 v30, v4  }
0xd4: {  	s6 =	smul.u32 $0x6000, s0;
	v32 =	vld [tilespmem:s26+$0x30];
	[tilespmem:s28+$0x30] =	vst v31;
	v28 =	vadd.f32 v28, v5  }
0xd5: {  	s25 =	sadd.s32 $0x100, s25;
	v31 =	vld [tilespmem:s26+$0x40];
	[tilespmem:s28+$0x40] =	vst v30;
	v27 =	vadd.f32 v27, v7  }
0xd6: {  	s0 =	sand.u32 $0x300, s25;
	s30 =	sshra.s32 s6, $0x2;
	v29 =	vadd.f32 v29, v14;
	v30 =	vld [tilespmem:s26+$0x50];
	[tilespmem:s28+$0x50] =	vst v28  }
0xd7: {  	s6 =	sor.u32 $0x80, s0;
	s11 =	sadd.s32 $0x3400, s30;
	v28 =	vadd.f32 v34, v9;
	v34 =	vld [tilespmem:s26+$0x60];
	[tilespmem:s28+$0x60] =	vst v27  }
0xd8: {  	s29 =	sor.u32 s0, s11;
	s28 =	sor.u32 s6, s11;
	[tilespmem:s26+$0x0] =	vst v29;
	v27 =	vadd.f32 v33, v6;
	v29 =	vld [tilespmem:s26+$0x70]  }
0xd9: {  	v33 =	vld [tilespmem:s28+$0x0];
	[tilespmem:s26+$0x10] =	vst v28;
	v28 =	vadd.f32 v32, v3  }
0xda: {  	v32 =	vld [tilespmem:s28+$0x10];
	[tilespmem:s26+$0x20] =	vst v27;
	v27 =	vadd.f32 v31, v4  }
0xdb: {  	v31 =	vld [tilespmem:s28+$0x20];
	[tilespmem:s26+$0x30] =	vst v28;
	v28 =	vadd.f32 v30, v5  }
0xdc: {  	v30 =	vld [tilespmem:s28+$0x30];
	[tilespmem:s26+$0x40] =	vst v27;
	v27 =	vadd.f32 v34, v7  }
0xdd: {  	v34 =	vld [tilespmem:s28+$0x40];
	[tilespmem:s26+$0x50] =	vst v28;
	v28 =	vadd.f32 v29, v8  }
0xde: {  	v29 =	vadd.f32 v33, v10;
	v33 =	vld [tilespmem:s28+$0x50];
	[tilespmem:s26+$0x60] =	vst v27  }
0xdf: {  	v27 =	vadd.f32 v32, v11;
	v32 =	vld [tilespmem:s28+$0x60];
	[tilespmem:s26+$0x70] =	vst v28  }
0xe0: {  	[tilespmem:s28+$0x0] =	vst v29;
	v28 =	vadd.f32 v31, v12;
	v29 =	vld [tilespmem:s28+$0x70]  }
0xe1: {  	[tilespmem:s28+$0x10] =	vst v27;
	v27 =	vadd.f32 v30, v13;
	v30 =	vld [tilespmem:s28+$0x400]  }
0xe2: {  	[tilespmem:s28+$0x20] =	vst v28;
	v28 =	vadd.f32 v34, v15;
	v31 =	vld [tilespmem:s28+$0x410]  }
0xe3: {  	[tilespmem:s28+$0x30] =	vst v27;
	v27 =	vadd.f32 v33, v16;
	v33 =	vld [tilespmem:s28+$0x420]  }
0xe4: {  	[tilespmem:s28+$0x40] =	vst v28;
	v28 =	vadd.f32 v32, v17;
	v32 =	vld [tilespmem:s28+$0x430]  }
0xe5: {  	[tilespmem:s28+$0x50] =	vst v27;
	v27 =	vadd.f32 v29, v18;
	v29 =	vld [tilespmem:s28+$0x440]  }
0xe6: {  	[tilespmem:s28+$0x60] =	vst v28;
	v28 =	vadd.f32 v30, v19;
	v30 =	vld [tilespmem:s28+$0x450]  }
0xe7: {  	[tilespmem:s28+$0x70] =	vst v27;
	v27 =	vadd.f32 v31, v20;
	v31 =	vld [tilespmem:s28+$0x460]  }
0xe8: {  	[tilespmem:s28+$0x400] =	vst v28;
	v28 =	vadd.f32 v33, v21;
	v33 =	vld [tilespmem:s28+$0x470]  }
0xe9: {  	v34 =	vld [tilespmem:s29+$0x0];
	[tilespmem:s28+$0x410] =	vst v27;
	v27 =	vadd.f32 v32, v22  }
0xea: {  	v32 =	vld [tilespmem:s29+$0x10];
	[tilespmem:s28+$0x420] =	vst v28;
	v28 =	vadd.f32 v29, v23  }
0xeb: {  	v29 =	vld [tilespmem:s29+$0x20];
	[tilespmem:s28+$0x430] =	vst v27;
	v27 =	vadd.f32 v30, v24  }
0xec: {  	v30 =	vld [tilespmem:s29+$0x30];
	[tilespmem:s28+$0x440] =	vst v28;
	v28 =	vadd.f32 v31, v25  }
0xed: {  	v31 =	vld [tilespmem:s29+$0x40];
	[tilespmem:s28+$0x450] =	vst v27;
	v27 =	vadd.f32 v33, v26  }
0xee: {  	s11 =	sadd.s32 $0x3C00, s30;
	v33 =	vadd.f32 v34, v10;
	v34 =	vld [tilespmem:s29+$0x50];
	[tilespmem:s28+$0x460] =	vst v28  }
0xef: {  	s26 =	sor.u32 s0, s11;
	v28 =	vadd.f32 v32, v11;
	v32 =	vld [tilespmem:s29+$0x60];
	[tilespmem:s28+$0x470] =	vst v27;
	s28 =	sor.u32 s6, s11  }
0xf0: {  	[tilespmem:s29+$0x0] =	vst v33;
	v27 =	vadd.f32 v29, v12;
	v29 =	vld [tilespmem:s28+$0x70]  }
0xf1: {  	[tilespmem:s29+$0x10] =	vst v28;
	v28 =	vadd.f32 v30, v13;
	v30 =	vld [tilespmem:s29+$0x70]  }
0xf2: {  	[tilespmem:s29+$0x20] =	vst v27;
	v27 =	vadd.f32 v31, v15;
	v31 =	vld [tilespmem:s29+$0x400]  }
0xf3: {  	[tilespmem:s29+$0x30] =	vst v28;
	v28 =	vadd.f32 v34, v16;
	v33 =	vld [tilespmem:s29+$0x410]  }
0xf4: {  	[tilespmem:s29+$0x40] =	vst v27;
	v27 =	vadd.f32 v32, v17;
	v32 =	vld [tilespmem:s29+$0x420]  }
0xf5: {  	[tilespmem:s29+$0x50] =	vst v28;
	v28 =	vld [tilespmem:s29+$0x430];
	v29 =	vadd.f32 v29, v8  }
0xf6: {  	[tilespmem:s29+$0x60] =	vst v27;
	v27 =	vadd.f32 v30, v18;
	v30 =	vld [tilespmem:s29+$0x440]  }
0xf7: {  	v31 =	vadd.f32 v31, v19;
	v34 =	vld [tilespmem:s29+$0x450];
	[tilespmem:s28+$0x70] =	vst v29  }
0xf8: {  	[tilespmem:s29+$0x70] =	vst v27;
	v27 =	vadd.f32 v33, v20;
	v29 =	vld [tilespmem:s29+$0x460]  }
0xf9: {  	[tilespmem:s29+$0x400] =	vst v31;
	v31 =	vadd.f32 v32, v21;
	v32 =	vld [tilespmem:s29+$0x470]  }
0xfa: {  	[tilespmem:s29+$0x410] =	vst v27;
	v27 =	vadd.f32 v28, v22;
	v28 =	vld [tilespmem:s28+$0x0]  }
0xfb: {  	[tilespmem:s29+$0x420] =	vst v31;
	v30 =	vadd.f32 v30, v23;
	v33 =	vld [tilespmem:s28+$0x10]  }
0xfc: {  	[tilespmem:s29+$0x430] =	vst v27;
	v27 =	vadd.f32 v34, v24;
	v34 =	vld [tilespmem:s28+$0x20]  }
.Ltmp4:
0xfd: {  	[tilespmem:s29+$0x440] =	vst v30;
	v29 =	vadd.f32 v29, v25;
	v31 =	vld [tilespmem:s28+$0x30];
	(pc) =	sbr.rel @p0 .LBB2_3-.Ltmp4, $4  }
0xfe: {  	[tilespmem:s29+$0x450] =	vst v27;
	v27 =	vadd.f32 v32, v26;
	v30 =	vld [tilespmem:s28+$0x40]  }
0xff: {  	[tilespmem:s29+$0x460] =	vst v29;
	v32 =	vadd.f32 v28, v14;
	v28 =	vld [tilespmem:s28+$0x50]  }
0x100: {  	[tilespmem:s29+$0x470] =	vst v27;
	v33 =	vadd.f32 v33, v9;
	v27 =	vld [tilespmem:s28+$0x60]  }
0x101: {  	v29 =	vld [tilespmem:s26+$0x0];
	[tilespmem:s28+$0x0] =	vst v32;
	v32 =	vadd.f32 v34, v6  }
0x102: {  	v10 =	vld [tilespmem:s26+$0x10];
	[tilespmem:s28+$0x10] =	vst v33;
	v11 =	vadd.f32 v31, v3  }
0x103: {  	v12 =	vld [tilespmem:s26+$0x20];
	[tilespmem:s28+$0x20] =	vst v32;
	v13 =	vadd.f32 v30, v4  }
0x104: {  	v15 =	vld [tilespmem:s26+$0x30];
	[tilespmem:s28+$0x30] =	vst v11;
	v11 =	vadd.f32 v28, v5  }
0x105: {  	v16 =	vld [tilespmem:s26+$0x40];
	[tilespmem:s28+$0x40] =	vst v13;
	v17 =	vadd.f32 v27, v7  }
0x106: {  	v13 =	vadd.f32 v29, v14;
	v14 =	vld [tilespmem:s26+$0x50];
	[tilespmem:s28+$0x50] =	vst v11  }
0x107: {  	v11 =	vld [tilespmem:s26+$0x60];
	v9 =	vadd.f32 v10, v9;
	[tilespmem:s28+$0x60] =	vst v17  }
0x108: {  	v6 =	vadd.f32 v12, v6;
	v10 =	vld [tilespmem:s26+$0x70];
	[tilespmem:s26+$0x0] =	vst v13  }
0x109: {  	v3 =	vadd.f32 v15, v3;
	[tilespmem:s26+$0x10] =	vst v9  }
0x10a: {  	v4 =	vadd.f32 v16, v4;
	[tilespmem:s26+$0x20] =	vst v6  }
0x10b: {  	[tilespmem:s26+$0x30] =	vst v3;
	v3 =	vadd.f32 v14, v5  }
0x10c: {  	[tilespmem:s26+$0x40] =	vst v4;
	v4 =	vadd.f32 v11, v7  }
0x10d: {  	[tilespmem:s26+$0x50] =	vst v3;
	v3 =	vadd.f32 v10, v8  }
0x10e: {  	[tilespmem:s26+$0x60] =	vst v4  }
0x10f: {  	[tilespmem:s26+$0x70] =	vst v3  }
0x110: {  	v11 =	vld [tilespmem:$0x2E00]  }
0x111: {  	v12 =	vld [tilespmem:$0x2E10]  }
0x112: {  	v13 =	vld [tilespmem:$0x2E20]  }
0x113: {  	v14 =	vld [tilespmem:$0x2E30]  }
0x114: {  	v15 =	vld [tilespmem:$0x2E40]  }
0x115: {  	v16 =	vld [tilespmem:$0x2E50]  }
0x116: {  	v17 =	vld [tilespmem:$0x2E60]  }
0x117: {  	v18 =	vld [tilespmem:$0x2E70]  }
0x118: {  	v19 =	vld [tilespmem:$0x3000]  }
0x119: {  	v21 =	vld [tilespmem:$0x3010]  }
0x11a: {  	v23 =	vld [tilespmem:$0x3020]  }
0x11b: {  	v25 =	vld [tilespmem:$0x3030]  }
0x11c: {  	v26 =	vld [tilespmem:$0x3040]  }
0x11d: {  	v24 =	vld [tilespmem:$0x3050]  }
0x11e: {  	v22 =	vld [tilespmem:$0x3060]  }
0x11f: {  	v20 =	vld [tilespmem:$0x3070]  }
0x120: {  	v10 =	vld [tilespmem:$0x3200]  }
0x121: {  	v9 =	vld [tilespmem:$0x3210]  }
0x122: {  	s0 =	simm.s32 $0x0;
	v8 =	vld [tilespmem:$0x3220]  }
0x123: {  	s2 =	smul.u32 $0x6000, s0;
	v3 =	vld [tilespmem:$0x3230]  }
0x124: {  	s25 =	simm.s32 $0x0;
	v4 =	vld [tilespmem:$0x3240]  }
0x125: {  	s0 =	sand.u32 $0x300, s25;
	s2 =	sshra.s32 s2, $0x2;
	v5 =	vld [tilespmem:$0x3250]  }
0x126: {  	s6 =	sor.u32 $0x80, s0;
	s11 =	sadd.s32 $0x4000, s2;
	v6 =	vld [tilespmem:$0x3260]  }
0x127: {  	s28 =	sor.u32 s6, s11;
	v7 =	vld [tilespmem:$0x3270]  }
0x128: {  	v27 =	vld [tilespmem:s28+$0x0]  }
0x129: {  	v28 =	vld [tilespmem:s28+$0x10]  }
0x12a: {  	v29 =	vld [tilespmem:s28+$0x20]  }
0x12b: {  	v30 =	vld [tilespmem:s28+$0x30]  }
0x12c: {  	v31 =	vld [tilespmem:s28+$0x40]  }
0x12d: {  	v32 =	vld [tilespmem:s28+$0x50];
	v27 =	vadd.f32 v27, v11  }
0x12e: {  	v33 =	vld [tilespmem:s28+$0x60];
	v28 =	vadd.f32 v28, v12  }
0x12f: {  	s26 =	sor.u32 s0, s11;
	[tilespmem:s28+$0x0] =	vst v27;
	v27 =	vadd.f32 v29, v13;
	v29 =	vld [tilespmem:s28+$0x70]  }
0x130: {  	v34 =	vld [tilespmem:s26+$0x0];
	[tilespmem:s28+$0x10] =	vst v28;
	v28 =	vadd.f32 v30, v14  }
0x131: {  	v30 =	vld [tilespmem:s26+$0x10];
	[tilespmem:s28+$0x20] =	vst v27;
	v27 =	vadd.f32 v31, v15  }
0x132: {  	v31 =	vld [tilespmem:s26+$0x20];
	[tilespmem:s28+$0x30] =	vst v28;
	v28 =	vadd.f32 v32, v16  }
0x133: {  	v54 =	vld [tilespmem:s26+$0x30];
	[tilespmem:s28+$0x40] =	vst v27;
	v27 =	vadd.f32 v33, v17  }
0x134: {  	v55 =	vld [tilespmem:s26+$0x40];
	[tilespmem:s28+$0x50] =	vst v28;
	v28 =	vadd.f32 v29, v18  }
0x135: {  	s31 =	sadd.s32 $0x4400, s2;
	v56 =	vld [tilespmem:s26+$0x50];
	v29 =	vadd.f32 v34, v11;
	[tilespmem:s28+$0x60] =	vst v27  }
0x136: {  	v27 =	vadd.f32 v30, v12;
	v30 =	vld [tilespmem:s26+$0x60];
	[tilespmem:s28+$0x70] =	vst v28;
	s28 =	sor.u32 s6, s31  }
0x137: {  	[tilespmem:s26+$0x0] =	vst v29;
	v28 =	vadd.f32 v31, v13;
	v29 =	vld [tilespmem:s28+$0x0]  }
0x138: {  	[tilespmem:s26+$0x10] =	vst v27;
	v27 =	vadd.f32 v54, v14;
	v31 =	vld [tilespmem:s28+$0x10]  }
0x139: {  	v57 =	vld [tilespmem:s28+$0x20];
	[tilespmem:s26+$0x20] =	vst v28;
	v28 =	vadd.f32 v55, v15  }
0x13a: {  	v58 =	vld [tilespmem:s28+$0x30];
	[tilespmem:s26+$0x30] =	vst v27;
	v27 =	vadd.f32 v56, v16  }
0x13b: {  	[tilespmem:s26+$0x40] =	vst v28;
	v28 =	vadd.f32 v30, v17;
	v30 =	vld [tilespmem:s28+$0x40]  }
0x13c: {  	[tilespmem:s26+$0x50] =	vst v27;
	v27 =	vadd.f32 v29, v19;
	v29 =	vld [tilespmem:s28+$0x50]  }
0x13d: {  	v60 =	vld [tilespmem:s26+$0x70];
	[tilespmem:s26+$0x60] =	vst v28;
	v28 =	vadd.f32 v31, v21  }
0x13e: {  	v31 =	vld [tilespmem:s28+$0x60];
	[tilespmem:s28+$0x0] =	vst v27;
	v27 =	vadd.f32 v57, v23  }
0x13f: {  	v59 =	vld [tilespmem:s28+$0x70];
	[tilespmem:s28+$0x10] =	vst v28;
	v28 =	vadd.f32 v58, v25  }
0x140: {  	[tilespmem:s28+$0x20] =	vst v27;
	v27 =	vadd.f32 v30, v26  }
0x141: {  	[tilespmem:s28+$0x30] =	vst v28;
	v28 =	vadd.f32 v29, v24  }
0x142: {  	v29 =	vadd.f32 v60, v18;
	[tilespmem:s28+$0x40] =	vst v27  }
0x143: {  	v27 =	vadd.f32 v31, v22;
	[tilespmem:s28+$0x50] =	vst v28  }
0x144: {  	s29 =	sor.u32 s0, s31;
	v28 =	vadd.f32 v59, v20;
	[tilespmem:s26+$0x70] =	vst v29  }
0x145: {  	s30 =	sadd.s32 $0x4800, s2;
	[tilespmem:s28+$0x60] =	vst v27;
	v31 =	vld [tilespmem:s29+$0x10]  }
0x146: {  	[tilespmem:s28+$0x70] =	vst v28;
	s28 =	sor.u32 s6, s30;
	v28 =	vld [tilespmem:s29+$0x0]  }
0x147: {  	v27 =	vld [tilespmem:s28+$0x70]  }
0x148: {  	v61 =	vld [tilespmem:s29+$0x20]  }
0x149: {  	v62 =	vld [tilespmem:s29+$0x30]  }
0x14a: {  	v63 =	vld [tilespmem:s29+$0x40];
	v35 =	vadd.f32 v31, v21  }
0x14b: {  	v30 =	vld [tilespmem:s29+$0x50];
	v28 =	vadd.f32 v28, v19  }
0x14c: {  	v29 =	vld [tilespmem:s29+$0x60];
	v27 =	vadd.f32 v27, v7;
	[tilespmem:s29+$0x10] =	vst v35  }
0x14d: {  	v31 =	vld [tilespmem:s29+$0x70];
	[tilespmem:s29+$0x0] =	vst v28;
	v28 =	vadd.f32 v61, v23  }
0x14e: {  	v33 =	vadd.f32 v62, v25;
	[tilespmem:s28+$0x70] =	vst v27;
	v27 =	vld [tilespmem:s28+$0x0]  }
0x14f: {  	s2 =	simm.s32 $0x0;
	s26 =	sor.u32 s0, s30;
	v32 =	vadd.f32 v63, v26;
	[tilespmem:s29+$0x20] =	vst v28;
	v28 =	vld [tilespmem:s28+$0x10]  }
.LBB2_5:
0x150: {  	s2 =	sadd.s32 $0x2, s2;
	[tilespmem:s29+$0x30] =	vst v33;
	v30 =	vadd.f32 v30, v24;
	v33 =	vld [tilespmem:s28+$0x20]  }
0x151: {  	s0 =	sshrl.u32 s2, $0x3;
	p0 =	slt.u32 s2, $0x1E;
	[tilespmem:s29+$0x40] =	vst v32;
	v29 =	vadd.f32 v29, v22;
	v32 =	vld [tilespmem:s28+$0x30]  }
0x152: {  	s6 =	smul.u32 $0x6000, s0;
	[tilespmem:s29+$0x50] =	vst v30;
	v30 =	vadd.f32 v31, v20;
	v31 =	vld [tilespmem:s28+$0x40]  }
0x153: {  	s25 =	sadd.s32 $0x100, s25;
	[tilespmem:s29+$0x60] =	vst v29;
	v27 =	vadd.f32 v27, v10;
	v29 =	vld [tilespmem:s28+$0x50]  }
0x154: {  	s0 =	sand.u32 $0x300, s25;
	s30 =	sshra.s32 s6, $0x2;
	[tilespmem:s29+$0x70] =	vst v30;
	v28 =	vadd.f32 v28, v9;
	v30 =	vld [tilespmem:s28+$0x60]  }
0x155: {  	s31 =	sor.u32 $0x80, s0;
	s11 =	sadd.s32 $0x4000, s30;
	v34 =	vld [tilespmem:s26+$0x0];
	[tilespmem:s28+$0x0] =	vst v27;
	v27 =	vadd.f32 v33, v8  }
0x156: {  	s6 =	sor.u32 s0, s11;
	s11 =	sor.u32 s31, s11;
	v33 =	vld [tilespmem:s26+$0x10];
	[tilespmem:s28+$0x10] =	vst v28;
	v28 =	vadd.f32 v32, v3  }
0x157: {  	v32 =	vld [tilespmem:s11+$0x0];
	[tilespmem:s28+$0x20] =	vst v27;
	v27 =	vadd.f32 v31, v4  }
0x158: {  	v31 =	vld [tilespmem:s11+$0x10];
	[tilespmem:s28+$0x30] =	vst v28;
	v28 =	vadd.f32 v29, v5  }
0x159: {  	v29 =	vld [tilespmem:s11+$0x20];
	[tilespmem:s28+$0x40] =	vst v27;
	v27 =	vadd.f32 v30, v6  }
0x15a: {  	v30 =	vld [tilespmem:s11+$0x30];
	v34 =	vadd.f32 v34, v10;
	[tilespmem:s28+$0x50] =	vst v28  }
0x15b: {  	v28 =	vld [tilespmem:s11+$0x40];
	v33 =	vadd.f32 v33, v9;
	[tilespmem:s28+$0x60] =	vst v27  }
0x15c: {  	v27 =	vadd.f32 v32, v11;
	v32 =	vld [tilespmem:s11+$0x50];
	[tilespmem:s26+$0x0] =	vst v34  }
0x15d: {  	v31 =	vadd.f32 v31, v12;
	v34 =	vld [tilespmem:s11+$0x60];
	[tilespmem:s26+$0x10] =	vst v33  }
0x15e: {  	[tilespmem:s11+$0x0] =	vst v27;
	v27 =	vadd.f32 v29, v13;
	v29 =	vld [tilespmem:s11+$0x70]  }
0x15f: {  	v33 =	vld [tilespmem:s6+$0x0];
	[tilespmem:s11+$0x10] =	vst v31;
	v30 =	vadd.f32 v30, v14  }
0x160: {  	v31 =	vld [tilespmem:s6+$0x10];
	[tilespmem:s11+$0x20] =	vst v27;
	v27 =	vadd.f32 v28, v15  }
0x161: {  	v28 =	vld [tilespmem:s6+$0x20];
	[tilespmem:s11+$0x30] =	vst v30;
	v30 =	vadd.f32 v32, v16  }
0x162: {  	v32 =	vld [tilespmem:s6+$0x30];
	[tilespmem:s11+$0x40] =	vst v27;
	v27 =	vadd.f32 v34, v17  }
0x163: {  	v34 =	vld [tilespmem:s6+$0x40];
	[tilespmem:s11+$0x50] =	vst v30;
	v29 =	vadd.f32 v29, v18  }
0x164: {  	s28 =	sadd.s32 $0x4400, s30;
	v30 =	vadd.f32 v33, v11;
	v33 =	vld [tilespmem:s6+$0x50];
	[tilespmem:s11+$0x60] =	vst v27  }
0x165: {  	s29 =	sor.u32 s0, s28;
	v27 =	vadd.f32 v31, v12;
	v31 =	vld [tilespmem:s6+$0x60];
	[tilespmem:s11+$0x70] =	vst v29;
	s11 =	sor.u32 s31, s28  }
0x166: {  	[tilespmem:s6+$0x0] =	vst v30;
	v28 =	vadd.f32 v28, v13;
	v29 =	vld [tilespmem:s11+$0x0]  }
0x167: {  	[tilespmem:s6+$0x10] =	vst v27;
	v27 =	vadd.f32 v32, v14;
	v30 =	vld [tilespmem:s11+$0x10]  }
0x168: {  	[tilespmem:s6+$0x20] =	vst v28;
	v28 =	vadd.f32 v34, v15;
	v32 =	vld [tilespmem:s11+$0x20]  }
0x169: {  	[tilespmem:s6+$0x30] =	vst v27;
	v27 =	vadd.f32 v33, v16;
	v33 =	vld [tilespmem:s11+$0x30]  }
0x16a: {  	[tilespmem:s6+$0x40] =	vst v28;
	v28 =	vadd.f32 v31, v17;
	v31 =	vld [tilespmem:s11+$0x40]  }
0x16b: {  	[tilespmem:s6+$0x50] =	vst v27;
	v27 =	vadd.f32 v29, v19;
	v29 =	vld [tilespmem:s11+$0x50]  }
0x16c: {  	[tilespmem:s6+$0x60] =	vst v28;
	v28 =	vadd.f32 v30, v21;
	v30 =	vld [tilespmem:s11+$0x60]  }
0x16d: {  	[tilespmem:s11+$0x0] =	vst v27;
	v27 =	vadd.f32 v32, v23;
	v32 =	vld [tilespmem:s11+$0x70]  }
0x16e: {  	v34 =	vld [tilespmem:s6+$0x70];
	[tilespmem:s11+$0x10] =	vst v28;
	v28 =	vadd.f32 v33, v25  }
0x16f: {  	[tilespmem:s11+$0x20] =	vst v27;
	v27 =	vadd.f32 v31, v26;
	v31 =	vld [tilespmem:s26+$0x20]  }
0x170: {  	[tilespmem:s11+$0x30] =	vst v28;
	v28 =	vadd.f32 v29, v24;
	v29 =	vld [tilespmem:s26+$0x30]  }
0x171: {  	[tilespmem:s11+$0x40] =	vst v27;
	v27 =	vadd.f32 v30, v22;
	v30 =	vld [tilespmem:s26+$0x40]  }
0x172: {  	[tilespmem:s11+$0x50] =	vst v28;
	v28 =	vadd.f32 v32, v20;
	v32 =	vld [tilespmem:s26+$0x50]  }
0x173: {  	s28 =	sadd.s32 $0x4800, s30;
	v33 =	vadd.f32 v34, v18;
	[tilespmem:s11+$0x60] =	vst v27;
	v27 =	vld [tilespmem:s26+$0x60]  }
0x174: {  	s0 =	sor.u32 s0, s28;
	s28 =	sor.u32 s31, s28;
	[tilespmem:s11+$0x70] =	vst v28;
	v28 =	vadd.f32 v31, v8;
	v31 =	vld [tilespmem:s26+$0x70]  }
0x175: {  	[tilespmem:s6+$0x70] =	vst v33;
	v33 =	vld [tilespmem:s28+$0x70];
	v29 =	vadd.f32 v29, v3  }
0x176: {  	v34 =	vld [tilespmem:s29+$0x0];
	[tilespmem:s26+$0x20] =	vst v28;
	v28 =	vadd.f32 v30, v4  }
0x177: {  	v35 =	vld [tilespmem:s29+$0x10];
	[tilespmem:s26+$0x30] =	vst v29;
	v29 =	vadd.f32 v32, v5  }
0x178: {  	v32 =	vld [tilespmem:s29+$0x20];
	[tilespmem:s26+$0x40] =	vst v28;
	v27 =	vadd.f32 v27, v6  }
0x179: {  	v28 =	vld [tilespmem:s29+$0x30];
	[tilespmem:s26+$0x50] =	vst v29;
	v29 =	vadd.f32 v31, v7  }
0x17a: {  	v36 =	vld [tilespmem:s29+$0x40];
	v31 =	vadd.f32 v33, v7;
	[tilespmem:s26+$0x60] =	vst v27  }
.Ltmp5:
0x17b: {  	v27 =	vadd.f32 v34, v19;
	v30 =	vld [tilespmem:s29+$0x50];
	[tilespmem:s26+$0x70] =	vst v29;
	s26 =	smov.u32 s0;
	(pc) =	sbr.rel @p0 .LBB2_5-.Ltmp5, $4  }
0x17c: {  	v33 =	vadd.f32 v35, v21;
	v29 =	vld [tilespmem:s29+$0x60];
	[tilespmem:s28+$0x70] =	vst v31  }
0x17d: {  	[tilespmem:s29+$0x0] =	vst v27;
	v32 =	vadd.f32 v32, v23;
	v31 =	vld [tilespmem:s29+$0x70]  }
0x17e: {  	[tilespmem:s29+$0x10] =	vst v33;
	v33 =	vadd.f32 v28, v25;
	v27 =	vld [tilespmem:s28+$0x0]  }
0x17f: {  	[tilespmem:s29+$0x20] =	vst v32;
	v32 =	vadd.f32 v36, v26;
	v28 =	vld [tilespmem:s28+$0x10]  }
0x180: {  	[tilespmem:s29+$0x30] =	vst v33;
	v11 =	vadd.f32 v30, v24;
	v13 =	vld [tilespmem:s28+$0x20]  }
0x181: {  	v14 =	vld [tilespmem:s28+$0x30];
	[tilespmem:s29+$0x40] =	vst v32;
	v12 =	vadd.f32 v29, v22  }
0x182: {  	v15 =	vld [tilespmem:s28+$0x40];
	[tilespmem:s29+$0x50] =	vst v11;
	v46 =	vadd.f32 v31, v20  }
0x183: {  	v16 =	vld [tilespmem:s28+$0x50];
	[tilespmem:s29+$0x60] =	vst v12;
	v47 =	vadd.f32 v27, v10  }
0x184: {  	v49 =	vld [tilespmem:s28+$0x60];
	[tilespmem:s29+$0x70] =	vst v46;
	v48 =	vadd.f32 v28, v9  }
0x185: {  	v11 =	vld [tilespmem:s26+$0x0];
	[tilespmem:s28+$0x0] =	vst v47;
	v50 =	vadd.f32 v13, v8  }
0x186: {  	v12 =	vld [tilespmem:s26+$0x10];
	v52 =	vadd.f32 v14, v3;
	[tilespmem:s28+$0x10] =	vst v48  }
0x187: {  	v51 =	vld [tilespmem:s26+$0x20];
	v54 =	vadd.f32 v15, v4;
	[tilespmem:s28+$0x20] =	vst v50  }
0x188: {  	v53 =	vld [tilespmem:s26+$0x30];
	v56 =	vadd.f32 v16, v5;
	[tilespmem:s28+$0x30] =	vst v52  }
0x189: {  	v55 =	vld [tilespmem:s26+$0x40];
	v58 =	vadd.f32 v49, v6;
	[tilespmem:s28+$0x40] =	vst v54  }
0x18a: {  	v57 =	vld [tilespmem:s26+$0x50];
	[tilespmem:s28+$0x50] =	vst v56;
	v11 =	vadd.f32 v11, v10  }
0x18b: {  	v59 =	vld [tilespmem:s26+$0x60];
	[tilespmem:s28+$0x60] =	vst v58;
	v12 =	vadd.f32 v12, v9  }
0x18c: {  	v61 =	vld [tilespmem:s26+$0x70];
	v60 =	vadd.f32 v51, v8;
	[tilespmem:s26+$0x0] =	vst v11  }
0x18d: {  	v3 =	vadd.f32 v53, v3;
	[tilespmem:s26+$0x10] =	vst v12  }
0x18e: {  	v62 =	vadd.f32 v55, v4;
	[tilespmem:s26+$0x20] =	vst v60  }
0x18f: {  	s0 =	sshll.u32 s24, $0x9;
	[tilespmem:s26+$0x30] =	vst v3;
	v3 =	vadd.f32 v57, v5  }
0x190: {  	s0 =	sor.u32 s10, s0;
	v63 =	vadd.f32 v59, v6;
	[tilespmem:s26+$0x40] =	vst v62  }
0x191: {  	s0 =	smul.u32 $0x300, s0;
	[tilespmem:s26+$0x50] =	vst v3;
	v3 =	vadd.f32 v61, v7  }
0x192: {  	s25 =	sshll.u32 s24, $0x2;
	p0 =	seq.s32 s24, $0x0;
	[tilespmem:s26+$0x60] =	vst v63  }
0x193: {  	s0 =	sadd.s32 s4, s0;
	[tilespmem:s26+$0x70] =	vst v3;
	s26 =	sor.u32 @!p0 $0x2, s25  }
0x194: {  	[hbm4b:s0+s5] =	stream.linear.scatter [tilespmem:s18], [sflag:$0x5], $0x6000, $0x38;
	[tilespmem:$0x1B400] =	vst v63  }
0x195: {  	p1 =	sgt.u32 @!p0 s26, $0x4C  }
0x196: {  	p2 =	por p0, !p1  }
.Ltmp6:
0x197: {  	_ = 	snop;
	(pc) =	sbr.rel @!p2 .LBB2_8-.Ltmp6, $4  }
0x198: {  	s0 =	simm.s32 @!p0 $0x7  }
0x199: {  	_ =	swait.ge @!p0 [sflag:s0], $0x6000  }
0x19a: {  	[sflag:s0] =	ssyncset.done @!p0 $0x0  }
0x19b: {  	p1 =	por @!p0 $0x0, $0x0;
	[sflag:s0] =	ssyncadd.s32 @!p0 $0xFFFFA000  }
0x19c: {  	s26 =	simm.s32 @p0 $0x2  }
0x19d: {  	s0 =	sshll.u32 s26, $0x7  }
0x19e: {  	s2 =	sand.u32 $0x3FFFFF80, s0  }
0x19f: {  	v3 =	vld [tilespmem:s2+$0x0];
	_ =	sdelay $0x4  }
0x1a0: {  	v4 =	vshrl.u32 v3, $0x3  }
0x1a1: {  	v4 =	vmul.u32 $0x30, v4  }
0x1a2: {  	v3 =	vand.u32 $0x7, v3  }
0x1a3: {  	v3 =	vor.u32 v3, v4  }
0x1a4: {  	v4 =	vperm.xlane v3, v0;
	_ =	sdelay $0x1  }
0x1a5: {  	v4 =	vadd.s32 v1, v4;
	_ =	sdelay $0x3  }
0x1a6: {  	v3 =	vperm.xlane v3, v2  }
0x1a7: {  	[tilespmem:s17], [sflag:$0x3] =	stream.indirect_vreg.gather [hbm4b:s1+s5], $0x80, v4, vm0, $0xb8;
	[tilespmem:$0x1B400] =	vst v63  }
0x1a8: {  	s6 =	simm.s32 $0xFC00;
	v3 =	vadd.s32 v1, v3  }
0x1a9: {  	[tilespmem:s6], [sflag:$0x3] =	stream.indirect_vreg.gather [hbm4b:s7+s5], $0x80, v4, vm0, $0xb8;
	[tilespmem:$0x1B400] =	vst v63  }
0x1aa: {  	s28 =	simm.s32 $0x10400  }
0x1ab: {  	[tilespmem:s28], [sflag:$0x3] =	stream.indirect_vreg.gather [hbm4b:s8+s5], $0x80, v4, vm0, $0xb8;
	[tilespmem:$0x1B400] =	vst v63  }
0x1ac: {  	s29 =	simm.s32 $0x10C00  }
0x1ad: {  	[tilespmem:s29], [sflag:$0x3] =	stream.indirect_vreg.gather [hbm4b:s1+s5], $0x80, v3, vm0, $0xb8;
	[tilespmem:$0x1B400] =	vst v63  }
0x1ae: {  	s30 =	simm.s32 $0x11400  }
0x1af: {  	[tilespmem:s30], [sflag:$0x3] =	stream.indirect_vreg.gather [hbm4b:s7+s5], $0x80, v3, vm0, $0xb8;
	[tilespmem:$0x1B400] =	vst v63  }
0x1b0: {  	s31 =	simm.s32 $0x11C00  }
0x1b1: {  	[tilespmem:s31], [sflag:$0x3] =	stream.indirect_vreg.gather [hbm4b:s8+s5], $0x80, v3, vm0, $0xb8;
	[tilespmem:$0x1B400] =	vst v63  }
0x1b2: {  	v3 =	vld [tilespmem:s2+$0x10];
	_ =	sdelay $0x4  }
0x1b3: {  	v63 =	vshrl.u32 v3, $0x3  }
0x1b4: {  	v4 =	vmul.u32 $0x30, v63  }
0x1b5: {  	v3 =	vand.u32 $0x7, v3  }
0x1b6: {  	v3 =	vor.u32 v3, v4  }
0x1b7: {  	v4 =	vperm.xlane v3, v0;
	_ =	sdelay $0x1  }
0x1b8: {  	v4 =	vadd.s32 v1, v4;
	_ =	sdelay $0x3  }
0x1b9: {  	s6 =	simm.s32 $0x12400;
	v3 =	vperm.xlane v3, v2  }
0x1ba: {  	[tilespmem:s6], [sflag:$0x3] =	stream.indirect_vreg.gather [hbm4b:s1+s5], $0x80, v4, vm0, $0xb8;
	[tilespmem:$0x1B400] =	vst v63  }
0x1bb: {  	s11 =	simm.s32 $0x12C00;
	v3 =	vadd.s32 v1, v3  }
0x1bc: {  	[tilespmem:s11], [sflag:$0x3] =	stream.indirect_vreg.gather [hbm4b:s7+s5], $0x80, v4, vm0, $0xb8;
	[tilespmem:$0x1B400] =	vst v63  }
0x1bd: {  	s28 =	simm.s32 $0x13400;
	s6 =	sshrl.u32 s24, $0x1  }
0x1be: {  	[tilespmem:s28], [sflag:$0x3] =	stream.indirect_vreg.gather [hbm4b:s8+s5], $0x80, v4, vm0, $0xb8;
	[tilespmem:$0x1B400] =	vst v63  }
0x1bf: {  	s0 =	sand.u32 $0x300, s0;
	s29 =	simm.s32 $0x13C00;
	s2 =	smul.u32 $0x1800, s6  }
0x1c0: {  	[tilespmem:s29], [sflag:$0x3] =	stream.indirect_vreg.gather [hbm4b:s1+s5], $0x80, v3, vm0, $0xb8;
	[tilespmem:$0x1B400] =	vst v63  }
0x1c1: {  	s30 =	simm.s32 $0x14400;
	s0 =	sor.u32 s2, s0  }
0x1c2: {  	[tilespmem:s30], [sflag:$0x3] =	stream.indirect_vreg.gather [hbm4b:s7+s5], $0x80, v3, vm0, $0xb8;
	[tilespmem:$0x1B400] =	vst v63  }
0x1c3: {  	s31 =	simm.s32 $0x14C00;
	s0 =	sshrl.u32 s0, $0x3  }
0x1c4: {  	[tilespmem:s31], [sflag:$0x3] =	stream.indirect_vreg.gather [hbm4b:s8+s5], $0x80, v3, vm0, $0xb8;
	[tilespmem:$0x1B400] =	vst v63  }
0x1c5: {  	s11 =	simm.s32 $0x2900;
	s0 =	sadd.s32 s3, s0  }
0x1c6: {  	[tilespmem:s11], [sflag:$0x3] =	stream.linear.gather [hbm4b:s0+s5], $0x80, $0x38;
	[tilespmem:$0x1B400] =	vst v63  }
0x1c7: {  	s28 =	sadd.s32 $0x80, s0;
	s29 =	simm.s32 $0x2B00  }
0x1c8: {  	[tilespmem:s29], [sflag:$0x3] =	stream.linear.gather [hbm4b:s28+s5], $0x80, $0x38;
	[tilespmem:$0x1B400] =	vst v63  }
0x1c9: {  	s30 =	sadd.s32 $0x100, s0;
	s31 =	simm.s32 $0x2D00  }
0x1ca: {  	[tilespmem:s31], [sflag:$0x3] =	stream.linear.gather [hbm4b:s30+s5], $0x80, $0x38;
	[tilespmem:$0x1B400] =	vst v63  }
0x1cb: {  	s11 =	sadd.s32 $0x180, s0;
	s28 =	simm.s32 $0x2F00  }
0x1cc: {  	[tilespmem:s28], [sflag:$0x3] =	stream.linear.gather [hbm4b:s11+s5], $0x80, $0x38;
	[tilespmem:$0x1B400] =	vst v63  }
0x1cd: {  	s29 =	sadd.s32 $0x200, s0;
	s30 =	simm.s32 $0x3100  }
0x1ce: {  	[tilespmem:s30], [sflag:$0x3] =	stream.linear.gather [hbm4b:s29+s5], $0x80, $0x38;
	[tilespmem:$0x1B400] =	vst v63  }
0x1cf: {  	p1 =	por $0x1, $0x1;
	s0 =	sadd.s32 $0x280, s0;
	s31 =	simm.s32 $0x3300  }
0x1d0: {  	[tilespmem:s31], [sflag:$0x3] =	stream.linear.gather [hbm4b:s0+s5], $0x80, $0x38;
	[tilespmem:$0x1B400] =	vst v63  }
.LBB2_8:
0x1d1: {  	s28 =	sor.u32 $0x1, s25  }
0x1d2: {  	p2 =	sgt.u32 s28, $0x4C  }
.Ltmp7:
0x1d3: {  	_ = 	snop;
	(pc) =	sbr.rel @p2 .LBB2_14-.Ltmp7, $1  }
0x1d4: {  	_ =	sdelay $0x3  }
0x1d5: {  	_ =	swait.ge [sflag:s16], $0x6000  }
0x1d6: {  	[sflag:s16] =	ssyncset.done $0x0  }
0x1d7: {  	[sflag:s16] =	ssyncadd.s32 $0xFFFFA000  }
0x1d8: {  	_ =	swait.ge [sflag:s16], $0x300  }
0x1d9: {  	[sflag:s16] =	ssyncset.done $0x0  }
0x1da: {  	[sflag:s16] =	ssyncadd.s32 $0xFFFFFD00  }
0x1db: {  	v9 =	vld [tilespmem:$0x2880]  }
0x1dc: {  	v11 =	vld [tilespmem:$0x2890]  }
0x1dd: {  	v12 =	vld [tilespmem:$0x28A0]  }
0x1de: {  	v14 =	vld [tilespmem:$0x28B0]  }
0x1df: {  	v15 =	vld [tilespmem:$0x28C0]  }
0x1e0: {  	v17 =	vld [tilespmem:$0x28D0]  }
0x1e1: {  	v18 =	vld [tilespmem:$0x28E0]  }
0x1e2: {  	v20 =	vld [tilespmem:$0x28F0]  }
0x1e3: {  	v21 =	vld [tilespmem:$0x2A80]  }
0x1e4: {  	v23 =	vld [tilespmem:$0x2A90]  }
0x1e5: {  	v24 =	vld [tilespmem:$0x2AA0]  }
0x1e6: {  	v25 =	vld [tilespmem:$0x2AB0]  }
0x1e7: {  	v22 =	vld [tilespmem:$0x2AC0]  }
0x1e8: {  	v19 =	vld [tilespmem:$0x2AD0]  }
0x1e9: {  	v16 =	vld [tilespmem:$0x2AE0]  }
0x1ea: {  	v13 =	vld [tilespmem:$0x2AF0]  }
0x1eb: {  	v10 =	vld [tilespmem:$0x2C80]  }
0x1ec: {  	v8 =	vld [tilespmem:$0x2C90]  }
0x1ed: {  	v5 =	vld [tilespmem:$0x2CA0]  }
0x1ee: {  	s0 =	simm.s32 $0x0;
	v3 =	vld [tilespmem:$0x2CB0]  }
0x1ef: {  	s2 =	simm.s32 $0x4;
	s0 =	smul.u32 $0x6000, s0;
	v4 =	vld [tilespmem:$0x2CC0]  }
0x1f0: {  	s30 =	simm.s32 $0x0;
	s2 =	smul.u32 $0x6000, s2;
	v6 =	vld [tilespmem:$0x2CD0]  }
0x1f1: {  	s11 =	simm.s32 $0x1080;
	s6 =	sand.u32 $0x300, s30;
	s0 =	sshra.s32 s0, $0x2;
	v7 =	vld [tilespmem:$0x2CE0]  }
0x1f2: {  	s31 =	sand.u32 $0x380, s11;
	s2 =	sshra.s32 s2, $0x2;
	s0 =	sor.u32 s6, s0;
	v26 =	vld [tilespmem:$0x2CF0]  }
0x1f3: {  	s29 =	sor.u32 s31, s2;
	v27 =	vld [tilespmem:s0+$0x9400]  }
0x1f4: {  	v28 =	vld [tilespmem:s29+$0x3C70]  }
0x1f5: {  	v29 =	vld [tilespmem:s0+$0x9410]  }
0x1f6: {  	v30 =	vld [tilespmem:s0+$0x9420]  }
0x1f7: {  	v57 =	vld [tilespmem:s29+$0x3470]  }
0x1f8: {  	v59 =	vld [tilespmem:s29+$0x3810]  }
0x1f9: {  	v31 =	vld [tilespmem:s0+$0x9430];
	v27 =	vadd.f32 v27, v9  }
0x1fa: {  	v32 =	vld [tilespmem:s0+$0x9440];
	v28 =	vadd.f32 v28, v26  }
0x1fb: {  	v33 =	vld [tilespmem:s0+$0x9450];
	v30 =	vadd.f32 v30, v12;
	[tilespmem:s0+$0x9400] =	vst v27  }
0x1fc: {  	v55 =	vld [tilespmem:s29+$0x3430];
	v62 =	vadd.f32 v57, v20;
	[tilespmem:s29+$0x3C70] =	vst v28  }
0x1fd: {  	v34 =	vld [tilespmem:s0+$0x9460];
	v63 =	vadd.f32 v59, v23;
	[tilespmem:s0+$0x9420] =	vst v30  }
0x1fe: {  	v35 =	vld [tilespmem:s0+$0x9470];
	v27 =	vadd.f32 v29, v11;
	[tilespmem:s29+$0x3470] =	vst v62  }
0x1ff: {  	v52 =	vld [tilespmem:s0+$0x9860];
	v30 =	vadd.f32 v32, v15;
	[tilespmem:s29+$0x3810] =	vst v63  }
0x200: {  	v29 =	vld [tilespmem:s0+$0x9810];
	[tilespmem:s0+$0x9410] =	vst v27;
	v27 =	vadd.f32 v31, v14  }
0x201: {  	v28 =	vld [tilespmem:s0+$0x9820];
	v32 =	vadd.f32 v55, v14;
	[tilespmem:s0+$0x9440] =	vst v30  }
0x202: {  	v36 =	vld [tilespmem:s0+$0x9800];
	[tilespmem:s0+$0x9430] =	vst v27;
	v27 =	vadd.f32 v33, v17  }
0x203: {  	v50 =	vld [tilespmem:s0+$0x9840];
	v30 =	vadd.f32 v34, v18;
	[tilespmem:s29+$0x3430] =	vst v32  }
0x204: {  	v61 =	vld [tilespmem:s0+$0x9C70];
	[tilespmem:s0+$0x9450] =	vst v27;
	v27 =	vadd.f32 v35, v20  }
0x205: {  	v31 =	vld [tilespmem:s0+$0x9830];
	v34 =	vadd.f32 v52, v16;
	[tilespmem:s0+$0x9460] =	vst v30  }
0x206: {  	v28 =	vadd.f32 v28, v24;
	[tilespmem:s0+$0x9470] =	vst v27;
	v27 =	vadd.f32 v29, v23;
	v29 =	vld [tilespmem:s29+$0x3400]  }
0x207: {  	v54 =	vld [tilespmem:s0+$0x9C00];
	v30 =	vadd.f32 v36, v21;
	[tilespmem:s0+$0x9860] =	vst v34  }
0x208: {  	[tilespmem:s0+$0x9820] =	vst v28;
	v28 =	vadd.f32 v50, v22  }
0x209: {  	[tilespmem:s0+$0x9800] =	vst v30;
	v30 =	vld [tilespmem:s29+$0x3410]  }
0x20a: {  	v51 =	vld [tilespmem:s0+$0x9850];
	v32 =	vadd.f32 v61, v26;
	[tilespmem:s0+$0x9840] =	vst v28  }
0x20b: {  	[tilespmem:s0+$0x9810] =	vst v27;
	v27 =	vadd.f32 v31, v25;
	v31 =	vld [tilespmem:s29+$0x3420];
	v28 =	vadd.f32 v29, v9  }
0x20c: {  	v56 =	vld [tilespmem:s29+$0x3440];
	v36 =	vadd.f32 v54, v10;
	[tilespmem:s0+$0x9C70] =	vst v32  }
0x20d: {  	[tilespmem:s29+$0x3400] =	vst v28;
	v28 =	vld [tilespmem:s0+$0x9C10]  }
0x20e: {  	v53 =	vld [tilespmem:s0+$0x9870];
	[tilespmem:s0+$0x9C00] =	vst v36;
	v30 =	vadd.f32 v30, v11  }
0x20f: {  	[tilespmem:s0+$0x9830] =	vst v27;
	v27 =	vadd.f32 v51, v19;
	v29 =	vld [tilespmem:s29+$0x3450]  }
0x210: {  	[tilespmem:s29+$0x3410] =	vst v30;
	v30 =	vld [tilespmem:s0+$0x9C20];
	v31 =	vadd.f32 v31, v12  }
0x211: {  	v33 =	vadd.f32 v56, v15;
	[tilespmem:s0+$0x9850] =	vst v27;
	v27 =	vld [tilespmem:s29+$0x3460]  }
0x212: {  	[tilespmem:s29+$0x3420] =	vst v31;
	v31 =	vld [tilespmem:s0+$0x9C30];
	v28 =	vadd.f32 v28, v8  }
0x213: {  	v60 =	vld [tilespmem:s0+$0x9C40];
	v35 =	vadd.f32 v53, v13;
	[tilespmem:s29+$0x3440] =	vst v33  }
0x214: {  	v29 =	vadd.f32 v29, v17;
	[tilespmem:s0+$0x9C10] =	vst v28;
	v28 =	vld [tilespmem:s0+$0x9C50]  }
0x215: {  	v58 =	vld [tilespmem:s29+$0x3800];
	[tilespmem:s0+$0x9870] =	vst v35;
	v30 =	vadd.f32 v30, v5  }
0x216: {  	v27 =	vadd.f32 v27, v18;
	[tilespmem:s29+$0x3450] =	vst v29;
	v29 =	vld [tilespmem:s0+$0x9C60]  }
0x217: {  	v37 =	vld [tilespmem:s29+$0x3820];
	[tilespmem:s0+$0x9C20] =	vst v30;
	v31 =	vadd.f32 v31, v3  }
0x218: {  	v38 =	vld [tilespmem:s29+$0x3830];
	v30 =	vadd.f32 v60, v4;
	[tilespmem:s29+$0x3460] =	vst v27  }
0x219: {  	[tilespmem:s0+$0x9C30] =	vst v31;
	v31 =	vld [tilespmem:s29+$0x3840];
	v28 =	vadd.f32 v28, v6  }
0x21a: {  	v27 =	vld [tilespmem:s29+$0x3850];
	[tilespmem:s0+$0x9C40] =	vst v30;
	v30 =	vadd.f32 v58, v21  }
0x21b: {  	v29 =	vadd.f32 v29, v7;
	[tilespmem:s0+$0x9C50] =	vst v28;
	v28 =	vld [tilespmem:s29+$0x3860]  }
0x21c: {  	v33 =	vadd.f32 v37, v24;
	[tilespmem:s29+$0x3800] =	vst v30;
	v30 =	vld [tilespmem:s29+$0x3870]  }
0x21d: {  	s2 =	simm.s32 $0x0;
	v32 =	vadd.f32 v38, v25;
	[tilespmem:s0+$0x9C60] =	vst v29;
	v29 =	vld [tilespmem:s29+$0x3C00]  }
.LBB2_10:
0x21e: {  	[tilespmem:s29+$0x3820] =	vst v33;
	v31 =	vadd.f32 v31, v22;
	v33 =	vld [tilespmem:s29+$0x3C10];
	s0 =	smov.u32 s2;
	s2 =	sadd.s32 $0x2, s2  }
0x21f: {  	s6 =	sshrl.u32 s2, $0x3;
	s0 =	sadd.s32 $0x23, s0;
	p2 =	slt.u32 s2, $0x1E;
	[tilespmem:s29+$0x3830] =	vst v32;
	v27 =	vadd.f32 v27, v19;
	v32 =	vld [tilespmem:s29+$0x3C20]  }
0x220: {  	s6 =	smul.u32 $0x6000, s6;
	s0 =	sshrl.u32 s0, $0x3;
	[tilespmem:s29+$0x3840] =	vst v31;
	v28 =	vadd.f32 v28, v16;
	v31 =	vld [tilespmem:s29+$0x3C30]  }
0x221: {  	s30 =	sadd.s32 $0x100, s30;
	s11 =	smul.u32 $0x6000, s0;
	[tilespmem:s29+$0x3850] =	vst v27;
	v27 =	vadd.f32 v30, v13;
	v30 =	vld [tilespmem:s29+$0x3C40]  }
0x222: {  	s31 =	sadd.s32 $0x1080, s30;
	s0 =	sand.u32 $0x300, s30;
	s6 =	sshra.s32 s6, $0x2;
	[tilespmem:s29+$0x3860] =	vst v28;
	v28 =	vadd.f32 v29, v10;
	v29 =	vld [tilespmem:s29+$0x3C50]  }
0x223: {  	s0 =	sor.u32 s0, s6;
	s6 =	sand.u32 $0x380, s31;
	s11 =	sshra.s32 s11, $0x2;
	[tilespmem:s29+$0x3870] =	vst v27;
	v27 =	vadd.f32 v33, v8;
	v33 =	vld [tilespmem:s29+$0x3C60]  }
0x224: {  	v34 =	vld [tilespmem:s0+$0x9400];
	s6 =	sor.u32 s6, s11;
	[tilespmem:s29+$0x3C00] =	vst v28;
	v28 =	vadd.f32 v32, v5  }
0x225: {  	v32 =	vld [tilespmem:s6+$0x3C70];
	[tilespmem:s29+$0x3C10] =	vst v27;
	v27 =	vadd.f32 v31, v3  }
0x226: {  	v31 =	vld [tilespmem:s0+$0x9410];
	[tilespmem:s29+$0x3C20] =	vst v28;
	v28 =	vadd.f32 v30, v4  }
0x227: {  	v30 =	vld [tilespmem:s0+$0x9420];
	[tilespmem:s29+$0x3C30] =	vst v27;
	v27 =	vadd.f32 v29, v6  }
0x228: {  	v29 =	vld [tilespmem:s0+$0x9430];
	[tilespmem:s29+$0x3C40] =	vst v28;
	v28 =	vadd.f32 v33, v7  }
0x229: {  	v33 =	vadd.f32 v34, v9;
	v34 =	vld [tilespmem:s0+$0x9440];
	[tilespmem:s29+$0x3C50] =	vst v27  }
0x22a: {  	v27 =	vld [tilespmem:s0+$0x9450];
	v32 =	vadd.f32 v32, v26;
	[tilespmem:s29+$0x3C60] =	vst v28;
	s29 =	smov.u32 s6  }
0x22b: {  	[tilespmem:s0+$0x9400] =	vst v33;
	v28 =	vadd.f32 v31, v11;
	v31 =	vld [tilespmem:s0+$0x9460]  }
0x22c: {  	v30 =	vadd.f32 v30, v12;
	v33 =	vld [tilespmem:s0+$0x9470];
	[tilespmem:s29+$0x3C70] =	vst v32  }
0x22d: {  	[tilespmem:s0+$0x9410] =	vst v28;
	v28 =	vadd.f32 v29, v14;
	v29 =	vld [tilespmem:s0+$0x9800]  }
0x22e: {  	[tilespmem:s0+$0x9420] =	vst v30;
	v30 =	vadd.f32 v34, v15;
	v32 =	vld [tilespmem:s0+$0x9810]  }
0x22f: {  	[tilespmem:s0+$0x9430] =	vst v28;
	v27 =	vadd.f32 v27, v17;
	v28 =	vld [tilespmem:s0+$0x9820]  }
0x230: {  	[tilespmem:s0+$0x9440] =	vst v30;
	v30 =	vadd.f32 v31, v18;
	v31 =	vld [tilespmem:s0+$0x9830]  }
0x231: {  	[tilespmem:s0+$0x9450] =	vst v27;
	v27 =	vadd.f32 v33, v20;
	v33 =	vld [tilespmem:s0+$0x9840]  }
0x232: {  	[tilespmem:s0+$0x9460] =	vst v30;
	v29 =	vadd.f32 v29, v21;
	v30 =	vld [tilespmem:s0+$0x9850]  }
0x233: {  	[tilespmem:s0+$0x9470] =	vst v27;
	v27 =	vadd.f32 v32, v23;
	v32 =	vld [tilespmem:s0+$0x9860]  }
0x234: {  	[tilespmem:s0+$0x9800] =	vst v29;
	v28 =	vadd.f32 v28, v24;
	v29 =	vld [tilespmem:s0+$0x9870]  }
0x235: {  	[tilespmem:s0+$0x9810] =	vst v27;
	v27 =	vadd.f32 v31, v25;
	v31 =	vld [tilespmem:s0+$0x9C00]  }
0x236: {  	[tilespmem:s0+$0x9820] =	vst v28;
	v28 =	vadd.f32 v33, v22;
	v33 =	vld [tilespmem:s0+$0x9C10]  }
0x237: {  	[tilespmem:s0+$0x9830] =	vst v27;
	v27 =	vadd.f32 v30, v19;
	v30 =	vld [tilespmem:s0+$0x9C20]  }
0x238: {  	[tilespmem:s0+$0x9840] =	vst v28;
	v28 =	vadd.f32 v32, v16;
	v32 =	vld [tilespmem:s0+$0x9C30]  }
0x239: {  	[tilespmem:s0+$0x9850] =	vst v27;
	v27 =	vadd.f32 v29, v13;
	v29 =	vld [tilespmem:s0+$0x9C40]  }
0x23a: {  	[tilespmem:s0+$0x9860] =	vst v28;
	v28 =	vadd.f32 v31, v10;
	v31 =	vld [tilespmem:s0+$0x9C50]  }
0x23b: {  	[tilespmem:s0+$0x9870] =	vst v27;
	v27 =	vadd.f32 v33, v8;
	v33 =	vld [tilespmem:s0+$0x9C60]  }
0x23c: {  	[tilespmem:s0+$0x9C00] =	vst v28;
	v28 =	vadd.f32 v30, v5;
	v30 =	vld [tilespmem:s0+$0x9C70]  }
0x23d: {  	[tilespmem:s0+$0x9C10] =	vst v27;
	v27 =	vadd.f32 v32, v3;
	v32 =	vld [tilespmem:s29+$0x3400]  }
0x23e: {  	[tilespmem:s0+$0x9C20] =	vst v28;
	v28 =	vadd.f32 v29, v4;
	v29 =	vld [tilespmem:s29+$0x3410]  }
0x23f: {  	[tilespmem:s0+$0x9C30] =	vst v27;
	v27 =	vadd.f32 v31, v6;
	v31 =	vld [tilespmem:s29+$0x3420]  }
0x240: {  	[tilespmem:s0+$0x9C40] =	vst v28;
	v28 =	vadd.f32 v33, v7;
	v33 =	vld [tilespmem:s29+$0x3430]  }
0x241: {  	[tilespmem:s0+$0x9C50] =	vst v27;
	v27 =	vadd.f32 v30, v26;
	v30 =	vld [tilespmem:s29+$0x3440]  }
0x242: {  	[tilespmem:s0+$0x9C60] =	vst v28;
	v28 =	vadd.f32 v32, v9;
	v32 =	vld [tilespmem:s29+$0x3450]  }
0x243: {  	[tilespmem:s0+$0x9C70] =	vst v27;
	v27 =	vadd.f32 v29, v11;
	v29 =	vld [tilespmem:s29+$0x3460]  }
0x244: {  	[tilespmem:s29+$0x3400] =	vst v28;
	v28 =	vadd.f32 v31, v12;
	v31 =	vld [tilespmem:s29+$0x3470]  }
0x245: {  	[tilespmem:s29+$0x3410] =	vst v27;
	v27 =	vadd.f32 v33, v14;
	v33 =	vld [tilespmem:s29+$0x3800]  }
0x246: {  	[tilespmem:s29+$0x3420] =	vst v28;
	v28 =	vadd.f32 v30, v15;
	v30 =	vld [tilespmem:s29+$0x3810]  }
0x247: {  	[tilespmem:s29+$0x3430] =	vst v27;
	v27 =	vadd.f32 v32, v17;
	v32 =	vld [tilespmem:s29+$0x3820]  }
0x248: {  	[tilespmem:s29+$0x3440] =	vst v28;
	v28 =	vadd.f32 v29, v18;
	v29 =	vld [tilespmem:s29+$0x3830]  }
.Ltmp8:
0x249: {  	[tilespmem:s29+$0x3450] =	vst v27;
	v34 =	vadd.f32 v31, v20;
	v31 =	vld [tilespmem:s29+$0x3840];
	(pc) =	sbr.rel @p2 .LBB2_10-.Ltmp8, $4  }
0x24a: {  	[tilespmem:s29+$0x3460] =	vst v28;
	v33 =	vadd.f32 v33, v21;
	v27 =	vld [tilespmem:s29+$0x3850]  }
0x24b: {  	[tilespmem:s29+$0x3470] =	vst v34;
	v34 =	vadd.f32 v30, v23;
	v28 =	vld [tilespmem:s29+$0x3860]  }
0x24c: {  	[tilespmem:s29+$0x3800] =	vst v33;
	v33 =	vadd.f32 v32, v24;
	v30 =	vld [tilespmem:s29+$0x3870]  }
0x24d: {  	[tilespmem:s29+$0x3810] =	vst v34;
	v32 =	vadd.f32 v29, v25;
	v29 =	vld [tilespmem:s29+$0x3C00]  }
0x24e: {  	[tilespmem:s29+$0x3820] =	vst v33;
	v9 =	vld [tilespmem:s29+$0x3C10];
	v11 =	vadd.f32 v31, v22  }
0x24f: {  	v12 =	vld [tilespmem:s29+$0x3C20];
	[tilespmem:s29+$0x3830] =	vst v32;
	v14 =	vadd.f32 v27, v19  }
0x250: {  	[tilespmem:s29+$0x3840] =	vst v11;
	v11 =	vld [tilespmem:s29+$0x3C30];
	v15 =	vadd.f32 v28, v16  }
0x251: {  	[tilespmem:s29+$0x3850] =	vst v14;
	v14 =	vld [tilespmem:s29+$0x3C40];
	v13 =	vadd.f32 v30, v13  }
0x252: {  	[tilespmem:s29+$0x3860] =	vst v15;
	v15 =	vld [tilespmem:s29+$0x3C50];
	v10 =	vadd.f32 v29, v10  }
0x253: {  	[tilespmem:s29+$0x3870] =	vst v13;
	v8 =	vadd.f32 v9, v8;
	v9 =	vld [tilespmem:s29+$0x3C60]  }
0x254: {  	v5 =	vadd.f32 v12, v5;
	[tilespmem:s29+$0x3C00] =	vst v10  }
0x255: {  	[tilespmem:s29+$0x3C10] =	vst v8;
	v3 =	vadd.f32 v11, v3  }
0x256: {  	[tilespmem:s29+$0x3C20] =	vst v5;
	v4 =	vadd.f32 v14, v4  }
0x257: {  	[tilespmem:s29+$0x3C30] =	vst v3;
	v3 =	vadd.f32 v15, v6  }
0x258: {  	[tilespmem:s29+$0x3C40] =	vst v4;
	v4 =	vadd.f32 v9, v7  }
0x259: {  	[tilespmem:s29+$0x3C50] =	vst v3  }
0x25a: {  	[tilespmem:s29+$0x3C60] =	vst v4  }
0x25b: {  	v9 =	vld [tilespmem:$0x2E80]  }
0x25c: {  	v11 =	vld [tilespmem:$0x2E90]  }
0x25d: {  	v12 =	vld [tilespmem:$0x2EA0]  }
0x25e: {  	v14 =	vld [tilespmem:$0x2EB0]  }
0x25f: {  	v15 =	vld [tilespmem:$0x2EC0]  }
0x260: {  	v17 =	vld [tilespmem:$0x2ED0]  }
0x261: {  	v18 =	vld [tilespmem:$0x2EE0]  }
0x262: {  	v20 =	vld [tilespmem:$0x2EF0]  }
0x263: {  	v21 =	vld [tilespmem:$0x3080]  }
0x264: {  	v23 =	vld [tilespmem:$0x3090]  }
0x265: {  	v24 =	vld [tilespmem:$0x30A0]  }
0x266: {  	v25 =	vld [tilespmem:$0x30B0]  }
0x267: {  	v22 =	vld [tilespmem:$0x30C0]  }
0x268: {  	v19 =	vld [tilespmem:$0x30D0]  }
0x269: {  	v16 =	vld [tilespmem:$0x30E0]  }
0x26a: {  	v13 =	vld [tilespmem:$0x30F0]  }
0x26b: {  	v10 =	vld [tilespmem:$0x3280]  }
0x26c: {  	v8 =	vld [tilespmem:$0x3290]  }
0x26d: {  	v7 =	vld [tilespmem:$0x32A0]  }
0x26e: {  	s0 =	simm.s32 $0x0;
	v3 =	vld [tilespmem:$0x32B0]  }
0x26f: {  	s2 =	simm.s32 $0x4;
	s0 =	smul.u32 $0x6000, s0;
	v4 =	vld [tilespmem:$0x32C0]  }
0x270: {  	s30 =	simm.s32 $0x0;
	s2 =	smul.u32 $0x6000, s2;
	v5 =	vld [tilespmem:$0x32D0]  }
0x271: {  	s11 =	simm.s32 $0x1080;
	s6 =	sand.u32 $0x300, s30;
	s0 =	sshra.s32 s0, $0x2;
	v6 =	vld [tilespmem:$0x32E0]  }
0x272: {  	s31 =	sand.u32 $0x380, s11;
	s2 =	sshra.s32 s2, $0x2;
	s0 =	sor.u32 s6, s0;
	v26 =	vld [tilespmem:$0x32F0]  }
0x273: {  	s29 =	sor.u32 s31, s2;
	v27 =	vld [tilespmem:s0+$0xA000]  }
0x274: {  	v28 =	vld [tilespmem:s29+$0x4870]  }
0x275: {  	v29 =	vld [tilespmem:s0+$0xA010]  }
0x276: {  	v30 =	vld [tilespmem:s0+$0xA020]  }
0x277: {  	v57 =	vld [tilespmem:s29+$0x4070]  }
0x278: {  	v59 =	vld [tilespmem:s29+$0x4410]  }
0x279: {  	v31 =	vld [tilespmem:s0+$0xA030];
	v27 =	vadd.f32 v27, v9  }
0x27a: {  	v32 =	vld [tilespmem:s0+$0xA040];
	v28 =	vadd.f32 v28, v26  }
0x27b: {  	v33 =	vld [tilespmem:s0+$0xA050];
	v30 =	vadd.f32 v30, v12;
	[tilespmem:s0+$0xA000] =	vst v27  }
0x27c: {  	v55 =	vld [tilespmem:s29+$0x4030];
	v62 =	vadd.f32 v57, v20;
	[tilespmem:s29+$0x4870] =	vst v28  }
0x27d: {  	v34 =	vld [tilespmem:s0+$0xA060];
	v63 =	vadd.f32 v59, v23;
	[tilespmem:s0+$0xA020] =	vst v30  }
0x27e: {  	v35 =	vld [tilespmem:s0+$0xA070];
	v27 =	vadd.f32 v29, v11;
	[tilespmem:s29+$0x4070] =	vst v62  }
0x27f: {  	v52 =	vld [tilespmem:s0+$0xA460];
	v30 =	vadd.f32 v32, v15;
	[tilespmem:s29+$0x4410] =	vst v63  }
0x280: {  	v29 =	vld [tilespmem:s0+$0xA410];
	[tilespmem:s0+$0xA010] =	vst v27;
	v27 =	vadd.f32 v31, v14  }
0x281: {  	v28 =	vld [tilespmem:s0+$0xA420];
	v32 =	vadd.f32 v55, v14;
	[tilespmem:s0+$0xA040] =	vst v30  }
0x282: {  	v36 =	vld [tilespmem:s0+$0xA400];
	[tilespmem:s0+$0xA030] =	vst v27;
	v27 =	vadd.f32 v33, v17  }
0x283: {  	v50 =	vld [tilespmem:s0+$0xA440];
	v30 =	vadd.f32 v34, v18;
	[tilespmem:s29+$0x4030] =	vst v32  }
0x284: {  	v61 =	vld [tilespmem:s0+$0xA870];
	[tilespmem:s0+$0xA050] =	vst v27;
	v27 =	vadd.f32 v35, v20  }
0x285: {  	v31 =	vld [tilespmem:s0+$0xA430];
	v34 =	vadd.f32 v52, v16;
	[tilespmem:s0+$0xA060] =	vst v30  }
0x286: {  	v28 =	vadd.f32 v28, v24;
	[tilespmem:s0+$0xA070] =	vst v27;
	v27 =	vadd.f32 v29, v23;
	v29 =	vld [tilespmem:s29+$0x4000]  }
0x287: {  	v54 =	vld [tilespmem:s0+$0xA800];
	v30 =	vadd.f32 v36, v21;
	[tilespmem:s0+$0xA460] =	vst v34  }
0x288: {  	[tilespmem:s0+$0xA420] =	vst v28;
	v28 =	vadd.f32 v50, v22  }
0x289: {  	[tilespmem:s0+$0xA400] =	vst v30;
	v30 =	vld [tilespmem:s29+$0x4010]  }
0x28a: {  	v51 =	vld [tilespmem:s0+$0xA450];
	v32 =	vadd.f32 v61, v26;
	[tilespmem:s0+$0xA440] =	vst v28  }
0x28b: {  	[tilespmem:s0+$0xA410] =	vst v27;
	v27 =	vadd.f32 v31, v25;
	v31 =	vld [tilespmem:s29+$0x4020];
	v28 =	vadd.f32 v29, v9  }
0x28c: {  	v56 =	vld [tilespmem:s29+$0x4040];
	v36 =	vadd.f32 v54, v10;
	[tilespmem:s0+$0xA870] =	vst v32  }
0x28d: {  	[tilespmem:s29+$0x4000] =	vst v28;
	v28 =	vld [tilespmem:s0+$0xA810]  }
0x28e: {  	v53 =	vld [tilespmem:s0+$0xA470];
	[tilespmem:s0+$0xA800] =	vst v36;
	v30 =	vadd.f32 v30, v11  }
0x28f: {  	[tilespmem:s0+$0xA430] =	vst v27;
	v27 =	vadd.f32 v51, v19;
	v29 =	vld [tilespmem:s29+$0x4050]  }
0x290: {  	[tilespmem:s29+$0x4010] =	vst v30;
	v30 =	vld [tilespmem:s0+$0xA820];
	v31 =	vadd.f32 v31, v12  }
0x291: {  	v33 =	vadd.f32 v56, v15;
	[tilespmem:s0+$0xA450] =	vst v27;
	v27 =	vld [tilespmem:s29+$0x4060]  }
0x292: {  	[tilespmem:s29+$0x4020] =	vst v31;
	v31 =	vld [tilespmem:s0+$0xA830];
	v28 =	vadd.f32 v28, v8  }
0x293: {  	v60 =	vld [tilespmem:s0+$0xA840];
	v35 =	vadd.f32 v53, v13;
	[tilespmem:s29+$0x4040] =	vst v33  }
0x294: {  	v29 =	vadd.f32 v29, v17;
	[tilespmem:s0+$0xA810] =	vst v28;
	v28 =	vld [tilespmem:s0+$0xA850]  }
0x295: {  	v58 =	vld [tilespmem:s29+$0x4400];
	[tilespmem:s0+$0xA470] =	vst v35;
	v30 =	vadd.f32 v30, v7  }
0x296: {  	v27 =	vadd.f32 v27, v18;
	[tilespmem:s29+$0x4050] =	vst v29;
	v29 =	vld [tilespmem:s0+$0xA860]  }
0x297: {  	v37 =	vld [tilespmem:s29+$0x4420];
	[tilespmem:s0+$0xA820] =	vst v30;
	v31 =	vadd.f32 v31, v3  }
0x298: {  	v38 =	vld [tilespmem:s29+$0x4430];
	v30 =	vadd.f32 v60, v4;
	[tilespmem:s29+$0x4060] =	vst v27  }
0x299: {  	[tilespmem:s0+$0xA830] =	vst v31;
	v31 =	vld [tilespmem:s29+$0x4440];
	v28 =	vadd.f32 v28, v5  }
0x29a: {  	v27 =	vld [tilespmem:s29+$0x4450];
	[tilespmem:s0+$0xA840] =	vst v30;
	v30 =	vadd.f32 v58, v21  }
0x29b: {  	v29 =	vadd.f32 v29, v6;
	[tilespmem:s0+$0xA850] =	vst v28;
	v28 =	vld [tilespmem:s29+$0x4460]  }
0x29c: {  	v33 =	vadd.f32 v37, v24;
	[tilespmem:s29+$0x4400] =	vst v30;
	v30 =	vld [tilespmem:s29+$0x4470]  }
0x29d: {  	s2 =	simm.s32 $0x0;
	v32 =	vadd.f32 v38, v25;
	[tilespmem:s0+$0xA860] =	vst v29;
	v29 =	vld [tilespmem:s29+$0x4800]  }
.LBB2_12:
0x29e: {  	[tilespmem:s29+$0x4420] =	vst v33;
	v31 =	vadd.f32 v31, v22;
	v33 =	vld [tilespmem:s29+$0x4810];
	s0 =	smov.u32 s2;
	s2 =	sadd.s32 $0x2, s2  }
0x29f: {  	s6 =	sshrl.u32 s2, $0x3;
	s0 =	sadd.s32 $0x23, s0;
	p2 =	slt.u32 s2, $0x1E;
	[tilespmem:s29+$0x4430] =	vst v32;
	v27 =	vadd.f32 v27, v19;
	v32 =	vld [tilespmem:s29+$0x4820]  }
0x2a0: {  	s6 =	smul.u32 $0x6000, s6;
	s0 =	sshrl.u32 s0, $0x3;
	[tilespmem:s29+$0x4440] =	vst v31;
	v28 =	vadd.f32 v28, v16;
	v31 =	vld [tilespmem:s29+$0x4830]  }
0x2a1: {  	s30 =	sadd.s32 $0x100, s30;
	s11 =	smul.u32 $0x6000, s0;
	[tilespmem:s29+$0x4450] =	vst v27;
	v27 =	vadd.f32 v30, v13;
	v30 =	vld [tilespmem:s29+$0x4840]  }
0x2a2: {  	s31 =	sadd.s32 $0x1080, s30;
	s0 =	sand.u32 $0x300, s30;
	s6 =	sshra.s32 s6, $0x2;
	[tilespmem:s29+$0x4460] =	vst v28;
	v28 =	vadd.f32 v29, v10;
	v29 =	vld [tilespmem:s29+$0x4850]  }
0x2a3: {  	s0 =	sor.u32 s0, s6;
	s6 =	sand.u32 $0x380, s31;
	s11 =	sshra.s32 s11, $0x2;
	[tilespmem:s29+$0x4470] =	vst v27;
	v27 =	vadd.f32 v33, v8;
	v33 =	vld [tilespmem:s29+$0x4860]  }
0x2a4: {  	v34 =	vld [tilespmem:s0+$0xA000];
	s6 =	sor.u32 s6, s11;
	[tilespmem:s29+$0x4800] =	vst v28;
	v28 =	vadd.f32 v32, v7  }
0x2a5: {  	v32 =	vld [tilespmem:s6+$0x4870];
	[tilespmem:s29+$0x4810] =	vst v27;
	v27 =	vadd.f32 v31, v3  }
0x2a6: {  	v31 =	vld [tilespmem:s0+$0xA010];
	[tilespmem:s29+$0x4820] =	vst v28;
	v28 =	vadd.f32 v30, v4  }
0x2a7: {  	v30 =	vld [tilespmem:s0+$0xA020];
	[tilespmem:s29+$0x4830] =	vst v27;
	v27 =	vadd.f32 v29, v5  }
0x2a8: {  	v29 =	vld [tilespmem:s0+$0xA030];
	[tilespmem:s29+$0x4840] =	vst v28;
	v28 =	vadd.f32 v33, v6  }
0x2a9: {  	v33 =	vadd.f32 v34, v9;
	v34 =	vld [tilespmem:s0+$0xA040];
	[tilespmem:s29+$0x4850] =	vst v27  }
0x2aa: {  	v27 =	vld [tilespmem:s0+$0xA050];
	v32 =	vadd.f32 v32, v26;
	[tilespmem:s29+$0x4860] =	vst v28;
	s29 =	smov.u32 s6  }
0x2ab: {  	[tilespmem:s0+$0xA000] =	vst v33;
	v28 =	vadd.f32 v31, v11;
	v31 =	vld [tilespmem:s0+$0xA060]  }
0x2ac: {  	v30 =	vadd.f32 v30, v12;
	v33 =	vld [tilespmem:s0+$0xA070];
	[tilespmem:s29+$0x4870] =	vst v32  }
0x2ad: {  	[tilespmem:s0+$0xA010] =	vst v28;
	v28 =	vadd.f32 v29, v14;
	v29 =	vld [tilespmem:s0+$0xA400]  }
0x2ae: {  	[tilespmem:s0+$0xA020] =	vst v30;
	v30 =	vadd.f32 v34, v15;
	v32 =	vld [tilespmem:s0+$0xA410]  }
0x2af: {  	[tilespmem:s0+$0xA030] =	vst v28;
	v27 =	vadd.f32 v27, v17;
	v28 =	vld [tilespmem:s0+$0xA420]  }
0x2b0: {  	[tilespmem:s0+$0xA040] =	vst v30;
	v30 =	vadd.f32 v31, v18;
	v31 =	vld [tilespmem:s0+$0xA430]  }
0x2b1: {  	[tilespmem:s0+$0xA050] =	vst v27;
	v27 =	vadd.f32 v33, v20;
	v33 =	vld [tilespmem:s0+$0xA440]  }
0x2b2: {  	[tilespmem:s0+$0xA060] =	vst v30;
	v29 =	vadd.f32 v29, v21;
	v30 =	vld [tilespmem:s0+$0xA450]  }
0x2b3: {  	[tilespmem:s0+$0xA070] =	vst v27;
	v27 =	vadd.f32 v32, v23;
	v32 =	vld [tilespmem:s0+$0xA460]  }
0x2b4: {  	[tilespmem:s0+$0xA400] =	vst v29;
	v28 =	vadd.f32 v28, v24;
	v29 =	vld [tilespmem:s0+$0xA470]  }
0x2b5: {  	[tilespmem:s0+$0xA410] =	vst v27;
	v27 =	vadd.f32 v31, v25;
	v31 =	vld [tilespmem:s0+$0xA800]  }
0x2b6: {  	[tilespmem:s0+$0xA420] =	vst v28;
	v28 =	vadd.f32 v33, v22;
	v33 =	vld [tilespmem:s0+$0xA810]  }
0x2b7: {  	[tilespmem:s0+$0xA430] =	vst v27;
	v27 =	vadd.f32 v30, v19;
	v30 =	vld [tilespmem:s0+$0xA820]  }
0x2b8: {  	[tilespmem:s0+$0xA440] =	vst v28;
	v28 =	vadd.f32 v32, v16;
	v32 =	vld [tilespmem:s0+$0xA830]  }
0x2b9: {  	[tilespmem:s0+$0xA450] =	vst v27;
	v27 =	vadd.f32 v29, v13;
	v29 =	vld [tilespmem:s0+$0xA840]  }
0x2ba: {  	[tilespmem:s0+$0xA460] =	vst v28;
	v28 =	vadd.f32 v31, v10;
	v31 =	vld [tilespmem:s0+$0xA850]  }
0x2bb: {  	[tilespmem:s0+$0xA470] =	vst v27;
	v27 =	vadd.f32 v33, v8;
	v33 =	vld [tilespmem:s0+$0xA860]  }
0x2bc: {  	[tilespmem:s0+$0xA800] =	vst v28;
	v28 =	vadd.f32 v30, v7;
	v30 =	vld [tilespmem:s0+$0xA870]  }
0x2bd: {  	[tilespmem:s0+$0xA810] =	vst v27;
	v27 =	vadd.f32 v32, v3;
	v32 =	vld [tilespmem:s29+$0x4000]  }
0x2be: {  	[tilespmem:s0+$0xA820] =	vst v28;
	v28 =	vadd.f32 v29, v4;
	v29 =	vld [tilespmem:s29+$0x4010]  }
0x2bf: {  	[tilespmem:s0+$0xA830] =	vst v27;
	v27 =	vadd.f32 v31, v5;
	v31 =	vld [tilespmem:s29+$0x4020]  }
0x2c0: {  	[tilespmem:s0+$0xA840] =	vst v28;
	v28 =	vadd.f32 v33, v6;
	v33 =	vld [tilespmem:s29+$0x4030]  }
0x2c1: {  	[tilespmem:s0+$0xA850] =	vst v27;
	v27 =	vadd.f32 v30, v26;
	v30 =	vld [tilespmem:s29+$0x4040]  }
0x2c2: {  	[tilespmem:s0+$0xA860] =	vst v28;
	v28 =	vadd.f32 v32, v9;
	v32 =	vld [tilespmem:s29+$0x4050]  }
0x2c3: {  	[tilespmem:s0+$0xA870] =	vst v27;
	v27 =	vadd.f32 v29, v11;
	v29 =	vld [tilespmem:s29+$0x4060]  }
0x2c4: {  	[tilespmem:s29+$0x4000] =	vst v28;
	v28 =	vadd.f32 v31, v12;
	v31 =	vld [tilespmem:s29+$0x4070]  }
0x2c5: {  	[tilespmem:s29+$0x4010] =	vst v27;
	v27 =	vadd.f32 v33, v14;
	v33 =	vld [tilespmem:s29+$0x4400]  }
0x2c6: {  	[tilespmem:s29+$0x4020] =	vst v28;
	v28 =	vadd.f32 v30, v15;
	v30 =	vld [tilespmem:s29+$0x4410]  }
0x2c7: {  	[tilespmem:s29+$0x4030] =	vst v27;
	v27 =	vadd.f32 v32, v17;
	v32 =	vld [tilespmem:s29+$0x4420]  }
0x2c8: {  	[tilespmem:s29+$0x4040] =	vst v28;
	v28 =	vadd.f32 v29, v18;
	v29 =	vld [tilespmem:s29+$0x4430]  }
.Ltmp9:
0x2c9: {  	[tilespmem:s29+$0x4050] =	vst v27;
	v34 =	vadd.f32 v31, v20;
	v31 =	vld [tilespmem:s29+$0x4440];
	(pc) =	sbr.rel @p2 .LBB2_12-.Ltmp9, $4  }
0x2ca: {  	[tilespmem:s29+$0x4060] =	vst v28;
	v33 =	vadd.f32 v33, v21;
	v27 =	vld [tilespmem:s29+$0x4450]  }
0x2cb: {  	[tilespmem:s29+$0x4070] =	vst v34;
	v34 =	vadd.f32 v30, v23;
	v28 =	vld [tilespmem:s29+$0x4460]  }
0x2cc: {  	[tilespmem:s29+$0x4400] =	vst v33;
	v33 =	vadd.f32 v32, v24;
	v30 =	vld [tilespmem:s29+$0x4470]  }
0x2cd: {  	[tilespmem:s29+$0x4410] =	vst v34;
	v32 =	vadd.f32 v29, v25;
	v29 =	vld [tilespmem:s29+$0x4800]  }
0x2ce: {  	[tilespmem:s29+$0x4420] =	vst v33;
	v9 =	vld [tilespmem:s29+$0x4810];
	v11 =	vadd.f32 v31, v22  }
0x2cf: {  	v12 =	vld [tilespmem:s29+$0x4820];
	[tilespmem:s29+$0x4430] =	vst v32;
	v14 =	vadd.f32 v27, v19  }
0x2d0: {  	v57 =	vld [tilespmem:s29+$0x4830];
	[tilespmem:s29+$0x4440] =	vst v11;
	v15 =	vadd.f32 v28, v16  }
0x2d1: {  	v58 =	vld [tilespmem:s29+$0x4840];
	[tilespmem:s29+$0x4450] =	vst v14;
	v13 =	vadd.f32 v30, v13  }
0x2d2: {  	v60 =	vld [tilespmem:s29+$0x4860];
	[tilespmem:s29+$0x4460] =	vst v15;
	v10 =	vadd.f32 v29, v10  }
0x2d3: {  	v59 =	vld [tilespmem:s29+$0x4850];
	[tilespmem:s29+$0x4470] =	vst v13;
	v8 =	vadd.f32 v9, v8  }
0x2d4: {  	v7 =	vadd.f32 v12, v7;
	[tilespmem:s29+$0x4800] =	vst v10  }
0x2d5: {  	v3 =	vadd.f32 v57, v3;
	[tilespmem:s29+$0x4810] =	vst v8  }
0x2d6: {  	s0 =	sshll.u32 s28, $0x7;
	v4 =	vadd.f32 v58, v4;
	[tilespmem:s29+$0x4820] =	vst v7  }
0x2d7: {  	s0 =	sor.u32 s10, s0;
	v61 =	vadd.f32 v60, v6;
	[tilespmem:s29+$0x4830] =	vst v3  }
0x2d8: {  	s0 =	smul.u32 $0x300, s0;
	v3 =	vadd.f32 v59, v5;
	[tilespmem:s29+$0x4840] =	vst v4  }
0x2d9: {  	[tilespmem:s29+$0x4860] =	vst v61  }
0x2da: {  	s0 =	sadd.s32 s4, s0;
	[tilespmem:s29+$0x4850] =	vst v3  }
0x2db: {  	[hbm4b:s0+s5] =	stream.linear.scatter [tilespmem:s13], [sflag:$0x6], $0x6000, $0x38;
	[tilespmem:$0x1B400] =	vst v63  }
0x2dc: {  	s2 =	sor.u32 @!p0 $0x3, s25;
	s0 =	simm.s32 @!p0 $0x8  }
0x2dd: {  	s2 =	simm.s32 @p0 $0x3;
	_ =	swait.ge @!p0 [sflag:s0], $0x6000  }
0x2de: {  	s2 =	sshll.u32 s2, $0x7;
	[sflag:s0] =	ssyncset.done @!p0 $0x0  }
0x2df: {  	s11 =	sand.u32 $0x3FFFFF80, s2;
	[sflag:s0] =	ssyncadd.s32 @!p0 $0xFFFFA000  }
0x2e0: {  	v3 =	vld [tilespmem:s11+$0x0];
	_ =	sdelay $0x4  }
0x2e1: {  	v62 =	vshrl.u32 v3, $0x3  }
0x2e2: {  	v4 =	vmul.u32 $0x30, v62  }
0x2e3: {  	v3 =	vand.u32 $0x7, v3  }
0x2e4: {  	v3 =	vor.u32 v3, v4  }
0x2e5: {  	v4 =	vperm.xlane v3, v0;
	_ =	sdelay $0x1  }
0x2e6: {  	v4 =	vadd.s32 v1, v4;
	_ =	sdelay $0x3  }
0x2e7: {  	v3 =	vperm.xlane v3, v2  }
0x2e8: {  	[tilespmem:s19], [sflag:$0x4] =	stream.indirect_vreg.gather [hbm4b:s1+s5], $0x80, v4, vm0, $0xb8;
	[tilespmem:$0x1B400] =	vst v63  }
0x2e9: {  	s6 =	simm.s32 $0x15C00;
	v3 =	vadd.s32 v1, v3  }
0x2ea: {  	[tilespmem:s6], [sflag:$0x4] =	stream.indirect_vreg.gather [hbm4b:s7+s5], $0x80, v4, vm0, $0xb8;
	[tilespmem:$0x1B400] =	vst v63  }
0x2eb: {  	s28 =	simm.s32 $0x16400  }
0x2ec: {  	[tilespmem:s28], [sflag:$0x4] =	stream.indirect_vreg.gather [hbm4b:s8+s5], $0x80, v4, vm0, $0xb8;
	[tilespmem:$0x1B400] =	vst v63  }
0x2ed: {  	s29 =	simm.s32 $0x16C00  }
0x2ee: {  	[tilespmem:s29], [sflag:$0x4] =	stream.indirect_vreg.gather [hbm4b:s1+s5], $0x80, v3, vm0, $0xb8;
	[tilespmem:$0x1B400] =	vst v63  }
0x2ef: {  	s30 =	simm.s32 $0x17400  }
0x2f0: {  	[tilespmem:s30], [sflag:$0x4] =	stream.indirect_vreg.gather [hbm4b:s7+s5], $0x80, v3, vm0, $0xb8;
	[tilespmem:$0x1B400] =	vst v63  }
0x2f1: {  	s31 =	simm.s32 $0x17C00  }
0x2f2: {  	[tilespmem:s31], [sflag:$0x4] =	stream.indirect_vreg.gather [hbm4b:s8+s5], $0x80, v3, vm0, $0xb8;
	[tilespmem:$0x1B400] =	vst v63  }
0x2f3: {  	v3 =	vld [tilespmem:s11+$0x10];
	_ =	sdelay $0x4  }
0x2f4: {  	v63 =	vshrl.u32 v3, $0x3  }
0x2f5: {  	v4 =	vmul.u32 $0x30, v63  }
0x2f6: {  	v3 =	vand.u32 $0x7, v3  }
0x2f7: {  	v3 =	vor.u32 v3, v4  }
0x2f8: {  	v4 =	vperm.xlane v3, v0;
	_ =	sdelay $0x1  }
0x2f9: {  	v4 =	vadd.s32 v1, v4;
	_ =	sdelay $0x3  }
0x2fa: {  	s6 =	simm.s32 $0x18400;
	v3 =	vperm.xlane v3, v2  }
0x2fb: {  	[tilespmem:s6], [sflag:$0x4] =	stream.indirect_vreg.gather [hbm4b:s1+s5], $0x80, v4, vm0, $0xb8;
	[tilespmem:$0x1B400] =	vst v63  }
0x2fc: {  	s11 =	simm.s32 $0x18C00;
	v3 =	vadd.s32 v1, v3  }
0x2fd: {  	[tilespmem:s11], [sflag:$0x4] =	stream.indirect_vreg.gather [hbm4b:s7+s5], $0x80, v4, vm0, $0xb8;
	[tilespmem:$0x1B400] =	vst v63  }
0x2fe: {  	s28 =	simm.s32 $0x19400;
	s6 =	sshrl.u32 s24, $0x1  }
0x2ff: {  	[tilespmem:s28], [sflag:$0x4] =	stream.indirect_vreg.gather [hbm4b:s8+s5], $0x80, v4, vm0, $0xb8;
	[tilespmem:$0x1B400] =	vst v63  }
0x300: {  	s2 =	sand.u32 $0x380, s2;
	s29 =	simm.s32 $0x19C00;
	s0 =	smul.u32 $0x1800, s6  }
0x301: {  	[tilespmem:s29], [sflag:$0x4] =	stream.indirect_vreg.gather [hbm4b:s1+s5], $0x80, v3, vm0, $0xb8;
	[tilespmem:$0x1B400] =	vst v63  }
0x302: {  	s30 =	simm.s32 $0x1A400;
	s0 =	sor.u32 s0, s2  }
0x303: {  	[tilespmem:s30], [sflag:$0x4] =	stream.indirect_vreg.gather [hbm4b:s7+s5], $0x80, v3, vm0, $0xb8;
	[tilespmem:$0x1B400] =	vst v63  }
0x304: {  	s31 =	simm.s32 $0x1AC00;
	s0 =	sshrl.u32 s0, $0x3  }
0x305: {  	[tilespmem:s31], [sflag:$0x4] =	stream.indirect_vreg.gather [hbm4b:s8+s5], $0x80, v3, vm0, $0xb8;
	[tilespmem:$0x1B400] =	vst v63  }
0x306: {  	s11 =	simm.s32 $0x2980;
	s0 =	sadd.s32 s3, s0  }
0x307: {  	[tilespmem:s11], [sflag:$0x4] =	stream.linear.gather [hbm4b:s0+s5], $0x80, $0x38;
	[tilespmem:$0x1B400] =	vst v63  }
0x308: {  	s28 =	sadd.s32 $0x80, s0;
	s29 =	simm.s32 $0x2B80  }
0x309: {  	[tilespmem:s29], [sflag:$0x4] =	stream.linear.gather [hbm4b:s28+s5], $0x80, $0x38;
	[tilespmem:$0x1B400] =	vst v63  }
0x30a: {  	s30 =	sadd.s32 $0x100, s0;
	s31 =	simm.s32 $0x2D80  }
0x30b: {  	[tilespmem:s31], [sflag:$0x4] =	stream.linear.gather [hbm4b:s30+s5], $0x80, $0x38;
	[tilespmem:$0x1B400] =	vst v63  }
0x30c: {  	s11 =	sadd.s32 $0x180, s0;
	s28 =	simm.s32 $0x2F80  }
0x30d: {  	[tilespmem:s28], [sflag:$0x4] =	stream.linear.gather [hbm4b:s11+s5], $0x80, $0x38;
	[tilespmem:$0x1B400] =	vst v63  }
0x30e: {  	s29 =	sadd.s32 $0x200, s0;
	s30 =	simm.s32 $0x3180  }
0x30f: {  	[tilespmem:s30], [sflag:$0x4] =	stream.linear.gather [hbm4b:s29+s5], $0x80, $0x38;
	[tilespmem:$0x1B400] =	vst v63  }
0x310: {  	s0 =	sadd.s32 $0x280, s0;
	s31 =	simm.s32 $0x3380  }
0x311: {  	[tilespmem:s31], [sflag:$0x4] =	stream.linear.gather [hbm4b:s0+s5], $0x80, $0x38;
	[tilespmem:$0x1B400] =	vst v63  }
.LBB2_14:
.Ltmp10:
0x312: {  	(pc) =	sbr.rel @!p1 .LBB2_21-.Ltmp10, $1  }
0x313: {  	_ =	sdelay $0x3  }
0x314: {  	_ =	swait.ge [sflag:s14], $0x6000  }
0x315: {  	[sflag:s14] =	ssyncset.done $0x0  }
0x316: {  	[sflag:s14] =	ssyncadd.s32 $0xFFFFA000  }
0x317: {  	_ =	swait.ge [sflag:s14], $0x300  }
0x318: {  	[sflag:s14] =	ssyncset.done $0x0  }
0x319: {  	[sflag:s14] =	ssyncadd.s32 $0xFFFFFD00  }
0x31a: {  	v9 =	vld [tilespmem:$0x2900]  }
0x31b: {  	v11 =	vld [tilespmem:$0x2910]  }
0x31c: {  	v12 =	vld [tilespmem:$0x2920]  }
0x31d: {  	v14 =	vld [tilespmem:$0x2930]  }
0x31e: {  	v15 =	vld [tilespmem:$0x2940]  }
0x31f: {  	v17 =	vld [tilespmem:$0x2950]  }
0x320: {  	v18 =	vld [tilespmem:$0x2960]  }
0x321: {  	v20 =	vld [tilespmem:$0x2970]  }
0x322: {  	v21 =	vld [tilespmem:$0x2B00]  }
0x323: {  	v23 =	vld [tilespmem:$0x2B10]  }
0x324: {  	v24 =	vld [tilespmem:$0x2B20]  }
0x325: {  	v25 =	vld [tilespmem:$0x2B30]  }
0x326: {  	v22 =	vld [tilespmem:$0x2B40]  }
0x327: {  	v19 =	vld [tilespmem:$0x2B50]  }
0x328: {  	v16 =	vld [tilespmem:$0x2B60]  }
0x329: {  	v13 =	vld [tilespmem:$0x2B70]  }
0x32a: {  	v10 =	vld [tilespmem:$0x2D00]  }
0x32b: {  	v8 =	vld [tilespmem:$0x2D10]  }
0x32c: {  	v5 =	vld [tilespmem:$0x2D20]  }
0x32d: {  	s0 =	simm.s32 $0x0;
	v3 =	vld [tilespmem:$0x2D30]  }
0x32e: {  	s2 =	simm.s32 $0x8;
	s0 =	smul.u32 $0x6000, s0;
	v4 =	vld [tilespmem:$0x2D40]  }
0x32f: {  	s29 =	simm.s32 $0x0;
	s2 =	smul.u32 $0x6000, s2;
	v6 =	vld [tilespmem:$0x2D50]  }
0x330: {  	s11 =	simm.s32 $0x2080;
	s6 =	sand.u32 $0x300, s29;
	s0 =	sshra.s32 s0, $0x2;
	v7 =	vld [tilespmem:$0x2D60]  }
0x331: {  	s31 =	sand.u32 $0x380, s11;
	s2 =	sshra.s32 s2, $0x2;
	s0 =	sor.u32 s6, s0;
	v26 =	vld [tilespmem:$0x2D70]  }
0x332: {  	s28 =	sor.u32 s31, s2;
	v27 =	vld [tilespmem:s0+$0xF400]  }
0x333: {  	v28 =	vld [tilespmem:s28+$0x3C70]  }
0x334: {  	v29 =	vld [tilespmem:s0+$0xF410]  }
0x335: {  	v30 =	vld [tilespmem:s0+$0xF420]  }
0x336: {  	v57 =	vld [tilespmem:s28+$0x3470]  }
0x337: {  	v59 =	vld [tilespmem:s28+$0x3810]  }
0x338: {  	v31 =	vld [tilespmem:s0+$0xF430];
	v27 =	vadd.f32 v27, v9  }
0x339: {  	v32 =	vld [tilespmem:s0+$0xF440];
	v28 =	vadd.f32 v28, v26  }
0x33a: {  	v33 =	vld [tilespmem:s0+$0xF450];
	v30 =	vadd.f32 v30, v12;
	[tilespmem:s0+$0xF400] =	vst v27  }
0x33b: {  	v55 =	vld [tilespmem:s28+$0x3430];
	v62 =	vadd.f32 v57, v20;
	[tilespmem:s28+$0x3C70] =	vst v28  }
0x33c: {  	v34 =	vld [tilespmem:s0+$0xF460];
	v63 =	vadd.f32 v59, v23;
	[tilespmem:s0+$0xF420] =	vst v30  }
0x33d: {  	v35 =	vld [tilespmem:s0+$0xF470];
	v27 =	vadd.f32 v29, v11;
	[tilespmem:s28+$0x3470] =	vst v62  }
0x33e: {  	v52 =	vld [tilespmem:s0+$0xF860];
	v30 =	vadd.f32 v32, v15;
	[tilespmem:s28+$0x3810] =	vst v63  }
0x33f: {  	v29 =	vld [tilespmem:s0+$0xF810];
	[tilespmem:s0+$0xF410] =	vst v27;
	v27 =	vadd.f32 v31, v14  }
0x340: {  	v28 =	vld [tilespmem:s0+$0xF820];
	v32 =	vadd.f32 v55, v14;
	[tilespmem:s0+$0xF440] =	vst v30  }
0x341: {  	v36 =	vld [tilespmem:s0+$0xF800];
	[tilespmem:s0+$0xF430] =	vst v27;
	v27 =	vadd.f32 v33, v17  }
0x342: {  	v50 =	vld [tilespmem:s0+$0xF840];
	v30 =	vadd.f32 v34, v18;
	[tilespmem:s28+$0x3430] =	vst v32  }
0x343: {  	v61 =	vld [tilespmem:s0+$0xFC70];
	[tilespmem:s0+$0xF450] =	vst v27;
	v27 =	vadd.f32 v35, v20  }
0x344: {  	v31 =	vld [tilespmem:s0+$0xF830];
	v34 =	vadd.f32 v52, v16;
	[tilespmem:s0+$0xF460] =	vst v30  }
0x345: {  	v28 =	vadd.f32 v28, v24;
	[tilespmem:s0+$0xF470] =	vst v27;
	v27 =	vadd.f32 v29, v23;
	v29 =	vld [tilespmem:s28+$0x3400]  }
0x346: {  	v54 =	vld [tilespmem:s0+$0xFC00];
	v30 =	vadd.f32 v36, v21;
	[tilespmem:s0+$0xF860] =	vst v34  }
0x347: {  	[tilespmem:s0+$0xF820] =	vst v28;
	v28 =	vadd.f32 v50, v22  }
0x348: {  	[tilespmem:s0+$0xF800] =	vst v30;
	v30 =	vld [tilespmem:s28+$0x3410]  }
0x349: {  	v51 =	vld [tilespmem:s0+$0xF850];
	v32 =	vadd.f32 v61, v26;
	[tilespmem:s0+$0xF840] =	vst v28  }
0x34a: {  	[tilespmem:s0+$0xF810] =	vst v27;
	v27 =	vadd.f32 v31, v25;
	v31 =	vld [tilespmem:s28+$0x3420];
	v28 =	vadd.f32 v29, v9  }
0x34b: {  	v56 =	vld [tilespmem:s28+$0x3440];
	v36 =	vadd.f32 v54, v10;
	[tilespmem:s0+$0xFC70] =	vst v32  }
0x34c: {  	[tilespmem:s28+$0x3400] =	vst v28;
	v28 =	vld [tilespmem:s0+$0xFC10]  }
0x34d: {  	v53 =	vld [tilespmem:s0+$0xF870];
	[tilespmem:s0+$0xFC00] =	vst v36;
	v30 =	vadd.f32 v30, v11  }
0x34e: {  	[tilespmem:s0+$0xF830] =	vst v27;
	v27 =	vadd.f32 v51, v19;
	v29 =	vld [tilespmem:s28+$0x3450]  }
0x34f: {  	[tilespmem:s28+$0x3410] =	vst v30;
	v30 =	vld [tilespmem:s0+$0xFC20];
	v31 =	vadd.f32 v31, v12  }
0x350: {  	v33 =	vadd.f32 v56, v15;
	[tilespmem:s0+$0xF850] =	vst v27;
	v27 =	vld [tilespmem:s28+$0x3460]  }
0x351: {  	[tilespmem:s28+$0x3420] =	vst v31;
	v31 =	vld [tilespmem:s0+$0xFC30];
	v28 =	vadd.f32 v28, v8  }
0x352: {  	v60 =	vld [tilespmem:s0+$0xFC40];
	v35 =	vadd.f32 v53, v13;
	[tilespmem:s28+$0x3440] =	vst v33  }
0x353: {  	v29 =	vadd.f32 v29, v17;
	[tilespmem:s0+$0xFC10] =	vst v28;
	v28 =	vld [tilespmem:s0+$0xFC50]  }
0x354: {  	v58 =	vld [tilespmem:s28+$0x3800];
	[tilespmem:s0+$0xF870] =	vst v35;
	v30 =	vadd.f32 v30, v5  }
0x355: {  	v27 =	vadd.f32 v27, v18;
	[tilespmem:s28+$0x3450] =	vst v29;
	v29 =	vld [tilespmem:s0+$0xFC60]  }
0x356: {  	v37 =	vld [tilespmem:s28+$0x3820];
	[tilespmem:s0+$0xFC20] =	vst v30;
	v31 =	vadd.f32 v31, v3  }
0x357: {  	v38 =	vld [tilespmem:s28+$0x3830];
	v30 =	vadd.f32 v60, v4;
	[tilespmem:s28+$0x3460] =	vst v27  }
0x358: {  	[tilespmem:s0+$0xFC30] =	vst v31;
	v31 =	vld [tilespmem:s28+$0x3840];
	v28 =	vadd.f32 v28, v6  }
0x359: {  	v27 =	vld [tilespmem:s28+$0x3850];
	[tilespmem:s0+$0xFC40] =	vst v30;
	v30 =	vadd.f32 v58, v21  }
0x35a: {  	v29 =	vadd.f32 v29, v7;
	[tilespmem:s0+$0xFC50] =	vst v28;
	v28 =	vld [tilespmem:s28+$0x3860]  }
0x35b: {  	v33 =	vadd.f32 v37, v24;
	[tilespmem:s28+$0x3800] =	vst v30;
	v30 =	vld [tilespmem:s28+$0x3870]  }
0x35c: {  	s2 =	simm.s32 $0x0;
	v32 =	vadd.f32 v38, v25;
	[tilespmem:s0+$0xFC60] =	vst v29;
	v29 =	vld [tilespmem:s28+$0x3C00]  }
.LBB2_16:
0x35d: {  	[tilespmem:s28+$0x3820] =	vst v33;
	v31 =	vadd.f32 v31, v22;
	v33 =	vld [tilespmem:s28+$0x3C10];
	s0 =	smov.u32 s2;
	s2 =	sadd.s32 $0x2, s2  }
0x35e: {  	s6 =	sshrl.u32 s2, $0x3;
	s0 =	sadd.s32 $0x43, s0;
	p0 =	slt.u32 s2, $0x1E;
	[tilespmem:s28+$0x3830] =	vst v32;
	v27 =	vadd.f32 v27, v19;
	v32 =	vld [tilespmem:s28+$0x3C20]  }
0x35f: {  	s6 =	smul.u32 $0x6000, s6;
	s0 =	sshrl.u32 s0, $0x3;
	[tilespmem:s28+$0x3840] =	vst v31;
	v28 =	vadd.f32 v28, v16;
	v31 =	vld [tilespmem:s28+$0x3C30]  }
0x360: {  	s29 =	sadd.s32 $0x100, s29;
	s11 =	smul.u32 $0x6000, s0;
	[tilespmem:s28+$0x3850] =	vst v27;
	v27 =	vadd.f32 v30, v13;
	v30 =	vld [tilespmem:s28+$0x3C40]  }
0x361: {  	s30 =	sadd.s32 $0x2080, s29;
	s0 =	sand.u32 $0x300, s29;
	s6 =	sshra.s32 s6, $0x2;
	[tilespmem:s28+$0x3860] =	vst v28;
	v28 =	vadd.f32 v29, v10;
	v29 =	vld [tilespmem:s28+$0x3C50]  }
0x362: {  	s0 =	sor.u32 s0, s6;
	s6 =	sand.u32 $0x380, s30;
	s11 =	sshra.s32 s11, $0x2;
	[tilespmem:s28+$0x3870] =	vst v27;
	v27 =	vadd.f32 v33, v8;
	v33 =	vld [tilespmem:s28+$0x3C60]  }
0x363: {  	v34 =	vld [tilespmem:s0+$0xF400];
	s6 =	sor.u32 s6, s11;
	[tilespmem:s28+$0x3C00] =	vst v28;
	v28 =	vadd.f32 v32, v5  }
0x364: {  	v32 =	vld [tilespmem:s6+$0x3C70];
	[tilespmem:s28+$0x3C10] =	vst v27;
	v27 =	vadd.f32 v31, v3  }
0x365: {  	v31 =	vld [tilespmem:s0+$0xF410];
	[tilespmem:s28+$0x3C20] =	vst v28;
	v28 =	vadd.f32 v30, v4  }
0x366: {  	v30 =	vld [tilespmem:s0+$0xF420];
	[tilespmem:s28+$0x3C30] =	vst v27;
	v27 =	vadd.f32 v29, v6  }
0x367: {  	v29 =	vld [tilespmem:s0+$0xF430];
	[tilespmem:s28+$0x3C40] =	vst v28;
	v28 =	vadd.f32 v33, v7  }
0x368: {  	v33 =	vadd.f32 v34, v9;
	v34 =	vld [tilespmem:s0+$0xF440];
	[tilespmem:s28+$0x3C50] =	vst v27  }
0x369: {  	v27 =	vld [tilespmem:s0+$0xF450];
	v32 =	vadd.f32 v32, v26;
	[tilespmem:s28+$0x3C60] =	vst v28;
	s28 =	smov.u32 s6  }
0x36a: {  	[tilespmem:s0+$0xF400] =	vst v33;
	v28 =	vadd.f32 v31, v11;
	v31 =	vld [tilespmem:s0+$0xF460]  }
0x36b: {  	v30 =	vadd.f32 v30, v12;
	v33 =	vld [tilespmem:s0+$0xF470];
	[tilespmem:s28+$0x3C70] =	vst v32  }
0x36c: {  	[tilespmem:s0+$0xF410] =	vst v28;
	v28 =	vadd.f32 v29, v14;
	v29 =	vld [tilespmem:s0+$0xF800]  }
0x36d: {  	[tilespmem:s0+$0xF420] =	vst v30;
	v30 =	vadd.f32 v34, v15;
	v32 =	vld [tilespmem:s0+$0xF810]  }
0x36e: {  	[tilespmem:s0+$0xF430] =	vst v28;
	v27 =	vadd.f32 v27, v17;
	v28 =	vld [tilespmem:s0+$0xF820]  }
0x36f: {  	[tilespmem:s0+$0xF440] =	vst v30;
	v30 =	vadd.f32 v31, v18;
	v31 =	vld [tilespmem:s0+$0xF830]  }
0x370: {  	[tilespmem:s0+$0xF450] =	vst v27;
	v27 =	vadd.f32 v33, v20;
	v33 =	vld [tilespmem:s0+$0xF840]  }
0x371: {  	[tilespmem:s0+$0xF460] =	vst v30;
	v29 =	vadd.f32 v29, v21;
	v30 =	vld [tilespmem:s0+$0xF850]  }
0x372: {  	[tilespmem:s0+$0xF470] =	vst v27;
	v27 =	vadd.f32 v32, v23;
	v32 =	vld [tilespmem:s0+$0xF860]  }
0x373: {  	[tilespmem:s0+$0xF800] =	vst v29;
	v28 =	vadd.f32 v28, v24;
	v29 =	vld [tilespmem:s0+$0xF870]  }
0x374: {  	[tilespmem:s0+$0xF810] =	vst v27;
	v27 =	vadd.f32 v31, v25;
	v31 =	vld [tilespmem:s0+$0xFC00]  }
0x375: {  	[tilespmem:s0+$0xF820] =	vst v28;
	v28 =	vadd.f32 v33, v22;
	v33 =	vld [tilespmem:s0+$0xFC10]  }
0x376: {  	[tilespmem:s0+$0xF830] =	vst v27;
	v27 =	vadd.f32 v30, v19;
	v30 =	vld [tilespmem:s0+$0xFC20]  }
0x377: {  	[tilespmem:s0+$0xF840] =	vst v28;
	v28 =	vadd.f32 v32, v16;
	v32 =	vld [tilespmem:s0+$0xFC30]  }
0x378: {  	[tilespmem:s0+$0xF850] =	vst v27;
	v27 =	vadd.f32 v29, v13;
	v29 =	vld [tilespmem:s0+$0xFC40]  }
0x379: {  	[tilespmem:s0+$0xF860] =	vst v28;
	v28 =	vadd.f32 v31, v10;
	v31 =	vld [tilespmem:s0+$0xFC50]  }
0x37a: {  	[tilespmem:s0+$0xF870] =	vst v27;
	v27 =	vadd.f32 v33, v8;
	v33 =	vld [tilespmem:s0+$0xFC60]  }
0x37b: {  	[tilespmem:s0+$0xFC00] =	vst v28;
	v28 =	vadd.f32 v30, v5;
	v30 =	vld [tilespmem:s0+$0xFC70]  }
0x37c: {  	[tilespmem:s0+$0xFC10] =	vst v27;
	v27 =	vadd.f32 v32, v3;
	v32 =	vld [tilespmem:s28+$0x3400]  }
0x37d: {  	[tilespmem:s0+$0xFC20] =	vst v28;
	v28 =	vadd.f32 v29, v4;
	v29 =	vld [tilespmem:s28+$0x3410]  }
0x37e: {  	[tilespmem:s0+$0xFC30] =	vst v27;
	v27 =	vadd.f32 v31, v6;
	v31 =	vld [tilespmem:s28+$0x3420]  }
0x37f: {  	[tilespmem:s0+$0xFC40] =	vst v28;
	v28 =	vadd.f32 v33, v7;
	v33 =	vld [tilespmem:s28+$0x3430]  }
0x380: {  	[tilespmem:s0+$0xFC50] =	vst v27;
	v27 =	vadd.f32 v30, v26;
	v30 =	vld [tilespmem:s28+$0x3440]  }
0x381: {  	[tilespmem:s0+$0xFC60] =	vst v28;
	v28 =	vadd.f32 v32, v9;
	v32 =	vld [tilespmem:s28+$0x3450]  }
0x382: {  	[tilespmem:s0+$0xFC70] =	vst v27;
	v27 =	vadd.f32 v29, v11;
	v29 =	vld [tilespmem:s28+$0x3460]  }
0x383: {  	[tilespmem:s28+$0x3400] =	vst v28;
	v28 =	vadd.f32 v31, v12;
	v31 =	vld [tilespmem:s28+$0x3470]  }
0x384: {  	[tilespmem:s28+$0x3410] =	vst v27;
	v27 =	vadd.f32 v33, v14;
	v33 =	vld [tilespmem:s28+$0x3800]  }
0x385: {  	[tilespmem:s28+$0x3420] =	vst v28;
	v28 =	vadd.f32 v30, v15;
	v30 =	vld [tilespmem:s28+$0x3810]  }
0x386: {  	[tilespmem:s28+$0x3430] =	vst v27;
	v27 =	vadd.f32 v32, v17;
	v32 =	vld [tilespmem:s28+$0x3820]  }
0x387: {  	[tilespmem:s28+$0x3440] =	vst v28;
	v28 =	vadd.f32 v29, v18;
	v29 =	vld [tilespmem:s28+$0x3830]  }
.Ltmp11:
0x388: {  	[tilespmem:s28+$0x3450] =	vst v27;
	v34 =	vadd.f32 v31, v20;
	v31 =	vld [tilespmem:s28+$0x3840];
	(pc) =	sbr.rel @p0 .LBB2_16-.Ltmp11, $4  }
0x389: {  	[tilespmem:s28+$0x3460] =	vst v28;
	v33 =	vadd.f32 v33, v21;
	v27 =	vld [tilespmem:s28+$0x3850]  }
0x38a: {  	[tilespmem:s28+$0x3470] =	vst v34;
	v34 =	vadd.f32 v30, v23;
	v28 =	vld [tilespmem:s28+$0x3860]  }
0x38b: {  	[tilespmem:s28+$0x3800] =	vst v33;
	v33 =	vadd.f32 v32, v24;
	v30 =	vld [tilespmem:s28+$0x3870]  }
0x38c: {  	[tilespmem:s28+$0x3810] =	vst v34;
	v32 =	vadd.f32 v29, v25;
	v29 =	vld [tilespmem:s28+$0x3C00]  }
0x38d: {  	[tilespmem:s28+$0x3820] =	vst v33;
	v9 =	vld [tilespmem:s28+$0x3C10];
	v11 =	vadd.f32 v31, v22  }
0x38e: {  	v12 =	vld [tilespmem:s28+$0x3C20];
	[tilespmem:s28+$0x3830] =	vst v32;
	v14 =	vadd.f32 v27, v19  }
0x38f: {  	[tilespmem:s28+$0x3840] =	vst v11;
	v11 =	vld [tilespmem:s28+$0x3C30];
	v15 =	vadd.f32 v28, v16  }
0x390: {  	[tilespmem:s28+$0x3850] =	vst v14;
	v14 =	vld [tilespmem:s28+$0x3C40];
	v13 =	vadd.f32 v30, v13  }
0x391: {  	[tilespmem:s28+$0x3860] =	vst v15;
	v15 =	vld [tilespmem:s28+$0x3C50];
	v10 =	vadd.f32 v29, v10  }
0x392: {  	[tilespmem:s28+$0x3870] =	vst v13;
	v8 =	vadd.f32 v9, v8;
	v9 =	vld [tilespmem:s28+$0x3C60]  }
0x393: {  	v5 =	vadd.f32 v12, v5;
	[tilespmem:s28+$0x3C00] =	vst v10  }
0x394: {  	[tilespmem:s28+$0x3C10] =	vst v8;
	v3 =	vadd.f32 v11, v3  }
0x395: {  	[tilespmem:s28+$0x3C20] =	vst v5;
	v4 =	vadd.f32 v14, v4  }
0x396: {  	[tilespmem:s28+$0x3C30] =	vst v3;
	v3 =	vadd.f32 v15, v6  }
0x397: {  	[tilespmem:s28+$0x3C40] =	vst v4;
	v4 =	vadd.f32 v9, v7  }
0x398: {  	[tilespmem:s28+$0x3C50] =	vst v3  }
0x399: {  	[tilespmem:s28+$0x3C60] =	vst v4  }
0x39a: {  	v6 =	vld [tilespmem:$0x2F00]  }
0x39b: {  	v7 =	vld [tilespmem:$0x2F10]  }
0x39c: {  	v8 =	vld [tilespmem:$0x2F20]  }
0x39d: {  	v9 =	vld [tilespmem:$0x2F30]  }
0x39e: {  	v10 =	vld [tilespmem:$0x2F40]  }
0x39f: {  	v12 =	vld [tilespmem:$0x2F50]  }
0x3a0: {  	v14 =	vld [tilespmem:$0x2F60]  }
0x3a1: {  	v15 =	vld [tilespmem:$0x2F70]  }
0x3a2: {  	v16 =	vld [tilespmem:$0x3100]  }
0x3a3: {  	v17 =	vld [tilespmem:$0x3110]  }
0x3a4: {  	v19 =	vld [tilespmem:$0x3120]  }
0x3a5: {  	v20 =	vld [tilespmem:$0x3130]  }
0x3a6: {  	v21 =	vld [tilespmem:$0x3140]  }
0x3a7: {  	v23 =	vld [tilespmem:$0x3150]  }
0x3a8: {  	v24 =	vld [tilespmem:$0x3160]  }
0x3a9: {  	v26 =	vld [tilespmem:$0x3170]  }
0x3aa: {  	v22 =	vld [tilespmem:$0x3300]  }
0x3ab: {  	s0 =	simm.s32 $0x0;
	v4 =	vld [tilespmem:$0x3310]  }
0x3ac: {  	s0 =	smul.u32 $0x6000, s0;
	v3 =	vld [tilespmem:$0x3320]  }
0x3ad: {  	s2 =	simm.s32 $0x0;
	v5 =	vld [tilespmem:$0x3330]  }
0x3ae: {  	s6 =	simm.s32 $0x8;
	s2 =	sand.u32 $0x300, s2;
	s0 =	sshra.s32 s0, $0x2;
	v25 =	vld [tilespmem:$0x3340]  }
0x3af: {  	s6 =	smul.u32 $0x6000, s6;
	s0 =	sor.u32 s2, s0;
	v11 =	vld [tilespmem:$0x3350]  }
0x3b0: {  	s11 =	simm.s32 $0x2080;
	v27 =	vld [tilespmem:s0+$0x10000]  }
0x3b1: {  	s6 =	sshra.s32 s6, $0x2;
	s2 =	sand.u32 $0x380, s11;
	v13 =	vld [tilespmem:$0x3360]  }
0x3b2: {  	s28 =	sor.u32 s2, s6;
	v18 =	vld [tilespmem:$0x3370]  }
0x3b3: {  	v28 =	vld [tilespmem:s28+$0x4000]  }
0x3b4: {  	v29 =	vld [tilespmem:s28+$0x4010]  }
0x3b5: {  	s11 =	sadd.s32 $0x10000, s0;
	v30 =	vld [tilespmem:s28+$0x4020];
	v27 =	vadd.f32 v27, v6  }
0x3b6: {  	v31 =	vld [tilespmem:s11+$0x40]  }
0x3b7: {  	v32 =	vld [tilespmem:s11+$0x50];
	[tilespmem:s0+$0x10000] =	vst v27  }
0x3b8: {  	v27 =	vld [tilespmem:s11+$0x60]  }
0x3b9: {  	v35 =	vld [tilespmem:s28+$0x4040];
	v28 =	vadd.f32 v28, v6  }
0x3ba: {  	v29 =	vadd.f32 v29, v7;
	v34 =	vld [tilespmem:s11+$0x10]  }
0x3bb: {  	v38 =	vld [tilespmem:s28+$0x4400];
	[tilespmem:s28+$0x4000] =	vst v28  }
0x3bc: {  	v28 =	vadd.f32 v30, v8;
	[tilespmem:s28+$0x4010] =	vst v29;
	v29 =	vadd.f32 v32, v12;
	v30 =	vld [tilespmem:s11+$0x30]  }
0x3bd: {  	v33 =	vld [tilespmem:s11+$0x20];
	v27 =	vadd.f32 v27, v14  }
0x3be: {  	v37 =	vld [tilespmem:s11+$0x70];
	[tilespmem:s11+$0x50] =	vst v29  }
0x3bf: {  	v29 =	vadd.f32 v34, v7;
	[tilespmem:s11+$0x60] =	vst v27;
	v27 =	vld [tilespmem:s28+$0x4050]  }
0x3c0: {  	v31 =	vadd.f32 v31, v10;
	[tilespmem:s28+$0x4020] =	vst v28;
	v28 =	vld [tilespmem:s28+$0x4030]  }
0x3c1: {  	v30 =	vadd.f32 v30, v9;
	[tilespmem:s11+$0x10] =	vst v29;
	v29 =	vld [tilespmem:s28+$0x4070]  }
0x3c2: {  	[tilespmem:s11+$0x40] =	vst v31;
	v31 =	vld [tilespmem:s28+$0x4060];
	v33 =	vadd.f32 v33, v8  }
0x3c3: {  	v32 =	vadd.f32 v37, v15;
	[tilespmem:s11+$0x30] =	vst v30;
	v30 =	vld [tilespmem:s28+$0x4410]  }
0x3c4: {  	v39 =	vld [tilespmem:s28+$0x4420];
	[tilespmem:s11+$0x20] =	vst v33;
	v27 =	vadd.f32 v27, v12  }
0x3c5: {  	v41 =	vld [tilespmem:s28+$0x4440];
	v28 =	vadd.f32 v28, v9;
	[tilespmem:s11+$0x70] =	vst v32  }
0x3c6: {  	[tilespmem:s28+$0x4050] =	vst v27;
	v27 =	vadd.f32 v29, v15;
	v29 =	vld [tilespmem:s0+$0x10400]  }
0x3c7: {  	s6 =	sadd.s32 $0x10400, s0;
	v43 =	vld [tilespmem:s28+$0x4800];
	[tilespmem:s28+$0x4030] =	vst v28;
	v28 =	vadd.f32 v31, v14  }
0x3c8: {  	v31 =	vld [tilespmem:s6+$0x60];
	[tilespmem:s28+$0x4070] =	vst v27;
	v27 =	vadd.f32 v30, v17  }
0x3c9: {  	v48 =	vadd.f32 v35, v10;
	[tilespmem:s28+$0x4060] =	vst v28;
	v30 =	vld [tilespmem:s6+$0x70]  }
0x3ca: {  	v28 =	vadd.f32 v38, v16;
	[tilespmem:s28+$0x4410] =	vst v27;
	v27 =	vld [tilespmem:s28+$0x4430]  }
0x3cb: {  	[tilespmem:s28+$0x4040] =	vst v48;
	v40 =	vld [tilespmem:s6+$0x40];
	v29 =	vadd.f32 v29, v16  }
0x3cc: {  	v32 =	vadd.f32 v39, v19;
	[tilespmem:s28+$0x4400] =	vst v28;
	v28 =	vld [tilespmem:s6+$0x50]  }
0x3cd: {  	v31 =	vadd.f32 v31, v24;
	[tilespmem:s0+$0x10400] =	vst v29;
	v29 =	vld [tilespmem:s28+$0x4450]  }
0x3ce: {  	[tilespmem:s28+$0x4420] =	vst v32;
	v30 =	vadd.f32 v30, v26;
	v42 =	vld [tilespmem:s6+$0x10]  }
0x3cf: {  	v36 =	vld [tilespmem:s6+$0x20];
	[tilespmem:s6+$0x60] =	vst v31;
	v27 =	vadd.f32 v27, v20  }
0x3d0: {  	v37 =	vld [tilespmem:s6+$0x30];
	[tilespmem:s6+$0x70] =	vst v30;
	v30 =	vadd.f32 v40, v21  }
0x3d1: {  	v53 =	vld [tilespmem:s28+$0x4870];
	[tilespmem:s28+$0x4430] =	vst v27;
	v27 =	vadd.f32 v28, v23  }
0x3d2: {  	v31 =	vld [tilespmem:s28+$0x4460];
	[tilespmem:s6+$0x40] =	vst v30;
	v29 =	vadd.f32 v29, v23  }
0x3d3: {  	v46 =	vld [tilespmem:s28+$0x4830];
	[tilespmem:s6+$0x50] =	vst v27;
	v44 =	vadd.f32 v42, v17  }
0x3d4: {  	v28 =	vld [tilespmem:s28+$0x4470];
	v30 =	vadd.f32 v36, v19;
	[tilespmem:s28+$0x4450] =	vst v29  }
0x3d5: {  	v27 =	vld [tilespmem:s28+$0x4810];
	v45 =	vadd.f32 v37, v20;
	[tilespmem:s6+$0x10] =	vst v44  }
0x3d6: {  	v32 =	vadd.f32 v41, v21;
	v29 =	vld [tilespmem:s28+$0x4820];
	[tilespmem:s6+$0x20] =	vst v30  }
0x3d7: {  	v37 =	vadd.f32 v53, v18;
	v30 =	vadd.f32 v31, v24;
	[tilespmem:s6+$0x30] =	vst v45;
	v31 =	vld [tilespmem:s28+$0x4840]  }
0x3d8: {  	s2 =	sadd.s32 $0x10800, s0;
	s11 =	simm.s32 $0x0;
	[tilespmem:s28+$0x4440] =	vst v32;
	v47 =	vld [tilespmem:s0+$0x10800]  }
0x3d9: {  	s6 =	smul.u32 $0x6000, s11;
	[tilespmem:s28+$0x4870] =	vst v37;
	v28 =	vadd.f32 v28, v26;
	v49 =	vld [tilespmem:s2+$0x50]  }
0x3da: {  	s29 =	simm.s32 $0x100;
	s11 =	simm.s32 $0x8;
	v50 =	vld [tilespmem:s2+$0x60];
	[tilespmem:s28+$0x4460] =	vst v30;
	v30 =	vadd.f32 v43, v22  }
0x3db: {  	s30 =	sand.u32 $0x300, s29;
	s11 =	smul.u32 $0x6000, s11;
	s6 =	sshra.s32 s6, $0x2;
	[tilespmem:s28+$0x4470] =	vst v28;
	v28 =	vld [tilespmem:s2+$0x40];
	v27 =	vadd.f32 v27, v4  }
0x3dc: {  	v51 =	vld [tilespmem:s2+$0x70];
	s30 =	sor.u32 s30, s6;
	s6 =	simm.s32 $0x2180;
	[tilespmem:s28+$0x4800] =	vst v30;
	v30 =	vadd.f32 v46, v5  }
0x3dd: {  	s11 =	sshra.s32 s11, $0x2;
	v52 =	vld [tilespmem:s30+$0x10000];
	s6 =	sand.u32 $0x380, s6;
	v31 =	vadd.f32 v31, v25;
	[tilespmem:s28+$0x4810] =	vst v27  }
0x3de: {  	s31 =	sor.u32 s6, s11;
	[tilespmem:s28+$0x4830] =	vst v30;
	v30 =	vld [tilespmem:s28+$0x4850];
	v32 =	vadd.f32 v47, v22  }
0x3df: {  	v54 =	vadd.f32 v49, v11;
	v55 =	vld [tilespmem:s31+$0x4000];
	[tilespmem:s28+$0x4840] =	vst v31  }
0x3e0: {  	v56 =	vld [tilespmem:s31+$0x4010];
	v28 =	vadd.f32 v28, v25;
	[tilespmem:s0+$0x10800] =	vst v32  }
0x3e1: {  	s6 =	sadd.s32 $0x10000, s30;
	v57 =	vadd.f32 v51, v18;
	v58 =	vld [tilespmem:s31+$0x4020];
	[tilespmem:s2+$0x50] =	vst v54  }
0x3e2: {  	v59 =	vld [tilespmem:s6+$0x40];
	[tilespmem:s2+$0x40] =	vst v28;
	v28 =	vadd.f32 v50, v13  }
0x3e3: {  	v40 =	vld [tilespmem:s31+$0x4030];
	[tilespmem:s2+$0x70] =	vst v57;
	v30 =	vadd.f32 v30, v11  }
0x3e4: {  	v31 =	vld [tilespmem:s28+$0x4860];
	v34 =	vadd.f32 v55, v6;
	[tilespmem:s2+$0x60] =	vst v28  }
0x3e5: {  	v60 =	vld [tilespmem:s6+$0x50];
	v33 =	vadd.f32 v56, v7;
	[tilespmem:s28+$0x4850] =	vst v30  }
0x3e6: {  	v38 =	vld [tilespmem:s31+$0x4040];
	v28 =	vadd.f32 v52, v6;
	[tilespmem:s31+$0x4000] =	vst v34  }
0x3e7: {  	v42 =	vld [tilespmem:s31+$0x4060];
	v35 =	vadd.f32 v58, v8;
	[tilespmem:s31+$0x4010] =	vst v33  }
0x3e8: {  	v44 =	vadd.f32 v40, v9;
	[tilespmem:s30+$0x10000] =	vst v28;
	v28 =	vld [tilespmem:s2+$0x10]  }
0x3e9: {  	v31 =	vadd.f32 v31, v13;
	[tilespmem:s31+$0x4020] =	vst v35;
	v30 =	vld [tilespmem:s6+$0x60]  }
0x3ea: {  	v32 =	vadd.f32 v60, v12;
	[tilespmem:s31+$0x4030] =	vst v44;
	v61 =	vld [tilespmem:s6+$0x10]  }
0x3eb: {  	v36 =	vadd.f32 v59, v10;
	[tilespmem:s28+$0x4860] =	vst v31;
	v31 =	vld [tilespmem:s6+$0x20]  }
0x3ec: {  	v34 =	vadd.f32 v42, v14;
	v62 =	vld [tilespmem:s6+$0x30];
	[tilespmem:s6+$0x50] =	vst v32  }
0x3ed: {  	v63 =	vld [tilespmem:s6+$0x70];
	[tilespmem:s6+$0x40] =	vst v36;
	v28 =	vadd.f32 v28, v4  }
0x3ee: {  	v43 =	vld [tilespmem:s31+$0x4070];
	[tilespmem:s31+$0x4060] =	vst v34;
	v30 =	vadd.f32 v30, v14  }
0x3ef: {  	v45 =	vld [tilespmem:s31+$0x4410];
	v41 =	vadd.f32 v61, v7;
	[tilespmem:s2+$0x10] =	vst v28  }
0x3f0: {  	v46 =	vld [tilespmem:s31+$0x4420];
	v31 =	vadd.f32 v31, v8;
	[tilespmem:s6+$0x60] =	vst v30  }
0x3f1: {  	v47 =	vld [tilespmem:s2+$0x20];
	v33 =	vadd.f32 v62, v9;
	[tilespmem:s6+$0x10] =	vst v41  }
0x3f2: {  	v35 =	vadd.f32 v63, v15;
	v30 =	vld [tilespmem:s31+$0x4050];
	[tilespmem:s6+$0x20] =	vst v31  }
0x3f3: {  	v32 =	vadd.f32 v43, v15;
	v28 =	vld [tilespmem:s31+$0x4430];
	[tilespmem:s6+$0x30] =	vst v33  }
0x3f4: {  	v36 =	vadd.f32 v45, v17;
	v31 =	vld [tilespmem:s31+$0x4400];
	[tilespmem:s6+$0x70] =	vst v35  }
0x3f5: {  	[tilespmem:s31+$0x4070] =	vst v32;
	v35 =	vadd.f32 v46, v19;
	v48 =	vld [tilespmem:s30+$0x10400]  }
0x3f6: {  	s11 =	sadd.s32 $0x10400, s30;
	v52 =	vld [tilespmem:s31+$0x4440];
	[tilespmem:s31+$0x4410] =	vst v36;
	v33 =	vadd.f32 v47, v3  }
0x3f7: {  	v50 =	vld [tilespmem:s11+$0x50];
	[tilespmem:s31+$0x4420] =	vst v35;
	v30 =	vadd.f32 v30, v12  }
0x3f8: {  	v51 =	vld [tilespmem:s11+$0x40];
	[tilespmem:s2+$0x20] =	vst v33;
	v28 =	vadd.f32 v28, v20  }
0x3f9: {  	v31 =	vadd.f32 v31, v16;
	[tilespmem:s31+$0x4050] =	vst v30;
	v30 =	vld [tilespmem:s2+$0x30]  }
0x3fa: {  	v53 =	vld [tilespmem:s31+$0x4450];
	v34 =	vadd.f32 v48, v16;
	[tilespmem:s31+$0x4430] =	vst v28  }
0x3fb: {  	v49 =	vld [tilespmem:s11+$0x60];
	v28 =	vadd.f32 v52, v21;
	[tilespmem:s31+$0x4400] =	vst v31  }
0x3fc: {  	v56 =	vadd.f32 v50, v23;
	v31 =	vld [tilespmem:s11+$0x70];
	[tilespmem:s30+$0x10400] =	vst v34  }
0x3fd: {  	v57 =	vadd.f32 v51, v21;
	[tilespmem:s31+$0x4440] =	vst v28;
	v54 =	vld [tilespmem:s11+$0x10]  }
0x3fe: {  	v27 =	vld [tilespmem:s11+$0x20];
	[tilespmem:s11+$0x50] =	vst v56;
	v30 =	vadd.f32 v30, v5  }
0x3ff: {  	v28 =	vadd.f32 v53, v23;
	v55 =	vld [tilespmem:s11+$0x30];
	[tilespmem:s11+$0x40] =	vst v57  }
0x400: {  	v58 =	vld [tilespmem:s31+$0x4800];
	[tilespmem:s2+$0x30] =	vst v30;
	v30 =	vadd.f32 v49, v24  }
0x401: {  	v61 =	vld [tilespmem:s31+$0x4830];
	[tilespmem:s31+$0x4450] =	vst v28;
	v31 =	vadd.f32 v31, v26  }
0x402: {  	v32 =	vadd.f32 v54, v17;
	[tilespmem:s11+$0x60] =	vst v30;
	v30 =	vld [tilespmem:s31+$0x4460]  }
0x403: {  	[tilespmem:s11+$0x70] =	vst v31;
	v31 =	vld [tilespmem:s31+$0x4470];
	v59 =	vadd.f32 v27, v19  }
0x404: {  	v33 =	vld [tilespmem:s31+$0x4840];
	v60 =	vadd.f32 v55, v20;
	[tilespmem:s11+$0x10] =	vst v32  }
0x405: {  	v63 =	vadd.f32 v38, v10;
	v28 =	vld [tilespmem:s31+$0x4810];
	[tilespmem:s11+$0x20] =	vst v59  }
0x406: {  	v35 =	vadd.f32 v58, v22;
	v27 =	vld [tilespmem:s31+$0x4820];
	[tilespmem:s11+$0x30] =	vst v60  }
0x407: {  	s0 =	sadd.s32 $0x10800, s30;
	[tilespmem:s31+$0x4040] =	vst v63;
	v32 =	vld [tilespmem:s30+$0x10800];
	v30 =	vadd.f32 v30, v24  }
0x408: {  	[tilespmem:s31+$0x4800] =	vst v35;
	v62 =	vadd.f32 v31, v26;
	v31 =	vld [tilespmem:s0+$0x40]  }
0x409: {  	v34 =	vadd.f32 v29, v3;
	[tilespmem:s31+$0x4460] =	vst v30;
	v30 =	vld [tilespmem:s0+$0x50]  }
0x40a: {  	v35 =	vadd.f32 v61, v5;
	s2 =	simm.s32 $0x2;
	v29 =	vld [tilespmem:s0+$0x60];
	[tilespmem:s31+$0x4470] =	vst v62  }
.LBB2_18:
0x40b: {  	v36 =	vld [tilespmem:s0+$0x70];
	v33 =	vadd.f32 v33, v25;
	[tilespmem:s28+$0x4820] =	vst v34;
	s6 =	smov.u32 s2;
	s2 =	sadd.s32 $0x2, s2;
	s28 =	smov.u32 s31  }
0x40c: {  	s11 =	sshrl.u32 s2, $0x3;
	p0 =	slt.u32 s2, $0x1E;
	v32 =	vadd.f32 v32, v22;
	[tilespmem:s28+$0x4830] =	vst v35;
	v34 =	vld [tilespmem:s28+$0x4850]  }
0x40d: {  	s6 =	sadd.s32 $0x43, s6;
	s11 =	smul.u32 $0x6000, s11;
	v31 =	vadd.f32 v31, v25;
	[tilespmem:s28+$0x4840] =	vst v33;
	v33 =	vld [tilespmem:s28+$0x4860]  }
0x40e: {  	s29 =	sadd.s32 $0x100, s29;
	s6 =	sshrl.u32 s6, $0x3;
	[tilespmem:s30+$0x10800] =	vst v32;
	v30 =	vadd.f32 v30, v11;
	v32 =	vld [tilespmem:s28+$0x4870]  }
0x40f: {  	s30 =	sand.u32 $0x300, s29;
	s6 =	smul.u32 $0x6000, s6;
	s11 =	sshra.s32 s11, $0x2;
	v35 =	vld [tilespmem:s0+$0x10];
	[tilespmem:s0+$0x40] =	vst v31;
	v29 =	vadd.f32 v29, v13  }
0x410: {  	s30 =	sor.u32 s30, s11;
	s11 =	sadd.s32 $0x2080, s29;
	v31 =	vld [tilespmem:s0+$0x20];
	[tilespmem:s0+$0x50] =	vst v30;
	v30 =	vadd.f32 v36, v18  }
0x411: {  	s6 =	sshra.s32 s6, $0x2;
	v36 =	vld [tilespmem:s30+$0x10000];
	s11 =	sand.u32 $0x380, s11;
	[tilespmem:s0+$0x60] =	vst v29;
	v29 =	vadd.f32 v34, v11  }
0x412: {  	s31 =	sor.u32 s11, s6;
	v34 =	vld [tilespmem:s0+$0x30];
	[tilespmem:s0+$0x70] =	vst v30;
	v30 =	vadd.f32 v33, v13  }
0x413: {  	v33 =	vld [tilespmem:s31+$0x4000];
	[tilespmem:s28+$0x4850] =	vst v29;
	v29 =	vadd.f32 v32, v18  }
0x414: {  	v32 =	vld [tilespmem:s31+$0x4010];
	v35 =	vadd.f32 v35, v4;
	[tilespmem:s28+$0x4860] =	vst v30  }
0x415: {  	s6 =	sadd.s32 $0x10000, s30;
	v30 =	vld [tilespmem:s31+$0x4020];
	v31 =	vadd.f32 v31, v3;
	[tilespmem:s28+$0x4870] =	vst v29  }
0x416: {  	v29 =	vadd.f32 v36, v6;
	v36 =	vld [tilespmem:s6+$0x40];
	[tilespmem:s0+$0x10] =	vst v35  }
0x417: {  	v35 =	vld [tilespmem:s6+$0x50];
	[tilespmem:s0+$0x20] =	vst v31;
	v31 =	vadd.f32 v34, v5  }
0x418: {  	[tilespmem:s30+$0x10000] =	vst v29;
	v29 =	vld [tilespmem:s6+$0x60];
	v33 =	vadd.f32 v33, v6  }
0x419: {  	v34 =	vld [tilespmem:s6+$0x20];
	v32 =	vadd.f32 v32, v7;
	[tilespmem:s0+$0x30] =	vst v31  }
0x41a: {  	v31 =	vld [tilespmem:s6+$0x10];
	[tilespmem:s31+$0x4000] =	vst v33;
	v30 =	vadd.f32 v30, v8  }
0x41b: {  	v28 =	vadd.f32 v28, v4;
	v33 =	vld [tilespmem:s6+$0x30];
	[tilespmem:s31+$0x4010] =	vst v32  }
0x41c: {  	v32 =	vadd.f32 v35, v12;
	v35 =	vld [tilespmem:s6+$0x70];
	[tilespmem:s31+$0x4020] =	vst v30  }
0x41d: {  	v30 =	vadd.f32 v36, v10;
	v29 =	vadd.f32 v29, v14;
	v36 =	vld [tilespmem:s31+$0x4030];
	[tilespmem:s28+$0x4810] =	vst v28  }
0x41e: {  	[tilespmem:s6+$0x50] =	vst v32;
	v37 =	vld [tilespmem:s31+$0x4040]  }
0x41f: {  	v28 =	vadd.f32 v31, v7;
	v31 =	vadd.f32 v34, v8;
	[tilespmem:s6+$0x60] =	vst v29;
	v29 =	vld [tilespmem:s31+$0x4050]  }
0x420: {  	v32 =	vadd.f32 v33, v9;
	[tilespmem:s6+$0x40] =	vst v30;
	v30 =	vld [tilespmem:s31+$0x4060]  }
0x421: {  	[tilespmem:s6+$0x10] =	vst v28;
	v28 =	vadd.f32 v35, v15;
	v33 =	vld [tilespmem:s31+$0x4070]  }
0x422: {  	[tilespmem:s6+$0x20] =	vst v31;
	v31 =	vld [tilespmem:s31+$0x4400]  }
0x423: {  	[tilespmem:s6+$0x30] =	vst v32;
	v32 =	vadd.f32 v36, v9;
	v34 =	vld [tilespmem:s31+$0x4410]  }
0x424: {  	s0 =	sadd.s32 $0x10400, s30;
	[tilespmem:s6+$0x70] =	vst v28;
	v28 =	vadd.f32 v29, v12;
	v29 =	vld [tilespmem:s31+$0x4420]  }
0x425: {  	v35 =	vld [tilespmem:s30+$0x10400];
	[tilespmem:s31+$0x4030] =	vst v32;
	v30 =	vadd.f32 v30, v14  }
0x426: {  	v32 =	vld [tilespmem:s0+$0x60];
	[tilespmem:s31+$0x4050] =	vst v28;
	v28 =	vadd.f32 v33, v15  }
0x427: {  	v33 =	vld [tilespmem:s0+$0x70];
	[tilespmem:s31+$0x4060] =	vst v30;
	v30 =	vadd.f32 v31, v16  }
0x428: {  	v31 =	vld [tilespmem:s0+$0x50];
	[tilespmem:s31+$0x4070] =	vst v28;
	v28 =	vadd.f32 v34, v17  }
0x429: {  	v34 =	vld [tilespmem:s0+$0x40];
	[tilespmem:s31+$0x4400] =	vst v30;
	v29 =	vadd.f32 v29, v19  }
0x42a: {  	v30 =	vadd.f32 v35, v16;
	[tilespmem:s31+$0x4410] =	vst v28;
	v28 =	vld [tilespmem:s31+$0x4430]  }
0x42b: {  	v32 =	vadd.f32 v32, v24;
	[tilespmem:s31+$0x4420] =	vst v29;
	v29 =	vld [tilespmem:s31+$0x4440]  }
0x42c: {  	[tilespmem:s30+$0x10400] =	vst v30;
	v30 =	vadd.f32 v33, v26;
	v33 =	vld [tilespmem:s31+$0x4450]  }
0x42d: {  	v35 =	vld [tilespmem:s0+$0x10];
	v31 =	vadd.f32 v31, v23;
	[tilespmem:s0+$0x60] =	vst v32  }
0x42e: {  	v32 =	vld [tilespmem:s0+$0x20];
	v34 =	vadd.f32 v34, v21;
	[tilespmem:s0+$0x70] =	vst v30  }
0x42f: {  	v30 =	vld [tilespmem:s0+$0x30];
	[tilespmem:s0+$0x50] =	vst v31;
	v28 =	vadd.f32 v28, v20  }
0x430: {  	[tilespmem:s0+$0x40] =	vst v34;
	v29 =	vadd.f32 v29, v21;
	v31 =	vld [tilespmem:s31+$0x4460]  }
0x431: {  	[tilespmem:s31+$0x4430] =	vst v28;
	v28 =	vadd.f32 v33, v23;
	v33 =	vld [tilespmem:s31+$0x4470]  }
0x432: {  	v34 =	vadd.f32 v35, v17;
	[tilespmem:s31+$0x4440] =	vst v29;
	v29 =	vld [tilespmem:s31+$0x4800]  }
0x433: {  	v32 =	vadd.f32 v32, v19;
	[tilespmem:s31+$0x4450] =	vst v28;
	v28 =	vld [tilespmem:s31+$0x4810]  }
0x434: {  	[tilespmem:s0+$0x10] =	vst v34;
	v30 =	vadd.f32 v30, v20;
	v35 =	vld [tilespmem:s31+$0x4820]  }
0x435: {  	[tilespmem:s0+$0x20] =	vst v32;
	v31 =	vadd.f32 v31, v24;
	v36 =	vld [tilespmem:s31+$0x4830]  }
.Ltmp12:
0x436: {  	[tilespmem:s0+$0x30] =	vst v30;
	v30 =	vadd.f32 v33, v26;
	v33 =	vld [tilespmem:s31+$0x4840];
	(pc) =	sbr.rel @p0 .LBB2_18-.Ltmp12, $4  }
0x437: {  	s0 =	sadd.s32 $0x10800, s30;
	v32 =	vld [tilespmem:s30+$0x10800];
	[tilespmem:s31+$0x4460] =	vst v31;
	v29 =	vadd.f32 v29, v22  }
0x438: {  	v37 =	vadd.f32 v37, v10;
	v31 =	vld [tilespmem:s0+$0x40];
	[tilespmem:s31+$0x4470] =	vst v30  }
0x439: {  	v34 =	vadd.f32 v27, v3;
	v30 =	vld [tilespmem:s0+$0x50];
	[tilespmem:s31+$0x4800] =	vst v29;
	v27 =	vmov v35  }
0x43a: {  	v29 =	vld [tilespmem:s0+$0x60];
	[tilespmem:s31+$0x4040] =	vst v37;
	v35 =	vadd.f32 v36, v5  }
0x43b: {  	v6 =	vadd.f32 v33, v25;
	[tilespmem:s28+$0x4820] =	vst v34  }
0x43c: {  	v9 =	vld [tilespmem:s0+$0x70];
	v63 =	vadd.f32 v28, v4;
	[tilespmem:s31+$0x4830] =	vst v35  }
0x43d: {  	v8 =	vld [tilespmem:s31+$0x4850];
	v7 =	vadd.f32 v32, v22;
	[tilespmem:s31+$0x4840] =	vst v6  }
0x43e: {  	v10 =	vld [tilespmem:s31+$0x4860];
	v56 =	vadd.f32 v31, v25;
	[tilespmem:s31+$0x4810] =	vst v63  }
0x43f: {  	v14 =	vld [tilespmem:s31+$0x4870];
	[tilespmem:s30+$0x10800] =	vst v7;
	v12 =	vadd.f32 v30, v11  }
0x440: {  	v7 =	vld [tilespmem:s0+$0x10];
	[tilespmem:s0+$0x40] =	vst v56;
	v57 =	vadd.f32 v29, v13  }
0x441: {  	v15 =	vld [tilespmem:s0+$0x20];
	[tilespmem:s0+$0x50] =	vst v12;
	v9 =	vadd.f32 v9, v18  }
0x442: {  	v59 =	vld [tilespmem:s0+$0x30];
	v58 =	vadd.f32 v8, v11;
	[tilespmem:s0+$0x60] =	vst v57  }
0x443: {  	v60 =	vadd.f32 v10, v13;
	[tilespmem:s0+$0x70] =	vst v9  }
0x444: {  	v61 =	vadd.f32 v14, v18;
	[tilespmem:s31+$0x4850] =	vst v58  }
0x445: {  	[tilespmem:s31+$0x4860] =	vst v60;
	v7 =	vadd.f32 v7, v4  }
0x446: {  	s2 =	sshll.u32 s26, $0x7;
	[tilespmem:s31+$0x4870] =	vst v61;
	v62 =	vadd.f32 v15, v3  }
0x447: {  	s2 =	sor.u32 s10, s2;
	v5 =	vadd.f32 v59, v5;
	[tilespmem:s0+$0x10] =	vst v7  }
0x448: {  	s30 =	smul.u32 $0x300, s2;
	v3 =	vadd.f32 v27, v3;
	[tilespmem:s0+$0x20] =	vst v62  }
0x449: {  	p0 =	seq.s32 s24, $0x13;
	[tilespmem:s0+$0x30] =	vst v5  }
.Ltmp13:
0x44a: {  	[tilespmem:s31+$0x4820] =	vst v3;
	s0 =	sadd.s32 s4, s30;
	(pc) =	sbr.rel @p0 .LBB2_29-.Ltmp13, $4  }
0x44b: {  	[hbm4b:s0+s5] =	stream.linear.scatter [tilespmem:s17], [sflag:$0x7], $0x6000, $0x38;
	[tilespmem:$0x1B400] =	vst v63  }
0x44c: {  	_ =	swait.ge [sflag:s20], $0x6000  }
0x44d: {  	[sflag:s20] =	ssyncset.done $0x0  }
0x44e: {  	[sflag:s20] =	ssyncadd.s32 $0xFFFFA000  }
0x44f: {  	s0 =	sadd.s32 $0x4, s25  }
0x450: {  	s2 =	sshll.u32 s0, $0x7  }
0x451: {  	s6 =	sand.u32 $0x3FFFFF80, s2  }
0x452: {  	v3 =	vld [tilespmem:s6+$0x0];
	_ =	sdelay $0x4  }
0x453: {  	v4 =	vshrl.u32 v3, $0x3  }
0x454: {  	v4 =	vmul.u32 $0x30, v4  }
0x455: {  	v3 =	vand.u32 $0x7, v3  }
0x456: {  	v3 =	vor.u32 v3, v4  }
0x457: {  	v4 =	vperm.xlane v3, v0;
	_ =	sdelay $0x1  }
0x458: {  	v4 =	vadd.s32 v1, v4;
	_ =	sdelay $0x3  }
0x459: {  	v3 =	vperm.xlane v3, v2  }
0x45a: {  	[tilespmem:s18], [sflag:$0x1] =	stream.indirect_vreg.gather [hbm4b:s1+s5], $0x80, v4, vm0, $0xb8;
	[tilespmem:$0x1B400] =	vst v63  }
0x45b: {  	s11 =	simm.s32 $0x3C00;
	v3 =	vadd.s32 v1, v3  }
0x45c: {  	[tilespmem:s11], [sflag:$0x1] =	stream.indirect_vreg.gather [hbm4b:s7+s5], $0x80, v4, vm0, $0xb8;
	[tilespmem:$0x1B400] =	vst v63  }
0x45d: {  	s30 =	simm.s32 $0x4400  }
0x45e: {  	[tilespmem:s30], [sflag:$0x1] =	stream.indirect_vreg.gather [hbm4b:s8+s5], $0x80, v4, vm0, $0xb8;
	[tilespmem:$0x1B400] =	vst v63  }
0x45f: {  	s31 =	simm.s32 $0x4C00  }
0x460: {  	[tilespmem:s31], [sflag:$0x1] =	stream.indirect_vreg.gather [hbm4b:s1+s5], $0x80, v3, vm0, $0xb8;
	[tilespmem:$0x1B400] =	vst v63  }
0x461: {  	s26 =	simm.s32 $0x5400  }
0x462: {  	[tilespmem:s26], [sflag:$0x1] =	stream.indirect_vreg.gather [hbm4b:s7+s5], $0x80, v3, vm0, $0xb8;
	[tilespmem:$0x1B400] =	vst v63  }
0x463: {  	s28 =	simm.s32 $0x5C00  }
0x464: {  	[tilespmem:s28], [sflag:$0x1] =	stream.indirect_vreg.gather [hbm4b:s8+s5], $0x80, v3, vm0, $0xb8;
	[tilespmem:$0x1B400] =	vst v63  }
0x465: {  	v3 =	vld [tilespmem:s6+$0x10];
	_ =	sdelay $0x4  }
0x466: {  	v63 =	vshrl.u32 v3, $0x3  }
0x467: {  	v4 =	vmul.u32 $0x30, v63  }
0x468: {  	v3 =	vand.u32 $0x7, v3  }
0x469: {  	v3 =	vor.u32 v3, v4  }
0x46a: {  	v4 =	vperm.xlane v3, v0;
	_ =	sdelay $0x1  }
0x46b: {  	v4 =	vadd.s32 v1, v4;
	_ =	sdelay $0x3  }
0x46c: {  	s29 =	simm.s32 $0x6400;
	v3 =	vperm.xlane v3, v2  }
0x46d: {  	[tilespmem:s29], [sflag:$0x1] =	stream.indirect_vreg.gather [hbm4b:s1+s5], $0x80, v4, vm0, $0xb8;
	[tilespmem:$0x1B400] =	vst v63  }
0x46e: {  	s30 =	simm.s32 $0x6C00;
	v3 =	vadd.s32 v1, v3  }
0x46f: {  	[tilespmem:s30], [sflag:$0x1] =	stream.indirect_vreg.gather [hbm4b:s7+s5], $0x80, v4, vm0, $0xb8;
	[tilespmem:$0x1B400] =	vst v63  }
0x470: {  	s0 =	sshrl.u32 s0, $0x3;
	s31 =	simm.s32 $0x7400  }
0x471: {  	[tilespmem:s31], [sflag:$0x1] =	stream.indirect_vreg.gather [hbm4b:s8+s5], $0x80, v4, vm0, $0xb8;
	[tilespmem:$0x1B400] =	vst v63  }
0x472: {  	s0 =	smul.u32 $0x1800, s0;
	s2 =	sand.u32 $0x200, s2;
	s11 =	simm.s32 $0x7C00  }
0x473: {  	[tilespmem:s11], [sflag:$0x1] =	stream.indirect_vreg.gather [hbm4b:s1+s5], $0x80, v3, vm0, $0xb8;
	[tilespmem:$0x1B400] =	vst v63  }
0x474: {  	s0 =	sor.u32 s2, s0;
	s26 =	simm.s32 $0x8400  }
0x475: {  	[tilespmem:s26], [sflag:$0x1] =	stream.indirect_vreg.gather [hbm4b:s7+s5], $0x80, v3, vm0, $0xb8;
	[tilespmem:$0x1B400] =	vst v63  }
0x476: {  	s0 =	sshrl.u32 s0, $0x3;
	s28 =	simm.s32 $0x8C00  }
0x477: {  	[tilespmem:s28], [sflag:$0x1] =	stream.indirect_vreg.gather [hbm4b:s8+s5], $0x80, v3, vm0, $0xb8;
	[tilespmem:$0x1B400] =	vst v63  }
0x478: {  	s0 =	sadd.s32 s3, s0;
	s29 =	simm.s32 $0x2800  }
0x479: {  	[tilespmem:s29], [sflag:$0x1] =	stream.linear.gather [hbm4b:s0+s5], $0x80, $0x38;
	[tilespmem:$0x1B400] =	vst v63  }
0x47a: {  	s30 =	sadd.s32 $0x80, s0;
	s31 =	simm.s32 $0x2A00  }
0x47b: {  	[tilespmem:s31], [sflag:$0x1] =	stream.linear.gather [hbm4b:s30+s5], $0x80, $0x38;
	[tilespmem:$0x1B400] =	vst v63  }
0x47c: {  	s11 =	sadd.s32 $0x100, s0;
	s26 =	simm.s32 $0x2C00  }
0x47d: {  	[tilespmem:s26], [sflag:$0x1] =	stream.linear.gather [hbm4b:s11+s5], $0x80, $0x38;
	[tilespmem:$0x1B400] =	vst v63  }
0x47e: {  	s28 =	sadd.s32 $0x180, s0;
	s29 =	simm.s32 $0x2E00  }
0x47f: {  	[tilespmem:s29], [sflag:$0x1] =	stream.linear.gather [hbm4b:s28+s5], $0x80, $0x38;
	[tilespmem:$0x1B400] =	vst v63  }
0x480: {  	s30 =	sadd.s32 $0x200, s0;
	s31 =	simm.s32 $0x3000  }
0x481: {  	[tilespmem:s31], [sflag:$0x1] =	stream.linear.gather [hbm4b:s30+s5], $0x80, $0x38;
	[tilespmem:$0x1B400] =	vst v63  }
0x482: {  	s0 =	sadd.s32 $0x280, s0  }
0x483: {  	[tilespmem:s12], [sflag:$0x1] =	stream.linear.gather [hbm4b:s0+s5], $0x80, $0x38;
	[tilespmem:$0x1B400] =	vst v63  }
.LBB2_21:
0x484: {  	s26 =	sor.u32 $0x3, s25  }
0x485: {  	p0 =	sgt.u32 s26, $0x4C  }
.Ltmp14:
0x486: {  	_ = 	snop;
	(pc) =	sbr.rel @p0 .LBB2_28-.Ltmp14, $1  }
0x487: {  	_ =	sdelay $0x3  }
0x488: {  	_ =	swait.ge [sflag:s21], $0x6000  }
0x489: {  	[sflag:s21] =	ssyncset.done $0x0  }
0x48a: {  	[sflag:s21] =	ssyncadd.s32 $0xFFFFA000  }
0x48b: {  	_ =	swait.ge [sflag:s21], $0x300  }
0x48c: {  	[sflag:s21] =	ssyncset.done $0x0  }
0x48d: {  	[sflag:s21] =	ssyncadd.s32 $0xFFFFFD00  }
0x48e: {  	v8 =	vld [tilespmem:$0x2980]  }
0x48f: {  	v10 =	vld [tilespmem:$0x2990]  }
0x490: {  	v3 =	vld [tilespmem:$0x29A0]  }
0x491: {  	v12 =	vld [tilespmem:$0x29B0]  }
0x492: {  	v13 =	vld [tilespmem:$0x29C0]  }
0x493: {  	v14 =	vld [tilespmem:$0x29D0]  }
0x494: {  	v16 =	vld [tilespmem:$0x29E0]  }
0x495: {  	v17 =	vld [tilespmem:$0x29F0]  }
0x496: {  	v18 =	vld [tilespmem:$0x2B80]  }
0x497: {  	v20 =	vld [tilespmem:$0x2B90]  }
0x498: {  	v21 =	vld [tilespmem:$0x2BA0]  }
0x499: {  	v22 =	vld [tilespmem:$0x2BB0]  }
0x49a: {  	v23 =	vld [tilespmem:$0x2BC0]  }
0x49b: {  	v24 =	vld [tilespmem:$0x2BD0]  }
0x49c: {  	v25 =	vld [tilespmem:$0x2BE0]  }
0x49d: {  	v26 =	vld [tilespmem:$0x2BF0]  }
0x49e: {  	v19 =	vld [tilespmem:$0x2D80]  }
0x49f: {  	v6 =	vld [tilespmem:$0x2D90]  }
0x4a0: {  	v4 =	vld [tilespmem:$0x2DA0]  }
0x4a1: {  	s0 =	simm.s32 $0x0;
	v5 =	vld [tilespmem:$0x2DB0]  }
0x4a2: {  	s0 =	smul.u32 $0x6000, s0;
	v7 =	vld [tilespmem:$0x2DC0]  }
0x4a3: {  	s29 =	simm.s32 $0x0;
	v15 =	vld [tilespmem:$0x2DD0]  }
0x4a4: {  	s2 =	sand.u32 $0x300, s29;
	s0 =	sshra.s32 s0, $0x2;
	v11 =	vld [tilespmem:$0x2DE0]  }
0x4a5: {  	s28 =	sor.u32 s2, s0;
	v9 =	vld [tilespmem:$0x2DF0]  }
0x4a6: {  	s0 =	sadd.s32 $0x15400, s28;
	v27 =	vld [tilespmem:s28+$0x15400]  }
0x4a7: {  	v28 =	vld [tilespmem:s0+$0x460]  }
0x4a8: {  	v29 =	vld [tilespmem:s0+$0x450]  }
0x4a9: {  	v30 =	vld [tilespmem:s0+$0x40]  }
0x4aa: {  	v31 =	vld [tilespmem:s0+$0x410]  }
0x4ab: {  	v32 =	vld [tilespmem:s0+$0x420]  }
0x4ac: {  	s11 =	simm.s32 $0xC;
	v33 =	vld [tilespmem:s0+$0x50]  }
0x4ad: {  	s2 =	smul.u32 $0x6000, s11;
	v34 =	vld [tilespmem:s0+$0x60]  }
0x4ae: {  	s6 =	simm.s32 $0x3080;
	v35 =	vld [tilespmem:s0+$0x70]  }
0x4af: {  	s6 =	sand.u32 $0x380, s6;
	s2 =	sshra.s32 s2, $0x2;
	v36 =	vld [tilespmem:s0+$0x440];
	v27 =	vadd.f32 v27, v8  }
0x4b0: {  	v37 =	vld [tilespmem:s0+$0x470];
	s30 =	sor.u32 s6, s2;
	v31 =	vadd.f32 v31, v20  }
0x4b1: {  	v38 =	vld [tilespmem:s30+$0x3450];
	v30 =	vadd.f32 v30, v13;
	[tilespmem:s28+$0x15400] =	vst v27  }
0x4b2: {  	v39 =	vld [tilespmem:s30+$0x3430];
	v33 =	vadd.f32 v33, v14;
	[tilespmem:s0+$0x410] =	vst v31  }
0x4b3: {  	v40 =	vld [tilespmem:s30+$0x3440];
	v34 =	vadd.f32 v34, v16;
	[tilespmem:s0+$0x40] =	vst v30  }
0x4b4: {  	v41 =	vld [tilespmem:s30+$0x3C00];
	v35 =	vadd.f32 v35, v17;
	[tilespmem:s0+$0x50] =	vst v33  }
0x4b5: {  	v42 =	vld [tilespmem:s30+$0x3460];
	v48 =	vadd.f32 v37, v26;
	[tilespmem:s0+$0x60] =	vst v34  }
0x4b6: {  	v46 =	vld [tilespmem:s30+$0x3800];
	v29 =	vadd.f32 v29, v24;
	[tilespmem:s0+$0x70] =	vst v35  }
0x4b7: {  	v43 =	vld [tilespmem:s30+$0x3840];
	v32 =	vadd.f32 v32, v21;
	[tilespmem:s0+$0x470] =	vst v48  }
0x4b8: {  	v47 =	vld [tilespmem:s30+$0x3860];
	v28 =	vadd.f32 v28, v25;
	[tilespmem:s0+$0x450] =	vst v29  }
0x4b9: {  	v27 =	vld [tilespmem:s30+$0x3470];
	v50 =	vadd.f32 v38, v14;
	[tilespmem:s0+$0x420] =	vst v32  }
0x4ba: {  	v54 =	vadd.f32 v42, v16;
	v30 =	vld [tilespmem:s0+$0x430];
	[tilespmem:s0+$0x460] =	vst v28  }
0x4bb: {  	v49 =	vld [tilespmem:s30+$0x3870];
	v31 =	vadd.f32 v39, v12;
	[tilespmem:s30+$0x3450] =	vst v50  }
0x4bc: {  	v57 =	vld [tilespmem:s30+$0x3C20];
	v56 =	vadd.f32 v41, v19;
	[tilespmem:s30+$0x3460] =	vst v54  }
0x4bd: {  	v51 =	vld [tilespmem:s30+$0x3400];
	[tilespmem:s30+$0x3430] =	vst v31;
	v31 =	vadd.f32 v40, v13  }
0x4be: {  	v53 =	vld [tilespmem:s0+$0x20];
	[tilespmem:s30+$0x3C00] =	vst v56;
	v27 =	vadd.f32 v27, v17  }
0x4bf: {  	[tilespmem:s30+$0x3440] =	vst v31;
	v31 =	vld [tilespmem:s0+$0x30];
	v30 =	vadd.f32 v30, v22  }
0x4c0: {  	v59 =	vadd.f32 v49, v26;
	[tilespmem:s30+$0x3470] =	vst v27;
	v27 =	vld [tilespmem:s0+$0x10]  }
0x4c1: {  	v63 =	vadd.f32 v57, v4;
	[tilespmem:s0+$0x430] =	vst v30;
	v30 =	vld [tilespmem:s30+$0x3810]  }
0x4c2: {  	v52 =	vld [tilespmem:s30+$0x3850];
	v33 =	vadd.f32 v47, v25;
	[tilespmem:s30+$0x3870] =	vst v59  }
0x4c3: {  	v55 =	vld [tilespmem:s0+$0x400];
	[tilespmem:s30+$0x3C20] =	vst v63;
	v35 =	vadd.f32 v53, v3  }
0x4c4: {  	v58 =	vld [tilespmem:s30+$0x3C30];
	[tilespmem:s30+$0x3860] =	vst v33;
	v31 =	vadd.f32 v31, v12  }
0x4c5: {  	v29 =	vld [tilespmem:s30+$0x3830];
	[tilespmem:s0+$0x20] =	vst v35;
	v27 =	vadd.f32 v27, v10  }
0x4c6: {  	v62 =	vld [tilespmem:s30+$0x3410];
	[tilespmem:s0+$0x30] =	vst v31;
	v28 =	vadd.f32 v30, v20  }
0x4c7: {  	v31 =	vld [tilespmem:s30+$0x3820];
	v30 =	vadd.f32 v36, v23;
	[tilespmem:s0+$0x10] =	vst v27  }
0x4c8: {  	v61 =	vld [tilespmem:s30+$0x3C60];
	v27 =	vadd.f32 v55, v18;
	[tilespmem:s30+$0x3810] =	vst v28  }
0x4c9: {  	v60 =	vld [tilespmem:s30+$0x3C50];
	v39 =	vadd.f32 v46, v18;
	[tilespmem:s0+$0x440] =	vst v30  }
0x4ca: {  	v33 =	vld [tilespmem:s30+$0x3C10];
	v28 =	vadd.f32 v29, v22;
	v29 =	vadd.f32 v52, v24;
	[tilespmem:s0+$0x400] =	vst v27  }
0x4cb: {  	v37 =	vadd.f32 v62, v10;
	[tilespmem:s30+$0x3800] =	vst v39;
	v32 =	vld [tilespmem:s28+$0x15C00]  }
0x4cc: {  	s31 =	sadd.s32 $0x15C00, s28;
	v34 =	vadd.f32 v51, v8;
	v27 =	vadd.f32 v31, v21;
	[tilespmem:s30+$0x3850] =	vst v29;
	v29 =	vld [tilespmem:s30+$0x3C40]  }
0x4cd: {  	v35 =	vadd.f32 v58, v5;
	v36 =	vadd.f32 v61, v11;
	[tilespmem:s30+$0x3830] =	vst v28;
	v31 =	vld [tilespmem:s31+$0x50]  }
0x4ce: {  	s2 =	simm.s32 $0x0;
	v30 =	vadd.f32 v60, v15;
	v28 =	vadd.f32 v43, v23;
	[tilespmem:s30+$0x3820] =	vst v27;
	v27 =	vld [tilespmem:s31+$0x40]  }
.LBB2_23:
0x4cf: {  	v38 =	vld [tilespmem:s31+$0x60];
	v33 =	vadd.f32 v33, v6;
	[tilespmem:s30+$0x3C30] =	vst v35;
	s29 =	sadd.s32 $0x100, s29;
	s0 =	smov.u32 s2;
	s2 =	sadd.s32 $0x2, s2  }
0x4d0: {  	s6 =	sshrl.u32 s2, $0x3;
	s0 =	sadd.s32 $0x63, s0;
	p0 =	slt.u32 s2, $0x1E;
	v35 =	vld [tilespmem:s31+$0x70];
	[tilespmem:s30+$0x3C60] =	vst v36  }
0x4d1: {  	v32 =	vadd.f32 v32, v19;
	s6 =	smul.u32 $0x6000, s6;
	s0 =	sshrl.u32 s0, $0x3;
	[tilespmem:s30+$0x3410] =	vst v37;
	v36 =	vld [tilespmem:s30+$0x3420]  }
0x4d2: {  	s0 =	smul.u32 $0x6000, s0;
	[tilespmem:s30+$0x3400] =	vst v34;
	v29 =	vadd.f32 v29, v7;
	v34 =	vld [tilespmem:s30+$0x3C70]  }
0x4d3: {  	s11 =	sand.u32 $0x300, s29;
	s6 =	sshra.s32 s6, $0x2;
	[tilespmem:s28+$0x15C00] =	vst v32  }
0x4d4: {  	s28 =	sor.u32 s11, s6;
	s6 =	sshra.s32 s0, $0x2;
	v32 =	vld [tilespmem:s31+$0x10];
	[tilespmem:s30+$0x3C50] =	vst v30  }
0x4d5: {  	v27 =	vadd.f32 v27, v7;
	s0 =	sadd.s32 $0x15400, s28;
	v30 =	vld [tilespmem:s28+$0x15400];
	[tilespmem:s30+$0x3840] =	vst v28  }
0x4d6: {  	v31 =	vadd.f32 v31, v15;
	v28 =	vld [tilespmem:s31+$0x20];
	v36 =	vadd.f32 v36, v3;
	[tilespmem:s30+$0x3C10] =	vst v33  }
0x4d7: {  	v33 =	vld [tilespmem:s31+$0x30];
	[tilespmem:s31+$0x40] =	vst v27;
	v27 =	vadd.f32 v34, v9  }
0x4d8: {  	v34 =	vld [tilespmem:s0+$0x460];
	[tilespmem:s31+$0x50] =	vst v31;
	v31 =	vadd.f32 v38, v11  }
0x4d9: {  	v37 =	vld [tilespmem:s0+$0x450];
	v32 =	vadd.f32 v32, v6;
	[tilespmem:s30+$0x3C70] =	vst v27  }
0x4da: {  	v27 =	vadd.f32 v30, v8;
	v30 =	vld [tilespmem:s0+$0x40];
	[tilespmem:s31+$0x60] =	vst v31;
	v31 =	vadd.f32 v35, v9  }
0x4db: {  	v35 =	vld [tilespmem:s0+$0x410];
	[tilespmem:s30+$0x3420] =	vst v36  }
0x4dc: {  	v28 =	vadd.f32 v28, v4;
	v36 =	vld [tilespmem:s0+$0x420];
	[tilespmem:s31+$0x70] =	vst v31  }
0x4dd: {  	v31 =	vld [tilespmem:s0+$0x50];
	[tilespmem:s31+$0x10] =	vst v32;
	v32 =	vadd.f32 v33, v5  }
0x4de: {  	v33 =	vld [tilespmem:s0+$0x60];
	[tilespmem:s30+$0x3C40] =	vst v29  }
0x4df: {  	v29 =	vld [tilespmem:s0+$0x70];
	[tilespmem:s31+$0x30] =	vst v32  }
0x4e0: {  	v32 =	vld [tilespmem:s0+$0x440];
	[tilespmem:s31+$0x20] =	vst v28  }
0x4e1: {  	s11 =	sadd.s32 $0x3080, s29;
	v28 =	vadd.f32 v30, v13;
	v30 =	vadd.f32 v35, v20;
	v35 =	vld [tilespmem:s0+$0x470]  }
0x4e2: {  	s11 =	sand.u32 $0x380, s11;
	[tilespmem:s28+$0x15400] =	vst v27;
	v27 =	vld [tilespmem:s0+$0x430]  }
0x4e3: {  	s30 =	sor.u32 s11, s6;
	v31 =	vadd.f32 v31, v14;
	v38 =	vld [tilespmem:s0+$0x30];
	[tilespmem:s0+$0x410] =	vst v30  }
0x4e4: {  	[tilespmem:s0+$0x40] =	vst v28;
	v28 =	vadd.f32 v33, v16;
	v30 =	vld [tilespmem:s30+$0x3450]  }
0x4e5: {  	v29 =	vadd.f32 v29, v17;
	v33 =	vld [tilespmem:s0+$0x20];
	[tilespmem:s0+$0x50] =	vst v31;
	v31 =	vadd.f32 v36, v21  }
0x4e6: {  	v36 =	vld [tilespmem:s0+$0x10];
	[tilespmem:s0+$0x60] =	vst v28;
	v28 =	vadd.f32 v37, v24;
	v35 =	vadd.f32 v35, v26  }
0x4e7: {  	[tilespmem:s0+$0x70] =	vst v29;
	v27 =	vadd.f32 v27, v22;
	v29 =	vld [tilespmem:s30+$0x3440]  }
0x4e8: {  	v34 =	vadd.f32 v34, v25;
	v37 =	vadd.f32 v38, v12;
	[tilespmem:s0+$0x470] =	vst v35;
	v35 =	vld [tilespmem:s30+$0x3430]  }
0x4e9: {  	[tilespmem:s0+$0x430] =	vst v27;
	v27 =	vld [tilespmem:s30+$0x3C00]  }
0x4ea: {  	v32 =	vadd.f32 v32, v23;
	v33 =	vadd.f32 v33, v3;
	[tilespmem:s0+$0x30] =	vst v37;
	v37 =	vld [tilespmem:s0+$0x400]  }
0x4eb: {  	[tilespmem:s0+$0x450] =	vst v28;
	v28 =	vld [tilespmem:s30+$0x3460]  }
0x4ec: {  	v36 =	vadd.f32 v36, v10;
	[tilespmem:s0+$0x20] =	vst v33;
	v33 =	vld [tilespmem:s30+$0x3470]  }
0x4ed: {  	[tilespmem:s0+$0x420] =	vst v31;
	v31 =	vadd.f32 v35, v12;
	v35 =	vld [tilespmem:s30+$0x3800]  }
0x4ee: {  	v29 =	vadd.f32 v29, v13;
	[tilespmem:s0+$0x10] =	vst v36;
	v36 =	vld [tilespmem:s30+$0x3840]  }
0x4ef: {  	v30 =	vadd.f32 v30, v14;
	[tilespmem:s30+$0x3430] =	vst v31;
	v31 =	vld [tilespmem:s30+$0x3860]  }
0x4f0: {  	v37 =	vadd.f32 v37, v18;
	[tilespmem:s30+$0x3440] =	vst v29;
	v28 =	vadd.f32 v28, v16;
	v29 =	vld [tilespmem:s30+$0x3870]  }
0x4f1: {  	[tilespmem:s0+$0x460] =	vst v34;
	v34 =	vld [tilespmem:s30+$0x3400];
	v33 =	vadd.f32 v33, v17  }
0x4f2: {  	[tilespmem:s0+$0x400] =	vst v37;
	v35 =	vadd.f32 v35, v18;
	v37 =	vld [tilespmem:s30+$0x3850]  }
0x4f3: {  	v27 =	vadd.f32 v27, v19;
	[tilespmem:s30+$0x3450] =	vst v30;
	v30 =	vld [tilespmem:s30+$0x3810]  }
0x4f4: {  	[tilespmem:s30+$0x3460] =	vst v28;
	v28 =	vld [tilespmem:s30+$0x3820];
	v31 =	vadd.f32 v31, v25  }
0x4f5: {  	[tilespmem:s30+$0x3470] =	vst v33;
	v33 =	vld [tilespmem:s30+$0x3830]  }
0x4f6: {  	v29 =	vadd.f32 v29, v26;
	[tilespmem:s30+$0x3800] =	vst v35;
	v35 =	vld [tilespmem:s30+$0x3C20]  }
0x4f7: {  	v37 =	vadd.f32 v37, v24;
	[tilespmem:s30+$0x3C00] =	vst v27;
	v27 =	vld [tilespmem:s30+$0x3C30]  }
0x4f8: {  	v30 =	vadd.f32 v30, v20;
	[tilespmem:s30+$0x3860] =	vst v31;
	v31 =	vld [tilespmem:s30+$0x3C50]  }
0x4f9: {  	v28 =	vadd.f32 v28, v21;
	[tilespmem:s30+$0x3870] =	vst v29;
	v38 =	vld [tilespmem:s30+$0x3C60]  }
0x4fa: {  	[tilespmem:s0+$0x440] =	vst v32;
	v39 =	vld [tilespmem:s30+$0x3410];
	v29 =	vadd.f32 v33, v22  }
.Ltmp15:
0x4fb: {  	[tilespmem:s30+$0x3810] =	vst v30;
	v33 =	vld [tilespmem:s30+$0x3C10];
	v40 =	vadd.f32 v35, v4;
	(pc) =	sbr.rel @p0 .LBB2_23-.Ltmp15, $4  }
0x4fc: {  	s31 =	sadd.s32 $0x15C00, s28;
	v32 =	vld [tilespmem:s28+$0x15C00];
	[tilespmem:s30+$0x3820] =	vst v28;
	v35 =	vadd.f32 v27, v5  }
0x4fd: {  	v27 =	vld [tilespmem:s31+$0x40];
	[tilespmem:s30+$0x3830] =	vst v29;
	v30 =	vadd.f32 v31, v15  }
0x4fe: {  	v28 =	vadd.f32 v36, v23;
	[tilespmem:s30+$0x3850] =	vst v37;
	v29 =	vld [tilespmem:s30+$0x3C40];
	v36 =	vadd.f32 v38, v11  }
0x4ff: {  	v34 =	vadd.f32 v34, v8;
	v31 =	vld [tilespmem:s31+$0x50];
	v37 =	vadd.f32 v39, v10;
	[tilespmem:s30+$0x3C20] =	vst v40  }
0x500: {  	[tilespmem:s30+$0x3C30] =	vst v35  }
0x501: {  	[tilespmem:s30+$0x3C60] =	vst v36  }
0x502: {  	[tilespmem:s30+$0x3C50] =	vst v30  }
0x503: {  	v14 =	vld [tilespmem:s30+$0x3C70];
	[tilespmem:s30+$0x3840] =	vst v28  }
0x504: {  	v8 =	vld [tilespmem:s31+$0x60];
	[tilespmem:s30+$0x3410] =	vst v37;
	v13 =	vadd.f32 v32, v19  }
0x505: {  	v10 =	vld [tilespmem:s30+$0x3420];
	[tilespmem:s30+$0x3400] =	vst v34;
	v17 =	vadd.f32 v27, v7  }
0x506: {  	v12 =	vld [tilespmem:s31+$0x70];
	[tilespmem:s28+$0x15C00] =	vst v13;
	v13 =	vadd.f32 v33, v6  }
0x507: {  	v15 =	vadd.f32 v31, v15;
	[tilespmem:s31+$0x40] =	vst v17  }
0x508: {  	v16 =	vld [tilespmem:s31+$0x10];
	[tilespmem:s30+$0x3C10] =	vst v13;
	v14 =	vadd.f32 v14, v9  }
0x509: {  	v18 =	vld [tilespmem:s31+$0x20];
	v8 =	vadd.f32 v8, v11;
	[tilespmem:s31+$0x50] =	vst v15  }
0x50a: {  	v13 =	vld [tilespmem:s31+$0x30];
	v3 =	vadd.f32 v10, v3;
	[tilespmem:s30+$0x3C70] =	vst v14  }
0x50b: {  	[tilespmem:s31+$0x60] =	vst v8;
	v8 =	vadd.f32 v12, v9  }
0x50c: {  	[tilespmem:s30+$0x3420] =	vst v3;
	v3 =	vadd.f32 v29, v7  }
0x50d: {  	v6 =	vadd.f32 v16, v6;
	[tilespmem:s31+$0x70] =	vst v8  }
0x50e: {  	v4 =	vadd.f32 v18, v4;
	[tilespmem:s30+$0x3C40] =	vst v3  }
0x50f: {  	v5 =	vadd.f32 v13, v5;
	[tilespmem:s31+$0x10] =	vst v6  }
0x510: {  	[tilespmem:s31+$0x20] =	vst v4  }
0x511: {  	[tilespmem:s31+$0x30] =	vst v5  }
0x512: {  	v6 =	vld [tilespmem:$0x2F80]  }
0x513: {  	v7 =	vld [tilespmem:$0x2F90]  }
0x514: {  	v8 =	vld [tilespmem:$0x2FA0]  }
0x515: {  	v9 =	vld [tilespmem:$0x2FB0]  }
0x516: {  	v10 =	vld [tilespmem:$0x2FC0]  }
0x517: {  	v12 =	vld [tilespmem:$0x2FD0]  }
0x518: {  	v14 =	vld [tilespmem:$0x2FE0]  }
0x519: {  	v15 =	vld [tilespmem:$0x2FF0]  }
0x51a: {  	v16 =	vld [tilespmem:$0x3180]  }
0x51b: {  	v17 =	vld [tilespmem:$0x3190]  }
0x51c: {  	v19 =	vld [tilespmem:$0x31A0]  }
0x51d: {  	v20 =	vld [tilespmem:$0x31B0]  }
0x51e: {  	v21 =	vld [tilespmem:$0x31C0]  }
0x51f: {  	v23 =	vld [tilespmem:$0x31D0]  }
0x520: {  	v24 =	vld [tilespmem:$0x31E0]  }
0x521: {  	v26 =	vld [tilespmem:$0x31F0]  }
0x522: {  	v22 =	vld [tilespmem:$0x3380]  }
0x523: {  	s0 =	simm.s32 $0x0;
	v4 =	vld [tilespmem:$0x3390]  }
0x524: {  	s0 =	smul.u32 $0x6000, s0;
	v3 =	vld [tilespmem:$0x33A0]  }
0x525: {  	s2 =	simm.s32 $0x0;
	v5 =	vld [tilespmem:$0x33B0]  }
0x526: {  	s6 =	simm.s32 $0xC;
	s2 =	sand.u32 $0x300, s2;
	s0 =	sshra.s32 s0, $0x2;
	v25 =	vld [tilespmem:$0x33C0]  }
0x527: {  	s6 =	smul.u32 $0x6000, s6;
	s0 =	sor.u32 s2, s0;
	v11 =	vld [tilespmem:$0x33D0]  }
0x528: {  	s11 =	simm.s32 $0x3080;
	v27 =	vld [tilespmem:s0+$0x16000]  }
0x529: {  	s6 =	sshra.s32 s6, $0x2;
	s2 =	sand.u32 $0x380, s11;
	v13 =	vld [tilespmem:$0x33E0]  }
0x52a: {  	s28 =	sor.u32 s2, s6;
	v18 =	vld [tilespmem:$0x33F0]  }
0x52b: {  	v28 =	vld [tilespmem:s28+$0x4000]  }
0x52c: {  	v29 =	vld [tilespmem:s28+$0x4010]  }
0x52d: {  	s11 =	sadd.s32 $0x16000, s0;
	v30 =	vld [tilespmem:s28+$0x4020];
	v27 =	vadd.f32 v27, v6  }
0x52e: {  	v31 =	vld [tilespmem:s11+$0x40]  }
0x52f: {  	v63 =	vld [tilespmem:s11+$0x50];
	[tilespmem:s0+$0x16000] =	vst v27  }
0x530: {  	v27 =	vld [tilespmem:s11+$0x60]  }
0x531: {  	v35 =	vld [tilespmem:s28+$0x4040];
	v28 =	vadd.f32 v28, v6  }
0x532: {  	v29 =	vadd.f32 v29, v7;
	v34 =	vld [tilespmem:s11+$0x10]  }
0x533: {  	v38 =	vld [tilespmem:s28+$0x4400];
	[tilespmem:s28+$0x4000] =	vst v28  }
0x534: {  	v28 =	vadd.f32 v30, v8;
	[tilespmem:s28+$0x4010] =	vst v29;
	v29 =	vadd.f32 v63, v12;
	v30 =	vld [tilespmem:s11+$0x30]  }
0x535: {  	v36 =	vld [tilespmem:s11+$0x20];
	v27 =	vadd.f32 v27, v14  }
0x536: {  	v37 =	vld [tilespmem:s11+$0x70];
	[tilespmem:s11+$0x50] =	vst v29  }
0x537: {  	v29 =	vadd.f32 v34, v7;
	[tilespmem:s11+$0x60] =	vst v27;
	v27 =	vld [tilespmem:s28+$0x4050]  }
0x538: {  	v31 =	vadd.f32 v31, v10;
	[tilespmem:s28+$0x4020] =	vst v28;
	v28 =	vld [tilespmem:s28+$0x4030]  }
0x539: {  	v30 =	vadd.f32 v30, v9;
	[tilespmem:s11+$0x10] =	vst v29;
	v29 =	vld [tilespmem:s28+$0x4070]  }
0x53a: {  	[tilespmem:s11+$0x40] =	vst v31;
	v31 =	vld [tilespmem:s28+$0x4060];
	v33 =	vadd.f32 v36, v8  }
0x53b: {  	v32 =	vadd.f32 v37, v15;
	[tilespmem:s11+$0x30] =	vst v30;
	v30 =	vld [tilespmem:s28+$0x4410]  }
0x53c: {  	v39 =	vld [tilespmem:s28+$0x4420];
	[tilespmem:s11+$0x20] =	vst v33;
	v27 =	vadd.f32 v27, v12  }
0x53d: {  	v41 =	vld [tilespmem:s28+$0x4440];
	v28 =	vadd.f32 v28, v9;
	[tilespmem:s11+$0x70] =	vst v32  }
0x53e: {  	[tilespmem:s28+$0x4050] =	vst v27;
	v27 =	vadd.f32 v29, v15;
	v29 =	vld [tilespmem:s0+$0x16400]  }
0x53f: {  	s6 =	sadd.s32 $0x16400, s0;
	v43 =	vld [tilespmem:s28+$0x4800];
	[tilespmem:s28+$0x4030] =	vst v28;
	v28 =	vadd.f32 v31, v14  }
0x540: {  	v31 =	vld [tilespmem:s6+$0x60];
	[tilespmem:s28+$0x4070] =	vst v27;
	v27 =	vadd.f32 v30, v17  }
0x541: {  	v48 =	vadd.f32 v35, v10;
	[tilespmem:s28+$0x4060] =	vst v28;
	v30 =	vld [tilespmem:s6+$0x70]  }
0x542: {  	v28 =	vadd.f32 v38, v16;
	[tilespmem:s28+$0x4410] =	vst v27;
	v27 =	vld [tilespmem:s28+$0x4430]  }
0x543: {  	[tilespmem:s28+$0x4040] =	vst v48;
	v40 =	vld [tilespmem:s6+$0x40];
	v29 =	vadd.f32 v29, v16  }
0x544: {  	v32 =	vadd.f32 v39, v19;
	[tilespmem:s28+$0x4400] =	vst v28;
	v28 =	vld [tilespmem:s6+$0x50]  }
0x545: {  	v31 =	vadd.f32 v31, v24;
	[tilespmem:s0+$0x16400] =	vst v29;
	v29 =	vld [tilespmem:s28+$0x4450]  }
0x546: {  	[tilespmem:s28+$0x4420] =	vst v32;
	v30 =	vadd.f32 v30, v26;
	v42 =	vld [tilespmem:s6+$0x10]  }
0x547: {  	v36 =	vld [tilespmem:s6+$0x20];
	[tilespmem:s6+$0x60] =	vst v31;
	v27 =	vadd.f32 v27, v20  }
0x548: {  	v37 =	vld [tilespmem:s6+$0x30];
	[tilespmem:s6+$0x70] =	vst v30;
	v30 =	vadd.f32 v40, v21  }
0x549: {  	v53 =	vld [tilespmem:s28+$0x4870];
	[tilespmem:s28+$0x4430] =	vst v27;
	v27 =	vadd.f32 v28, v23  }
0x54a: {  	v31 =	vld [tilespmem:s28+$0x4460];
	[tilespmem:s6+$0x40] =	vst v30;
	v29 =	vadd.f32 v29, v23  }
0x54b: {  	v46 =	vld [tilespmem:s28+$0x4830];
	[tilespmem:s6+$0x50] =	vst v27;
	v44 =	vadd.f32 v42, v17  }
0x54c: {  	v28 =	vld [tilespmem:s28+$0x4470];
	v30 =	vadd.f32 v36, v19;
	[tilespmem:s28+$0x4450] =	vst v29  }
0x54d: {  	v27 =	vld [tilespmem:s28+$0x4810];
	v45 =	vadd.f32 v37, v20;
	[tilespmem:s6+$0x10] =	vst v44  }
0x54e: {  	v32 =	vadd.f32 v41, v21;
	v29 =	vld [tilespmem:s28+$0x4820];
	[tilespmem:s6+$0x20] =	vst v30  }
0x54f: {  	v37 =	vadd.f32 v53, v18;
	v30 =	vadd.f32 v31, v24;
	[tilespmem:s6+$0x30] =	vst v45;
	v31 =	vld [tilespmem:s28+$0x4840]  }
0x550: {  	s2 =	sadd.s32 $0x16800, s0;
	s11 =	simm.s32 $0x0;
	[tilespmem:s28+$0x4440] =	vst v32;
	v47 =	vld [tilespmem:s0+$0x16800]  }
0x551: {  	s6 =	smul.u32 $0x6000, s11;
	[tilespmem:s28+$0x4870] =	vst v37;
	v28 =	vadd.f32 v28, v26;
	v49 =	vld [tilespmem:s2+$0x50]  }
0x552: {  	s29 =	simm.s32 $0x100;
	s11 =	simm.s32 $0xC;
	v50 =	vld [tilespmem:s2+$0x60];
	[tilespmem:s28+$0x4460] =	vst v30;
	v30 =	vadd.f32 v43, v22  }
0x553: {  	s30 =	sand.u32 $0x300, s29;
	s11 =	smul.u32 $0x6000, s11;
	s6 =	sshra.s32 s6, $0x2;
	[tilespmem:s28+$0x4470] =	vst v28;
	v28 =	vld [tilespmem:s2+$0x40];
	v27 =	vadd.f32 v27, v4  }
0x554: {  	v51 =	vld [tilespmem:s2+$0x70];
	s30 =	sor.u32 s30, s6;
	s6 =	simm.s32 $0x3180;
	[tilespmem:s28+$0x4800] =	vst v30;
	v30 =	vadd.f32 v46, v5  }
0x555: {  	s11 =	sshra.s32 s11, $0x2;
	v52 =	vld [tilespmem:s30+$0x16000];
	s6 =	sand.u32 $0x380, s6;
	v31 =	vadd.f32 v31, v25;
	[tilespmem:s28+$0x4810] =	vst v27  }
0x556: {  	s31 =	sor.u32 s6, s11;
	[tilespmem:s28+$0x4830] =	vst v30;
	v30 =	vld [tilespmem:s28+$0x4850];
	v32 =	vadd.f32 v47, v22  }
0x557: {  	v54 =	vadd.f32 v49, v11;
	v55 =	vld [tilespmem:s31+$0x4000];
	[tilespmem:s28+$0x4840] =	vst v31  }
0x558: {  	v56 =	vld [tilespmem:s31+$0x4010];
	v28 =	vadd.f32 v28, v25;
	[tilespmem:s0+$0x16800] =	vst v32  }
0x559: {  	s6 =	sadd.s32 $0x16000, s30;
	v57 =	vadd.f32 v51, v18;
	v58 =	vld [tilespmem:s31+$0x4020];
	[tilespmem:s2+$0x50] =	vst v54  }
0x55a: {  	v59 =	vld [tilespmem:s6+$0x40];
	[tilespmem:s2+$0x40] =	vst v28;
	v28 =	vadd.f32 v50, v13  }
0x55b: {  	v40 =	vld [tilespmem:s31+$0x4030];
	[tilespmem:s2+$0x70] =	vst v57;
	v30 =	vadd.f32 v30, v11  }
0x55c: {  	v31 =	vld [tilespmem:s28+$0x4860];
	v34 =	vadd.f32 v55, v6;
	[tilespmem:s2+$0x60] =	vst v28  }
0x55d: {  	v60 =	vld [tilespmem:s6+$0x50];
	v33 =	vadd.f32 v56, v7;
	[tilespmem:s28+$0x4850] =	vst v30  }
0x55e: {  	v38 =	vld [tilespmem:s31+$0x4040];
	v28 =	vadd.f32 v52, v6;
	[tilespmem:s31+$0x4000] =	vst v34  }
0x55f: {  	v42 =	vld [tilespmem:s31+$0x4060];
	v35 =	vadd.f32 v58, v8;
	[tilespmem:s31+$0x4010] =	vst v33  }
0x560: {  	v44 =	vadd.f32 v40, v9;
	[tilespmem:s30+$0x16000] =	vst v28;
	v28 =	vld [tilespmem:s2+$0x10]  }
0x561: {  	v31 =	vadd.f32 v31, v13;
	[tilespmem:s31+$0x4020] =	vst v35;
	v30 =	vld [tilespmem:s6+$0x60]  }
0x562: {  	v32 =	vadd.f32 v60, v12;
	[tilespmem:s31+$0x4030] =	vst v44;
	v61 =	vld [tilespmem:s6+$0x10]  }
0x563: {  	v36 =	vadd.f32 v59, v10;
	[tilespmem:s28+$0x4860] =	vst v31;
	v31 =	vld [tilespmem:s6+$0x20]  }
0x564: {  	v34 =	vadd.f32 v42, v14;
	v62 =	vld [tilespmem:s6+$0x30];
	[tilespmem:s6+$0x50] =	vst v32  }
0x565: {  	v63 =	vld [tilespmem:s6+$0x70];
	[tilespmem:s6+$0x40] =	vst v36;
	v28 =	vadd.f32 v28, v4  }
0x566: {  	v43 =	vld [tilespmem:s31+$0x4070];
	[tilespmem:s31+$0x4060] =	vst v34;
	v30 =	vadd.f32 v30, v14  }
0x567: {  	v45 =	vld [tilespmem:s31+$0x4410];
	v41 =	vadd.f32 v61, v7;
	[tilespmem:s2+$0x10] =	vst v28  }
0x568: {  	v46 =	vld [tilespmem:s31+$0x4420];
	v31 =	vadd.f32 v31, v8;
	[tilespmem:s6+$0x60] =	vst v30  }
0x569: {  	v47 =	vld [tilespmem:s2+$0x20];
	v33 =	vadd.f32 v62, v9;
	[tilespmem:s6+$0x10] =	vst v41  }
0x56a: {  	v35 =	vadd.f32 v63, v15;
	v30 =	vld [tilespmem:s31+$0x4050];
	[tilespmem:s6+$0x20] =	vst v31  }
0x56b: {  	v32 =	vadd.f32 v43, v15;
	v28 =	vld [tilespmem:s31+$0x4430];
	[tilespmem:s6+$0x30] =	vst v33  }
0x56c: {  	v36 =	vadd.f32 v45, v17;
	v31 =	vld [tilespmem:s31+$0x4400];
	[tilespmem:s6+$0x70] =	vst v35  }
0x56d: {  	[tilespmem:s31+$0x4070] =	vst v32;
	v35 =	vadd.f32 v46, v19;
	v48 =	vld [tilespmem:s30+$0x16400]  }
0x56e: {  	s11 =	sadd.s32 $0x16400, s30;
	v52 =	vld [tilespmem:s31+$0x4440];
	[tilespmem:s31+$0x4410] =	vst v36;
	v33 =	vadd.f32 v47, v3  }
0x56f: {  	v50 =	vld [tilespmem:s11+$0x50];
	[tilespmem:s31+$0x4420] =	vst v35;
	v30 =	vadd.f32 v30, v12  }
0x570: {  	v51 =	vld [tilespmem:s11+$0x40];
	[tilespmem:s2+$0x20] =	vst v33;
	v28 =	vadd.f32 v28, v20  }
0x571: {  	v31 =	vadd.f32 v31, v16;
	[tilespmem:s31+$0x4050] =	vst v30;
	v30 =	vld [tilespmem:s2+$0x30]  }
0x572: {  	v53 =	vld [tilespmem:s31+$0x4450];
	v34 =	vadd.f32 v48, v16;
	[tilespmem:s31+$0x4430] =	vst v28  }
0x573: {  	v49 =	vld [tilespmem:s11+$0x60];
	v28 =	vadd.f32 v52, v21;
	[tilespmem:s31+$0x4400] =	vst v31  }
0x574: {  	v56 =	vadd.f32 v50, v23;
	v31 =	vld [tilespmem:s11+$0x70];
	[tilespmem:s30+$0x16400] =	vst v34  }
0x575: {  	v57 =	vadd.f32 v51, v21;
	[tilespmem:s31+$0x4440] =	vst v28;
	v54 =	vld [tilespmem:s11+$0x10]  }
0x576: {  	v27 =	vld [tilespmem:s11+$0x20];
	[tilespmem:s11+$0x50] =	vst v56;
	v30 =	vadd.f32 v30, v5  }
0x577: {  	v28 =	vadd.f32 v53, v23;
	v55 =	vld [tilespmem:s11+$0x30];
	[tilespmem:s11+$0x40] =	vst v57  }
0x578: {  	v58 =	vld [tilespmem:s31+$0x4800];
	[tilespmem:s2+$0x30] =	vst v30;
	v30 =	vadd.f32 v49, v24  }
0x579: {  	v61 =	vld [tilespmem:s31+$0x4830];
	[tilespmem:s31+$0x4450] =	vst v28;
	v31 =	vadd.f32 v31, v26  }
0x57a: {  	v32 =	vadd.f32 v54, v17;
	[tilespmem:s11+$0x60] =	vst v30;
	v30 =	vld [tilespmem:s31+$0x4460]  }
0x57b: {  	[tilespmem:s11+$0x70] =	vst v31;
	v31 =	vld [tilespmem:s31+$0x4470];
	v59 =	vadd.f32 v27, v19  }
0x57c: {  	v33 =	vld [tilespmem:s31+$0x4840];
	v60 =	vadd.f32 v55, v20;
	[tilespmem:s11+$0x10] =	vst v32  }
0x57d: {  	v63 =	vadd.f32 v38, v10;
	v28 =	vld [tilespmem:s31+$0x4810];
	[tilespmem:s11+$0x20] =	vst v59  }
0x57e: {  	v35 =	vadd.f32 v58, v22;
	v27 =	vld [tilespmem:s31+$0x4820];
	[tilespmem:s11+$0x30] =	vst v60  }
0x57f: {  	s0 =	sadd.s32 $0x16800, s30;
	[tilespmem:s31+$0x4040] =	vst v63;
	v32 =	vld [tilespmem:s30+$0x16800];
	v30 =	vadd.f32 v30, v24  }
0x580: {  	[tilespmem:s31+$0x4800] =	vst v35;
	v62 =	vadd.f32 v31, v26;
	v31 =	vld [tilespmem:s0+$0x40]  }
0x581: {  	v34 =	vadd.f32 v29, v3;
	[tilespmem:s31+$0x4460] =	vst v30;
	v30 =	vld [tilespmem:s0+$0x50]  }
0x582: {  	v35 =	vadd.f32 v61, v5;
	s2 =	simm.s32 $0x2;
	v29 =	vld [tilespmem:s0+$0x60];
	[tilespmem:s31+$0x4470] =	vst v62  }
.LBB2_25:
0x583: {  	v36 =	vld [tilespmem:s0+$0x70];
	v33 =	vadd.f32 v33, v25;
	[tilespmem:s28+$0x4820] =	vst v34;
	s6 =	smov.u32 s2;
	s2 =	sadd.s32 $0x2, s2;
	s28 =	smov.u32 s31  }
0x584: {  	s11 =	sshrl.u32 s2, $0x3;
	p0 =	slt.u32 s2, $0x1E;
	v32 =	vadd.f32 v32, v22;
	[tilespmem:s28+$0x4830] =	vst v35;
	v34 =	vld [tilespmem:s28+$0x4850]  }
0x585: {  	s6 =	sadd.s32 $0x63, s6;
	s11 =	smul.u32 $0x6000, s11;
	v31 =	vadd.f32 v31, v25;
	[tilespmem:s28+$0x4840] =	vst v33;
	v33 =	vld [tilespmem:s28+$0x4860]  }
0x586: {  	s29 =	sadd.s32 $0x100, s29;
	s6 =	sshrl.u32 s6, $0x3;
	[tilespmem:s30+$0x16800] =	vst v32;
	v30 =	vadd.f32 v30, v11;
	v32 =	vld [tilespmem:s28+$0x4870]  }
0x587: {  	s30 =	sand.u32 $0x300, s29;
	s6 =	smul.u32 $0x6000, s6;
	s11 =	sshra.s32 s11, $0x2;
	v35 =	vld [tilespmem:s0+$0x10];
	[tilespmem:s0+$0x40] =	vst v31;
	v29 =	vadd.f32 v29, v13  }
0x588: {  	s30 =	sor.u32 s30, s11;
	s11 =	sadd.s32 $0x3080, s29;
	v31 =	vld [tilespmem:s0+$0x20];
	[tilespmem:s0+$0x50] =	vst v30;
	v30 =	vadd.f32 v36, v18  }
0x589: {  	s6 =	sshra.s32 s6, $0x2;
	v36 =	vld [tilespmem:s30+$0x16000];
	s11 =	sand.u32 $0x380, s11;
	[tilespmem:s0+$0x60] =	vst v29;
	v29 =	vadd.f32 v34, v11  }
0x58a: {  	s31 =	sor.u32 s11, s6;
	v34 =	vld [tilespmem:s0+$0x30];
	[tilespmem:s0+$0x70] =	vst v30;
	v30 =	vadd.f32 v33, v13  }
0x58b: {  	v33 =	vld [tilespmem:s31+$0x4000];
	[tilespmem:s28+$0x4850] =	vst v29;
	v29 =	vadd.f32 v32, v18  }
0x58c: {  	v32 =	vld [tilespmem:s31+$0x4010];
	v35 =	vadd.f32 v35, v4;
	[tilespmem:s28+$0x4860] =	vst v30  }
0x58d: {  	s6 =	sadd.s32 $0x16000, s30;
	v30 =	vld [tilespmem:s31+$0x4020];
	v31 =	vadd.f32 v31, v3;
	[tilespmem:s28+$0x4870] =	vst v29  }
0x58e: {  	v29 =	vadd.f32 v36, v6;
	v36 =	vld [tilespmem:s6+$0x40];
	[tilespmem:s0+$0x10] =	vst v35  }
0x58f: {  	v35 =	vld [tilespmem:s6+$0x50];
	[tilespmem:s0+$0x20] =	vst v31;
	v31 =	vadd.f32 v34, v5  }
0x590: {  	[tilespmem:s30+$0x16000] =	vst v29;
	v29 =	vld [tilespmem:s6+$0x60];
	v33 =	vadd.f32 v33, v6  }
0x591: {  	v34 =	vld [tilespmem:s6+$0x20];
	v32 =	vadd.f32 v32, v7;
	[tilespmem:s0+$0x30] =	vst v31  }
0x592: {  	v31 =	vld [tilespmem:s6+$0x10];
	[tilespmem:s31+$0x4000] =	vst v33;
	v30 =	vadd.f32 v30, v8  }
0x593: {  	v28 =	vadd.f32 v28, v4;
	v33 =	vld [tilespmem:s6+$0x30];
	[tilespmem:s31+$0x4010] =	vst v32  }
0x594: {  	v32 =	vadd.f32 v35, v12;
	v35 =	vld [tilespmem:s6+$0x70];
	[tilespmem:s31+$0x4020] =	vst v30  }
0x595: {  	v30 =	vadd.f32 v36, v10;
	v29 =	vadd.f32 v29, v14;
	v36 =	vld [tilespmem:s31+$0x4030];
	[tilespmem:s28+$0x4810] =	vst v28  }
0x596: {  	[tilespmem:s6+$0x50] =	vst v32;
	v37 =	vld [tilespmem:s31+$0x4040]  }
0x597: {  	v28 =	vadd.f32 v31, v7;
	v31 =	vadd.f32 v34, v8;
	[tilespmem:s6+$0x60] =	vst v29;
	v29 =	vld [tilespmem:s31+$0x4050]  }
0x598: {  	v32 =	vadd.f32 v33, v9;
	[tilespmem:s6+$0x40] =	vst v30;
	v30 =	vld [tilespmem:s31+$0x4060]  }
0x599: {  	[tilespmem:s6+$0x10] =	vst v28;
	v28 =	vadd.f32 v35, v15;
	v33 =	vld [tilespmem:s31+$0x4070]  }
0x59a: {  	[tilespmem:s6+$0x20] =	vst v31;
	v31 =	vld [tilespmem:s31+$0x4400]  }
0x59b: {  	[tilespmem:s6+$0x30] =	vst v32;
	v32 =	vadd.f32 v36, v9;
	v34 =	vld [tilespmem:s31+$0x4410]  }
0x59c: {  	s0 =	sadd.s32 $0x16400, s30;
	[tilespmem:s6+$0x70] =	vst v28;
	v28 =	vadd.f32 v29, v12;
	v29 =	vld [tilespmem:s31+$0x4420]  }
0x59d: {  	v35 =	vld [tilespmem:s30+$0x16400];
	[tilespmem:s31+$0x4030] =	vst v32;
	v30 =	vadd.f32 v30, v14  }
0x59e: {  	v32 =	vld [tilespmem:s0+$0x60];
	[tilespmem:s31+$0x4050] =	vst v28;
	v28 =	vadd.f32 v33, v15  }
0x59f: {  	v33 =	vld [tilespmem:s0+$0x70];
	[tilespmem:s31+$0x4060] =	vst v30;
	v30 =	vadd.f32 v31, v16  }
0x5a0: {  	v31 =	vld [tilespmem:s0+$0x50];
	[tilespmem:s31+$0x4070] =	vst v28;
	v28 =	vadd.f32 v34, v17  }
0x5a1: {  	v34 =	vld [tilespmem:s0+$0x40];
	[tilespmem:s31+$0x4400] =	vst v30;
	v29 =	vadd.f32 v29, v19  }
0x5a2: {  	v30 =	vadd.f32 v35, v16;
	[tilespmem:s31+$0x4410] =	vst v28;
	v28 =	vld [tilespmem:s31+$0x4430]  }
0x5a3: {  	v32 =	vadd.f32 v32, v24;
	[tilespmem:s31+$0x4420] =	vst v29;
	v29 =	vld [tilespmem:s31+$0x4440]  }
0x5a4: {  	[tilespmem:s30+$0x16400] =	vst v30;
	v30 =	vadd.f32 v33, v26;
	v33 =	vld [tilespmem:s31+$0x4450]  }
0x5a5: {  	v35 =	vld [tilespmem:s0+$0x10];
	v31 =	vadd.f32 v31, v23;
	[tilespmem:s0+$0x60] =	vst v32  }
0x5a6: {  	v32 =	vld [tilespmem:s0+$0x20];
	v34 =	vadd.f32 v34, v21;
	[tilespmem:s0+$0x70] =	vst v30  }
0x5a7: {  	v30 =	vld [tilespmem:s0+$0x30];
	[tilespmem:s0+$0x50] =	vst v31;
	v28 =	vadd.f32 v28, v20  }
0x5a8: {  	[tilespmem:s0+$0x40] =	vst v34;
	v29 =	vadd.f32 v29, v21;
	v31 =	vld [tilespmem:s31+$0x4460]  }
0x5a9: {  	[tilespmem:s31+$0x4430] =	vst v28;
	v28 =	vadd.f32 v33, v23;
	v33 =	vld [tilespmem:s31+$0x4470]  }
0x5aa: {  	v34 =	vadd.f32 v35, v17;
	[tilespmem:s31+$0x4440] =	vst v29;
	v29 =	vld [tilespmem:s31+$0x4800]  }
0x5ab: {  	v32 =	vadd.f32 v32, v19;
	[tilespmem:s31+$0x4450] =	vst v28;
	v28 =	vld [tilespmem:s31+$0x4810]  }
0x5ac: {  	[tilespmem:s0+$0x10] =	vst v34;
	v30 =	vadd.f32 v30, v20;
	v35 =	vld [tilespmem:s31+$0x4820]  }
0x5ad: {  	[tilespmem:s0+$0x20] =	vst v32;
	v31 =	vadd.f32 v31, v24;
	v36 =	vld [tilespmem:s31+$0x4830]  }
.Ltmp16:
0x5ae: {  	[tilespmem:s0+$0x30] =	vst v30;
	v30 =	vadd.f32 v33, v26;
	v33 =	vld [tilespmem:s31+$0x4840];
	(pc) =	sbr.rel @p0 .LBB2_25-.Ltmp16, $4  }
0x5af: {  	s0 =	sadd.s32 $0x16800, s30;
	v32 =	vld [tilespmem:s30+$0x16800];
	[tilespmem:s31+$0x4460] =	vst v31;
	v29 =	vadd.f32 v29, v22  }
0x5b0: {  	v37 =	vadd.f32 v37, v10;
	v31 =	vld [tilespmem:s0+$0x40];
	[tilespmem:s31+$0x4470] =	vst v30  }
0x5b1: {  	v34 =	vadd.f32 v27, v3;
	v30 =	vld [tilespmem:s0+$0x50];
	[tilespmem:s31+$0x4800] =	vst v29;
	v27 =	vmov v35  }
0x5b2: {  	v29 =	vld [tilespmem:s0+$0x60];
	[tilespmem:s31+$0x4040] =	vst v37;
	v35 =	vadd.f32 v36, v5  }
0x5b3: {  	v6 =	vadd.f32 v33, v25;
	[tilespmem:s28+$0x4820] =	vst v34  }
0x5b4: {  	v9 =	vld [tilespmem:s0+$0x70];
	v63 =	vadd.f32 v28, v4;
	[tilespmem:s31+$0x4830] =	vst v35  }
0x5b5: {  	v8 =	vld [tilespmem:s31+$0x4850];
	v7 =	vadd.f32 v32, v22;
	[tilespmem:s31+$0x4840] =	vst v6  }
0x5b6: {  	v10 =	vld [tilespmem:s31+$0x4860];
	v56 =	vadd.f32 v31, v25;
	[tilespmem:s31+$0x4810] =	vst v63  }
0x5b7: {  	v14 =	vld [tilespmem:s31+$0x4870];
	[tilespmem:s30+$0x16800] =	vst v7;
	v12 =	vadd.f32 v30, v11  }
0x5b8: {  	v7 =	vld [tilespmem:s0+$0x10];
	[tilespmem:s0+$0x40] =	vst v56;
	v57 =	vadd.f32 v29, v13  }
0x5b9: {  	v15 =	vld [tilespmem:s0+$0x20];
	[tilespmem:s0+$0x50] =	vst v12;
	v9 =	vadd.f32 v9, v18  }
0x5ba: {  	v59 =	vld [tilespmem:s0+$0x30];
	v58 =	vadd.f32 v8, v11;
	[tilespmem:s0+$0x60] =	vst v57  }
0x5bb: {  	v60 =	vadd.f32 v10, v13;
	[tilespmem:s0+$0x70] =	vst v9  }
0x5bc: {  	v61 =	vadd.f32 v14, v18;
	[tilespmem:s31+$0x4850] =	vst v58  }
0x5bd: {  	[tilespmem:s31+$0x4860] =	vst v60;
	v7 =	vadd.f32 v7, v4  }
0x5be: {  	s2 =	sshll.u32 s26, $0x7;
	[tilespmem:s31+$0x4870] =	vst v61;
	v62 =	vadd.f32 v15, v3  }
0x5bf: {  	s2 =	sor.u32 s10, s2;
	v5 =	vadd.f32 v59, v5;
	[tilespmem:s0+$0x10] =	vst v7  }
0x5c0: {  	s30 =	smul.u32 $0x300, s2;
	v3 =	vadd.f32 v27, v3;
	[tilespmem:s0+$0x20] =	vst v62  }
0x5c1: {  	p0 =	sgt.u32 s24, $0x11;
	[tilespmem:s0+$0x30] =	vst v5  }
.Ltmp17:
0x5c2: {  	[tilespmem:s31+$0x4820] =	vst v3;
	s0 =	sadd.s32 s4, s30;
	(pc) =	sbr.rel @p0 .LBB2_28-.Ltmp17, $4  }
0x5c3: {  	[hbm4b:s0+s5] =	stream.linear.scatter [tilespmem:s19], [sflag:$0x8], $0x6000, $0x38;
	[tilespmem:$0x1B400] =	vst v63  }
0x5c4: {  	_ =	swait.ge [sflag:s22], $0x6000  }
0x5c5: {  	[sflag:s22] =	ssyncset.done $0x0  }
0x5c6: {  	[sflag:s22] =	ssyncadd.s32 $0xFFFFA000  }
0x5c7: {  	s0 =	sadd.s32 $0x5, s25  }
0x5c8: {  	s2 =	sshll.u32 s0, $0x7  }
0x5c9: {  	s6 =	sand.u32 $0x3FFFFF80, s2  }
0x5ca: {  	v3 =	vld [tilespmem:s6+$0x0];
	_ =	sdelay $0x4  }
0x5cb: {  	v4 =	vshrl.u32 v3, $0x3  }
0x5cc: {  	v4 =	vmul.u32 $0x30, v4  }
0x5cd: {  	v3 =	vand.u32 $0x7, v3  }
0x5ce: {  	v3 =	vor.u32 v3, v4  }
0x5cf: {  	v4 =	vperm.xlane v3, v0;
	_ =	sdelay $0x1  }
0x5d0: {  	v4 =	vadd.s32 v1, v4;
	_ =	sdelay $0x3  }
0x5d1: {  	v3 =	vperm.xlane v3, v2  }
0x5d2: {  	[tilespmem:s13], [sflag:$0x2] =	stream.indirect_vreg.gather [hbm4b:s1+s5], $0x80, v4, vm0, $0xb8;
	[tilespmem:$0x1B400] =	vst v63  }
0x5d3: {  	s11 =	simm.s32 $0x9C00;
	v3 =	vadd.s32 v1, v3  }
0x5d4: {  	[tilespmem:s11], [sflag:$0x2] =	stream.indirect_vreg.gather [hbm4b:s7+s5], $0x80, v4, vm0, $0xb8;
	[tilespmem:$0x1B400] =	vst v63  }
0x5d5: {  	s25 =	simm.s32 $0xA400  }
0x5d6: {  	[tilespmem:s25], [sflag:$0x2] =	stream.indirect_vreg.gather [hbm4b:s8+s5], $0x80, v4, vm0, $0xb8;
	[tilespmem:$0x1B400] =	vst v63  }
0x5d7: {  	s26 =	simm.s32 $0xAC00  }
0x5d8: {  	[tilespmem:s26], [sflag:$0x2] =	stream.indirect_vreg.gather [hbm4b:s1+s5], $0x80, v3, vm0, $0xb8;
	[tilespmem:$0x1B400] =	vst v63  }
0x5d9: {  	s28 =	simm.s32 $0xB400  }
0x5da: {  	[tilespmem:s28], [sflag:$0x2] =	stream.indirect_vreg.gather [hbm4b:s7+s5], $0x80, v3, vm0, $0xb8;
	[tilespmem:$0x1B400] =	vst v63  }
0x5db: {  	s29 =	simm.s32 $0xBC00  }
0x5dc: {  	[tilespmem:s29], [sflag:$0x2] =	stream.indirect_vreg.gather [hbm4b:s8+s5], $0x80, v3, vm0, $0xb8;
	[tilespmem:$0x1B400] =	vst v63  }
0x5dd: {  	v3 =	vld [tilespmem:s6+$0x10];
	_ =	sdelay $0x4  }
0x5de: {  	v63 =	vshrl.u32 v3, $0x3  }
0x5df: {  	v4 =	vmul.u32 $0x30, v63  }
0x5e0: {  	v3 =	vand.u32 $0x7, v3  }
0x5e1: {  	v3 =	vor.u32 v3, v4  }
0x5e2: {  	v4 =	vperm.xlane v3, v0;
	_ =	sdelay $0x1  }
0x5e3: {  	v4 =	vadd.s32 v1, v4;
	_ =	sdelay $0x3  }
0x5e4: {  	s30 =	simm.s32 $0xC400;
	v3 =	vperm.xlane v3, v2  }
0x5e5: {  	[tilespmem:s30], [sflag:$0x2] =	stream.indirect_vreg.gather [hbm4b:s1+s5], $0x80, v4, vm0, $0xb8;
	[tilespmem:$0x1B400] =	vst v63  }
0x5e6: {  	s31 =	simm.s32 $0xCC00;
	v3 =	vadd.s32 v1, v3  }
0x5e7: {  	[tilespmem:s31], [sflag:$0x2] =	stream.indirect_vreg.gather [hbm4b:s7+s5], $0x80, v4, vm0, $0xb8;
	[tilespmem:$0x1B400] =	vst v63  }
0x5e8: {  	s0 =	sshrl.u32 s0, $0x3;
	s11 =	simm.s32 $0xD400  }
0x5e9: {  	[tilespmem:s11], [sflag:$0x2] =	stream.indirect_vreg.gather [hbm4b:s8+s5], $0x80, v4, vm0, $0xb8;
	[tilespmem:$0x1B400] =	vst v63  }
0x5ea: {  	s0 =	smul.u32 $0x1800, s0;
	s2 =	sand.u32 $0x280, s2;
	s25 =	simm.s32 $0xDC00  }
0x5eb: {  	[tilespmem:s25], [sflag:$0x2] =	stream.indirect_vreg.gather [hbm4b:s1+s5], $0x80, v3, vm0, $0xb8;
	[tilespmem:$0x1B400] =	vst v63  }
0x5ec: {  	s0 =	sor.u32 s2, s0;
	s26 =	simm.s32 $0xE400  }
0x5ed: {  	[tilespmem:s26], [sflag:$0x2] =	stream.indirect_vreg.gather [hbm4b:s7+s5], $0x80, v3, vm0, $0xb8;
	[tilespmem:$0x1B400] =	vst v63  }
0x5ee: {  	s0 =	sshrl.u32 s0, $0x3;
	s28 =	simm.s32 $0xEC00  }
0x5ef: {  	[tilespmem:s28], [sflag:$0x2] =	stream.indirect_vreg.gather [hbm4b:s8+s5], $0x80, v3, vm0, $0xb8;
	[tilespmem:$0x1B400] =	vst v63  }
0x5f0: {  	s0 =	sadd.s32 s3, s0;
	s29 =	simm.s32 $0x2880  }
0x5f1: {  	[tilespmem:s29], [sflag:$0x2] =	stream.linear.gather [hbm4b:s0+s5], $0x80, $0x38;
	[tilespmem:$0x1B400] =	vst v63  }
0x5f2: {  	s30 =	sadd.s32 $0x80, s0;
	s31 =	simm.s32 $0x2A80  }
0x5f3: {  	[tilespmem:s31], [sflag:$0x2] =	stream.linear.gather [hbm4b:s30+s5], $0x80, $0x38;
	[tilespmem:$0x1B400] =	vst v63  }
0x5f4: {  	s11 =	sadd.s32 $0x100, s0;
	s25 =	simm.s32 $0x2C80  }
0x5f5: {  	[tilespmem:s25], [sflag:$0x2] =	stream.linear.gather [hbm4b:s11+s5], $0x80, $0x38;
	[tilespmem:$0x1B400] =	vst v63  }
0x5f6: {  	s26 =	sadd.s32 $0x180, s0;
	s28 =	simm.s32 $0x2E80  }
0x5f7: {  	[tilespmem:s28], [sflag:$0x2] =	stream.linear.gather [hbm4b:s26+s5], $0x80, $0x38;
	[tilespmem:$0x1B400] =	vst v63  }
.Ltmp18:
0x5f8: {  	_ = 	snop;
	(pc) =	sbr.rel .LBB2_28-.Ltmp18, $4  }
0x5f9: {  	s29 =	sadd.s32 $0x200, s0;
	s30 =	simm.s32 $0x3080  }
0x5fa: {  	[tilespmem:s30], [sflag:$0x2] =	stream.linear.gather [hbm4b:s29+s5], $0x80, $0x38;
	[tilespmem:$0x1B400] =	vst v63  }
0x5fb: {  	s0 =	sadd.s32 $0x280, s0;
	s31 =	simm.s32 $0x3280  }
0x5fc: {  	[tilespmem:s31], [sflag:$0x2] =	stream.linear.gather [hbm4b:s0+s5], $0x80, $0x38;
	[tilespmem:$0x1B400] =	vst v63  }
.LBB2_30:
0x5fd: {  	_ =	sfence.sel $0x180000  }
0x5fe: {  	[bflag:$0x0] =	sbarrier.arrive $0xFFFF  }
0x5ff: {  	_ =	strace $0x90000047  }
0x600: {  	s0 =	stileid.u32;
	[bflag:$0x2] =	sbarrier.arrive $0xFFFF  }
0x601: {  	p0 =	sne.s32 s0, $0x0;
	s0 =	rddreg [dreg:$0x4]  }
0x602: {  	s0 =	sadd.s32 @!p0 $0x100000, s0  }
0x603: {  	[sflag:s0] =	ssyncadd.tile.s32 @!p0 $0x1;
	_ =	shalt  }
.Lfunc_end2:
_tile_overlayer_lowered:
.L_overlay_start_2:
0x604: {  	(tag) =	ssettag $0x2  }
0x605: {  	s0 =	rddreg [dreg:$0x0];
	s2 =	stileid.u32  }
0x606: {  	s1 =	rddreg [dreg:$0x1];
	p0 =	sne.s32 s2, $0x0  }
0x607: {  	s3 =	rddreg [dreg:$0x2];
	[bflag:$0x3] =	sbarrier.arrive $0xFFFF;
	s2 =	simm.s32 @!p0 $0x1C09  }
0x608: {  	[timem:s3], [sflag:s2] =	dma.local @!p0 [hbm:s0], s1  }
0x609: {  	s0 =	simm.s32 @!p0 $0x9  }
0x60a: {  	_ =	swait.ge @!p0 [sflag:s0], s1  }
0x60b: {  	s1 =	ssub.s32 @!p0 $0x0, s1;
	[sflag:s0] =	ssyncset.done @!p0 $0x0  }
0x60c: {  	[sflag:s0] =	ssyncadd.s32 @!p0 s1  }
0x60d: {  	[bflag:$0x3] =	sbarrier.arrive $0xFFFF  }
0x60e: {  	_ =	shalt  }

</sc_bundles>
